<compile_context>
chip_gen: v7x
topology: tpu7x:2x2x1
jax: 0.10.2.dev20260603
libtpu: 0.0.44.dev20260713+nightly
codegen_flags: <defaults>
</compile_context>

<pallas_src>
import functools
import math

import jax
import jax.numpy as jnp
from jax import lax
from jax.experimental import pallas as pl
from jax.experimental.pallas import tpu as pltpu
from jax.experimental.pallas import tpu_sc as plsc

NC = 2
NS = 16
N_TILES = NC * NS
STRIP = 128
CHUNK = 128


def _round_up(x, m):
    return (x + m - 1) // m * m


def _sc_degree_partials(src_pad, dst_pad, zeros2):
    epad = src_pad.shape[0]
    npad = zeros2.shape[1]
    eper = epad // N_TILES
    mesh = plsc.VectorSubcoreMesh(core_axis_name="c", subcore_axis_name="s")

    @functools.partial(
        pl.kernel,
        out_type=jax.ShapeDtypeStruct((N_TILES, 2, npad), jnp.float32),
        mesh=mesh,
        scratch_types=[
            pltpu.VMEM((eper,), jnp.int32),
            pltpu.VMEM((eper,), jnp.int32),
            pltpu.VMEM((npad,), jnp.float32),
            pltpu.VMEM((npad,), jnp.float32),
        ],
        compiler_params=pltpu.CompilerParams(needs_layout_passes=False),
    )
    def deg_kernel(src_hbm, dst_hbm, z_hbm, out_hbm, src_v, dst_v, hs_v, hd_v):
        cid = lax.axis_index("c")
        sid = lax.axis_index("s")
        wid = cid * NS + sid
        base = wid * eper
        pltpu.sync_copy(z_hbm.at[0], hs_v)
        pltpu.sync_copy(z_hbm.at[1], hd_v)
        pltpu.sync_copy(src_hbm.at[pl.ds(base, eper)], src_v)
        pltpu.sync_copy(dst_hbm.at[pl.ds(base, eper)], dst_v)
        ones = jnp.full((16,), 1.0, jnp.float32)

        def body(g, carry):
            vs = src_v[pl.ds(g * 16, 16)]
            plsc.addupdate_scatter(hs_v, [vs], ones)
            vd = dst_v[pl.ds(g * 16, 16)]
            plsc.addupdate_scatter(hd_v, [vd], ones)
            return carry

        lax.fori_loop(0, eper // 16, body, 0)
        pltpu.sync_copy(hs_v, out_hbm.at[wid, 0])
        pltpu.sync_copy(hd_v, out_hbm.at[wid, 1])

    return deg_kernel(src_pad, dst_pad, zeros2)


def _tc_norms(partials):
    t, two, npad = partials.shape

    def body(p_ref, out_ref):
        x = p_ref[...].reshape(t, two * npad)
        deg = jnp.sum(x, axis=0)
        out_ref[...] = lax.rsqrt(jnp.maximum(deg, 1.0)).reshape(two, npad)

    return pl.pallas_call(
        body,
        out_shape=jax.ShapeDtypeStruct((two, npad), jnp.float32),
    )(partials)


def _sc_aggregate(ht_flat, srcp, dst2, zeros_mat):
    n_strips = srcp.shape[0]
    nch = srcp.shape[2]
    npad = zeros_mat.shape[0]
    rpt = npad // NS
    strips_per_core = n_strips // NC
    mesh = plsc.VectorSubcoreMesh(core_axis_name="c", subcore_axis_name="s")

    @functools.partial(
        pl.kernel,
        out_type=jax.ShapeDtypeStruct((n_strips * npad, STRIP), jnp.float32),
        mesh=mesh,
        scratch_types=[
            pltpu.VMEM((nch, CHUNK), jnp.int32),
            pltpu.VMEM((nch, CHUNK), jnp.int32),
            pltpu.VMEM((CHUNK, STRIP), jnp.float32),
            pltpu.VMEM_SHARED((npad, STRIP), jnp.float32),
        ],
    )
    def agg_kernel(ht_hbm, src_hbm, dst_hbm, z_hbm, out_hbm,
                   src_v, dst_v, rows_v, acc):
        cid = lax.axis_index("c")
        sid = lax.axis_index("s")
        pltpu.sync_copy(dst_hbm.at[sid], dst_v)
        for j in range(strips_per_core):
            s = cid * strips_per_core + j
            pltpu.sync_copy(z_hbm.at[pl.ds(sid * rpt, rpt)],
                            acc.at[pl.ds(sid * rpt, rpt)])
            pltpu.sync_copy(src_hbm.at[s, sid], src_v)
            plsc.subcore_barrier()

            def body(i, carry):
                pltpu.sync_copy(ht_hbm.at[src_v.at[i]], rows_v)
                pltpu.sync_copy(rows_v, acc.at[dst_v.at[i]], add=True)
                return carry

            lax.fori_loop(0, nch, body, 0)
            plsc.subcore_barrier()
            pltpu.sync_copy(
                acc.at[pl.ds(sid * rpt, rpt)],
                out_hbm.at[pl.ds(s * npad + sid * rpt, rpt)])
            plsc.subcore_barrier()

    return agg_kernel(ht_flat, srcp, dst2, zeros_mat)


def _tc_pre(h, ns_mat, w_l):
    npad, d = h.shape
    n_strips = d // STRIP
    br = 512

    def body(h_ref, ns_ref, w_ref, out_ref):
        x = h_ref[...] * ns_ref[:, :1]
        y = jnp.dot(x, w_ref[...], preferred_element_type=jnp.float32)
        for s in range(n_strips):
            out_ref[s] = y[:, s * STRIP:(s + 1) * STRIP]

    return pl.pallas_call(
        body,
        grid=(npad // br,),
        in_specs=[
            pl.BlockSpec((br, d), lambda i: (i, 0)),
            pl.BlockSpec((br, STRIP), lambda i: (i, 0)),
            pl.BlockSpec((d, d), lambda i: (0, 0)),
        ],
        out_specs=pl.BlockSpec((n_strips, br, STRIP), lambda i: (0, i, 0)),
        out_shape=jax.ShapeDtypeStruct((n_strips, npad, STRIP), jnp.float32),
    )(h, ns_mat, w_l)


def _tc_fused(agg, nd_mat, b_l, g_l, bt_l, ns_mat, w_next):
    n_strips, npad, strip = agg.shape
    d = n_strips * strip
    br = 512
    inv_sqrt2 = 1.0 / math.sqrt(2.0)

    def body(a_ref, nd_ref, b_ref, g_ref, bt_ref, ns_ref, w_ref, out_ref):
        x = jnp.concatenate([a_ref[s] for s in range(n_strips)], axis=1)
        x = x * nd_ref[:, :1] + b_ref[...]
        mu = jnp.mean(x, axis=-1, keepdims=True)
        xc = x - mu
        var = jnp.mean(xc * xc, axis=-1, keepdims=True)
        xn = xc * lax.rsqrt(var + 1e-5) * g_ref[...] + bt_ref[...]
        h = 0.5 * xn * (1.0 + lax.erf(xn * inv_sqrt2))
        y = jnp.dot(h * ns_ref[:, :1], w_ref[...],
                    preferred_element_type=jnp.float32)
        for s in range(n_strips):
            out_ref[s] = y[:, s * STRIP:(s + 1) * STRIP]

    return pl.pallas_call(
        body,
        grid=(npad // br,),
        in_specs=[
            pl.BlockSpec((n_strips, br, strip), lambda i: (0, i, 0)),
            pl.BlockSpec((br, STRIP), lambda i: (i, 0)),
            pl.BlockSpec((1, d), lambda i: (0, 0)),
            pl.BlockSpec((1, d), lambda i: (0, 0)),
            pl.BlockSpec((1, d), lambda i: (0, 0)),
            pl.BlockSpec((br, STRIP), lambda i: (i, 0)),
            pl.BlockSpec((d, d), lambda i: (0, 0)),
        ],
        out_specs=pl.BlockSpec((n_strips, br, STRIP), lambda i: (0, i, 0)),
        out_shape=jax.ShapeDtypeStruct((n_strips, npad, STRIP), jnp.float32),
    )(agg, nd_mat, b_l, g_l, bt_l, ns_mat, w_next)


def _tc_post(agg, nd_mat, b_l, g_l, bt_l):
    n_strips, npad, strip = agg.shape
    d = n_strips * strip
    br = 512
    inv_sqrt2 = 1.0 / math.sqrt(2.0)

    def body(a_ref, nd_ref, b_ref, g_ref, bt_ref, out_ref):
        x = jnp.concatenate([a_ref[s] for s in range(n_strips)], axis=1)
        x = x * nd_ref[:, :1] + b_ref[...]
        mu = jnp.mean(x, axis=-1, keepdims=True)
        xc = x - mu
        var = jnp.mean(xc * xc, axis=-1, keepdims=True)
        xn = xc * lax.rsqrt(var + 1e-5) * g_ref[...] + bt_ref[...]
        out_ref[...] = 0.5 * xn * (1.0 + lax.erf(xn * inv_sqrt2))

    return pl.pallas_call(
        body,
        grid=(npad // br,),
        in_specs=[
            pl.BlockSpec((n_strips, br, strip), lambda i: (0, i, 0)),
            pl.BlockSpec((br, STRIP), lambda i: (i, 0)),
            pl.BlockSpec((1, d), lambda i: (0, 0)),
            pl.BlockSpec((1, d), lambda i: (0, 0)),
            pl.BlockSpec((1, d), lambda i: (0, 0)),
        ],
        out_specs=pl.BlockSpec((br, d), lambda i: (i, 0)),
        out_shape=jax.ShapeDtypeStruct((npad, d), jnp.float32),
    )(agg, nd_mat, b_l, g_l, bt_l)


def kernel(features, edge_index, W, b, gamma, beta):
    n, d = features.shape
    e = edge_index.shape[1]
    n_layers = W.shape[0]
    n_strips = d // STRIP

    npad = _round_up(n, 2048)
    epad = _round_up(e, NS * CHUNK)
    sink = npad - 1

    src = edge_index[0].astype(jnp.int32)
    dst = edge_index[1].astype(jnp.int32)
    src_pad = jnp.concatenate(
        [src, jnp.full((epad - e,), sink, jnp.int32)])
    dst_pad = jnp.concatenate(
        [dst, jnp.full((epad - e,), sink, jnp.int32)])

    srcp = (src_pad[None, :]
            + (jnp.arange(n_strips, dtype=jnp.int32) * npad)[:, None])
    nch = epad // NS // CHUNK
    srcp = srcp.reshape(n_strips, NS, nch, CHUNK)
    dst2 = dst_pad.reshape(NS, nch, CHUNK)

    zeros2 = jnp.zeros((2, npad), jnp.float32)
    zeros_mat = jnp.zeros((npad, STRIP), jnp.float32)

    partials = _sc_degree_partials(src_pad, dst_pad, zeros2)
    norms = _tc_norms(partials)
    ns_mat = jnp.broadcast_to(norms[0][:, None], (npad, STRIP))
    nd_mat = jnp.broadcast_to(norms[1][:, None], (npad, STRIP))

    h0 = jnp.pad(features, ((0, npad - n), (0, 0)))
    ht = _tc_pre(h0, ns_mat, W[0])
    for l in range(n_layers):
        agg = _sc_aggregate(ht.reshape(n_strips * npad, STRIP),
                            srcp, dst2, zeros_mat)
        agg = agg.reshape(n_strips, npad, STRIP)
        if l + 1 < n_layers:
            ht = _tc_fused(agg, nd_mat, b[l].reshape(1, d),
                           gamma[l].reshape(1, d), beta[l].reshape(1, d),
                           ns_mat, W[l + 1])
        else:
            h = _tc_post(agg, nd_mat, b[l].reshape(1, d),
                         gamma[l].reshape(1, d), beta[l].reshape(1, d))
    return h[:n]

# --- scband reference (transcript-rebuilt; emitter-appended) ---
"""Pipeline reference for scband-grph-conv-network-23587960389876 (READ-ONLY COPY).

The authoritative reference and input builder live on the scoring server;
editing this copy changes nothing except your own understanding.
"""

import jax, jax.numpy as jnp
import numpy as np

N_NODES = 10000
N_EDGES = 160000
D = 512
L = 8

def setup_inputs(seed: int = 0) -> dict:
    key = jax.random.key(seed)
    k1, k2, k3 = jax.random.split(key, 3)
    features = jax.random.normal(k1, (N_NODES, D), dtype=jnp.float32)
    edge_index = jax.random.randint(k2, (2, N_EDGES), 0, N_NODES, dtype=jnp.int64)
    W = jax.random.normal(k3, (L, D, D), dtype=jnp.float32) * 0.02
    b = jnp.zeros((L, D), dtype=jnp.float32)
    gamma = jnp.ones((L, D), dtype=jnp.float32)
    beta = jnp.zeros((L, D), dtype=jnp.float32)
    return {"features": features, "edge_index": edge_index, "W": W, "b": b, "gamma": gamma, "beta": beta}

def _layer_norm(h, g, bt, eps=1e-5):
    mu = jnp.mean(h, axis=-1, keepdims=True)
    var = jnp.mean(jnp.square(h - mu), axis=-1, keepdims=True)
    return (h - mu) / jnp.sqrt(var + eps) * g + bt

def _gelu(x):
    # exact GELU (torch nn.GELU default)
    return 0.5 * x * (1.0 + jax.lax.erf(x / jnp.sqrt(2.0).astype(x.dtype)))

def reference(features, edge_index, W, b, gamma, beta):
    src = edge_index[0]
    dst = edge_index[1]
    deg_out = jnp.bincount(src, length=N_NODES).astype(jnp.float32)
    deg_in = jnp.bincount(dst, length=N_NODES).astype(jnp.float32)
    norm_src = jnp.power(jnp.clip(deg_out, 1.0, None), -0.5)
    norm_dst = jnp.power(jnp.clip(deg_in, 1.0, None), -0.5)
    h = features
    for l in range(L):
        # DGL GraphConv, norm='both': scale src by out-deg^-1/2, sum-aggregate, scale dst by in-deg^-1/2, then linear
        h_scaled = h * norm_src[:, None]
        msgs = h_scaled[src]
        agg = jnp.zeros((N_NODES, D), dtype=h.dtype).at[dst].add(msgs)
        agg = agg * norm_dst[:, None]
        h = agg @ W[l] + b[l]
        h = _layer_norm(h, gamma[l], beta[l])
        h = _gelu(h)
    return h

if __name__ == "__main__":
    import jax
    _d = setup_inputs()
    print(jax.jit(kernel)(*tuple(_d.values())))

</pallas_src>

<mosaic_0001>
#map = affine_map<(d0, d1) -> (0, 0)>
#map1 = affine_map<(d0, d1) -> (0, 0, 0, 0)>
#map2 = affine_map<(d0, d1) -> (0, 0, 0)>
module attributes {stable_mosaic.version = 14 : i64} {
  func.func @agg_kernel(%arg0: i32, %arg1: i32, %arg2: memref<40960x128xf32, #tpu.memory_space<hbm>>, %arg3: memref<4x16x79x128xi32, #tpu.memory_space<hbm>>, %arg4: memref<16x79x128xi32, #tpu.memory_space<hbm>>, %arg5: memref<10240x128xf32, #tpu.memory_space<hbm>>, %arg6: memref<40960x128xf32, #tpu.memory_space<hbm>>, %arg7: memref<79x128xi32, #tpu.memory_space<vmem>>, %arg8: memref<79x128xi32, #tpu.memory_space<vmem>>, %arg9: memref<128x128xf32, #tpu.memory_space<vmem>>, %arg10: memref<10240x128xf32, #tpu.memory_space<vmem_shared>>) attributes {dimension_semantics = [#tpu.dimension_semantics<core_parallel>, #tpu.dimension_semantics<subcore_parallel>], iteration_bounds = array<i64: 2, 16>, scalar_prefetch = 0 : i64, scratch_operands = 4 : i64, tpu.core_type = #tpu.core_type<sc_vector_subcore>, window_params = [{transform_indices = #map}, {transform_indices = #map1}, {transform_indices = #map2}, {transform_indices = #map}, {transform_indices = #map}]} {
    "tpu.region"() ({
      %run_scoped3A = tpu.sem_alloc : memref<!tpu.dma_semaphore, #tpu.memory_space<semaphore_mem>>
      %dma_start3A = arith.constant 0 : i32
      %dma_start3A_44 = arith.constant 0 : i32
      %dma_start3A_45 = tpu.memref_slice %arg4[%arg1, %dma_start3A, %dma_start3A_44] : memref<16x79x128xi32, #tpu.memory_space<hbm>> -> memref<1x79x128xi32, #tpu.memory_space<hbm>>
      %dma_start3A_46 = tpu.memref_squeeze %dma_start3A_45 : memref<1x79x128xi32, #tpu.memory_space<hbm>> -> memref<79x128xi32, #tpu.memory_space<hbm>>
      %dma_start3A_47 = arith.constant 0 : i32
      %dma_start3A_48 = arith.constant 0 : i32
      %dma_start3A_49 = tpu.memref_slice %arg4[%arg1, %dma_start3A_47, %dma_start3A_48] : memref<16x79x128xi32, #tpu.memory_space<hbm>> -> memref<1x79x128xi32, #tpu.memory_space<hbm>>
      %dma_start3A_50 = tpu.memref_squeeze %dma_start3A_49 : memref<1x79x128xi32, #tpu.memory_space<hbm>> -> memref<79x128xi32, #tpu.memory_space<hbm>>
      tpu.enqueue_dma source(%dma_start3A_50 : memref<79x128xi32, #tpu.memory_space<hbm>>) target(%arg8 : memref<79x128xi32, #tpu.memory_space<vmem>>) target_semaphore(%run_scoped3A : memref<!tpu.dma_semaphore, #tpu.memory_space<semaphore_mem>>)
      %dma_wait3A = arith.constant 0 : i32
      %dma_wait3A_51 = arith.constant 0 : i32
      %dma_wait3A_52 = tpu.memref_slice %arg4[%arg1, %dma_wait3A, %dma_wait3A_51] : memref<16x79x128xi32, #tpu.memory_space<hbm>> -> memref<1x79x128xi32, #tpu.memory_space<hbm>>
      %dma_wait3A_53 = tpu.memref_squeeze %dma_wait3A_52 : memref<1x79x128xi32, #tpu.memory_space<hbm>> -> memref<79x128xi32, #tpu.memory_space<hbm>>
      %dma_wait3A_54 = arith.constant 0 : i32
      %dma_wait3A_55 = arith.constant 0 : i32
      %dma_wait3A_56 = tpu.memref_slice %arg4[%arg1, %dma_wait3A_54, %dma_wait3A_55] : memref<16x79x128xi32, #tpu.memory_space<hbm>> -> memref<1x79x128xi32, #tpu.memory_space<hbm>>
      %dma_wait3A_57 = tpu.memref_squeeze %dma_wait3A_56 : memref<1x79x128xi32, #tpu.memory_space<hbm>> -> memref<79x128xi32, #tpu.memory_space<hbm>>
      tpu.wait_dma2 semaphore(%run_scoped3A : memref<!tpu.dma_semaphore, #tpu.memory_space<semaphore_mem>>) src(%dma_wait3A_57 : memref<79x128xi32, #tpu.memory_space<hbm>>) dst(%arg8 : memref<79x128xi32, #tpu.memory_space<vmem>>)
      tpu.yield
    }) : () -> ()
    %mul3A = arith.constant 2 : i32
    %mul3A_0 = arith.muli %arg0, %mul3A : i32
    %add3A = arith.constant 0 : i32
    %add3A_1 = arith.addi %mul3A_0, %add3A : i32
    %mul3A_2 = arith.constant 640 : i32
    %mul3A_3 = arith.muli %arg1, %mul3A_2 : i32
    %mul3A_4 = arith.constant 640 : i32
    %mul3A_5 = arith.muli %arg1, %mul3A_4 : i32
    "tpu.region"() ({
      %run_scoped3A = tpu.sem_alloc : memref<!tpu.dma_semaphore, #tpu.memory_space<semaphore_mem>>
      %dma_start3A = arith.constant 0 : i32
      %dma_start3A_44 = tpu.memref_slice %arg10[%mul3A_5, %dma_start3A] : memref<10240x128xf32, #tpu.memory_space<vmem_shared>> -> memref<640x128xf32, #tpu.memory_space<vmem_shared>>
      %dma_start3A_45 = arith.constant 0 : i32
      %dma_start3A_46 = tpu.memref_slice %arg5[%mul3A_3, %dma_start3A_45] : memref<10240x128xf32, #tpu.memory_space<hbm>> -> memref<640x128xf32, #tpu.memory_space<hbm>>
      tpu.enqueue_dma source(%dma_start3A_46 : memref<640x128xf32, #tpu.memory_space<hbm>>) target(%dma_start3A_44 : memref<640x128xf32, #tpu.memory_space<vmem_shared>>) target_semaphore(%run_scoped3A : memref<!tpu.dma_semaphore, #tpu.memory_space<semaphore_mem>>)
      %dma_wait3A = arith.constant 0 : i32
      %dma_wait3A_47 = tpu.memref_slice %arg10[%mul3A_5, %dma_wait3A] : memref<10240x128xf32, #tpu.memory_space<vmem_shared>> -> memref<640x128xf32, #tpu.memory_space<vmem_shared>>
      %dma_wait3A_48 = arith.constant 0 : i32
      %dma_wait3A_49 = tpu.memref_slice %arg5[%mul3A_3, %dma_wait3A_48] : memref<10240x128xf32, #tpu.memory_space<hbm>> -> memref<640x128xf32, #tpu.memory_space<hbm>>
      tpu.wait_dma2 semaphore(%run_scoped3A : memref<!tpu.dma_semaphore, #tpu.memory_space<semaphore_mem>>) src(%dma_wait3A_49 : memref<640x128xf32, #tpu.memory_space<hbm>>) dst(%dma_wait3A_47 : memref<640x128xf32, #tpu.memory_space<vmem_shared>>)
      tpu.yield
    }) : () -> ()
    "tpu.region"() ({
      %run_scoped3A = tpu.sem_alloc : memref<!tpu.dma_semaphore, #tpu.memory_space<semaphore_mem>>
      %dma_start3A = arith.constant 0 : i32
      %dma_start3A_44 = arith.constant 0 : i32
      %dma_start3A_45 = tpu.memref_slice %arg3[%add3A_1, %arg1, %dma_start3A, %dma_start3A_44] : memref<4x16x79x128xi32, #tpu.memory_space<hbm>> -> memref<1x1x79x128xi32, #tpu.memory_space<hbm>>
      %dma_start3A_46 = tpu.memref_squeeze %dma_start3A_45 : memref<1x1x79x128xi32, #tpu.memory_space<hbm>> -> memref<79x128xi32, #tpu.memory_space<hbm>>
      %dma_start3A_47 = arith.constant 0 : i32
      %dma_start3A_48 = arith.constant 0 : i32
      %dma_start3A_49 = tpu.memref_slice %arg3[%add3A_1, %arg1, %dma_start3A_47, %dma_start3A_48] : memref<4x16x79x128xi32, #tpu.memory_space<hbm>> -> memref<1x1x79x128xi32, #tpu.memory_space<hbm>>
      %dma_start3A_50 = tpu.memref_squeeze %dma_start3A_49 : memref<1x1x79x128xi32, #tpu.memory_space<hbm>> -> memref<79x128xi32, #tpu.memory_space<hbm>>
      tpu.enqueue_dma source(%dma_start3A_50 : memref<79x128xi32, #tpu.memory_space<hbm>>) target(%arg7 : memref<79x128xi32, #tpu.memory_space<vmem>>) target_semaphore(%run_scoped3A : memref<!tpu.dma_semaphore, #tpu.memory_space<semaphore_mem>>)
      %dma_wait3A = arith.constant 0 : i32
      %dma_wait3A_51 = arith.constant 0 : i32
      %dma_wait3A_52 = tpu.memref_slice %arg3[%add3A_1, %arg1, %dma_wait3A, %dma_wait3A_51] : memref<4x16x79x128xi32, #tpu.memory_space<hbm>> -> memref<1x1x79x128xi32, #tpu.memory_space<hbm>>
      %dma_wait3A_53 = tpu.memref_squeeze %dma_wait3A_52 : memref<1x1x79x128xi32, #tpu.memory_space<hbm>> -> memref<79x128xi32, #tpu.memory_space<hbm>>
      %dma_wait3A_54 = arith.constant 0 : i32
      %dma_wait3A_55 = arith.constant 0 : i32
      %dma_wait3A_56 = tpu.memref_slice %arg3[%add3A_1, %arg1, %dma_wait3A_54, %dma_wait3A_55] : memref<4x16x79x128xi32, #tpu.memory_space<hbm>> -> memref<1x1x79x128xi32, #tpu.memory_space<hbm>>
      %dma_wait3A_57 = tpu.memref_squeeze %dma_wait3A_56 : memref<1x1x79x128xi32, #tpu.memory_space<hbm>> -> memref<79x128xi32, #tpu.memory_space<hbm>>
      tpu.wait_dma2 semaphore(%run_scoped3A : memref<!tpu.dma_semaphore, #tpu.memory_space<semaphore_mem>>) src(%dma_wait3A_57 : memref<79x128xi32, #tpu.memory_space<hbm>>) dst(%arg7 : memref<79x128xi32, #tpu.memory_space<vmem>>)
      tpu.yield
    }) : () -> ()
    %barrier3A = arith.constant 0 : index
    tpu.barrier barrier_id(%barrier3A)
    %scan3A = arith.constant 0 : i32
    %scan3A_6 = arith.constant 0 : i32
    %scan3A_7 = arith.constant 79 : i32
    %scan3A_8 = arith.addi %scan3A_6, %scan3A_7 : i32
    %scan3A_9 = arith.constant 1 : i32
    scf.for %scan3A_44 = %scan3A_6 to %scan3A_8 step %scan3A_9  : i32 {
      "tpu.region"() ({
        %run_scoped3A = tpu.sem_alloc : memref<!tpu.dma_semaphore, #tpu.memory_space<semaphore_mem>>
        %dma_start3A = arith.constant 0 : i32
        %dma_start3A_45 = tpu.memref_slice %arg7[%scan3A_44, %dma_start3A] : memref<79x128xi32, #tpu.memory_space<vmem>> -> memref<1x128xi32, #tpu.memory_space<vmem>>
        %dma_start3A_46 = tpu.memref_squeeze %dma_start3A_45 : memref<1x128xi32, #tpu.memory_space<vmem>> -> memref<128xi32, #tpu.memory_space<vmem>>
        %dma_start3A_47 = arith.constant 0 : i32
        %dma_start3A_48 = arith.constant 0 : i32
        %dma_start3A_49 = tpu.memref_slice %arg2[%dma_start3A_47, %dma_start3A_48] : memref<40960x128xf32, #tpu.memory_space<hbm>> -> memref<40960x128xf32, #tpu.memory_space<hbm>>
        tpu.enqueue_indirect_dma source(%dma_start3A_49 : memref<40960x128xf32, #tpu.memory_space<hbm>>) target(%arg9 : memref<128x128xf32, #tpu.memory_space<vmem>>) offsets(%dma_start3A_46 : memref<128xi32, #tpu.memory_space<vmem>>) semaphore(%run_scoped3A : memref<!tpu.dma_semaphore, #tpu.memory_space<semaphore_mem>>)
        %dma_wait3A = arith.constant 0 : i32
        %dma_wait3A_50 = tpu.memref_slice %arg7[%scan3A_44, %dma_wait3A] : memref<79x128xi32, #tpu.memory_space<vmem>> -> memref<1x128xi32, #tpu.memory_space<vmem>>
        %dma_wait3A_51 = tpu.memref_squeeze %dma_wait3A_50 : memref<1x128xi32, #tpu.memory_space<vmem>> -> memref<128xi32, #tpu.memory_space<vmem>>
        %dma_wait3A_52 = arith.constant 0 : i32
        %dma_wait3A_53 = arith.constant 0 : i32
        %dma_wait3A_54 = tpu.memref_slice %arg2[%dma_wait3A_52, %dma_wait3A_53] : memref<40960x128xf32, #tpu.memory_space<hbm>> -> memref<40960x128xf32, #tpu.memory_space<hbm>>
        tpu.wait_indirect_dma semaphore(%run_scoped3A : memref<!tpu.dma_semaphore, #tpu.memory_space<semaphore_mem>>) src(%dma_wait3A_54 : memref<40960x128xf32, #tpu.memory_space<hbm>>) dst(%arg9 : memref<128x128xf32, #tpu.memory_space<vmem>>)
        tpu.yield
      }) : () -> ()
      "tpu.region"() ({
        %run_scoped3A = tpu.sem_alloc : memref<!tpu.dma_semaphore, #tpu.memory_space<semaphore_mem>>
        %dma_start3A = arith.constant 0 : i32
        %dma_start3A_45 = tpu.memref_slice %arg8[%scan3A_44, %dma_start3A] : memref<79x128xi32, #tpu.memory_space<vmem>> -> memref<1x128xi32, #tpu.memory_space<vmem>>
        %dma_start3A_46 = tpu.memref_squeeze %dma_start3A_45 : memref<1x128xi32, #tpu.memory_space<vmem>> -> memref<128xi32, #tpu.memory_space<vmem>>
        %dma_start3A_47 = arith.constant 0 : i32
        %dma_start3A_48 = arith.constant 0 : i32
        %dma_start3A_49 = tpu.memref_slice %arg10[%dma_start3A_47, %dma_start3A_48] : memref<10240x128xf32, #tpu.memory_space<vmem_shared>> -> memref<10240x128xf32, #tpu.memory_space<vmem_shared>>
        tpu.enqueue_indirect_dma source(%arg9 : memref<128x128xf32, #tpu.memory_space<vmem>>) target(%dma_start3A_49 : memref<10240x128xf32, #tpu.memory_space<vmem_shared>>) offsets(%dma_start3A_46 : memref<128xi32, #tpu.memory_space<vmem>>) semaphore(%run_scoped3A : memref<!tpu.dma_semaphore, #tpu.memory_space<semaphore_mem>>) {add = true}
        %dma_wait3A = arith.constant 0 : i32
        %dma_wait3A_50 = tpu.memref_slice %arg8[%scan3A_44, %dma_wait3A] : memref<79x128xi32, #tpu.memory_space<vmem>> -> memref<1x128xi32, #tpu.memory_space<vmem>>
        %dma_wait3A_51 = tpu.memref_squeeze %dma_wait3A_50 : memref<1x128xi32, #tpu.memory_space<vmem>> -> memref<128xi32, #tpu.memory_space<vmem>>
        %dma_wait3A_52 = arith.constant 0 : i32
        %dma_wait3A_53 = arith.constant 0 : i32
        %dma_wait3A_54 = tpu.memref_slice %arg10[%dma_wait3A_52, %dma_wait3A_53] : memref<10240x128xf32, #tpu.memory_space<vmem_shared>> -> memref<10240x128xf32, #tpu.memory_space<vmem_shared>>
        tpu.wait_indirect_dma semaphore(%run_scoped3A : memref<!tpu.dma_semaphore, #tpu.memory_space<semaphore_mem>>) src(%arg9 : memref<128x128xf32, #tpu.memory_space<vmem>>) dst(%dma_wait3A_54 : memref<10240x128xf32, #tpu.memory_space<vmem_shared>>)
        tpu.yield
      }) : () -> ()
    }
    %scan3A_10 = arith.constant 79 : i32
    %barrier3A_11 = arith.constant 0 : index
    tpu.barrier barrier_id(%barrier3A_11)
    %mul3A_12 = arith.constant 640 : i32
    %mul3A_13 = arith.muli %arg1, %mul3A_12 : i32
    %mul3A_14 = arith.constant 10240 : i32
    %mul3A_15 = arith.muli %add3A_1, %mul3A_14 : i32
    %mul3A_16 = arith.constant 640 : i32
    %mul3A_17 = arith.muli %arg1, %mul3A_16 : i32
    %add3A_18 = arith.addi %mul3A_15, %mul3A_17 : i32
    "tpu.region"() ({
      %run_scoped3A = tpu.sem_alloc : memref<!tpu.dma_semaphore, #tpu.memory_space<semaphore_mem>>
      %dma_start3A = arith.constant 0 : i32
      %dma_start3A_44 = tpu.memref_slice %arg6[%add3A_18, %dma_start3A] : memref<40960x128xf32, #tpu.memory_space<hbm>> -> memref<640x128xf32, #tpu.memory_space<hbm>>
      %dma_start3A_45 = arith.constant 0 : i32
      %dma_start3A_46 = tpu.memref_slice %arg10[%mul3A_13, %dma_start3A_45] : memref<10240x128xf32, #tpu.memory_space<vmem_shared>> -> memref<640x128xf32, #tpu.memory_space<vmem_shared>>
      tpu.enqueue_dma source(%dma_start3A_46 : memref<640x128xf32, #tpu.memory_space<vmem_shared>>) target(%dma_start3A_44 : memref<640x128xf32, #tpu.memory_space<hbm>>) target_semaphore(%run_scoped3A : memref<!tpu.dma_semaphore, #tpu.memory_space<semaphore_mem>>)
      %dma_wait3A = arith.constant 0 : i32
      %dma_wait3A_47 = tpu.memref_slice %arg6[%add3A_18, %dma_wait3A] : memref<40960x128xf32, #tpu.memory_space<hbm>> -> memref<640x128xf32, #tpu.memory_space<hbm>>
      %dma_wait3A_48 = arith.constant 0 : i32
      %dma_wait3A_49 = tpu.memref_slice %arg10[%mul3A_13, %dma_wait3A_48] : memref<10240x128xf32, #tpu.memory_space<vmem_shared>> -> memref<640x128xf32, #tpu.memory_space<vmem_shared>>
      tpu.wait_dma2 semaphore(%run_scoped3A : memref<!tpu.dma_semaphore, #tpu.memory_space<semaphore_mem>>) src(%dma_wait3A_49 : memref<640x128xf32, #tpu.memory_space<vmem_shared>>) dst(%dma_wait3A_47 : memref<640x128xf32, #tpu.memory_space<hbm>>)
      tpu.yield
    }) : () -> ()
    %barrier3A_19 = arith.constant 0 : index
    tpu.barrier barrier_id(%barrier3A_19)
    %mul3A_20 = arith.constant 2 : i32
    %mul3A_21 = arith.muli %arg0, %mul3A_20 : i32
    %add3A_22 = arith.constant 1 : i32
    %add3A_23 = arith.addi %mul3A_21, %add3A_22 : i32
    %mul3A_24 = arith.constant 640 : i32
    %mul3A_25 = arith.muli %arg1, %mul3A_24 : i32
    %mul3A_26 = arith.constant 640 : i32
    %mul3A_27 = arith.muli %arg1, %mul3A_26 : i32
    "tpu.region"() ({
      %run_scoped3A = tpu.sem_alloc : memref<!tpu.dma_semaphore, #tpu.memory_space<semaphore_mem>>
      %dma_start3A = arith.constant 0 : i32
      %dma_start3A_44 = tpu.memref_slice %arg10[%mul3A_27, %dma_start3A] : memref<10240x128xf32, #tpu.memory_space<vmem_shared>> -> memref<640x128xf32, #tpu.memory_space<vmem_shared>>
      %dma_start3A_45 = arith.constant 0 : i32
      %dma_start3A_46 = tpu.memref_slice %arg5[%mul3A_25, %dma_start3A_45] : memref<10240x128xf32, #tpu.memory_space<hbm>> -> memref<640x128xf32, #tpu.memory_space<hbm>>
      tpu.enqueue_dma source(%dma_start3A_46 : memref<640x128xf32, #tpu.memory_space<hbm>>) target(%dma_start3A_44 : memref<640x128xf32, #tpu.memory_space<vmem_shared>>) target_semaphore(%run_scoped3A : memref<!tpu.dma_semaphore, #tpu.memory_space<semaphore_mem>>)
      %dma_wait3A = arith.constant 0 : i32
      %dma_wait3A_47 = tpu.memref_slice %arg10[%mul3A_27, %dma_wait3A] : memref<10240x128xf32, #tpu.memory_space<vmem_shared>> -> memref<640x128xf32, #tpu.memory_space<vmem_shared>>
      %dma_wait3A_48 = arith.constant 0 : i32
      %dma_wait3A_49 = tpu.memref_slice %arg5[%mul3A_25, %dma_wait3A_48] : memref<10240x128xf32, #tpu.memory_space<hbm>> -> memref<640x128xf32, #tpu.memory_space<hbm>>
      tpu.wait_dma2 semaphore(%run_scoped3A : memref<!tpu.dma_semaphore, #tpu.memory_space<semaphore_mem>>) src(%dma_wait3A_49 : memref<640x128xf32, #tpu.memory_space<hbm>>) dst(%dma_wait3A_47 : memref<640x128xf32, #tpu.memory_space<vmem_shared>>)
      tpu.yield
    }) : () -> ()
    "tpu.region"() ({
      %run_scoped3A = tpu.sem_alloc : memref<!tpu.dma_semaphore, #tpu.memory_space<semaphore_mem>>
      %dma_start3A = arith.constant 0 : i32
      %dma_start3A_44 = arith.constant 0 : i32
      %dma_start3A_45 = tpu.memref_slice %arg3[%add3A_23, %arg1, %dma_start3A, %dma_start3A_44] : memref<4x16x79x128xi32, #tpu.memory_space<hbm>> -> memref<1x1x79x128xi32, #tpu.memory_space<hbm>>
      %dma_start3A_46 = tpu.memref_squeeze %dma_start3A_45 : memref<1x1x79x128xi32, #tpu.memory_space<hbm>> -> memref<79x128xi32, #tpu.memory_space<hbm>>
      %dma_start3A_47 = arith.constant 0 : i32
      %dma_start3A_48 = arith.constant 0 : i32
      %dma_start3A_49 = tpu.memref_slice %arg3[%add3A_23, %arg1, %dma_start3A_47, %dma_start3A_48] : memref<4x16x79x128xi32, #tpu.memory_space<hbm>> -> memref<1x1x79x128xi32, #tpu.memory_space<hbm>>
      %dma_start3A_50 = tpu.memref_squeeze %dma_start3A_49 : memref<1x1x79x128xi32, #tpu.memory_space<hbm>> -> memref<79x128xi32, #tpu.memory_space<hbm>>
      tpu.enqueue_dma source(%dma_start3A_50 : memref<79x128xi32, #tpu.memory_space<hbm>>) target(%arg7 : memref<79x128xi32, #tpu.memory_space<vmem>>) target_semaphore(%run_scoped3A : memref<!tpu.dma_semaphore, #tpu.memory_space<semaphore_mem>>)
      %dma_wait3A = arith.constant 0 : i32
      %dma_wait3A_51 = arith.constant 0 : i32
      %dma_wait3A_52 = tpu.memref_slice %arg3[%add3A_23, %arg1, %dma_wait3A, %dma_wait3A_51] : memref<4x16x79x128xi32, #tpu.memory_space<hbm>> -> memref<1x1x79x128xi32, #tpu.memory_space<hbm>>
      %dma_wait3A_53 = tpu.memref_squeeze %dma_wait3A_52 : memref<1x1x79x128xi32, #tpu.memory_space<hbm>> -> memref<79x128xi32, #tpu.memory_space<hbm>>
      %dma_wait3A_54 = arith.constant 0 : i32
      %dma_wait3A_55 = arith.constant 0 : i32
      %dma_wait3A_56 = tpu.memref_slice %arg3[%add3A_23, %arg1, %dma_wait3A_54, %dma_wait3A_55] : memref<4x16x79x128xi32, #tpu.memory_space<hbm>> -> memref<1x1x79x128xi32, #tpu.memory_space<hbm>>
      %dma_wait3A_57 = tpu.memref_squeeze %dma_wait3A_56 : memref<1x1x79x128xi32, #tpu.memory_space<hbm>> -> memref<79x128xi32, #tpu.memory_space<hbm>>
      tpu.wait_dma2 semaphore(%run_scoped3A : memref<!tpu.dma_semaphore, #tpu.memory_space<semaphore_mem>>) src(%dma_wait3A_57 : memref<79x128xi32, #tpu.memory_space<hbm>>) dst(%arg7 : memref<79x128xi32, #tpu.memory_space<vmem>>)
      tpu.yield
    }) : () -> ()
    %barrier3A_28 = arith.constant 0 : index
    tpu.barrier barrier_id(%barrier3A_28)
    %scan3A_29 = arith.constant 0 : i32
    %scan3A_30 = arith.constant 0 : i32
    %scan3A_31 = arith.constant 79 : i32
    %scan3A_32 = arith.addi %scan3A_30, %scan3A_31 : i32
    %scan3A_33 = arith.constant 1 : i32
    scf.for %scan3A_44 = %scan3A_30 to %scan3A_32 step %scan3A_33  : i32 {
      "tpu.region"() ({
        %run_scoped3A = tpu.sem_alloc : memref<!tpu.dma_semaphore, #tpu.memory_space<semaphore_mem>>
        %dma_start3A = arith.constant 0 : i32
        %dma_start3A_45 = tpu.memref_slice %arg7[%scan3A_44, %dma_start3A] : memref<79x128xi32, #tpu.memory_space<vmem>> -> memref<1x128xi32, #tpu.memory_space<vmem>>
        %dma_start3A_46 = tpu.memref_squeeze %dma_start3A_45 : memref<1x128xi32, #tpu.memory_space<vmem>> -> memref<128xi32, #tpu.memory_space<vmem>>
        %dma_start3A_47 = arith.constant 0 : i32
        %dma_start3A_48 = arith.constant 0 : i32
        %dma_start3A_49 = tpu.memref_slice %arg2[%dma_start3A_47, %dma_start3A_48] : memref<40960x128xf32, #tpu.memory_space<hbm>> -> memref<40960x128xf32, #tpu.memory_space<hbm>>
        tpu.enqueue_indirect_dma source(%dma_start3A_49 : memref<40960x128xf32, #tpu.memory_space<hbm>>) target(%arg9 : memref<128x128xf32, #tpu.memory_space<vmem>>) offsets(%dma_start3A_46 : memref<128xi32, #tpu.memory_space<vmem>>) semaphore(%run_scoped3A : memref<!tpu.dma_semaphore, #tpu.memory_space<semaphore_mem>>)
        %dma_wait3A = arith.constant 0 : i32
        %dma_wait3A_50 = tpu.memref_slice %arg7[%scan3A_44, %dma_wait3A] : memref<79x128xi32, #tpu.memory_space<vmem>> -> memref<1x128xi32, #tpu.memory_space<vmem>>
        %dma_wait3A_51 = tpu.memref_squeeze %dma_wait3A_50 : memref<1x128xi32, #tpu.memory_space<vmem>> -> memref<128xi32, #tpu.memory_space<vmem>>
        %dma_wait3A_52 = arith.constant 0 : i32
        %dma_wait3A_53 = arith.constant 0 : i32
        %dma_wait3A_54 = tpu.memref_slice %arg2[%dma_wait3A_52, %dma_wait3A_53] : memref<40960x128xf32, #tpu.memory_space<hbm>> -> memref<40960x128xf32, #tpu.memory_space<hbm>>
        tpu.wait_indirect_dma semaphore(%run_scoped3A : memref<!tpu.dma_semaphore, #tpu.memory_space<semaphore_mem>>) src(%dma_wait3A_54 : memref<40960x128xf32, #tpu.memory_space<hbm>>) dst(%arg9 : memref<128x128xf32, #tpu.memory_space<vmem>>)
        tpu.yield
      }) : () -> ()
      "tpu.region"() ({
        %run_scoped3A = tpu.sem_alloc : memref<!tpu.dma_semaphore, #tpu.memory_space<semaphore_mem>>
        %dma_start3A = arith.constant 0 : i32
        %dma_start3A_45 = tpu.memref_slice %arg8[%scan3A_44, %dma_start3A] : memref<79x128xi32, #tpu.memory_space<vmem>> -> memref<1x128xi32, #tpu.memory_space<vmem>>
        %dma_start3A_46 = tpu.memref_squeeze %dma_start3A_45 : memref<1x128xi32, #tpu.memory_space<vmem>> -> memref<128xi32, #tpu.memory_space<vmem>>
        %dma_start3A_47 = arith.constant 0 : i32
        %dma_start3A_48 = arith.constant 0 : i32
        %dma_start3A_49 = tpu.memref_slice %arg10[%dma_start3A_47, %dma_start3A_48] : memref<10240x128xf32, #tpu.memory_space<vmem_shared>> -> memref<10240x128xf32, #tpu.memory_space<vmem_shared>>
        tpu.enqueue_indirect_dma source(%arg9 : memref<128x128xf32, #tpu.memory_space<vmem>>) target(%dma_start3A_49 : memref<10240x128xf32, #tpu.memory_space<vmem_shared>>) offsets(%dma_start3A_46 : memref<128xi32, #tpu.memory_space<vmem>>) semaphore(%run_scoped3A : memref<!tpu.dma_semaphore, #tpu.memory_space<semaphore_mem>>) {add = true}
        %dma_wait3A = arith.constant 0 : i32
        %dma_wait3A_50 = tpu.memref_slice %arg8[%scan3A_44, %dma_wait3A] : memref<79x128xi32, #tpu.memory_space<vmem>> -> memref<1x128xi32, #tpu.memory_space<vmem>>
        %dma_wait3A_51 = tpu.memref_squeeze %dma_wait3A_50 : memref<1x128xi32, #tpu.memory_space<vmem>> -> memref<128xi32, #tpu.memory_space<vmem>>
        %dma_wait3A_52 = arith.constant 0 : i32
        %dma_wait3A_53 = arith.constant 0 : i32
        %dma_wait3A_54 = tpu.memref_slice %arg10[%dma_wait3A_52, %dma_wait3A_53] : memref<10240x128xf32, #tpu.memory_space<vmem_shared>> -> memref<10240x128xf32, #tpu.memory_space<vmem_shared>>
        tpu.wait_indirect_dma semaphore(%run_scoped3A : memref<!tpu.dma_semaphore, #tpu.memory_space<semaphore_mem>>) src(%arg9 : memref<128x128xf32, #tpu.memory_space<vmem>>) dst(%dma_wait3A_54 : memref<10240x128xf32, #tpu.memory_space<vmem_shared>>)
        tpu.yield
      }) : () -> ()
    }
    %scan3A_34 = arith.constant 79 : i32
    %barrier3A_35 = arith.constant 0 : index
    tpu.barrier barrier_id(%barrier3A_35)
    %mul3A_36 = arith.constant 640 : i32
    %mul3A_37 = arith.muli %arg1, %mul3A_36 : i32
    %mul3A_38 = arith.constant 10240 : i32
    %mul3A_39 = arith.muli %add3A_23, %mul3A_38 : i32
    %mul3A_40 = arith.constant 640 : i32
    %mul3A_41 = arith.muli %arg1, %mul3A_40 : i32
    %add3A_42 = arith.addi %mul3A_39, %mul3A_41 : i32
    "tpu.region"() ({
      %run_scoped3A = tpu.sem_alloc : memref<!tpu.dma_semaphore, #tpu.memory_space<semaphore_mem>>
      %dma_start3A = arith.constant 0 : i32
      %dma_start3A_44 = tpu.memref_slice %arg6[%add3A_42, %dma_start3A] : memref<40960x128xf32, #tpu.memory_space<hbm>> -> memref<640x128xf32, #tpu.memory_space<hbm>>
      %dma_start3A_45 = arith.constant 0 : i32
      %dma_start3A_46 = tpu.memref_slice %arg10[%mul3A_37, %dma_start3A_45] : memref<10240x128xf32, #tpu.memory_space<vmem_shared>> -> memref<640x128xf32, #tpu.memory_space<vmem_shared>>
      tpu.enqueue_dma source(%dma_start3A_46 : memref<640x128xf32, #tpu.memory_space<vmem_shared>>) target(%dma_start3A_44 : memref<640x128xf32, #tpu.memory_space<hbm>>) target_semaphore(%run_scoped3A : memref<!tpu.dma_semaphore, #tpu.memory_space<semaphore_mem>>)
      %dma_wait3A = arith.constant 0 : i32
      %dma_wait3A_47 = tpu.memref_slice %arg6[%add3A_42, %dma_wait3A] : memref<40960x128xf32, #tpu.memory_space<hbm>> -> memref<640x128xf32, #tpu.memory_space<hbm>>
      %dma_wait3A_48 = arith.constant 0 : i32
      %dma_wait3A_49 = tpu.memref_slice %arg10[%mul3A_37, %dma_wait3A_48] : memref<10240x128xf32, #tpu.memory_space<vmem_shared>> -> memref<640x128xf32, #tpu.memory_space<vmem_shared>>
      tpu.wait_dma2 semaphore(%run_scoped3A : memref<!tpu.dma_semaphore, #tpu.memory_space<semaphore_mem>>) src(%dma_wait3A_49 : memref<640x128xf32, #tpu.memory_space<vmem_shared>>) dst(%dma_wait3A_47 : memref<640x128xf32, #tpu.memory_space<hbm>>)
      tpu.yield
    }) : () -> ()
    %barrier3A_43 = arith.constant 0 : index
    tpu.barrier barrier_id(%barrier3A_43)
    return
  }
}

#map = affine_map<(d0, d1) -> (0, 0)>
#map1 = affine_map<(d0, d1) -> (0, 0, 0, 0)>
#map2 = affine_map<(d0, d1) -> (0, 0, 0)>
module attributes {stable_mosaic.version = 14 : i64} {
  func.func @agg_kernel(%arg0: i32, %arg1: i32, %arg2: memref<40960x128xf32, #tpu.memory_space<hbm>>, %arg3: memref<4x16x79x128xi32, #tpu.memory_space<hbm>>, %arg4: memref<16x79x128xi32, #tpu.memory_space<hbm>>, %arg5: memref<10240x128xf32, #tpu.memory_space<hbm>>, %arg6: memref<40960x128xf32, #tpu.memory_space<hbm>>, %arg7: memref<79x128xi32, #tpu.memory_space<vmem>>, %arg8: memref<79x128xi32, #tpu.memory_space<vmem>>, %arg9: memref<128x128xf32, #tpu.memory_space<vmem>>, %arg10: memref<10240x128xf32, #tpu.memory_space<vmem_shared>>) attributes {dimension_semantics = [#tpu.dimension_semantics<core_parallel>, #tpu.dimension_semantics<subcore_parallel>], iteration_bounds = array<i64: 2, 16>, scalar_prefetch = 0 : i64, scratch_operands = 4 : i64, tpu.core_type = #tpu.core_type<sc_vector_subcore>, window_params = [{transform_indices = #map}, {transform_indices = #map1}, {transform_indices = #map2}, {transform_indices = #map}, {transform_indices = #map}]} {
    "tpu.region"() ({
      %run_scoped3A = tpu.sem_alloc : memref<!tpu.dma_semaphore, #tpu.memory_space<semaphore_mem>>
      %dma_start3A = arith.constant 0 : i32
      %dma_start3A_44 = arith.constant 0 : i32
      %dma_start3A_45 = tpu.memref_slice %arg4[%arg1, %dma_start3A, %dma_start3A_44] : memref<16x79x128xi32, #tpu.memory_space<hbm>> -> memref<1x79x128xi32, #tpu.memory_space<hbm>>
      %dma_start3A_46 = tpu.memref_squeeze %dma_start3A_45 : memref<1x79x128xi32, #tpu.memory_space<hbm>> -> memref<79x128xi32, #tpu.memory_space<hbm>>
      %dma_start3A_47 = arith.constant 0 : i32
      %dma_start3A_48 = arith.constant 0 : i32
      %dma_start3A_49 = tpu.memref_slice %arg4[%arg1, %dma_start3A_47, %dma_start3A_48] : memref<16x79x128xi32, #tpu.memory_space<hbm>> -> memref<1x79x128xi32, #tpu.memory_space<hbm>>
      %dma_start3A_50 = tpu.memref_squeeze %dma_start3A_49 : memref<1x79x128xi32, #tpu.memory_space<hbm>> -> memref<79x128xi32, #tpu.memory_space<hbm>>
      tpu.enqueue_dma source(%dma_start3A_50 : memref<79x128xi32, #tpu.memory_space<hbm>>) target(%arg8 : memref<79x128xi32, #tpu.memory_space<vmem>>) target_semaphore(%run_scoped3A : memref<!tpu.dma_semaphore, #tpu.memory_space<semaphore_mem>>)
      %dma_wait3A = arith.constant 0 : i32
      %dma_wait3A_51 = arith.constant 0 : i32
      %dma_wait3A_52 = tpu.memref_slice %arg4[%arg1, %dma_wait3A, %dma_wait3A_51] : memref<16x79x128xi32, #tpu.memory_space<hbm>> -> memref<1x79x128xi32, #tpu.memory_space<hbm>>
      %dma_wait3A_53 = tpu.memref_squeeze %dma_wait3A_52 : memref<1x79x128xi32, #tpu.memory_space<hbm>> -> memref<79x128xi32, #tpu.memory_space<hbm>>
      %dma_wait3A_54 = arith.constant 0 : i32
      %dma_wait3A_55 = arith.constant 0 : i32
      %dma_wait3A_56 = tpu.memref_slice %arg4[%arg1, %dma_wait3A_54, %dma_wait3A_55] : memref<16x79x128xi32, #tpu.memory_space<hbm>> -> memref<1x79x128xi32, #tpu.memory_space<hbm>>
      %dma_wait3A_57 = tpu.memref_squeeze %dma_wait3A_56 : memref<1x79x128xi32, #tpu.memory_space<hbm>> -> memref<79x128xi32, #tpu.memory_space<hbm>>
      tpu.wait_dma2 semaphore(%run_scoped3A : memref<!tpu.dma_semaphore, #tpu.memory_space<semaphore_mem>>) src(%dma_wait3A_57 : memref<79x128xi32, #tpu.memory_space<hbm>>) dst(%arg8 : memref<79x128xi32, #tpu.memory_space<vmem>>)
      tpu.yield
    }) : () -> ()
    %mul3A = arith.constant 2 : i32
    %mul3A_0 = arith.muli %arg0, %mul3A : i32
    %add3A = arith.constant 0 : i32
    %add3A_1 = arith.addi %mul3A_0, %add3A : i32
    %mul3A_2 = arith.constant 640 : i32
    %mul3A_3 = arith.muli %arg1, %mul3A_2 : i32
    %mul3A_4 = arith.constant 640 : i32
    %mul3A_5 = arith.muli %arg1, %mul3A_4 : i32
    "tpu.region"() ({
      %run_scoped3A = tpu.sem_alloc : memref<!tpu.dma_semaphore, #tpu.memory_space<semaphore_mem>>
      %dma_start3A = arith.constant 0 : i32
      %dma_start3A_44 = tpu.memref_slice %arg10[%mul3A_5, %dma_start3A] : memref<10240x128xf32, #tpu.memory_space<vmem_shared>> -> memref<640x128xf32, #tpu.memory_space<vmem_shared>>
      %dma_start3A_45 = arith.constant 0 : i32
      %dma_start3A_46 = tpu.memref_slice %arg5[%mul3A_3, %dma_start3A_45] : memref<10240x128xf32, #tpu.memory_space<hbm>> -> memref<640x128xf32, #tpu.memory_space<hbm>>
      tpu.enqueue_dma source(%dma_start3A_46 : memref<640x128xf32, #tpu.memory_space<hbm>>) target(%dma_start3A_44 : memref<640x128xf32, #tpu.memory_space<vmem_shared>>) target_semaphore(%run_scoped3A : memref<!tpu.dma_semaphore, #tpu.memory_space<semaphore_mem>>)
      %dma_wait3A = arith.constant 0 : i32
      %dma_wait3A_47 = tpu.memref_slice %arg10[%mul3A_5, %dma_wait3A] : memref<10240x128xf32, #tpu.memory_space<vmem_shared>> -> memref<640x128xf32, #tpu.memory_space<vmem_shared>>
      %dma_wait3A_48 = arith.constant 0 : i32
      %dma_wait3A_49 = tpu.memref_slice %arg5[%mul3A_3, %dma_wait3A_48] : memref<10240x128xf32, #tpu.memory_space<hbm>> -> memref<640x128xf32, #tpu.memory_space<hbm>>
      tpu.wait_dma2 semaphore(%run_scoped3A : memref<!tpu.dma_semaphore, #tpu.memory_space<semaphore_mem>>) src(%dma_wait3A_49 : memref<640x128xf32, #tpu.memory_space<hbm>>) dst(%dma_wait3A_47 : memref<640x128xf32, #tpu.memory_space<vmem_shared>>)
      tpu.yield
    }) : () -> ()
    "tpu.region"() ({
      %run_scoped3A = tpu.sem_alloc : memref<!tpu.dma_semaphore, #tpu.memory_space<semaphore_mem>>
      %dma_start3A = arith.constant 0 : i32
      %dma_start3A_44 = arith.constant 0 : i32
      %dma_start3A_45 = tpu.memref_slice %arg3[%add3A_1, %arg1, %dma_start3A, %dma_start3A_44] : memref<4x16x79x128xi32, #tpu.memory_space<hbm>> -> memref<1x1x79x128xi32, #tpu.memory_space<hbm>>
      %dma_start3A_46 = tpu.memref_squeeze %dma_start3A_45 : memref<1x1x79x128xi32, #tpu.memory_space<hbm>> -> memref<79x128xi32, #tpu.memory_space<hbm>>
      %dma_start3A_47 = arith.constant 0 : i32
      %dma_start3A_48 = arith.constant 0 : i32
      %dma_start3A_49 = tpu.memref_slice %arg3[%add3A_1, %arg1, %dma_start3A_47, %dma_start3A_48] : memref<4x16x79x128xi32, #tpu.memory_space<hbm>> -> memref<1x1x79x128xi32, #tpu.memory_space<hbm>>
      %dma_start3A_50 = tpu.memref_squeeze %dma_start3A_49 : memref<1x1x79x128xi32, #tpu.memory_space<hbm>> -> memref<79x128xi32, #tpu.memory_space<hbm>>
      tpu.enqueue_dma source(%dma_start3A_50 : memref<79x128xi32, #tpu.memory_space<hbm>>) target(%arg7 : memref<79x128xi32, #tpu.memory_space<vmem>>) target_semaphore(%run_scoped3A : memref<!tpu.dma_semaphore, #tpu.memory_space<semaphore_mem>>)
      %dma_wait3A = arith.constant 0 : i32
      %dma_wait3A_51 = arith.constant 0 : i32
      %dma_wait3A_52 = tpu.memref_slice %arg3[%add3A_1, %arg1, %dma_wait3A, %dma_wait3A_51] : memref<4x16x79x128xi32, #tpu.memory_space<hbm>> -> memref<1x1x79x128xi32, #tpu.memory_space<hbm>>
      %dma_wait3A_53 = tpu.memref_squeeze %dma_wait3A_52 : memref<1x1x79x128xi32, #tpu.memory_space<hbm>> -> memref<79x128xi32, #tpu.memory_space<hbm>>
      %dma_wait3A_54 = arith.constant 0 : i32
      %dma_wait3A_55 = arith.constant 0 : i32
      %dma_wait3A_56 = tpu.memref_slice %arg3[%add3A_1, %arg1, %dma_wait3A_54, %dma_wait3A_55] : memref<4x16x79x128xi32, #tpu.memory_space<hbm>> -> memref<1x1x79x128xi32, #tpu.memory_space<hbm>>
      %dma_wait3A_57 = tpu.memref_squeeze %dma_wait3A_56 : memref<1x1x79x128xi32, #tpu.memory_space<hbm>> -> memref<79x128xi32, #tpu.memory_space<hbm>>
      tpu.wait_dma2 semaphore(%run_scoped3A : memref<!tpu.dma_semaphore, #tpu.memory_space<semaphore_mem>>) src(%dma_wait3A_57 : memref<79x128xi32, #tpu.memory_space<hbm>>) dst(%arg7 : memref<79x128xi32, #tpu.memory_space<vmem>>)
      tpu.yield
    }) : () -> ()
    %barrier3A = arith.constant 0 : index
    tpu.barrier barrier_id(%barrier3A)
    %scan3A = arith.constant 0 : i32
    %scan3A_6 = arith.constant 0 : i32
    %scan3A_7 = arith.constant 79 : i32
    %scan3A_8 = arith.addi %scan3A_6, %scan3A_7 : i32
    %scan3A_9 = arith.constant 1 : i32
    scf.for %scan3A_44 = %scan3A_6 to %scan3A_8 step %scan3A_9  : i32 {
      "tpu.region"() ({
        %run_scoped3A = tpu.sem_alloc : memref<!tpu.dma_semaphore, #tpu.memory_space<semaphore_mem>>
        %dma_start3A = arith.constant 0 : i32
        %dma_start3A_45 = tpu.memref_slice %arg7[%scan3A_44, %dma_start3A] : memref<79x128xi32, #tpu.memory_space<vmem>> -> memref<1x128xi32, #tpu.memory_space<vmem>>
        %dma_start3A_46 = tpu.memref_squeeze %dma_start3A_45 : memref<1x128xi32, #tpu.memory_space<vmem>> -> memref<128xi32, #tpu.memory_space<vmem>>
        %dma_start3A_47 = arith.constant 0 : i32
        %dma_start3A_48 = arith.constant 0 : i32
        %dma_start3A_49 = tpu.memref_slice %arg2[%dma_start3A_47, %dma_start3A_48] : memref<40960x128xf32, #tpu.memory_space<hbm>> -> memref<40960x128xf32, #tpu.memory_space<hbm>>
        tpu.enqueue_indirect_dma source(%dma_start3A_49 : memref<40960x128xf32, #tpu.memory_space<hbm>>) target(%arg9 : memref<128x128xf32, #tpu.memory_space<vmem>>) offsets(%dma_start3A_46 : memref<128xi32, #tpu.memory_space<vmem>>) semaphore(%run_scoped3A : memref<!tpu.dma_semaphore, #tpu.memory_space<semaphore_mem>>)
        %dma_wait3A = arith.constant 0 : i32
        %dma_wait3A_50 = tpu.memref_slice %arg7[%scan3A_44, %dma_wait3A] : memref<79x128xi32, #tpu.memory_space<vmem>> -> memref<1x128xi32, #tpu.memory_space<vmem>>
        %dma_wait3A_51 = tpu.memref_squeeze %dma_wait3A_50 : memref<1x128xi32, #tpu.memory_space<vmem>> -> memref<128xi32, #tpu.memory_space<vmem>>
        %dma_wait3A_52 = arith.constant 0 : i32
        %dma_wait3A_53 = arith.constant 0 : i32
        %dma_wait3A_54 = tpu.memref_slice %arg2[%dma_wait3A_52, %dma_wait3A_53] : memref<40960x128xf32, #tpu.memory_space<hbm>> -> memref<40960x128xf32, #tpu.memory_space<hbm>>
        tpu.wait_indirect_dma semaphore(%run_scoped3A : memref<!tpu.dma_semaphore, #tpu.memory_space<semaphore_mem>>) src(%dma_wait3A_54 : memref<40960x128xf32, #tpu.memory_space<hbm>>) dst(%arg9 : memref<128x128xf32, #tpu.memory_space<vmem>>)
        tpu.yield
      }) : () -> ()
      "tpu.region"() ({
        %run_scoped3A = tpu.sem_alloc : memref<!tpu.dma_semaphore, #tpu.memory_space<semaphore_mem>>
        %dma_start3A = arith.constant 0 : i32
        %dma_start3A_45 = tpu.memref_slice %arg8[%scan3A_44, %dma_start3A] : memref<79x128xi32, #tpu.memory_space<vmem>> -> memref<1x128xi32, #tpu.memory_space<vmem>>
        %dma_start3A_46 = tpu.memref_squeeze %dma_start3A_45 : memref<1x128xi32, #tpu.memory_space<vmem>> -> memref<128xi32, #tpu.memory_space<vmem>>
        %dma_start3A_47 = arith.constant 0 : i32
        %dma_start3A_48 = arith.constant 0 : i32
        %dma_start3A_49 = tpu.memref_slice %arg10[%dma_start3A_47, %dma_start3A_48] : memref<10240x128xf32, #tpu.memory_space<vmem_shared>> -> memref<10240x128xf32, #tpu.memory_space<vmem_shared>>
        tpu.enqueue_indirect_dma source(%arg9 : memref<128x128xf32, #tpu.memory_space<vmem>>) target(%dma_start3A_49 : memref<10240x128xf32, #tpu.memory_space<vmem_shared>>) offsets(%dma_start3A_46 : memref<128xi32, #tpu.memory_space<vmem>>) semaphore(%run_scoped3A : memref<!tpu.dma_semaphore, #tpu.memory_space<semaphore_mem>>) {add = true}
        %dma_wait3A = arith.constant 0 : i32
        %dma_wait3A_50 = tpu.memref_slice %arg8[%scan3A_44, %dma_wait3A] : memref<79x128xi32, #tpu.memory_space<vmem>> -> memref<1x128xi32, #tpu.memory_space<vmem>>
        %dma_wait3A_51 = tpu.memref_squeeze %dma_wait3A_50 : memref<1x128xi32, #tpu.memory_space<vmem>> -> memref<128xi32, #tpu.memory_space<vmem>>
        %dma_wait3A_52 = arith.constant 0 : i32
        %dma_wait3A_53 = arith.constant 0 : i32
        %dma_wait3A_54 = tpu.memref_slice %arg10[%dma_wait3A_52, %dma_wait3A_53] : memref<10240x128xf32, #tpu.memory_space<vmem_shared>> -> memref<10240x128xf32, #tpu.memory_space<vmem_shared>>
        tpu.wait_indirect_dma semaphore(%run_scoped3A : memref<!tpu.dma_semaphore, #tpu.memory_space<semaphore_mem>>) src(%arg9 : memref<128x128xf32, #tpu.memory_space<vmem>>) dst(%dma_wait3A_54 : memref<10240x128xf32, #tpu.memory_space<vmem_shared>>)
        tpu.yield
      }) : () -> ()
    }
    %scan3A_10 = arith.constant 79 : i32
    %barrier3A_11 = arith.constant 0 : index
    tpu.barrier barrier_id(%barrier3A_11)
    %mul3A_12 = arith.constant 640 : i32
    %mul3A_13 = arith.muli %arg1, %mul3A_12 : i32
    %mul3A_14 = arith.constant 10240 : i32
    %mul3A_15 = arith.muli %add3A_1, %mul3A_14 : i32
    %mul3A_16 = arith.constant 640 : i32
    %mul3A_17 = arith.muli %arg1, %mul3A_16 : i32
    %add3A_18 = arith.addi %mul3A_15, %mul3A_17 : i32
    "tpu.region"() ({
      %run_scoped3A = tpu.sem_alloc : memref<!tpu.dma_semaphore, #tpu.memory_space<semaphore_mem>>
      %dma_start3A = arith.constant 0 : i32
      %dma_start3A_44 = tpu.memref_slice %arg6[%add3A_18, %dma_start3A] : memref<40960x128xf32, #tpu.memory_space<hbm>> -> memref<640x128xf32, #tpu.memory_space<hbm>>
      %dma_start3A_45 = arith.constant 0 : i32
      %dma_start3A_46 = tpu.memref_slice %arg10[%mul3A_13, %dma_start3A_45] : memref<10240x128xf32, #tpu.memory_space<vmem_shared>> -> memref<640x128xf32, #tpu.memory_space<vmem_shared>>
      tpu.enqueue_dma source(%dma_start3A_46 : memref<640x128xf32, #tpu.memory_space<vmem_shared>>) target(%dma_start3A_44 : memref<640x128xf32, #tpu.memory_space<hbm>>) target_semaphore(%run_scoped3A : memref<!tpu.dma_semaphore, #tpu.memory_space<semaphore_mem>>)
      %dma_wait3A = arith.constant 0 : i32
      %dma_wait3A_47 = tpu.memref_slice %arg6[%add3A_18, %dma_wait3A] : memref<40960x128xf32, #tpu.memory_space<hbm>> -> memref<640x128xf32, #tpu.memory_space<hbm>>
      %dma_wait3A_48 = arith.constant 0 : i32
      %dma_wait3A_49 = tpu.memref_slice %arg10[%mul3A_13, %dma_wait3A_48] : memref<10240x128xf32, #tpu.memory_space<vmem_shared>> -> memref<640x128xf32, #tpu.memory_space<vmem_shared>>
      tpu.wait_dma2 semaphore(%run_scoped3A : memref<!tpu.dma_semaphore, #tpu.memory_space<semaphore_mem>>) src(%dma_wait3A_49 : memref<640x128xf32, #tpu.memory_space<vmem_shared>>) dst(%dma_wait3A_47 : memref<640x128xf32, #tpu.memory_space<hbm>>)
      tpu.yield
    }) : () -> ()
    %barrier3A_19 = arith.constant 0 : index
    tpu.barrier barrier_id(%barrier3A_19)
    %mul3A_20 = arith.constant 2 : i32
    %mul3A_21 = arith.muli %arg0, %mul3A_20 : i32
    %add3A_22 = arith.constant 1 : i32
    %add3A_23 = arith.addi %mul3A_21, %add3A_22 : i32
    %mul3A_24 = arith.constant 640 : i32
    %mul3A_25 = arith.muli %arg1, %mul3A_24 : i32
    %mul3A_26 = arith.constant 640 : i32
    %mul3A_27 = arith.muli %arg1, %mul3A_26 : i32
    "tpu.region"() ({
      %run_scoped3A = tpu.sem_alloc : memref<!tpu.dma_semaphore, #tpu.memory_space<semaphore_mem>>
      %dma_start3A = arith.constant 0 : i32
      %dma_start3A_44 = tpu.memref_slice %arg10[%mul3A_27, %dma_start3A] : memref<10240x128xf32, #tpu.memory_space<vmem_shared>> -> memref<640x128xf32, #tpu.memory_space<vmem_shared>>
      %dma_start3A_45 = arith.constant 0 : i32
      %dma_start3A_46 = tpu.memref_slice %arg5[%mul3A_25, %dma_start3A_45] : memref<10240x128xf32, #tpu.memory_space<hbm>> -> memref<640x128xf32, #tpu.memory_space<hbm>>
      tpu.enqueue_dma source(%dma_start3A_46 : memref<640x128xf32, #tpu.memory_space<hbm>>) target(%dma_start3A_44 : memref<640x128xf32, #tpu.memory_space<vmem_shared>>) target_semaphore(%run_scoped3A : memref<!tpu.dma_semaphore, #tpu.memory_space<semaphore_mem>>)
      %dma_wait3A = arith.constant 0 : i32
      %dma_wait3A_47 = tpu.memref_slice %arg10[%mul3A_27, %dma_wait3A] : memref<10240x128xf32, #tpu.memory_space<vmem_shared>> -> memref<640x128xf32, #tpu.memory_space<vmem_shared>>
      %dma_wait3A_48 = arith.constant 0 : i32
      %dma_wait3A_49 = tpu.memref_slice %arg5[%mul3A_25, %dma_wait3A_48] : memref<10240x128xf32, #tpu.memory_space<hbm>> -> memref<640x128xf32, #tpu.memory_space<hbm>>
      tpu.wait_dma2 semaphore(%run_scoped3A : memref<!tpu.dma_semaphore, #tpu.memory_space<semaphore_mem>>) src(%dma_wait3A_49 : memref<640x128xf32, #tpu.memory_space<hbm>>) dst(%dma_wait3A_47 : memref<640x128xf32, #tpu.memory_space<vmem_shared>>)
      tpu.yield
    }) : () -> ()
    "tpu.region"() ({
      %run_scoped3A = tpu.sem_alloc : memref<!tpu.dma_semaphore, #tpu.memory_space<semaphore_mem>>
      %dma_start3A = arith.constant 0 : i32
      %dma_start3A_44 = arith.constant 0 : i32
      %dma_start3A_45 = tpu.memref_slice %arg3[%add3A_23, %arg1, %dma_start3A, %dma_start3A_44] : memref<4x16x79x128xi32, #tpu.memory_space<hbm>> -> memref<1x1x79x128xi32, #tpu.memory_space<hbm>>
      %dma_start3A_46 = tpu.memref_squeeze %dma_start3A_45 : memref<1x1x79x128xi32, #tpu.memory_space<hbm>> -> memref<79x128xi32, #tpu.memory_space<hbm>>
      %dma_start3A_47 = arith.constant 0 : i32
      %dma_start3A_48 = arith.constant 0 : i32
      %dma_start3A_49 = tpu.memref_slice %arg3[%add3A_23, %arg1, %dma_start3A_47, %dma_start3A_48] : memref<4x16x79x128xi32, #tpu.memory_space<hbm>> -> memref<1x1x79x128xi32, #tpu.memory_space<hbm>>
      %dma_start3A_50 = tpu.memref_squeeze %dma_start3A_49 : memref<1x1x79x128xi32, #tpu.memory_space<hbm>> -> memref<79x128xi32, #tpu.memory_space<hbm>>
      tpu.enqueue_dma source(%dma_start3A_50 : memref<79x128xi32, #tpu.memory_space<hbm>>) target(%arg7 : memref<79x128xi32, #tpu.memory_space<vmem>>) target_semaphore(%run_scoped3A : memref<!tpu.dma_semaphore, #tpu.memory_space<semaphore_mem>>)
      %dma_wait3A = arith.constant 0 : i32
      %dma_wait3A_51 = arith.constant 0 : i32
      %dma_wait3A_52 = tpu.memref_slice %arg3[%add3A_23, %arg1, %dma_wait3A, %dma_wait3A_51] : memref<4x16x79x128xi32, #tpu.memory_space<hbm>> -> memref<1x1x79x128xi32, #tpu.memory_space<hbm>>
      %dma_wait3A_53 = tpu.memref_squeeze %dma_wait3A_52 : memref<1x1x79x128xi32, #tpu.memory_space<hbm>> -> memref<79x128xi32, #tpu.memory_space<hbm>>
      %dma_wait3A_54 = arith.constant 0 : i32
      %dma_wait3A_55 = arith.constant 0 : i32
      %dma_wait3A_56 = tpu.memref_slice %arg3[%add3A_23, %arg1, %dma_wait3A_54, %dma_wait3A_55] : memref<4x16x79x128xi32, #tpu.memory_space<hbm>> -> memref<1x1x79x128xi32, #tpu.memory_space<hbm>>
      %dma_wait3A_57 = tpu.memref_squeeze %dma_wait3A_56 : memref<1x1x79x128xi32, #tpu.memory_space<hbm>> -> memref<79x128xi32, #tpu.memory_space<hbm>>
      tpu.wait_dma2 semaphore(%run_scoped3A : memref<!tpu.dma_semaphore, #tpu.memory_space<semaphore_mem>>) src(%dma_wait3A_57 : memref<79x128xi32, #tpu.memory_space<hbm>>) dst(%arg7 : memref<79x128xi32, #tpu.memory_space<vmem>>)
      tpu.yield
    }) : () -> ()
    %barrier3A_28 = arith.constant 0 : index
    tpu.barrier barrier_id(%barrier3A_28)
    %scan3A_29 = arith.constant 0 : i32
    %scan3A_30 = arith.constant 0 : i32
    %scan3A_31 = arith.constant 79 : i32
    %scan3A_32 = arith.addi %scan3A_30, %scan3A_31 : i32
    %scan3A_33 = arith.constant 1 : i32
    scf.for %scan3A_44 = %scan3A_30 to %scan3A_32 step %scan3A_33  : i32 {
      "tpu.region"() ({
        %run_scoped3A = tpu.sem_alloc : memref<!tpu.dma_semaphore, #tpu.memory_space<semaphore_mem>>
        %dma_start3A = arith.constant 0 : i32
        %dma_start3A_45 = tpu.memref_slice %arg7[%scan3A_44, %dma_start3A] : memref<79x128xi32, #tpu.memory_space<vmem>> -> memref<1x128xi32, #tpu.memory_space<vmem>>
        %dma_start3A_46 = tpu.memref_squeeze %dma_start3A_45 : memref<1x128xi32, #tpu.memory_space<vmem>> -> memref<128xi32, #tpu.memory_space<vmem>>
        %dma_start3A_47 = arith.constant 0 : i32
        %dma_start3A_48 = arith.constant 0 : i32
        %dma_start3A_49 = tpu.memref_slice %arg2[%dma_start3A_47, %dma_start3A_48] : memref<40960x128xf32, #tpu.memory_space<hbm>> -> memref<40960x128xf32, #tpu.memory_space<hbm>>
        tpu.enqueue_indirect_dma source(%dma_start3A_49 : memref<40960x128xf32, #tpu.memory_space<hbm>>) target(%arg9 : memref<128x128xf32, #tpu.memory_space<vmem>>) offsets(%dma_start3A_46 : memref<128xi32, #tpu.memory_space<vmem>>) semaphore(%run_scoped3A : memref<!tpu.dma_semaphore, #tpu.memory_space<semaphore_mem>>)
        %dma_wait3A = arith.constant 0 : i32
        %dma_wait3A_50 = tpu.memref_slice %arg7[%scan3A_44, %dma_wait3A] : memref<79x128xi32, #tpu.memory_space<vmem>> -> memref<1x128xi32, #tpu.memory_space<vmem>>
        %dma_wait3A_51 = tpu.memref_squeeze %dma_wait3A_50 : memref<1x128xi32, #tpu.memory_space<vmem>> -> memref<128xi32, #tpu.memory_space<vmem>>
        %dma_wait3A_52 = arith.constant 0 : i32
        %dma_wait3A_53 = arith.constant 0 : i32
        %dma_wait3A_54 = tpu.memref_slice %arg2[%dma_wait3A_52, %dma_wait3A_53] : memref<40960x128xf32, #tpu.memory_space<hbm>> -> memref<40960x128xf32, #tpu.memory_space<hbm>>
        tpu.wait_indirect_dma semaphore(%run_scoped3A : memref<!tpu.dma_semaphore, #tpu.memory_space<semaphore_mem>>) src(%dma_wait3A_54 : memref<40960x128xf32, #tpu.memory_space<hbm>>) dst(%arg9 : memref<128x128xf32, #tpu.memory_space<vmem>>)
        tpu.yield
      }) : () -> ()
      "tpu.region"() ({
        %run_scoped3A = tpu.sem_alloc : memref<!tpu.dma_semaphore, #tpu.memory_space<semaphore_mem>>
        %dma_start3A = arith.constant 0 : i32
        %dma_start3A_45 = tpu.memref_slice %arg8[%scan3A_44, %dma_start3A] : memref<79x128xi32, #tpu.memory_space<vmem>> -> memref<1x128xi32, #tpu.memory_space<vmem>>
        %dma_start3A_46 = tpu.memref_squeeze %dma_start3A_45 : memref<1x128xi32, #tpu.memory_space<vmem>> -> memref<128xi32, #tpu.memory_space<vmem>>
        %dma_start3A_47 = arith.constant 0 : i32
        %dma_start3A_48 = arith.constant 0 : i32
        %dma_start3A_49 = tpu.memref_slice %arg10[%dma_start3A_47, %dma_start3A_48] : memref<10240x128xf32, #tpu.memory_space<vmem_shared>> -> memref<10240x128xf32, #tpu.memory_space<vmem_shared>>
        tpu.enqueue_indirect_dma source(%arg9 : memref<128x128xf32, #tpu.memory_space<vmem>>) target(%dma_start3A_49 : memref<10240x128xf32, #tpu.memory_space<vmem_shared>>) offsets(%dma_start3A_46 : memref<128xi32, #tpu.memory_space<vmem>>) semaphore(%run_scoped3A : memref<!tpu.dma_semaphore, #tpu.memory_space<semaphore_mem>>) {add = true}
        %dma_wait3A = arith.constant 0 : i32
        %dma_wait3A_50 = tpu.memref_slice %arg8[%scan3A_44, %dma_wait3A] : memref<79x128xi32, #tpu.memory_space<vmem>> -> memref<1x128xi32, #tpu.memory_space<vmem>>
        %dma_wait3A_51 = tpu.memref_squeeze %dma_wait3A_50 : memref<1x128xi32, #tpu.memory_space<vmem>> -> memref<128xi32, #tpu.memory_space<vmem>>
        %dma_wait3A_52 = arith.constant 0 : i32
        %dma_wait3A_53 = arith.constant 0 : i32
        %dma_wait3A_54 = tpu.memref_slice %arg10[%dma_wait3A_52, %dma_wait3A_53] : memref<10240x128xf32, #tpu.memory_space<vmem_shared>> -> memref<10240x128xf32, #tpu.memory_space<vmem_shared>>
        tpu.wait_indirect_dma semaphore(%run_scoped3A : memref<!tpu.dma_semaphore, #tpu.memory_space<semaphore_mem>>) src(%arg9 : memref<128x128xf32, #tpu.memory_space<vmem>>) dst(%dma_wait3A_54 : memref<10240x128xf32, #tpu.memory_space<vmem_shared>>)
        tpu.yield
      }) : () -> ()
    }
    %scan3A_34 = arith.constant 79 : i32
    %barrier3A_35 = arith.constant 0 : index
    tpu.barrier barrier_id(%barrier3A_35)
    %mul3A_36 = arith.constant 640 : i32
    %mul3A_37 = arith.muli %arg1, %mul3A_36 : i32
    %mul3A_38 = arith.constant 10240 : i32
    %mul3A_39 = arith.muli %add3A_23, %mul3A_38 : i32
    %mul3A_40 = arith.constant 640 : i32
    %mul3A_41 = arith.muli %arg1, %mul3A_40 : i32
    %add3A_42 = arith.addi %mul3A_39, %mul3A_41 : i32
    "tpu.region"() ({
      %run_scoped3A = tpu.sem_alloc : memref<!tpu.dma_semaphore, #tpu.memory_space<semaphore_mem>>
      %dma_start3A = arith.constant 0 : i32
      %dma_start3A_44 = tpu.memref_slice %arg6[%add3A_42, %dma_start3A] : memref<40960x128xf32, #tpu.memory_space<hbm>> -> memref<640x128xf32, #tpu.memory_space<hbm>>
      %dma_start3A_45 = arith.constant 0 : i32
      %dma_start3A_46 = tpu.memref_slice %arg10[%mul3A_37, %dma_start3A_45] : memref<10240x128xf32, #tpu.memory_space<vmem_shared>> -> memref<640x128xf32, #tpu.memory_space<vmem_shared>>
      tpu.enqueue_dma source(%dma_start3A_46 : memref<640x128xf32, #tpu.memory_space<vmem_shared>>) target(%dma_start3A_44 : memref<640x128xf32, #tpu.memory_space<hbm>>) target_semaphore(%run_scoped3A : memref<!tpu.dma_semaphore, #tpu.memory_space<semaphore_mem>>)
      %dma_wait3A = arith.constant 0 : i32
      %dma_wait3A_47 = tpu.memref_slice %arg6[%add3A_42, %dma_wait3A] : memref<40960x128xf32, #tpu.memory_space<hbm>> -> memref<640x128xf32, #tpu.memory_space<hbm>>
      %dma_wait3A_48 = arith.constant 0 : i32
      %dma_wait3A_49 = tpu.memref_slice %arg10[%mul3A_37, %dma_wait3A_48] : memref<10240x128xf32, #tpu.memory_space<vmem_shared>> -> memref<640x128xf32, #tpu.memory_space<vmem_shared>>
      tpu.wait_dma2 semaphore(%run_scoped3A : memref<!tpu.dma_semaphore, #tpu.memory_space<semaphore_mem>>) src(%dma_wait3A_49 : memref<640x128xf32, #tpu.memory_space<vmem_shared>>) dst(%dma_wait3A_47 : memref<640x128xf32, #tpu.memory_space<hbm>>)
      tpu.yield
    }) : () -> ()
    %barrier3A_43 = arith.constant 0 : index
    tpu.barrier barrier_id(%barrier3A_43)
    return
  }
}

#map = affine_map<(d0, d1) -> (0, 0)>
#map1 = affine_map<(d0, d1) -> (0, 0, 0, 0)>
#map2 = affine_map<(d0, d1) -> (0, 0, 0)>
module attributes {stable_mosaic.version = 14 : i64} {
  func.func @agg_kernel(%arg0: i32, %arg1: i32, %arg2: memref<40960x128xf32, #tpu.memory_space<hbm>>, %arg3: memref<4x16x79x128xi32, #tpu.memory_space<hbm>>, %arg4: memref<16x79x128xi32, #tpu.memory_space<hbm>>, %arg5: memref<10240x128xf32, #tpu.memory_space<hbm>>, %arg6: memref<40960x128xf32, #tpu.memory_space<hbm>>, %arg7: memref<79x128xi32, #tpu.memory_space<vmem>>, %arg8: memref<79x128xi32, #tpu.memory_space<vmem>>, %arg9: memref<128x128xf32, #tpu.memory_space<vmem>>, %arg10: memref<10240x128xf32, #tpu.memory_space<vmem_shared>>) attributes {dimension_semantics = [#tpu.dimension_semantics<core_parallel>, #tpu.dimension_semantics<subcore_parallel>], iteration_bounds = array<i64: 2, 16>, scalar_prefetch = 0 : i64, scratch_operands = 4 : i64, tpu.core_type = #tpu.core_type<sc_vector_subcore>, window_params = [{transform_indices = #map}, {transform_indices = #map1}, {transform_indices = #map2}, {transform_indices = #map}, {transform_indices = #map}]} {
    "tpu.region"() ({
      %run_scoped3A = tpu.sem_alloc : memref<!tpu.dma_semaphore, #tpu.memory_space<semaphore_mem>>
      %dma_start3A = arith.constant 0 : i32
      %dma_start3A_44 = arith.constant 0 : i32
      %dma_start3A_45 = tpu.memref_slice %arg4[%arg1, %dma_start3A, %dma_start3A_44] : memref<16x79x128xi32, #tpu.memory_space<hbm>> -> memref<1x79x128xi32, #tpu.memory_space<hbm>>
      %dma_start3A_46 = tpu.memref_squeeze %dma_start3A_45 : memref<1x79x128xi32, #tpu.memory_space<hbm>> -> memref<79x128xi32, #tpu.memory_space<hbm>>
      %dma_start3A_47 = arith.constant 0 : i32
      %dma_start3A_48 = arith.constant 0 : i32
      %dma_start3A_49 = tpu.memref_slice %arg4[%arg1, %dma_start3A_47, %dma_start3A_48] : memref<16x79x128xi32, #tpu.memory_space<hbm>> -> memref<1x79x128xi32, #tpu.memory_space<hbm>>
      %dma_start3A_50 = tpu.memref_squeeze %dma_start3A_49 : memref<1x79x128xi32, #tpu.memory_space<hbm>> -> memref<79x128xi32, #tpu.memory_space<hbm>>
      tpu.enqueue_dma source(%dma_start3A_50 : memref<79x128xi32, #tpu.memory_space<hbm>>) target(%arg8 : memref<79x128xi32, #tpu.memory_space<vmem>>) target_semaphore(%run_scoped3A : memref<!tpu.dma_semaphore, #tpu.memory_space<semaphore_mem>>)
      %dma_wait3A = arith.constant 0 : i32
      %dma_wait3A_51 = arith.constant 0 : i32
      %dma_wait3A_52 = tpu.memref_slice %arg4[%arg1, %dma_wait3A, %dma_wait3A_51] : memref<16x79x128xi32, #tpu.memory_space<hbm>> -> memref<1x79x128xi32, #tpu.memory_space<hbm>>
      %dma_wait3A_53 = tpu.memref_squeeze %dma_wait3A_52 : memref<1x79x128xi32, #tpu.memory_space<hbm>> -> memref<79x128xi32, #tpu.memory_space<hbm>>
      %dma_wait3A_54 = arith.constant 0 : i32
      %dma_wait3A_55 = arith.constant 0 : i32
      %dma_wait3A_56 = tpu.memref_slice %arg4[%arg1, %dma_wait3A_54, %dma_wait3A_55] : memref<16x79x128xi32, #tpu.memory_space<hbm>> -> memref<1x79x128xi32, #tpu.memory_space<hbm>>
      %dma_wait3A_57 = tpu.memref_squeeze %dma_wait3A_56 : memref<1x79x128xi32, #tpu.memory_space<hbm>> -> memref<79x128xi32, #tpu.memory_space<hbm>>
      tpu.wait_dma2 semaphore(%run_scoped3A : memref<!tpu.dma_semaphore, #tpu.memory_space<semaphore_mem>>) src(%dma_wait3A_57 : memref<79x128xi32, #tpu.memory_space<hbm>>) dst(%arg8 : memref<79x128xi32, #tpu.memory_space<vmem>>)
      tpu.yield
    }) : () -> ()
    %mul3A = arith.constant 2 : i32
    %mul3A_0 = arith.muli %arg0, %mul3A : i32
    %add3A = arith.constant 0 : i32
    %add3A_1 = arith.addi %mul3A_0, %add3A : i32
    %mul3A_2 = arith.constant 640 : i32
    %mul3A_3 = arith.muli %arg1, %mul3A_2 : i32
    %mul3A_4 = arith.constant 640 : i32
    %mul3A_5 = arith.muli %arg1, %mul3A_4 : i32
    "tpu.region"() ({
      %run_scoped3A = tpu.sem_alloc : memref<!tpu.dma_semaphore, #tpu.memory_space<semaphore_mem>>
      %dma_start3A = arith.constant 0 : i32
      %dma_start3A_44 = tpu.memref_slice %arg10[%mul3A_5, %dma_start3A] : memref<10240x128xf32, #tpu.memory_space<vmem_shared>> -> memref<640x128xf32, #tpu.memory_space<vmem_shared>>
      %dma_start3A_45 = arith.constant 0 : i32
      %dma_start3A_46 = tpu.memref_slice %arg5[%mul3A_3, %dma_start3A_45] : memref<10240x128xf32, #tpu.memory_space<hbm>> -> memref<640x128xf32, #tpu.memory_space<hbm>>
      tpu.enqueue_dma source(%dma_start3A_46 : memref<640x128xf32, #tpu.memory_space<hbm>>) target(%dma_start3A_44 : memref<640x128xf32, #tpu.memory_space<vmem_shared>>) target_semaphore(%run_scoped3A : memref<!tpu.dma_semaphore, #tpu.memory_space<semaphore_mem>>)
      %dma_wait3A = arith.constant 0 : i32
      %dma_wait3A_47 = tpu.memref_slice %arg10[%mul3A_5, %dma_wait3A] : memref<10240x128xf32, #tpu.memory_space<vmem_shared>> -> memref<640x128xf32, #tpu.memory_space<vmem_shared>>
      %dma_wait3A_48 = arith.constant 0 : i32
      %dma_wait3A_49 = tpu.memref_slice %arg5[%mul3A_3, %dma_wait3A_48] : memref<10240x128xf32, #tpu.memory_space<hbm>> -> memref<640x128xf32, #tpu.memory_space<hbm>>
      tpu.wait_dma2 semaphore(%run_scoped3A : memref<!tpu.dma_semaphore, #tpu.memory_space<semaphore_mem>>) src(%dma_wait3A_49 : memref<640x128xf32, #tpu.memory_space<hbm>>) dst(%dma_wait3A_47 : memref<640x128xf32, #tpu.memory_space<vmem_shared>>)
      tpu.yield
    }) : () -> ()
    "tpu.region"() ({
      %run_scoped3A = tpu.sem_alloc : memref<!tpu.dma_semaphore, #tpu.memory_space<semaphore_mem>>
      %dma_start3A = arith.constant 0 : i32
      %dma_start3A_44 = arith.constant 0 : i32
      %dma_start3A_45 = tpu.memref_slice %arg3[%add3A_1, %arg1, %dma_start3A, %dma_start3A_44] : memref<4x16x79x128xi32, #tpu.memory_space<hbm>> -> memref<1x1x79x128xi32, #tpu.memory_space<hbm>>
      %dma_start3A_46 = tpu.memref_squeeze %dma_start3A_45 : memref<1x1x79x128xi32, #tpu.memory_space<hbm>> -> memref<79x128xi32, #tpu.memory_space<hbm>>
      %dma_start3A_47 = arith.constant 0 : i32
      %dma_start3A_48 = arith.constant 0 : i32
      %dma_start3A_49 = tpu.memref_slice %arg3[%add3A_1, %arg1, %dma_start3A_47, %dma_start3A_48] : memref<4x16x79x128xi32, #tpu.memory_space<hbm>> -> memref<1x1x79x128xi32, #tpu.memory_space<hbm>>
      %dma_start3A_50 = tpu.memref_squeeze %dma_start3A_49 : memref<1x1x79x128xi32, #tpu.memory_space<hbm>> -> memref<79x128xi32, #tpu.memory_space<hbm>>
      tpu.enqueue_dma source(%dma_start3A_50 : memref<79x128xi32, #tpu.memory_space<hbm>>) target(%arg7 : memref<79x128xi32, #tpu.memory_space<vmem>>) target_semaphore(%run_scoped3A : memref<!tpu.dma_semaphore, #tpu.memory_space<semaphore_mem>>)
      %dma_wait3A = arith.constant 0 : i32
      %dma_wait3A_51 = arith.constant 0 : i32
      %dma_wait3A_52 = tpu.memref_slice %arg3[%add3A_1, %arg1, %dma_wait3A, %dma_wait3A_51] : memref<4x16x79x128xi32, #tpu.memory_space<hbm>> -> memref<1x1x79x128xi32, #tpu.memory_space<hbm>>
      %dma_wait3A_53 = tpu.memref_squeeze %dma_wait3A_52 : memref<1x1x79x128xi32, #tpu.memory_space<hbm>> -> memref<79x128xi32, #tpu.memory_space<hbm>>
      %dma_wait3A_54 = arith.constant 0 : i32
      %dma_wait3A_55 = arith.constant 0 : i32
      %dma_wait3A_56 = tpu.memref_slice %arg3[%add3A_1, %arg1, %dma_wait3A_54, %dma_wait3A_55] : memref<4x16x79x128xi32, #tpu.memory_space<hbm>> -> memref<1x1x79x128xi32, #tpu.memory_space<hbm>>
      %dma_wait3A_57 = tpu.memref_squeeze %dma_wait3A_56 : memref<1x1x79x128xi32, #tpu.memory_space<hbm>> -> memref<79x128xi32, #tpu.memory_space<hbm>>
      tpu.wait_dma2 semaphore(%run_scoped3A : memref<!tpu.dma_semaphore, #tpu.memory_space<semaphore_mem>>) src(%dma_wait3A_57 : memref<79x128xi32, #tpu.memory_space<hbm>>) dst(%arg7 : memref<79x128xi32, #tpu.memory_space<vmem>>)
      tpu.yield
    }) : () -> ()
    %barrier3A = arith.constant 0 : index
    tpu.barrier barrier_id(%barrier3A)
    %scan3A = arith.constant 0 : i32
    %scan3A_6 = arith.constant 0 : i32
    %scan3A_7 = arith.constant 79 : i32
    %scan3A_8 = arith.addi %scan3A_6, %scan3A_7 : i32
    %scan3A_9 = arith.constant 1 : i32
    scf.for %scan3A_44 = %scan3A_6 to %scan3A_8 step %scan3A_9  : i32 {
      "tpu.region"() ({
        %run_scoped3A = tpu.sem_alloc : memref<!tpu.dma_semaphore, #tpu.memory_space<semaphore_mem>>
        %dma_start3A = arith.constant 0 : i32
        %dma_start3A_45 = tpu.memref_slice %arg7[%scan3A_44, %dma_start3A] : memref<79x128xi32, #tpu.memory_space<vmem>> -> memref<1x128xi32, #tpu.memory_space<vmem>>
        %dma_start3A_46 = tpu.memref_squeeze %dma_start3A_45 : memref<1x128xi32, #tpu.memory_space<vmem>> -> memref<128xi32, #tpu.memory_space<vmem>>
        %dma_start3A_47 = arith.constant 0 : i32
        %dma_start3A_48 = arith.constant 0 : i32
        %dma_start3A_49 = tpu.memref_slice %arg2[%dma_start3A_47, %dma_start3A_48] : memref<40960x128xf32, #tpu.memory_space<hbm>> -> memref<40960x128xf32, #tpu.memory_space<hbm>>
        tpu.enqueue_indirect_dma source(%dma_start3A_49 : memref<40960x128xf32, #tpu.memory_space<hbm>>) target(%arg9 : memref<128x128xf32, #tpu.memory_space<vmem>>) offsets(%dma_start3A_46 : memref<128xi32, #tpu.memory_space<vmem>>) semaphore(%run_scoped3A : memref<!tpu.dma_semaphore, #tpu.memory_space<semaphore_mem>>)
        %dma_wait3A = arith.constant 0 : i32
        %dma_wait3A_50 = tpu.memref_slice %arg7[%scan3A_44, %dma_wait3A] : memref<79x128xi32, #tpu.memory_space<vmem>> -> memref<1x128xi32, #tpu.memory_space<vmem>>
        %dma_wait3A_51 = tpu.memref_squeeze %dma_wait3A_50 : memref<1x128xi32, #tpu.memory_space<vmem>> -> memref<128xi32, #tpu.memory_space<vmem>>
        %dma_wait3A_52 = arith.constant 0 : i32
        %dma_wait3A_53 = arith.constant 0 : i32
        %dma_wait3A_54 = tpu.memref_slice %arg2[%dma_wait3A_52, %dma_wait3A_53] : memref<40960x128xf32, #tpu.memory_space<hbm>> -> memref<40960x128xf32, #tpu.memory_space<hbm>>
        tpu.wait_indirect_dma semaphore(%run_scoped3A : memref<!tpu.dma_semaphore, #tpu.memory_space<semaphore_mem>>) src(%dma_wait3A_54 : memref<40960x128xf32, #tpu.memory_space<hbm>>) dst(%arg9 : memref<128x128xf32, #tpu.memory_space<vmem>>)
        tpu.yield
      }) : () -> ()
      "tpu.region"() ({
        %run_scoped3A = tpu.sem_alloc : memref<!tpu.dma_semaphore, #tpu.memory_space<semaphore_mem>>
        %dma_start3A = arith.constant 0 : i32
        %dma_start3A_45 = tpu.memref_slice %arg8[%scan3A_44, %dma_start3A] : memref<79x128xi32, #tpu.memory_space<vmem>> -> memref<1x128xi32, #tpu.memory_space<vmem>>
        %dma_start3A_46 = tpu.memref_squeeze %dma_start3A_45 : memref<1x128xi32, #tpu.memory_space<vmem>> -> memref<128xi32, #tpu.memory_space<vmem>>
        %dma_start3A_47 = arith.constant 0 : i32
        %dma_start3A_48 = arith.constant 0 : i32
        %dma_start3A_49 = tpu.memref_slice %arg10[%dma_start3A_47, %dma_start3A_48] : memref<10240x128xf32, #tpu.memory_space<vmem_shared>> -> memref<10240x128xf32, #tpu.memory_space<vmem_shared>>
        tpu.enqueue_indirect_dma source(%arg9 : memref<128x128xf32, #tpu.memory_space<vmem>>) target(%dma_start3A_49 : memref<10240x128xf32, #tpu.memory_space<vmem_shared>>) offsets(%dma_start3A_46 : memref<128xi32, #tpu.memory_space<vmem>>) semaphore(%run_scoped3A : memref<!tpu.dma_semaphore, #tpu.memory_space<semaphore_mem>>) {add = true}
        %dma_wait3A = arith.constant 0 : i32
        %dma_wait3A_50 = tpu.memref_slice %arg8[%scan3A_44, %dma_wait3A] : memref<79x128xi32, #tpu.memory_space<vmem>> -> memref<1x128xi32, #tpu.memory_space<vmem>>
        %dma_wait3A_51 = tpu.memref_squeeze %dma_wait3A_50 : memref<1x128xi32, #tpu.memory_space<vmem>> -> memref<128xi32, #tpu.memory_space<vmem>>
        %dma_wait3A_52 = arith.constant 0 : i32
        %dma_wait3A_53 = arith.constant 0 : i32
        %dma_wait3A_54 = tpu.memref_slice %arg10[%dma_wait3A_52, %dma_wait3A_53] : memref<10240x128xf32, #tpu.memory_space<vmem_shared>> -> memref<10240x128xf32, #tpu.memory_space<vmem_shared>>
        tpu.wait_indirect_dma semaphore(%run_scoped3A : memref<!tpu.dma_semaphore, #tpu.memory_space<semaphore_mem>>) src(%arg9 : memref<128x128xf32, #tpu.memory_space<vmem>>) dst(%dma_wait3A_54 : memref<10240x128xf32, #tpu.memory_space<vmem_shared>>)
        tpu.yield
      }) : () -> ()
    }
    %scan3A_10 = arith.constant 79 : i32
    %barrier3A_11 = arith.constant 0 : index
    tpu.barrier barrier_id(%barrier3A_11)
    %mul3A_12 = arith.constant 640 : i32
    %mul3A_13 = arith.muli %arg1, %mul3A_12 : i32
    %mul3A_14 = arith.constant 10240 : i32
    %mul3A_15 = arith.muli %add3A_1, %mul3A_14 : i32
    %mul3A_16 = arith.constant 640 : i32
    %mul3A_17 = arith.muli %arg1, %mul3A_16 : i32
    %add3A_18 = arith.addi %mul3A_15, %mul3A_17 : i32
    "tpu.region"() ({
      %run_scoped3A = tpu.sem_alloc : memref<!tpu.dma_semaphore, #tpu.memory_space<semaphore_mem>>
      %dma_start3A = arith.constant 0 : i32
      %dma_start3A_44 = tpu.memref_slice %arg6[%add3A_18, %dma_start3A] : memref<40960x128xf32, #tpu.memory_space<hbm>> -> memref<640x128xf32, #tpu.memory_space<hbm>>
      %dma_start3A_45 = arith.constant 0 : i32
      %dma_start3A_46 = tpu.memref_slice %arg10[%mul3A_13, %dma_start3A_45] : memref<10240x128xf32, #tpu.memory_space<vmem_shared>> -> memref<640x128xf32, #tpu.memory_space<vmem_shared>>
      tpu.enqueue_dma source(%dma_start3A_46 : memref<640x128xf32, #tpu.memory_space<vmem_shared>>) target(%dma_start3A_44 : memref<640x128xf32, #tpu.memory_space<hbm>>) target_semaphore(%run_scoped3A : memref<!tpu.dma_semaphore, #tpu.memory_space<semaphore_mem>>)
      %dma_wait3A = arith.constant 0 : i32
      %dma_wait3A_47 = tpu.memref_slice %arg6[%add3A_18, %dma_wait3A] : memref<40960x128xf32, #tpu.memory_space<hbm>> -> memref<640x128xf32, #tpu.memory_space<hbm>>
      %dma_wait3A_48 = arith.constant 0 : i32
      %dma_wait3A_49 = tpu.memref_slice %arg10[%mul3A_13, %dma_wait3A_48] : memref<10240x128xf32, #tpu.memory_space<vmem_shared>> -> memref<640x128xf32, #tpu.memory_space<vmem_shared>>
      tpu.wait_dma2 semaphore(%run_scoped3A : memref<!tpu.dma_semaphore, #tpu.memory_space<semaphore_mem>>) src(%dma_wait3A_49 : memref<640x128xf32, #tpu.memory_space<vmem_shared>>) dst(%dma_wait3A_47 : memref<640x128xf32, #tpu.memory_space<hbm>>)
      tpu.yield
    }) : () -> ()
    %barrier3A_19 = arith.constant 0 : index
    tpu.barrier barrier_id(%barrier3A_19)
    %mul3A_20 = arith.constant 2 : i32
    %mul3A_21 = arith.muli %arg0, %mul3A_20 : i32
    %add3A_22 = arith.constant 1 : i32
    %add3A_23 = arith.addi %mul3A_21, %add3A_22 : i32
    %mul3A_24 = arith.constant 640 : i32
    %mul3A_25 = arith.muli %arg1, %mul3A_24 : i32
    %mul3A_26 = arith.constant 640 : i32
    %mul3A_27 = arith.muli %arg1, %mul3A_26 : i32
    "tpu.region"() ({
      %run_scoped3A = tpu.sem_alloc : memref<!tpu.dma_semaphore, #tpu.memory_space<semaphore_mem>>
      %dma_start3A = arith.constant 0 : i32
      %dma_start3A_44 = tpu.memref_slice %arg10[%mul3A_27, %dma_start3A] : memref<10240x128xf32, #tpu.memory_space<vmem_shared>> -> memref<640x128xf32, #tpu.memory_space<vmem_shared>>
      %dma_start3A_45 = arith.constant 0 : i32
      %dma_start3A_46 = tpu.memref_slice %arg5[%mul3A_25, %dma_start3A_45] : memref<10240x128xf32, #tpu.memory_space<hbm>> -> memref<640x128xf32, #tpu.memory_space<hbm>>
      tpu.enqueue_dma source(%dma_start3A_46 : memref<640x128xf32, #tpu.memory_space<hbm>>) target(%dma_start3A_44 : memref<640x128xf32, #tpu.memory_space<vmem_shared>>) target_semaphore(%run_scoped3A : memref<!tpu.dma_semaphore, #tpu.memory_space<semaphore_mem>>)
      %dma_wait3A = arith.constant 0 : i32
      %dma_wait3A_47 = tpu.memref_slice %arg10[%mul3A_27, %dma_wait3A] : memref<10240x128xf32, #tpu.memory_space<vmem_shared>> -> memref<640x128xf32, #tpu.memory_space<vmem_shared>>
      %dma_wait3A_48 = arith.constant 0 : i32
      %dma_wait3A_49 = tpu.memref_slice %arg5[%mul3A_25, %dma_wait3A_48] : memref<10240x128xf32, #tpu.memory_space<hbm>> -> memref<640x128xf32, #tpu.memory_space<hbm>>
      tpu.wait_dma2 semaphore(%run_scoped3A : memref<!tpu.dma_semaphore, #tpu.memory_space<semaphore_mem>>) src(%dma_wait3A_49 : memref<640x128xf32, #tpu.memory_space<hbm>>) dst(%dma_wait3A_47 : memref<640x128xf32, #tpu.memory_space<vmem_shared>>)
      tpu.yield
    }) : () -> ()
    "tpu.region"() ({
      %run_scoped3A = tpu.sem_alloc : memref<!tpu.dma_semaphore, #tpu.memory_space<semaphore_mem>>
      %dma_start3A = arith.constant 0 : i32
      %dma_start3A_44 = arith.constant 0 : i32
      %dma_start3A_45 = tpu.memref_slice %arg3[%add3A_23, %arg1, %dma_start3A, %dma_start3A_44] : memref<4x16x79x128xi32, #tpu.memory_space<hbm>> -> memref<1x1x79x128xi32, #tpu.memory_space<hbm>>
      %dma_start3A_46 = tpu.memref_squeeze %dma_start3A_45 : memref<1x1x79x128xi32, #tpu.memory_space<hbm>> -> memref<79x128xi32, #tpu.memory_space<hbm>>
      %dma_start3A_47 = arith.constant 0 : i32
      %dma_start3A_48 = arith.constant 0 : i32
      %dma_start3A_49 = tpu.memref_slice %arg3[%add3A_23, %arg1, %dma_start3A_47, %dma_start3A_48] : memref<4x16x79x128xi32, #tpu.memory_space<hbm>> -> memref<1x1x79x128xi32, #tpu.memory_space<hbm>>
      %dma_start3A_50 = tpu.memref_squeeze %dma_start3A_49 : memref<1x1x79x128xi32, #tpu.memory_space<hbm>> -> memref<79x128xi32, #tpu.memory_space<hbm>>
      tpu.enqueue_dma source(%dma_start3A_50 : memref<79x128xi32, #tpu.memory_space<hbm>>) target(%arg7 : memref<79x128xi32, #tpu.memory_space<vmem>>) target_semaphore(%run_scoped3A : memref<!tpu.dma_semaphore, #tpu.memory_space<semaphore_mem>>)
      %dma_wait3A = arith.constant 0 : i32
      %dma_wait3A_51 = arith.constant 0 : i32
      %dma_wait3A_52 = tpu.memref_slice %arg3[%add3A_23, %arg1, %dma_wait3A, %dma_wait3A_51] : memref<4x16x79x128xi32, #tpu.memory_space<hbm>> -> memref<1x1x79x128xi32, #tpu.memory_space<hbm>>
      %dma_wait3A_53 = tpu.memref_squeeze %dma_wait3A_52 : memref<1x1x79x128xi32, #tpu.memory_space<hbm>> -> memref<79x128xi32, #tpu.memory_space<hbm>>
      %dma_wait3A_54 = arith.constant 0 : i32
      %dma_wait3A_55 = arith.constant 0 : i32
      %dma_wait3A_56 = tpu.memref_slice %arg3[%add3A_23, %arg1, %dma_wait3A_54, %dma_wait3A_55] : memref<4x16x79x128xi32, #tpu.memory_space<hbm>> -> memref<1x1x79x128xi32, #tpu.memory_space<hbm>>
      %dma_wait3A_57 = tpu.memref_squeeze %dma_wait3A_56 : memref<1x1x79x128xi32, #tpu.memory_space<hbm>> -> memref<79x128xi32, #tpu.memory_space<hbm>>
      tpu.wait_dma2 semaphore(%run_scoped3A : memref<!tpu.dma_semaphore, #tpu.memory_space<semaphore_mem>>) src(%dma_wait3A_57 : memref<79x128xi32, #tpu.memory_space<hbm>>) dst(%arg7 : memref<79x128xi32, #tpu.memory_space<vmem>>)
      tpu.yield
    }) : () -> ()
    %barrier3A_28 = arith.constant 0 : index
    tpu.barrier barrier_id(%barrier3A_28)
    %scan3A_29 = arith.constant 0 : i32
    %scan3A_30 = arith.constant 0 : i32
    %scan3A_31 = arith.constant 79 : i32
    %scan3A_32 = arith.addi %scan3A_30, %scan3A_31 : i32
    %scan3A_33 = arith.constant 1 : i32
    scf.for %scan3A_44 = %scan3A_30 to %scan3A_32 step %scan3A_33  : i32 {
      "tpu.region"() ({
        %run_scoped3A = tpu.sem_alloc : memref<!tpu.dma_semaphore, #tpu.memory_space<semaphore_mem>>
        %dma_start3A = arith.constant 0 : i32
        %dma_start3A_45 = tpu.memref_slice %arg7[%scan3A_44, %dma_start3A] : memref<79x128xi32, #tpu.memory_space<vmem>> -> memref<1x128xi32, #tpu.memory_space<vmem>>
        %dma_start3A_46 = tpu.memref_squeeze %dma_start3A_45 : memref<1x128xi32, #tpu.memory_space<vmem>> -> memref<128xi32, #tpu.memory_space<vmem>>
        %dma_start3A_47 = arith.constant 0 : i32
        %dma_start3A_48 = arith.constant 0 : i32
        %dma_start3A_49 = tpu.memref_slice %arg2[%dma_start3A_47, %dma_start3A_48] : memref<40960x128xf32, #tpu.memory_space<hbm>> -> memref<40960x128xf32, #tpu.memory_space<hbm>>
        tpu.enqueue_indirect_dma source(%dma_start3A_49 : memref<40960x128xf32, #tpu.memory_space<hbm>>) target(%arg9 : memref<128x128xf32, #tpu.memory_space<vmem>>) offsets(%dma_start3A_46 : memref<128xi32, #tpu.memory_space<vmem>>) semaphore(%run_scoped3A : memref<!tpu.dma_semaphore, #tpu.memory_space<semaphore_mem>>)
        %dma_wait3A = arith.constant 0 : i32
        %dma_wait3A_50 = tpu.memref_slice %arg7[%scan3A_44, %dma_wait3A] : memref<79x128xi32, #tpu.memory_space<vmem>> -> memref<1x128xi32, #tpu.memory_space<vmem>>
        %dma_wait3A_51 = tpu.memref_squeeze %dma_wait3A_50 : memref<1x128xi32, #tpu.memory_space<vmem>> -> memref<128xi32, #tpu.memory_space<vmem>>
        %dma_wait3A_52 = arith.constant 0 : i32
        %dma_wait3A_53 = arith.constant 0 : i32
        %dma_wait3A_54 = tpu.memref_slice %arg2[%dma_wait3A_52, %dma_wait3A_53] : memref<40960x128xf32, #tpu.memory_space<hbm>> -> memref<40960x128xf32, #tpu.memory_space<hbm>>
        tpu.wait_indirect_dma semaphore(%run_scoped3A : memref<!tpu.dma_semaphore, #tpu.memory_space<semaphore_mem>>) src(%dma_wait3A_54 : memref<40960x128xf32, #tpu.memory_space<hbm>>) dst(%arg9 : memref<128x128xf32, #tpu.memory_space<vmem>>)
        tpu.yield
      }) : () -> ()
      "tpu.region"() ({
        %run_scoped3A = tpu.sem_alloc : memref<!tpu.dma_semaphore, #tpu.memory_space<semaphore_mem>>
        %dma_start3A = arith.constant 0 : i32
        %dma_start3A_45 = tpu.memref_slice %arg8[%scan3A_44, %dma_start3A] : memref<79x128xi32, #tpu.memory_space<vmem>> -> memref<1x128xi32, #tpu.memory_space<vmem>>
        %dma_start3A_46 = tpu.memref_squeeze %dma_start3A_45 : memref<1x128xi32, #tpu.memory_space<vmem>> -> memref<128xi32, #tpu.memory_space<vmem>>
        %dma_start3A_47 = arith.constant 0 : i32
        %dma_start3A_48 = arith.constant 0 : i32
        %dma_start3A_49 = tpu.memref_slice %arg10[%dma_start3A_47, %dma_start3A_48] : memref<10240x128xf32, #tpu.memory_space<vmem_shared>> -> memref<10240x128xf32, #tpu.memory_space<vmem_shared>>
        tpu.enqueue_indirect_dma source(%arg9 : memref<128x128xf32, #tpu.memory_space<vmem>>) target(%dma_start3A_49 : memref<10240x128xf32, #tpu.memory_space<vmem_shared>>) offsets(%dma_start3A_46 : memref<128xi32, #tpu.memory_space<vmem>>) semaphore(%run_scoped3A : memref<!tpu.dma_semaphore, #tpu.memory_space<semaphore_mem>>) {add = true}
        %dma_wait3A = arith.constant 0 : i32
        %dma_wait3A_50 = tpu.memref_slice %arg8[%scan3A_44, %dma_wait3A] : memref<79x128xi32, #tpu.memory_space<vmem>> -> memref<1x128xi32, #tpu.memory_space<vmem>>
        %dma_wait3A_51 = tpu.memref_squeeze %dma_wait3A_50 : memref<1x128xi32, #tpu.memory_space<vmem>> -> memref<128xi32, #tpu.memory_space<vmem>>
        %dma_wait3A_52 = arith.constant 0 : i32
        %dma_wait3A_53 = arith.constant 0 : i32
        %dma_wait3A_54 = tpu.memref_slice %arg10[%dma_wait3A_52, %dma_wait3A_53] : memref<10240x128xf32, #tpu.memory_space<vmem_shared>> -> memref<10240x128xf32, #tpu.memory_space<vmem_shared>>
        tpu.wait_indirect_dma semaphore(%run_scoped3A : memref<!tpu.dma_semaphore, #tpu.memory_space<semaphore_mem>>) src(%arg9 : memref<128x128xf32, #tpu.memory_space<vmem>>) dst(%dma_wait3A_54 : memref<10240x128xf32, #tpu.memory_space<vmem_shared>>)
        tpu.yield
      }) : () -> ()
    }
    %scan3A_34 = arith.constant 79 : i32
    %barrier3A_35 = arith.constant 0 : index
    tpu.barrier barrier_id(%barrier3A_35)
    %mul3A_36 = arith.constant 640 : i32
    %mul3A_37 = arith.muli %arg1, %mul3A_36 : i32
    %mul3A_38 = arith.constant 10240 : i32
    %mul3A_39 = arith.muli %add3A_23, %mul3A_38 : i32
    %mul3A_40 = arith.constant 640 : i32
    %mul3A_41 = arith.muli %arg1, %mul3A_40 : i32
    %add3A_42 = arith.addi %mul3A_39, %mul3A_41 : i32
    "tpu.region"() ({
      %run_scoped3A = tpu.sem_alloc : memref<!tpu.dma_semaphore, #tpu.memory_space<semaphore_mem>>
      %dma_start3A = arith.constant 0 : i32
      %dma_start3A_44 = tpu.memref_slice %arg6[%add3A_42, %dma_start3A] : memref<40960x128xf32, #tpu.memory_space<hbm>> -> memref<640x128xf32, #tpu.memory_space<hbm>>
      %dma_start3A_45 = arith.constant 0 : i32
      %dma_start3A_46 = tpu.memref_slice %arg10[%mul3A_37, %dma_start3A_45] : memref<10240x128xf32, #tpu.memory_space<vmem_shared>> -> memref<640x128xf32, #tpu.memory_space<vmem_shared>>
      tpu.enqueue_dma source(%dma_start3A_46 : memref<640x128xf32, #tpu.memory_space<vmem_shared>>) target(%dma_start3A_44 : memref<640x128xf32, #tpu.memory_space<hbm>>) target_semaphore(%run_scoped3A : memref<!tpu.dma_semaphore, #tpu.memory_space<semaphore_mem>>)
      %dma_wait3A = arith.constant 0 : i32
      %dma_wait3A_47 = tpu.memref_slice %arg6[%add3A_42, %dma_wait3A] : memref<40960x128xf32, #tpu.memory_space<hbm>> -> memref<640x128xf32, #tpu.memory_space<hbm>>
      %dma_wait3A_48 = arith.constant 0 : i32
      %dma_wait3A_49 = tpu.memref_slice %arg10[%mul3A_37, %dma_wait3A_48] : memref<10240x128xf32, #tpu.memory_space<vmem_shared>> -> memref<640x128xf32, #tpu.memory_space<vmem_shared>>
      tpu.wait_dma2 semaphore(%run_scoped3A : memref<!tpu.dma_semaphore, #tpu.memory_space<semaphore_mem>>) src(%dma_wait3A_49 : memref<640x128xf32, #tpu.memory_space<vmem_shared>>) dst(%dma_wait3A_47 : memref<640x128xf32, #tpu.memory_space<hbm>>)
      tpu.yield
    }) : () -> ()
    %barrier3A_43 = arith.constant 0 : index
    tpu.barrier barrier_id(%barrier3A_43)
    return
  }
}

#map = affine_map<(d0, d1) -> (0)>
#map1 = affine_map<(d0, d1) -> (0, 0)>
#map2 = affine_map<(d0, d1) -> (0, 0, 0)>
module attributes {stable_mosaic.version = 14 : i64} {
  func.func @deg_kernel(%arg0: i32, %arg1: i32, %arg2: memref<161792xi32, #tpu.memory_space<hbm>>, %arg3: memref<161792xi32, #tpu.memory_space<hbm>>, %arg4: memref<2x10240xf32, #tpu.memory_space<hbm>>, %arg5: memref<32x2x10240xf32, #tpu.memory_space<hbm>>, %arg6: memref<5056xi32, #tpu.memory_space<vmem>>, %arg7: memref<5056xi32, #tpu.memory_space<vmem>>, %arg8: memref<10240xf32, #tpu.memory_space<vmem>>, %arg9: memref<10240xf32, #tpu.memory_space<vmem>>) attributes {dimension_semantics = [#tpu.dimension_semantics<core_parallel>, #tpu.dimension_semantics<subcore_parallel>], iteration_bounds = array<i64: 2, 16>, scalar_prefetch = 0 : i64, scratch_operands = 4 : i64, tpu.core_type = #tpu.core_type<sc_vector_subcore>, window_params = [{transform_indices = #map}, {transform_indices = #map}, {transform_indices = #map1}, {transform_indices = #map2}]} {
    %mul3A = arith.constant 16 : i32
    %mul3A_0 = arith.muli %arg0, %mul3A : i32
    %add3A = arith.addi %mul3A_0, %arg1 : i32
    %mul3A_1 = arith.constant 5056 : i32
    %mul3A_2 = arith.muli %add3A, %mul3A_1 : i32
    %run_scoped3A = arith.constant 0 : i32
    "tpu.region"() ({
      %run_scoped3A_12 = tpu.sem_alloc : memref<!tpu.dma_semaphore, #tpu.memory_space<semaphore_mem>>
      %dma_start3A = arith.constant 0 : i32
      %dma_start3A_13 = tpu.memref_slice %arg4[%run_scoped3A, %dma_start3A] : memref<2x10240xf32, #tpu.memory_space<hbm>> -> memref<1x10240xf32, #tpu.memory_space<hbm>>
      %dma_start3A_14 = tpu.memref_squeeze %dma_start3A_13 : memref<1x10240xf32, #tpu.memory_space<hbm>> -> memref<10240xf32, #tpu.memory_space<hbm>>
      %dma_start3A_15 = arith.constant 0 : i32
      %dma_start3A_16 = tpu.memref_slice %arg4[%run_scoped3A, %dma_start3A_15] : memref<2x10240xf32, #tpu.memory_space<hbm>> -> memref<1x10240xf32, #tpu.memory_space<hbm>>
      %dma_start3A_17 = tpu.memref_squeeze %dma_start3A_16 : memref<1x10240xf32, #tpu.memory_space<hbm>> -> memref<10240xf32, #tpu.memory_space<hbm>>
      tpu.enqueue_dma source(%dma_start3A_17 : memref<10240xf32, #tpu.memory_space<hbm>>) target(%arg8 : memref<10240xf32, #tpu.memory_space<vmem>>) target_semaphore(%run_scoped3A_12 : memref<!tpu.dma_semaphore, #tpu.memory_space<semaphore_mem>>)
      %dma_wait3A = arith.constant 0 : i32
      %dma_wait3A_18 = tpu.memref_slice %arg4[%run_scoped3A, %dma_wait3A] : memref<2x10240xf32, #tpu.memory_space<hbm>> -> memref<1x10240xf32, #tpu.memory_space<hbm>>
      %dma_wait3A_19 = tpu.memref_squeeze %dma_wait3A_18 : memref<1x10240xf32, #tpu.memory_space<hbm>> -> memref<10240xf32, #tpu.memory_space<hbm>>
      %dma_wait3A_20 = arith.constant 0 : i32
      %dma_wait3A_21 = tpu.memref_slice %arg4[%run_scoped3A, %dma_wait3A_20] : memref<2x10240xf32, #tpu.memory_space<hbm>> -> memref<1x10240xf32, #tpu.memory_space<hbm>>
      %dma_wait3A_22 = tpu.memref_squeeze %dma_wait3A_21 : memref<1x10240xf32, #tpu.memory_space<hbm>> -> memref<10240xf32, #tpu.memory_space<hbm>>
      tpu.wait_dma2 semaphore(%run_scoped3A_12 : memref<!tpu.dma_semaphore, #tpu.memory_space<semaphore_mem>>) src(%dma_wait3A_22 : memref<10240xf32, #tpu.memory_space<hbm>>) dst(%arg8 : memref<10240xf32, #tpu.memory_space<vmem>>)
      tpu.yield
    }) : () -> ()
    %run_scoped3A_3 = arith.constant 1 : i32
    "tpu.region"() ({
      %run_scoped3A_12 = tpu.sem_alloc : memref<!tpu.dma_semaphore, #tpu.memory_space<semaphore_mem>>
      %dma_start3A = arith.constant 0 : i32
      %dma_start3A_13 = tpu.memref_slice %arg4[%run_scoped3A_3, %dma_start3A] : memref<2x10240xf32, #tpu.memory_space<hbm>> -> memref<1x10240xf32, #tpu.memory_space<hbm>>
      %dma_start3A_14 = tpu.memref_squeeze %dma_start3A_13 : memref<1x10240xf32, #tpu.memory_space<hbm>> -> memref<10240xf32, #tpu.memory_space<hbm>>
      %dma_start3A_15 = arith.constant 0 : i32
      %dma_start3A_16 = tpu.memref_slice %arg4[%run_scoped3A_3, %dma_start3A_15] : memref<2x10240xf32, #tpu.memory_space<hbm>> -> memref<1x10240xf32, #tpu.memory_space<hbm>>
      %dma_start3A_17 = tpu.memref_squeeze %dma_start3A_16 : memref<1x10240xf32, #tpu.memory_space<hbm>> -> memref<10240xf32, #tpu.memory_space<hbm>>
      tpu.enqueue_dma source(%dma_start3A_17 : memref<10240xf32, #tpu.memory_space<hbm>>) target(%arg9 : memref<10240xf32, #tpu.memory_space<vmem>>) target_semaphore(%run_scoped3A_12 : memref<!tpu.dma_semaphore, #tpu.memory_space<semaphore_mem>>)
      %dma_wait3A = arith.constant 0 : i32
      %dma_wait3A_18 = tpu.memref_slice %arg4[%run_scoped3A_3, %dma_wait3A] : memref<2x10240xf32, #tpu.memory_space<hbm>> -> memref<1x10240xf32, #tpu.memory_space<hbm>>
      %dma_wait3A_19 = tpu.memref_squeeze %dma_wait3A_18 : memref<1x10240xf32, #tpu.memory_space<hbm>> -> memref<10240xf32, #tpu.memory_space<hbm>>
      %dma_wait3A_20 = arith.constant 0 : i32
      %dma_wait3A_21 = tpu.memref_slice %arg4[%run_scoped3A_3, %dma_wait3A_20] : memref<2x10240xf32, #tpu.memory_space<hbm>> -> memref<1x10240xf32, #tpu.memory_space<hbm>>
      %dma_wait3A_22 = tpu.memref_squeeze %dma_wait3A_21 : memref<1x10240xf32, #tpu.memory_space<hbm>> -> memref<10240xf32, #tpu.memory_space<hbm>>
      tpu.wait_dma2 semaphore(%run_scoped3A_12 : memref<!tpu.dma_semaphore, #tpu.memory_space<semaphore_mem>>) src(%dma_wait3A_22 : memref<10240xf32, #tpu.memory_space<hbm>>) dst(%arg9 : memref<10240xf32, #tpu.memory_space<vmem>>)
      tpu.yield
    }) : () -> ()
    "tpu.region"() ({
      %run_scoped3A_12 = tpu.sem_alloc : memref<!tpu.dma_semaphore, #tpu.memory_space<semaphore_mem>>
      %dma_start3A = tpu.memref_slice %arg2[%mul3A_2] : memref<161792xi32, #tpu.memory_space<hbm>> -> memref<5056xi32, #tpu.memory_space<hbm>>
      %dma_start3A_13 = tpu.memref_slice %arg2[%mul3A_2] : memref<161792xi32, #tpu.memory_space<hbm>> -> memref<5056xi32, #tpu.memory_space<hbm>>
      tpu.enqueue_dma source(%dma_start3A_13 : memref<5056xi32, #tpu.memory_space<hbm>>) target(%arg6 : memref<5056xi32, #tpu.memory_space<vmem>>) target_semaphore(%run_scoped3A_12 : memref<!tpu.dma_semaphore, #tpu.memory_space<semaphore_mem>>)
      %dma_wait3A = tpu.memref_slice %arg2[%mul3A_2] : memref<161792xi32, #tpu.memory_space<hbm>> -> memref<5056xi32, #tpu.memory_space<hbm>>
      %dma_wait3A_14 = tpu.memref_slice %arg2[%mul3A_2] : memref<161792xi32, #tpu.memory_space<hbm>> -> memref<5056xi32, #tpu.memory_space<hbm>>
      tpu.wait_dma2 semaphore(%run_scoped3A_12 : memref<!tpu.dma_semaphore, #tpu.memory_space<semaphore_mem>>) src(%dma_wait3A_14 : memref<5056xi32, #tpu.memory_space<hbm>>) dst(%arg6 : memref<5056xi32, #tpu.memory_space<vmem>>)
      tpu.yield
    }) : () -> ()
    "tpu.region"() ({
      %run_scoped3A_12 = tpu.sem_alloc : memref<!tpu.dma_semaphore, #tpu.memory_space<semaphore_mem>>
      %dma_start3A = tpu.memref_slice %arg3[%mul3A_2] : memref<161792xi32, #tpu.memory_space<hbm>> -> memref<5056xi32, #tpu.memory_space<hbm>>
      %dma_start3A_13 = tpu.memref_slice %arg3[%mul3A_2] : memref<161792xi32, #tpu.memory_space<hbm>> -> memref<5056xi32, #tpu.memory_space<hbm>>
      tpu.enqueue_dma source(%dma_start3A_13 : memref<5056xi32, #tpu.memory_space<hbm>>) target(%arg7 : memref<5056xi32, #tpu.memory_space<vmem>>) target_semaphore(%run_scoped3A_12 : memref<!tpu.dma_semaphore, #tpu.memory_space<semaphore_mem>>)
      %dma_wait3A = tpu.memref_slice %arg3[%mul3A_2] : memref<161792xi32, #tpu.memory_space<hbm>> -> memref<5056xi32, #tpu.memory_space<hbm>>
      %dma_wait3A_14 = tpu.memref_slice %arg3[%mul3A_2] : memref<161792xi32, #tpu.memory_space<hbm>> -> memref<5056xi32, #tpu.memory_space<hbm>>
      tpu.wait_dma2 semaphore(%run_scoped3A_12 : memref<!tpu.dma_semaphore, #tpu.memory_space<semaphore_mem>>) src(%dma_wait3A_14 : memref<5056xi32, #tpu.memory_space<hbm>>) dst(%arg7 : memref<5056xi32, #tpu.memory_space<vmem>>)
      tpu.yield
    }) : () -> ()
    %broadcast_in_dim3A = arith.constant 1.000000e+00 : f32
    %broadcast_in_dim3A_4 = vector.broadcast %broadcast_in_dim3A : f32 to vector<16xf32>
    %scan3A = arith.constant 0 : i32
    %scan3A_5 = arith.constant 0 : i32
    %scan3A_6 = arith.constant 316 : i32
    %scan3A_7 = arith.addi %scan3A_5, %scan3A_6 : i32
    %scan3A_8 = arith.constant 1 : i32
    scf.for %scan3A_12 = %scan3A_5 to %scan3A_7 step %scan3A_8  : i32 {
      %mul3A_13 = arith.constant 16 : i32
      %mul3A_14 = arith.muli %scan3A_12, %mul3A_13 : i32
      %get3A = arith.index_cast %mul3A_14 : i32 to index
      %get3A_15 = tpu.vector_load %arg6[%get3A] {strides = array<i32>} : memref<5056xi32, #tpu.memory_space<vmem>>, vector<16xi32>,
      tpu.vector_store_idx %arg8[%get3A_15], %broadcast_in_dim3A_4 {add = true} : memref<10240xf32, #tpu.memory_space<vmem>>[vector<16xi32>], vector<16xf32>,
      %mul3A_16 = arith.constant 16 : i32
      %mul3A_17 = arith.muli %scan3A_12, %mul3A_16 : i32
      %get3A_18 = arith.index_cast %mul3A_17 : i32 to index
      %get3A_19 = tpu.vector_load %arg7[%get3A_18] {strides = array<i32>} : memref<5056xi32, #tpu.memory_space<vmem>>, vector<16xi32>,
      tpu.vector_store_idx %arg9[%get3A_19], %broadcast_in_dim3A_4 {add = true} : memref<10240xf32, #tpu.memory_space<vmem>>[vector<16xi32>], vector<16xf32>,
    }
    %scan3A_9 = arith.constant 316 : i32
    %run_scoped3A_10 = arith.constant 0 : i32
    "tpu.region"() ({
      %run_scoped3A_12 = tpu.sem_alloc : memref<!tpu.dma_semaphore, #tpu.memory_space<semaphore_mem>>
      %dma_start3A = arith.constant 0 : i32
      %dma_start3A_13 = tpu.memref_slice %arg5[%add3A, %run_scoped3A_10, %dma_start3A] : memref<32x2x10240xf32, #tpu.memory_space<hbm>> -> memref<1x1x10240xf32, #tpu.memory_space<hbm>>
      %dma_start3A_14 = tpu.memref_squeeze %dma_start3A_13 : memref<1x1x10240xf32, #tpu.memory_space<hbm>> -> memref<10240xf32, #tpu.memory_space<hbm>>
      %dma_start3A_15 = arith.constant 0 : i32
      %dma_start3A_16 = tpu.memref_slice %arg5[%add3A, %run_scoped3A_10, %dma_start3A_15] : memref<32x2x10240xf32, #tpu.memory_space<hbm>> -> memref<1x1x10240xf32, #tpu.memory_space<hbm>>
      %dma_start3A_17 = tpu.memref_squeeze %dma_start3A_16 : memref<1x1x10240xf32, #tpu.memory_space<hbm>> -> memref<10240xf32, #tpu.memory_space<hbm>>
      tpu.enqueue_dma source(%arg8 : memref<10240xf32, #tpu.memory_space<vmem>>) target(%dma_start3A_17 : memref<10240xf32, #tpu.memory_space<hbm>>) target_semaphore(%run_scoped3A_12 : memref<!tpu.dma_semaphore, #tpu.memory_space<semaphore_mem>>)
      %dma_wait3A = arith.constant 0 : i32
      %dma_wait3A_18 = tpu.memref_slice %arg5[%add3A, %run_scoped3A_10, %dma_wait3A] : memref<32x2x10240xf32, #tpu.memory_space<hbm>> -> memref<1x1x10240xf32, #tpu.memory_space<hbm>>
      %dma_wait3A_19 = tpu.memref_squeeze %dma_wait3A_18 : memref<1x1x10240xf32, #tpu.memory_space<hbm>> -> memref<10240xf32, #tpu.memory_space<hbm>>
      %dma_wait3A_20 = arith.constant 0 : i32
      %dma_wait3A_21 = tpu.memref_slice %arg5[%add3A, %run_scoped3A_10, %dma_wait3A_20] : memref<32x2x10240xf32, #tpu.memory_space<hbm>> -> memref<1x1x10240xf32, #tpu.memory_space<hbm>>
      %dma_wait3A_22 = tpu.memref_squeeze %dma_wait3A_21 : memref<1x1x10240xf32, #tpu.memory_space<hbm>> -> memref<10240xf32, #tpu.memory_space<hbm>>
      tpu.wait_dma2 semaphore(%run_scoped3A_12 : memref<!tpu.dma_semaphore, #tpu.memory_space<semaphore_mem>>) src(%arg8 : memref<10240xf32, #tpu.memory_space<vmem>>) dst(%dma_wait3A_22 : memref<10240xf32, #tpu.memory_space<hbm>>)
      tpu.yield
    }) : () -> ()
    %run_scoped3A_11 = arith.constant 1 : i32
    "tpu.region"() ({
      %run_scoped3A_12 = tpu.sem_alloc : memref<!tpu.dma_semaphore, #tpu.memory_space<semaphore_mem>>
      %dma_start3A = arith.constant 0 : i32
      %dma_start3A_13 = tpu.memref_slice %arg5[%add3A, %run_scoped3A_11, %dma_start3A] : memref<32x2x10240xf32, #tpu.memory_space<hbm>> -> memref<1x1x10240xf32, #tpu.memory_space<hbm>>
      %dma_start3A_14 = tpu.memref_squeeze %dma_start3A_13 : memref<1x1x10240xf32, #tpu.memory_space<hbm>> -> memref<10240xf32, #tpu.memory_space<hbm>>
      %dma_start3A_15 = arith.constant 0 : i32
      %dma_start3A_16 = tpu.memref_slice %arg5[%add3A, %run_scoped3A_11, %dma_start3A_15] : memref<32x2x10240xf32, #tpu.memory_space<hbm>> -> memref<1x1x10240xf32, #tpu.memory_space<hbm>>
      %dma_start3A_17 = tpu.memref_squeeze %dma_start3A_16 : memref<1x1x10240xf32, #tpu.memory_space<hbm>> -> memref<10240xf32, #tpu.memory_space<hbm>>
      tpu.enqueue_dma source(%arg9 : memref<10240xf32, #tpu.memory_space<vmem>>) target(%dma_start3A_17 : memref<10240xf32, #tpu.memory_space<hbm>>) target_semaphore(%run_scoped3A_12 : memref<!tpu.dma_semaphore, #tpu.memory_space<semaphore_mem>>)
      %dma_wait3A = arith.constant 0 : i32
      %dma_wait3A_18 = tpu.memref_slice %arg5[%add3A, %run_scoped3A_11, %dma_wait3A] : memref<32x2x10240xf32, #tpu.memory_space<hbm>> -> memref<1x1x10240xf32, #tpu.memory_space<hbm>>
      %dma_wait3A_19 = tpu.memref_squeeze %dma_wait3A_18 : memref<1x1x10240xf32, #tpu.memory_space<hbm>> -> memref<10240xf32, #tpu.memory_space<hbm>>
      %dma_wait3A_20 = arith.constant 0 : i32
      %dma_wait3A_21 = tpu.memref_slice %arg5[%add3A, %run_scoped3A_11, %dma_wait3A_20] : memref<32x2x10240xf32, #tpu.memory_space<hbm>> -> memref<1x1x10240xf32, #tpu.memory_space<hbm>>
      %dma_wait3A_22 = tpu.memref_squeeze %dma_wait3A_21 : memref<1x1x10240xf32, #tpu.memory_space<hbm>> -> memref<10240xf32, #tpu.memory_space<hbm>>
      tpu.wait_dma2 semaphore(%run_scoped3A_12 : memref<!tpu.dma_semaphore, #tpu.memory_space<semaphore_mem>>) src(%arg9 : memref<10240xf32, #tpu.memory_space<vmem>>) dst(%dma_wait3A_22 : memref<10240xf32, #tpu.memory_space<hbm>>)
      tpu.yield
    }) : () -> ()
    return
  }
}

#map = affine_map<(d0, d1) -> (0, 0)>
#map1 = affine_map<(d0, d1) -> (0, 0, 0, 0)>
#map2 = affine_map<(d0, d1) -> (0, 0, 0)>
module attributes {stable_mosaic.version = 14 : i64} {
  func.func @agg_kernel(%arg0: i32, %arg1: i32, %arg2: memref<40960x128xf32, #tpu.memory_space<hbm>>, %arg3: memref<4x16x79x128xi32, #tpu.memory_space<hbm>>, %arg4: memref<16x79x128xi32, #tpu.memory_space<hbm>>, %arg5: memref<10240x128xf32, #tpu.memory_space<hbm>>, %arg6: memref<40960x128xf32, #tpu.memory_space<hbm>>, %arg7: memref<79x128xi32, #tpu.memory_space<vmem>>, %arg8: memref<79x128xi32, #tpu.memory_space<vmem>>, %arg9: memref<128x128xf32, #tpu.memory_space<vmem>>, %arg10: memref<10240x128xf32, #tpu.memory_space<vmem_shared>>) attributes {dimension_semantics = [#tpu.dimension_semantics<core_parallel>, #tpu.dimension_semantics<subcore_parallel>], iteration_bounds = array<i64: 2, 16>, scalar_prefetch = 0 : i64, scratch_operands = 4 : i64, tpu.core_type = #tpu.core_type<sc_vector_subcore>, window_params = [{transform_indices = #map}, {transform_indices = #map1}, {transform_indices = #map2}, {transform_indices = #map}, {transform_indices = #map}]} {
    "tpu.region"() ({
      %run_scoped3A = tpu.sem_alloc : memref<!tpu.dma_semaphore, #tpu.memory_space<semaphore_mem>>
      %dma_start3A = arith.constant 0 : i32
      %dma_start3A_44 = arith.constant 0 : i32
      %dma_start3A_45 = tpu.memref_slice %arg4[%arg1, %dma_start3A, %dma_start3A_44] : memref<16x79x128xi32, #tpu.memory_space<hbm>> -> memref<1x79x128xi32, #tpu.memory_space<hbm>>
      %dma_start3A_46 = tpu.memref_squeeze %dma_start3A_45 : memref<1x79x128xi32, #tpu.memory_space<hbm>> -> memref<79x128xi32, #tpu.memory_space<hbm>>
      %dma_start3A_47 = arith.constant 0 : i32
      %dma_start3A_48 = arith.constant 0 : i32
      %dma_start3A_49 = tpu.memref_slice %arg4[%arg1, %dma_start3A_47, %dma_start3A_48] : memref<16x79x128xi32, #tpu.memory_space<hbm>> -> memref<1x79x128xi32, #tpu.memory_space<hbm>>
      %dma_start3A_50 = tpu.memref_squeeze %dma_start3A_49 : memref<1x79x128xi32, #tpu.memory_space<hbm>> -> memref<79x128xi32, #tpu.memory_space<hbm>>
      tpu.enqueue_dma source(%dma_start3A_50 : memref<79x128xi32, #tpu.memory_space<hbm>>) target(%arg8 : memref<79x128xi32, #tpu.memory_space<vmem>>) target_semaphore(%run_scoped3A : memref<!tpu.dma_semaphore, #tpu.memory_space<semaphore_mem>>)
      %dma_wait3A = arith.constant 0 : i32
      %dma_wait3A_51 = arith.constant 0 : i32
      %dma_wait3A_52 = tpu.memref_slice %arg4[%arg1, %dma_wait3A, %dma_wait3A_51] : memref<16x79x128xi32, #tpu.memory_space<hbm>> -> memref<1x79x128xi32, #tpu.memory_space<hbm>>
      %dma_wait3A_53 = tpu.memref_squeeze %dma_wait3A_52 : memref<1x79x128xi32, #tpu.memory_space<hbm>> -> memref<79x128xi32, #tpu.memory_space<hbm>>
      %dma_wait3A_54 = arith.constant 0 : i32
      %dma_wait3A_55 = arith.constant 0 : i32
      %dma_wait3A_56 = tpu.memref_slice %arg4[%arg1, %dma_wait3A_54, %dma_wait3A_55] : memref<16x79x128xi32, #tpu.memory_space<hbm>> -> memref<1x79x128xi32, #tpu.memory_space<hbm>>
      %dma_wait3A_57 = tpu.memref_squeeze %dma_wait3A_56 : memref<1x79x128xi32, #tpu.memory_space<hbm>> -> memref<79x128xi32, #tpu.memory_space<hbm>>
      tpu.wait_dma2 semaphore(%run_scoped3A : memref<!tpu.dma_semaphore, #tpu.memory_space<semaphore_mem>>) src(%dma_wait3A_57 : memref<79x128xi32, #tpu.memory_space<hbm>>) dst(%arg8 : memref<79x128xi32, #tpu.memory_space<vmem>>)
      tpu.yield
    }) : () -> ()
    %mul3A = arith.constant 2 : i32
    %mul3A_0 = arith.muli %arg0, %mul3A : i32
    %add3A = arith.constant 0 : i32
    %add3A_1 = arith.addi %mul3A_0, %add3A : i32
    %mul3A_2 = arith.constant 640 : i32
    %mul3A_3 = arith.muli %arg1, %mul3A_2 : i32
    %mul3A_4 = arith.constant 640 : i32
    %mul3A_5 = arith.muli %arg1, %mul3A_4 : i32
    "tpu.region"() ({
      %run_scoped3A = tpu.sem_alloc : memref<!tpu.dma_semaphore, #tpu.memory_space<semaphore_mem>>
      %dma_start3A = arith.constant 0 : i32
      %dma_start3A_44 = tpu.memref_slice %arg10[%mul3A_5, %dma_start3A] : memref<10240x128xf32, #tpu.memory_space<vmem_shared>> -> memref<640x128xf32, #tpu.memory_space<vmem_shared>>
      %dma_start3A_45 = arith.constant 0 : i32
      %dma_start3A_46 = tpu.memref_slice %arg5[%mul3A_3, %dma_start3A_45] : memref<10240x128xf32, #tpu.memory_space<hbm>> -> memref<640x128xf32, #tpu.memory_space<hbm>>
      tpu.enqueue_dma source(%dma_start3A_46 : memref<640x128xf32, #tpu.memory_space<hbm>>) target(%dma_start3A_44 : memref<640x128xf32, #tpu.memory_space<vmem_shared>>) target_semaphore(%run_scoped3A : memref<!tpu.dma_semaphore, #tpu.memory_space<semaphore_mem>>)
      %dma_wait3A = arith.constant 0 : i32
      %dma_wait3A_47 = tpu.memref_slice %arg10[%mul3A_5, %dma_wait3A] : memref<10240x128xf32, #tpu.memory_space<vmem_shared>> -> memref<640x128xf32, #tpu.memory_space<vmem_shared>>
      %dma_wait3A_48 = arith.constant 0 : i32
      %dma_wait3A_49 = tpu.memref_slice %arg5[%mul3A_3, %dma_wait3A_48] : memref<10240x128xf32, #tpu.memory_space<hbm>> -> memref<640x128xf32, #tpu.memory_space<hbm>>
      tpu.wait_dma2 semaphore(%run_scoped3A : memref<!tpu.dma_semaphore, #tpu.memory_space<semaphore_mem>>) src(%dma_wait3A_49 : memref<640x128xf32, #tpu.memory_space<hbm>>) dst(%dma_wait3A_47 : memref<640x128xf32, #tpu.memory_space<vmem_shared>>)
      tpu.yield
    }) : () -> ()
    "tpu.region"() ({
      %run_scoped3A = tpu.sem_alloc : memref<!tpu.dma_semaphore, #tpu.memory_space<semaphore_mem>>
      %dma_start3A = arith.constant 0 : i32
      %dma_start3A_44 = arith.constant 0 : i32
      %dma_start3A_45 = tpu.memref_slice %arg3[%add3A_1, %arg1, %dma_start3A, %dma_start3A_44] : memref<4x16x79x128xi32, #tpu.memory_space<hbm>> -> memref<1x1x79x128xi32, #tpu.memory_space<hbm>>
      %dma_start3A_46 = tpu.memref_squeeze %dma_start3A_45 : memref<1x1x79x128xi32, #tpu.memory_space<hbm>> -> memref<79x128xi32, #tpu.memory_space<hbm>>
      %dma_start3A_47 = arith.constant 0 : i32
      %dma_start3A_48 = arith.constant 0 : i32
      %dma_start3A_49 = tpu.memref_slice %arg3[%add3A_1, %arg1, %dma_start3A_47, %dma_start3A_48] : memref<4x16x79x128xi32, #tpu.memory_space<hbm>> -> memref<1x1x79x128xi32, #tpu.memory_space<hbm>>
      %dma_start3A_50 = tpu.memref_squeeze %dma_start3A_49 : memref<1x1x79x128xi32, #tpu.memory_space<hbm>> -> memref<79x128xi32, #tpu.memory_space<hbm>>
      tpu.enqueue_dma source(%dma_start3A_50 : memref<79x128xi32, #tpu.memory_space<hbm>>) target(%arg7 : memref<79x128xi32, #tpu.memory_space<vmem>>) target_semaphore(%run_scoped3A : memref<!tpu.dma_semaphore, #tpu.memory_space<semaphore_mem>>)
      %dma_wait3A = arith.constant 0 : i32
      %dma_wait3A_51 = arith.constant 0 : i32
      %dma_wait3A_52 = tpu.memref_slice %arg3[%add3A_1, %arg1, %dma_wait3A, %dma_wait3A_51] : memref<4x16x79x128xi32, #tpu.memory_space<hbm>> -> memref<1x1x79x128xi32, #tpu.memory_space<hbm>>
      %dma_wait3A_53 = tpu.memref_squeeze %dma_wait3A_52 : memref<1x1x79x128xi32, #tpu.memory_space<hbm>> -> memref<79x128xi32, #tpu.memory_space<hbm>>
      %dma_wait3A_54 = arith.constant 0 : i32
      %dma_wait3A_55 = arith.constant 0 : i32
      %dma_wait3A_56 = tpu.memref_slice %arg3[%add3A_1, %arg1, %dma_wait3A_54, %dma_wait3A_55] : memref<4x16x79x128xi32, #tpu.memory_space<hbm>> -> memref<1x1x79x128xi32, #tpu.memory_space<hbm>>
      %dma_wait3A_57 = tpu.memref_squeeze %dma_wait3A_56 : memref<1x1x79x128xi32, #tpu.memory_space<hbm>> -> memref<79x128xi32, #tpu.memory_space<hbm>>
      tpu.wait_dma2 semaphore(%run_scoped3A : memref<!tpu.dma_semaphore, #tpu.memory_space<semaphore_mem>>) src(%dma_wait3A_57 : memref<79x128xi32, #tpu.memory_space<hbm>>) dst(%arg7 : memref<79x128xi32, #tpu.memory_space<vmem>>)
      tpu.yield
    }) : () -> ()
    %barrier3A = arith.constant 0 : index
    tpu.barrier barrier_id(%barrier3A)
    %scan3A = arith.constant 0 : i32
    %scan3A_6 = arith.constant 0 : i32
    %scan3A_7 = arith.constant 79 : i32
    %scan3A_8 = arith.addi %scan3A_6, %scan3A_7 : i32
    %scan3A_9 = arith.constant 1 : i32
    scf.for %scan3A_44 = %scan3A_6 to %scan3A_8 step %scan3A_9  : i32 {
      "tpu.region"() ({
        %run_scoped3A = tpu.sem_alloc : memref<!tpu.dma_semaphore, #tpu.memory_space<semaphore_mem>>
        %dma_start3A = arith.constant 0 : i32
        %dma_start3A_45 = tpu.memref_slice %arg7[%scan3A_44, %dma_start3A] : memref<79x128xi32, #tpu.memory_space<vmem>> -> memref<1x128xi32, #tpu.memory_space<vmem>>
        %dma_start3A_46 = tpu.memref_squeeze %dma_start3A_45 : memref<1x128xi32, #tpu.memory_space<vmem>> -> memref<128xi32, #tpu.memory_space<vmem>>
        %dma_start3A_47 = arith.constant 0 : i32
        %dma_start3A_48 = arith.constant 0 : i32
        %dma_start3A_49 = tpu.memref_slice %arg2[%dma_start3A_47, %dma_start3A_48] : memref<40960x128xf32, #tpu.memory_space<hbm>> -> memref<40960x128xf32, #tpu.memory_space<hbm>>
        tpu.enqueue_indirect_dma source(%dma_start3A_49 : memref<40960x128xf32, #tpu.memory_space<hbm>>) target(%arg9 : memref<128x128xf32, #tpu.memory_space<vmem>>) offsets(%dma_start3A_46 : memref<128xi32, #tpu.memory_space<vmem>>) semaphore(%run_scoped3A : memref<!tpu.dma_semaphore, #tpu.memory_space<semaphore_mem>>)
        %dma_wait3A = arith.constant 0 : i32
        %dma_wait3A_50 = tpu.memref_slice %arg7[%scan3A_44, %dma_wait3A] : memref<79x128xi32, #tpu.memory_space<vmem>> -> memref<1x128xi32, #tpu.memory_space<vmem>>
        %dma_wait3A_51 = tpu.memref_squeeze %dma_wait3A_50 : memref<1x128xi32, #tpu.memory_space<vmem>> -> memref<128xi32, #tpu.memory_space<vmem>>
        %dma_wait3A_52 = arith.constant 0 : i32
        %dma_wait3A_53 = arith.constant 0 : i32
        %dma_wait3A_54 = tpu.memref_slice %arg2[%dma_wait3A_52, %dma_wait3A_53] : memref<40960x128xf32, #tpu.memory_space<hbm>> -> memref<40960x128xf32, #tpu.memory_space<hbm>>
        tpu.wait_indirect_dma semaphore(%run_scoped3A : memref<!tpu.dma_semaphore, #tpu.memory_space<semaphore_mem>>) src(%dma_wait3A_54 : memref<40960x128xf32, #tpu.memory_space<hbm>>) dst(%arg9 : memref<128x128xf32, #tpu.memory_space<vmem>>)
        tpu.yield
      }) : () -> ()
      "tpu.region"() ({
        %run_scoped3A = tpu.sem_alloc : memref<!tpu.dma_semaphore, #tpu.memory_space<semaphore_mem>>
        %dma_start3A = arith.constant 0 : i32
        %dma_start3A_45 = tpu.memref_slice %arg8[%scan3A_44, %dma_start3A] : memref<79x128xi32, #tpu.memory_space<vmem>> -> memref<1x128xi32, #tpu.memory_space<vmem>>
        %dma_start3A_46 = tpu.memref_squeeze %dma_start3A_45 : memref<1x128xi32, #tpu.memory_space<vmem>> -> memref<128xi32, #tpu.memory_space<vmem>>
        %dma_start3A_47 = arith.constant 0 : i32
        %dma_start3A_48 = arith.constant 0 : i32
        %dma_start3A_49 = tpu.memref_slice %arg10[%dma_start3A_47, %dma_start3A_48] : memref<10240x128xf32, #tpu.memory_space<vmem_shared>> -> memref<10240x128xf32, #tpu.memory_space<vmem_shared>>
        tpu.enqueue_indirect_dma source(%arg9 : memref<128x128xf32, #tpu.memory_space<vmem>>) target(%dma_start3A_49 : memref<10240x128xf32, #tpu.memory_space<vmem_shared>>) offsets(%dma_start3A_46 : memref<128xi32, #tpu.memory_space<vmem>>) semaphore(%run_scoped3A : memref<!tpu.dma_semaphore, #tpu.memory_space<semaphore_mem>>) {add = true}
        %dma_wait3A = arith.constant 0 : i32
        %dma_wait3A_50 = tpu.memref_slice %arg8[%scan3A_44, %dma_wait3A] : memref<79x128xi32, #tpu.memory_space<vmem>> -> memref<1x128xi32, #tpu.memory_space<vmem>>
        %dma_wait3A_51 = tpu.memref_squeeze %dma_wait3A_50 : memref<1x128xi32, #tpu.memory_space<vmem>> -> memref<128xi32, #tpu.memory_space<vmem>>
        %dma_wait3A_52 = arith.constant 0 : i32
        %dma_wait3A_53 = arith.constant 0 : i32
        %dma_wait3A_54 = tpu.memref_slice %arg10[%dma_wait3A_52, %dma_wait3A_53] : memref<10240x128xf32, #tpu.memory_space<vmem_shared>> -> memref<10240x128xf32, #tpu.memory_space<vmem_shared>>
        tpu.wait_indirect_dma semaphore(%run_scoped3A : memref<!tpu.dma_semaphore, #tpu.memory_space<semaphore_mem>>) src(%arg9 : memref<128x128xf32, #tpu.memory_space<vmem>>) dst(%dma_wait3A_54 : memref<10240x128xf32, #tpu.memory_space<vmem_shared>>)
        tpu.yield
      }) : () -> ()
    }
    %scan3A_10 = arith.constant 79 : i32
    %barrier3A_11 = arith.constant 0 : index
    tpu.barrier barrier_id(%barrier3A_11)
    %mul3A_12 = arith.constant 640 : i32
    %mul3A_13 = arith.muli %arg1, %mul3A_12 : i32
    %mul3A_14 = arith.constant 10240 : i32
    %mul3A_15 = arith.muli %add3A_1, %mul3A_14 : i32
    %mul3A_16 = arith.constant 640 : i32
    %mul3A_17 = arith.muli %arg1, %mul3A_16 : i32
    %add3A_18 = arith.addi %mul3A_15, %mul3A_17 : i32
    "tpu.region"() ({
      %run_scoped3A = tpu.sem_alloc : memref<!tpu.dma_semaphore, #tpu.memory_space<semaphore_mem>>
      %dma_start3A = arith.constant 0 : i32
      %dma_start3A_44 = tpu.memref_slice %arg6[%add3A_18, %dma_start3A] : memref<40960x128xf32, #tpu.memory_space<hbm>> -> memref<640x128xf32, #tpu.memory_space<hbm>>
      %dma_start3A_45 = arith.constant 0 : i32
      %dma_start3A_46 = tpu.memref_slice %arg10[%mul3A_13, %dma_start3A_45] : memref<10240x128xf32, #tpu.memory_space<vmem_shared>> -> memref<640x128xf32, #tpu.memory_space<vmem_shared>>
      tpu.enqueue_dma source(%dma_start3A_46 : memref<640x128xf32, #tpu.memory_space<vmem_shared>>) target(%dma_start3A_44 : memref<640x128xf32, #tpu.memory_space<hbm>>) target_semaphore(%run_scoped3A : memref<!tpu.dma_semaphore, #tpu.memory_space<semaphore_mem>>)
      %dma_wait3A = arith.constant 0 : i32
      %dma_wait3A_47 = tpu.memref_slice %arg6[%add3A_18, %dma_wait3A] : memref<40960x128xf32, #tpu.memory_space<hbm>> -> memref<640x128xf32, #tpu.memory_space<hbm>>
      %dma_wait3A_48 = arith.constant 0 : i32
      %dma_wait3A_49 = tpu.memref_slice %arg10[%mul3A_13, %dma_wait3A_48] : memref<10240x128xf32, #tpu.memory_space<vmem_shared>> -> memref<640x128xf32, #tpu.memory_space<vmem_shared>>
      tpu.wait_dma2 semaphore(%run_scoped3A : memref<!tpu.dma_semaphore, #tpu.memory_space<semaphore_mem>>) src(%dma_wait3A_49 : memref<640x128xf32, #tpu.memory_space<vmem_shared>>) dst(%dma_wait3A_47 : memref<640x128xf32, #tpu.memory_space<hbm>>)
      tpu.yield
    }) : () -> ()
    %barrier3A_19 = arith.constant 0 : index
    tpu.barrier barrier_id(%barrier3A_19)
    %mul3A_20 = arith.constant 2 : i32
    %mul3A_21 = arith.muli %arg0, %mul3A_20 : i32
    %add3A_22 = arith.constant 1 : i32
    %add3A_23 = arith.addi %mul3A_21, %add3A_22 : i32
    %mul3A_24 = arith.constant 640 : i32
    %mul3A_25 = arith.muli %arg1, %mul3A_24 : i32
    %mul3A_26 = arith.constant 640 : i32
    %mul3A_27 = arith.muli %arg1, %mul3A_26 : i32
    "tpu.region"() ({
      %run_scoped3A = tpu.sem_alloc : memref<!tpu.dma_semaphore, #tpu.memory_space<semaphore_mem>>
      %dma_start3A = arith.constant 0 : i32
      %dma_start3A_44 = tpu.memref_slice %arg10[%mul3A_27, %dma_start3A] : memref<10240x128xf32, #tpu.memory_space<vmem_shared>> -> memref<640x128xf32, #tpu.memory_space<vmem_shared>>
      %dma_start3A_45 = arith.constant 0 : i32
      %dma_start3A_46 = tpu.memref_slice %arg5[%mul3A_25, %dma_start3A_45] : memref<10240x128xf32, #tpu.memory_space<hbm>> -> memref<640x128xf32, #tpu.memory_space<hbm>>
      tpu.enqueue_dma source(%dma_start3A_46 : memref<640x128xf32, #tpu.memory_space<hbm>>) target(%dma_start3A_44 : memref<640x128xf32, #tpu.memory_space<vmem_shared>>) target_semaphore(%run_scoped3A : memref<!tpu.dma_semaphore, #tpu.memory_space<semaphore_mem>>)
      %dma_wait3A = arith.constant 0 : i32
      %dma_wait3A_47 = tpu.memref_slice %arg10[%mul3A_27, %dma_wait3A] : memref<10240x128xf32, #tpu.memory_space<vmem_shared>> -> memref<640x128xf32, #tpu.memory_space<vmem_shared>>
      %dma_wait3A_48 = arith.constant 0 : i32
      %dma_wait3A_49 = tpu.memref_slice %arg5[%mul3A_25, %dma_wait3A_48] : memref<10240x128xf32, #tpu.memory_space<hbm>> -> memref<640x128xf32, #tpu.memory_space<hbm>>
      tpu.wait_dma2 semaphore(%run_scoped3A : memref<!tpu.dma_semaphore, #tpu.memory_space<semaphore_mem>>) src(%dma_wait3A_49 : memref<640x128xf32, #tpu.memory_space<hbm>>) dst(%dma_wait3A_47 : memref<640x128xf32, #tpu.memory_space<vmem_shared>>)
      tpu.yield
    }) : () -> ()
    "tpu.region"() ({
      %run_scoped3A = tpu.sem_alloc : memref<!tpu.dma_semaphore, #tpu.memory_space<semaphore_mem>>
      %dma_start3A = arith.constant 0 : i32
      %dma_start3A_44 = arith.constant 0 : i32
      %dma_start3A_45 = tpu.memref_slice %arg3[%add3A_23, %arg1, %dma_start3A, %dma_start3A_44] : memref<4x16x79x128xi32, #tpu.memory_space<hbm>> -> memref<1x1x79x128xi32, #tpu.memory_space<hbm>>
      %dma_start3A_46 = tpu.memref_squeeze %dma_start3A_45 : memref<1x1x79x128xi32, #tpu.memory_space<hbm>> -> memref<79x128xi32, #tpu.memory_space<hbm>>
      %dma_start3A_47 = arith.constant 0 : i32
      %dma_start3A_48 = arith.constant 0 : i32
      %dma_start3A_49 = tpu.memref_slice %arg3[%add3A_23, %arg1, %dma_start3A_47, %dma_start3A_48] : memref<4x16x79x128xi32, #tpu.memory_space<hbm>> -> memref<1x1x79x128xi32, #tpu.memory_space<hbm>>
      %dma_start3A_50 = tpu.memref_squeeze %dma_start3A_49 : memref<1x1x79x128xi32, #tpu.memory_space<hbm>> -> memref<79x128xi32, #tpu.memory_space<hbm>>
      tpu.enqueue_dma source(%dma_start3A_50 : memref<79x128xi32, #tpu.memory_space<hbm>>) target(%arg7 : memref<79x128xi32, #tpu.memory_space<vmem>>) target_semaphore(%run_scoped3A : memref<!tpu.dma_semaphore, #tpu.memory_space<semaphore_mem>>)
      %dma_wait3A = arith.constant 0 : i32
      %dma_wait3A_51 = arith.constant 0 : i32
      %dma_wait3A_52 = tpu.memref_slice %arg3[%add3A_23, %arg1, %dma_wait3A, %dma_wait3A_51] : memref<4x16x79x128xi32, #tpu.memory_space<hbm>> -> memref<1x1x79x128xi32, #tpu.memory_space<hbm>>
      %dma_wait3A_53 = tpu.memref_squeeze %dma_wait3A_52 : memref<1x1x79x128xi32, #tpu.memory_space<hbm>> -> memref<79x128xi32, #tpu.memory_space<hbm>>
      %dma_wait3A_54 = arith.constant 0 : i32
      %dma_wait3A_55 = arith.constant 0 : i32
      %dma_wait3A_56 = tpu.memref_slice %arg3[%add3A_23, %arg1, %dma_wait3A_54, %dma_wait3A_55] : memref<4x16x79x128xi32, #tpu.memory_space<hbm>> -> memref<1x1x79x128xi32, #tpu.memory_space<hbm>>
      %dma_wait3A_57 = tpu.memref_squeeze %dma_wait3A_56 : memref<1x1x79x128xi32, #tpu.memory_space<hbm>> -> memref<79x128xi32, #tpu.memory_space<hbm>>
      tpu.wait_dma2 semaphore(%run_scoped3A : memref<!tpu.dma_semaphore, #tpu.memory_space<semaphore_mem>>) src(%dma_wait3A_57 : memref<79x128xi32, #tpu.memory_space<hbm>>) dst(%arg7 : memref<79x128xi32, #tpu.memory_space<vmem>>)
      tpu.yield
    }) : () -> ()
    %barrier3A_28 = arith.constant 0 : index
    tpu.barrier barrier_id(%barrier3A_28)
    %scan3A_29 = arith.constant 0 : i32
    %scan3A_30 = arith.constant 0 : i32
    %scan3A_31 = arith.constant 79 : i32
    %scan3A_32 = arith.addi %scan3A_30, %scan3A_31 : i32
    %scan3A_33 = arith.constant 1 : i32
    scf.for %scan3A_44 = %scan3A_30 to %scan3A_32 step %scan3A_33  : i32 {
      "tpu.region"() ({
        %run_scoped3A = tpu.sem_alloc : memref<!tpu.dma_semaphore, #tpu.memory_space<semaphore_mem>>
        %dma_start3A = arith.constant 0 : i32
        %dma_start3A_45 = tpu.memref_slice %arg7[%scan3A_44, %dma_start3A] : memref<79x128xi32, #tpu.memory_space<vmem>> -> memref<1x128xi32, #tpu.memory_space<vmem>>
        %dma_start3A_46 = tpu.memref_squeeze %dma_start3A_45 : memref<1x128xi32, #tpu.memory_space<vmem>> -> memref<128xi32, #tpu.memory_space<vmem>>
        %dma_start3A_47 = arith.constant 0 : i32
        %dma_start3A_48 = arith.constant 0 : i32
        %dma_start3A_49 = tpu.memref_slice %arg2[%dma_start3A_47, %dma_start3A_48] : memref<40960x128xf32, #tpu.memory_space<hbm>> -> memref<40960x128xf32, #tpu.memory_space<hbm>>
        tpu.enqueue_indirect_dma source(%dma_start3A_49 : memref<40960x128xf32, #tpu.memory_space<hbm>>) target(%arg9 : memref<128x128xf32, #tpu.memory_space<vmem>>) offsets(%dma_start3A_46 : memref<128xi32, #tpu.memory_space<vmem>>) semaphore(%run_scoped3A : memref<!tpu.dma_semaphore, #tpu.memory_space<semaphore_mem>>)
        %dma_wait3A = arith.constant 0 : i32
        %dma_wait3A_50 = tpu.memref_slice %arg7[%scan3A_44, %dma_wait3A] : memref<79x128xi32, #tpu.memory_space<vmem>> -> memref<1x128xi32, #tpu.memory_space<vmem>>
        %dma_wait3A_51 = tpu.memref_squeeze %dma_wait3A_50 : memref<1x128xi32, #tpu.memory_space<vmem>> -> memref<128xi32, #tpu.memory_space<vmem>>
        %dma_wait3A_52 = arith.constant 0 : i32
        %dma_wait3A_53 = arith.constant 0 : i32
        %dma_wait3A_54 = tpu.memref_slice %arg2[%dma_wait3A_52, %dma_wait3A_53] : memref<40960x128xf32, #tpu.memory_space<hbm>> -> memref<40960x128xf32, #tpu.memory_space<hbm>>
        tpu.wait_indirect_dma semaphore(%run_scoped3A : memref<!tpu.dma_semaphore, #tpu.memory_space<semaphore_mem>>) src(%dma_wait3A_54 : memref<40960x128xf32, #tpu.memory_space<hbm>>) dst(%arg9 : memref<128x128xf32, #tpu.memory_space<vmem>>)
        tpu.yield
      }) : () -> ()
      "tpu.region"() ({
        %run_scoped3A = tpu.sem_alloc : memref<!tpu.dma_semaphore, #tpu.memory_space<semaphore_mem>>
        %dma_start3A = arith.constant 0 : i32
        %dma_start3A_45 = tpu.memref_slice %arg8[%scan3A_44, %dma_start3A] : memref<79x128xi32, #tpu.memory_space<vmem>> -> memref<1x128xi32, #tpu.memory_space<vmem>>
        %dma_start3A_46 = tpu.memref_squeeze %dma_start3A_45 : memref<1x128xi32, #tpu.memory_space<vmem>> -> memref<128xi32, #tpu.memory_space<vmem>>
        %dma_start3A_47 = arith.constant 0 : i32
        %dma_start3A_48 = arith.constant 0 : i32
        %dma_start3A_49 = tpu.memref_slice %arg10[%dma_start3A_47, %dma_start3A_48] : memref<10240x128xf32, #tpu.memory_space<vmem_shared>> -> memref<10240x128xf32, #tpu.memory_space<vmem_shared>>
        tpu.enqueue_indirect_dma source(%arg9 : memref<128x128xf32, #tpu.memory_space<vmem>>) target(%dma_start3A_49 : memref<10240x128xf32, #tpu.memory_space<vmem_shared>>) offsets(%dma_start3A_46 : memref<128xi32, #tpu.memory_space<vmem>>) semaphore(%run_scoped3A : memref<!tpu.dma_semaphore, #tpu.memory_space<semaphore_mem>>) {add = true}
        %dma_wait3A = arith.constant 0 : i32
        %dma_wait3A_50 = tpu.memref_slice %arg8[%scan3A_44, %dma_wait3A] : memref<79x128xi32, #tpu.memory_space<vmem>> -> memref<1x128xi32, #tpu.memory_space<vmem>>
        %dma_wait3A_51 = tpu.memref_squeeze %dma_wait3A_50 : memref<1x128xi32, #tpu.memory_space<vmem>> -> memref<128xi32, #tpu.memory_space<vmem>>
        %dma_wait3A_52 = arith.constant 0 : i32
        %dma_wait3A_53 = arith.constant 0 : i32
        %dma_wait3A_54 = tpu.memref_slice %arg10[%dma_wait3A_52, %dma_wait3A_53] : memref<10240x128xf32, #tpu.memory_space<vmem_shared>> -> memref<10240x128xf32, #tpu.memory_space<vmem_shared>>
        tpu.wait_indirect_dma semaphore(%run_scoped3A : memref<!tpu.dma_semaphore, #tpu.memory_space<semaphore_mem>>) src(%arg9 : memref<128x128xf32, #tpu.memory_space<vmem>>) dst(%dma_wait3A_54 : memref<10240x128xf32, #tpu.memory_space<vmem_shared>>)
        tpu.yield
      }) : () -> ()
    }
    %scan3A_34 = arith.constant 79 : i32
    %barrier3A_35 = arith.constant 0 : index
    tpu.barrier barrier_id(%barrier3A_35)
    %mul3A_36 = arith.constant 640 : i32
    %mul3A_37 = arith.muli %arg1, %mul3A_36 : i32
    %mul3A_38 = arith.constant 10240 : i32
    %mul3A_39 = arith.muli %add3A_23, %mul3A_38 : i32
    %mul3A_40 = arith.constant 640 : i32
    %mul3A_41 = arith.muli %arg1, %mul3A_40 : i32
    %add3A_42 = arith.addi %mul3A_39, %mul3A_41 : i32
    "tpu.region"() ({
      %run_scoped3A = tpu.sem_alloc : memref<!tpu.dma_semaphore, #tpu.memory_space<semaphore_mem>>
      %dma_start3A = arith.constant 0 : i32
      %dma_start3A_44 = tpu.memref_slice %arg6[%add3A_42, %dma_start3A] : memref<40960x128xf32, #tpu.memory_space<hbm>> -> memref<640x128xf32, #tpu.memory_space<hbm>>
      %dma_start3A_45 = arith.constant 0 : i32
      %dma_start3A_46 = tpu.memref_slice %arg10[%mul3A_37, %dma_start3A_45] : memref<10240x128xf32, #tpu.memory_space<vmem_shared>> -> memref<640x128xf32, #tpu.memory_space<vmem_shared>>
      tpu.enqueue_dma source(%dma_start3A_46 : memref<640x128xf32, #tpu.memory_space<vmem_shared>>) target(%dma_start3A_44 : memref<640x128xf32, #tpu.memory_space<hbm>>) target_semaphore(%run_scoped3A : memref<!tpu.dma_semaphore, #tpu.memory_space<semaphore_mem>>)
      %dma_wait3A = arith.constant 0 : i32
      %dma_wait3A_47 = tpu.memref_slice %arg6[%add3A_42, %dma_wait3A] : memref<40960x128xf32, #tpu.memory_space<hbm>> -> memref<640x128xf32, #tpu.memory_space<hbm>>
      %dma_wait3A_48 = arith.constant 0 : i32
      %dma_wait3A_49 = tpu.memref_slice %arg10[%mul3A_37, %dma_wait3A_48] : memref<10240x128xf32, #tpu.memory_space<vmem_shared>> -> memref<640x128xf32, #tpu.memory_space<vmem_shared>>
      tpu.wait_dma2 semaphore(%run_scoped3A : memref<!tpu.dma_semaphore, #tpu.memory_space<semaphore_mem>>) src(%dma_wait3A_49 : memref<640x128xf32, #tpu.memory_space<vmem_shared>>) dst(%dma_wait3A_47 : memref<640x128xf32, #tpu.memory_space<hbm>>)
      tpu.yield
    }) : () -> ()
    %barrier3A_43 = arith.constant 0 : index
    tpu.barrier barrier_id(%barrier3A_43)
    return
  }
}

#map = affine_map<(d0, d1) -> (0, 0)>
#map1 = affine_map<(d0, d1) -> (0, 0, 0, 0)>
#map2 = affine_map<(d0, d1) -> (0, 0, 0)>
module attributes {stable_mosaic.version = 14 : i64} {
  func.func @agg_kernel(%arg0: i32, %arg1: i32, %arg2: memref<40960x128xf32, #tpu.memory_space<hbm>>, %arg3: memref<4x16x79x128xi32, #tpu.memory_space<hbm>>, %arg4: memref<16x79x128xi32, #tpu.memory_space<hbm>>, %arg5: memref<10240x128xf32, #tpu.memory_space<hbm>>, %arg6: memref<40960x128xf32, #tpu.memory_space<hbm>>, %arg7: memref<79x128xi32, #tpu.memory_space<vmem>>, %arg8: memref<79x128xi32, #tpu.memory_space<vmem>>, %arg9: memref<128x128xf32, #tpu.memory_space<vmem>>, %arg10: memref<10240x128xf32, #tpu.memory_space<vmem_shared>>) attributes {dimension_semantics = [#tpu.dimension_semantics<core_parallel>, #tpu.dimension_semantics<subcore_parallel>], iteration_bounds = array<i64: 2, 16>, scalar_prefetch = 0 : i64, scratch_operands = 4 : i64, tpu.core_type = #tpu.core_type<sc_vector_subcore>, window_params = [{transform_indices = #map}, {transform_indices = #map1}, {transform_indices = #map2}, {transform_indices = #map}, {transform_indices = #map}]} {
    "tpu.region"() ({
      %run_scoped3A = tpu.sem_alloc : memref<!tpu.dma_semaphore, #tpu.memory_space<semaphore_mem>>
      %dma_start3A = arith.constant 0 : i32
      %dma_start3A_44 = arith.constant 0 : i32
      %dma_start3A_45 = tpu.memref_slice %arg4[%arg1, %dma_start3A, %dma_start3A_44] : memref<16x79x128xi32, #tpu.memory_space<hbm>> -> memref<1x79x128xi32, #tpu.memory_space<hbm>>
      %dma_start3A_46 = tpu.memref_squeeze %dma_start3A_45 : memref<1x79x128xi32, #tpu.memory_space<hbm>> -> memref<79x128xi32, #tpu.memory_space<hbm>>
      %dma_start3A_47 = arith.constant 0 : i32
      %dma_start3A_48 = arith.constant 0 : i32
      %dma_start3A_49 = tpu.memref_slice %arg4[%arg1, %dma_start3A_47, %dma_start3A_48] : memref<16x79x128xi32, #tpu.memory_space<hbm>> -> memref<1x79x128xi32, #tpu.memory_space<hbm>>
      %dma_start3A_50 = tpu.memref_squeeze %dma_start3A_49 : memref<1x79x128xi32, #tpu.memory_space<hbm>> -> memref<79x128xi32, #tpu.memory_space<hbm>>
      tpu.enqueue_dma source(%dma_start3A_50 : memref<79x128xi32, #tpu.memory_space<hbm>>) target(%arg8 : memref<79x128xi32, #tpu.memory_space<vmem>>) target_semaphore(%run_scoped3A : memref<!tpu.dma_semaphore, #tpu.memory_space<semaphore_mem>>)
      %dma_wait3A = arith.constant 0 : i32
      %dma_wait3A_51 = arith.constant 0 : i32
      %dma_wait3A_52 = tpu.memref_slice %arg4[%arg1, %dma_wait3A, %dma_wait3A_51] : memref<16x79x128xi32, #tpu.memory_space<hbm>> -> memref<1x79x128xi32, #tpu.memory_space<hbm>>
      %dma_wait3A_53 = tpu.memref_squeeze %dma_wait3A_52 : memref<1x79x128xi32, #tpu.memory_space<hbm>> -> memref<79x128xi32, #tpu.memory_space<hbm>>
      %dma_wait3A_54 = arith.constant 0 : i32
      %dma_wait3A_55 = arith.constant 0 : i32
      %dma_wait3A_56 = tpu.memref_slice %arg4[%arg1, %dma_wait3A_54, %dma_wait3A_55] : memref<16x79x128xi32, #tpu.memory_space<hbm>> -> memref<1x79x128xi32, #tpu.memory_space<hbm>>
      %dma_wait3A_57 = tpu.memref_squeeze %dma_wait3A_56 : memref<1x79x128xi32, #tpu.memory_space<hbm>> -> memref<79x128xi32, #tpu.memory_space<hbm>>
      tpu.wait_dma2 semaphore(%run_scoped3A : memref<!tpu.dma_semaphore, #tpu.memory_space<semaphore_mem>>) src(%dma_wait3A_57 : memref<79x128xi32, #tpu.memory_space<hbm>>) dst(%arg8 : memref<79x128xi32, #tpu.memory_space<vmem>>)
      tpu.yield
    }) : () -> ()
    %mul3A = arith.constant 2 : i32
    %mul3A_0 = arith.muli %arg0, %mul3A : i32
    %add3A = arith.constant 0 : i32
    %add3A_1 = arith.addi %mul3A_0, %add3A : i32
    %mul3A_2 = arith.constant 640 : i32
    %mul3A_3 = arith.muli %arg1, %mul3A_2 : i32
    %mul3A_4 = arith.constant 640 : i32
    %mul3A_5 = arith.muli %arg1, %mul3A_4 : i32
    "tpu.region"() ({
      %run_scoped3A = tpu.sem_alloc : memref<!tpu.dma_semaphore, #tpu.memory_space<semaphore_mem>>
      %dma_start3A = arith.constant 0 : i32
      %dma_start3A_44 = tpu.memref_slice %arg10[%mul3A_5, %dma_start3A] : memref<10240x128xf32, #tpu.memory_space<vmem_shared>> -> memref<640x128xf32, #tpu.memory_space<vmem_shared>>
      %dma_start3A_45 = arith.constant 0 : i32
      %dma_start3A_46 = tpu.memref_slice %arg5[%mul3A_3, %dma_start3A_45] : memref<10240x128xf32, #tpu.memory_space<hbm>> -> memref<640x128xf32, #tpu.memory_space<hbm>>
      tpu.enqueue_dma source(%dma_start3A_46 : memref<640x128xf32, #tpu.memory_space<hbm>>) target(%dma_start3A_44 : memref<640x128xf32, #tpu.memory_space<vmem_shared>>) target_semaphore(%run_scoped3A : memref<!tpu.dma_semaphore, #tpu.memory_space<semaphore_mem>>)
      %dma_wait3A = arith.constant 0 : i32
      %dma_wait3A_47 = tpu.memref_slice %arg10[%mul3A_5, %dma_wait3A] : memref<10240x128xf32, #tpu.memory_space<vmem_shared>> -> memref<640x128xf32, #tpu.memory_space<vmem_shared>>
      %dma_wait3A_48 = arith.constant 0 : i32
      %dma_wait3A_49 = tpu.memref_slice %arg5[%mul3A_3, %dma_wait3A_48] : memref<10240x128xf32, #tpu.memory_space<hbm>> -> memref<640x128xf32, #tpu.memory_space<hbm>>
      tpu.wait_dma2 semaphore(%run_scoped3A : memref<!tpu.dma_semaphore, #tpu.memory_space<semaphore_mem>>) src(%dma_wait3A_49 : memref<640x128xf32, #tpu.memory_space<hbm>>) dst(%dma_wait3A_47 : memref<640x128xf32, #tpu.memory_space<vmem_shared>>)
      tpu.yield
    }) : () -> ()
    "tpu.region"() ({
      %run_scoped3A = tpu.sem_alloc : memref<!tpu.dma_semaphore, #tpu.memory_space<semaphore_mem>>
      %dma_start3A = arith.constant 0 : i32
      %dma_start3A_44 = arith.constant 0 : i32
      %dma_start3A_45 = tpu.memref_slice %arg3[%add3A_1, %arg1, %dma_start3A, %dma_start3A_44] : memref<4x16x79x128xi32, #tpu.memory_space<hbm>> -> memref<1x1x79x128xi32, #tpu.memory_space<hbm>>
      %dma_start3A_46 = tpu.memref_squeeze %dma_start3A_45 : memref<1x1x79x128xi32, #tpu.memory_space<hbm>> -> memref<79x128xi32, #tpu.memory_space<hbm>>
      %dma_start3A_47 = arith.constant 0 : i32
      %dma_start3A_48 = arith.constant 0 : i32
      %dma_start3A_49 = tpu.memref_slice %arg3[%add3A_1, %arg1, %dma_start3A_47, %dma_start3A_48] : memref<4x16x79x128xi32, #tpu.memory_space<hbm>> -> memref<1x1x79x128xi32, #tpu.memory_space<hbm>>
      %dma_start3A_50 = tpu.memref_squeeze %dma_start3A_49 : memref<1x1x79x128xi32, #tpu.memory_space<hbm>> -> memref<79x128xi32, #tpu.memory_space<hbm>>
      tpu.enqueue_dma source(%dma_start3A_50 : memref<79x128xi32, #tpu.memory_space<hbm>>) target(%arg7 : memref<79x128xi32, #tpu.memory_space<vmem>>) target_semaphore(%run_scoped3A : memref<!tpu.dma_semaphore, #tpu.memory_space<semaphore_mem>>)
      %dma_wait3A = arith.constant 0 : i32
      %dma_wait3A_51 = arith.constant 0 : i32
      %dma_wait3A_52 = tpu.memref_slice %arg3[%add3A_1, %arg1, %dma_wait3A, %dma_wait3A_51] : memref<4x16x79x128xi32, #tpu.memory_space<hbm>> -> memref<1x1x79x128xi32, #tpu.memory_space<hbm>>
      %dma_wait3A_53 = tpu.memref_squeeze %dma_wait3A_52 : memref<1x1x79x128xi32, #tpu.memory_space<hbm>> -> memref<79x128xi32, #tpu.memory_space<hbm>>
      %dma_wait3A_54 = arith.constant 0 : i32
      %dma_wait3A_55 = arith.constant 0 : i32
      %dma_wait3A_56 = tpu.memref_slice %arg3[%add3A_1, %arg1, %dma_wait3A_54, %dma_wait3A_55] : memref<4x16x79x128xi32, #tpu.memory_space<hbm>> -> memref<1x1x79x128xi32, #tpu.memory_space<hbm>>
      %dma_wait3A_57 = tpu.memref_squeeze %dma_wait3A_56 : memref<1x1x79x128xi32, #tpu.memory_space<hbm>> -> memref<79x128xi32, #tpu.memory_space<hbm>>
      tpu.wait_dma2 semaphore(%run_scoped3A : memref<!tpu.dma_semaphore, #tpu.memory_space<semaphore_mem>>) src(%dma_wait3A_57 : memref<79x128xi32, #tpu.memory_space<hbm>>) dst(%arg7 : memref<79x128xi32, #tpu.memory_space<vmem>>)
      tpu.yield
    }) : () -> ()
    %barrier3A = arith.constant 0 : index
    tpu.barrier barrier_id(%barrier3A)
    %scan3A = arith.constant 0 : i32
    %scan3A_6 = arith.constant 0 : i32
    %scan3A_7 = arith.constant 79 : i32
    %scan3A_8 = arith.addi %scan3A_6, %scan3A_7 : i32
    %scan3A_9 = arith.constant 1 : i32
    scf.for %scan3A_44 = %scan3A_6 to %scan3A_8 step %scan3A_9  : i32 {
      "tpu.region"() ({
        %run_scoped3A = tpu.sem_alloc : memref<!tpu.dma_semaphore, #tpu.memory_space<semaphore_mem>>
        %dma_start3A = arith.constant 0 : i32
        %dma_start3A_45 = tpu.memref_slice %arg7[%scan3A_44, %dma_start3A] : memref<79x128xi32, #tpu.memory_space<vmem>> -> memref<1x128xi32, #tpu.memory_space<vmem>>
        %dma_start3A_46 = tpu.memref_squeeze %dma_start3A_45 : memref<1x128xi32, #tpu.memory_space<vmem>> -> memref<128xi32, #tpu.memory_space<vmem>>
        %dma_start3A_47 = arith.constant 0 : i32
        %dma_start3A_48 = arith.constant 0 : i32
        %dma_start3A_49 = tpu.memref_slice %arg2[%dma_start3A_47, %dma_start3A_48] : memref<40960x128xf32, #tpu.memory_space<hbm>> -> memref<40960x128xf32, #tpu.memory_space<hbm>>
        tpu.enqueue_indirect_dma source(%dma_start3A_49 : memref<40960x128xf32, #tpu.memory_space<hbm>>) target(%arg9 : memref<128x128xf32, #tpu.memory_space<vmem>>) offsets(%dma_start3A_46 : memref<128xi32, #tpu.memory_space<vmem>>) semaphore(%run_scoped3A : memref<!tpu.dma_semaphore, #tpu.memory_space<semaphore_mem>>)
        %dma_wait3A = arith.constant 0 : i32
        %dma_wait3A_50 = tpu.memref_slice %arg7[%scan3A_44, %dma_wait3A] : memref<79x128xi32, #tpu.memory_space<vmem>> -> memref<1x128xi32, #tpu.memory_space<vmem>>
        %dma_wait3A_51 = tpu.memref_squeeze %dma_wait3A_50 : memref<1x128xi32, #tpu.memory_space<vmem>> -> memref<128xi32, #tpu.memory_space<vmem>>
        %dma_wait3A_52 = arith.constant 0 : i32
        %dma_wait3A_53 = arith.constant 0 : i32
        %dma_wait3A_54 = tpu.memref_slice %arg2[%dma_wait3A_52, %dma_wait3A_53] : memref<40960x128xf32, #tpu.memory_space<hbm>> -> memref<40960x128xf32, #tpu.memory_space<hbm>>
        tpu.wait_indirect_dma semaphore(%run_scoped3A : memref<!tpu.dma_semaphore, #tpu.memory_space<semaphore_mem>>) src(%dma_wait3A_54 : memref<40960x128xf32, #tpu.memory_space<hbm>>) dst(%arg9 : memref<128x128xf32, #tpu.memory_space<vmem>>)
        tpu.yield
      }) : () -> ()
      "tpu.region"() ({
        %run_scoped3A = tpu.sem_alloc : memref<!tpu.dma_semaphore, #tpu.memory_space<semaphore_mem>>
        %dma_start3A = arith.constant 0 : i32
        %dma_start3A_45 = tpu.memref_slice %arg8[%scan3A_44, %dma_start3A] : memref<79x128xi32, #tpu.memory_space<vmem>> -> memref<1x128xi32, #tpu.memory_space<vmem>>
        %dma_start3A_46 = tpu.memref_squeeze %dma_start3A_45 : memref<1x128xi32, #tpu.memory_space<vmem>> -> memref<128xi32, #tpu.memory_space<vmem>>
        %dma_start3A_47 = arith.constant 0 : i32
        %dma_start3A_48 = arith.constant 0 : i32
        %dma_start3A_49 = tpu.memref_slice %arg10[%dma_start3A_47, %dma_start3A_48] : memref<10240x128xf32, #tpu.memory_space<vmem_shared>> -> memref<10240x128xf32, #tpu.memory_space<vmem_shared>>
        tpu.enqueue_indirect_dma source(%arg9 : memref<128x128xf32, #tpu.memory_space<vmem>>) target(%dma_start3A_49 : memref<10240x128xf32, #tpu.memory_space<vmem_shared>>) offsets(%dma_start3A_46 : memref<128xi32, #tpu.memory_space<vmem>>) semaphore(%run_scoped3A : memref<!tpu.dma_semaphore, #tpu.memory_space<semaphore_mem>>) {add = true}
        %dma_wait3A = arith.constant 0 : i32
        %dma_wait3A_50 = tpu.memref_slice %arg8[%scan3A_44, %dma_wait3A] : memref<79x128xi32, #tpu.memory_space<vmem>> -> memref<1x128xi32, #tpu.memory_space<vmem>>
        %dma_wait3A_51 = tpu.memref_squeeze %dma_wait3A_50 : memref<1x128xi32, #tpu.memory_space<vmem>> -> memref<128xi32, #tpu.memory_space<vmem>>
        %dma_wait3A_52 = arith.constant 0 : i32
        %dma_wait3A_53 = arith.constant 0 : i32
        %dma_wait3A_54 = tpu.memref_slice %arg10[%dma_wait3A_52, %dma_wait3A_53] : memref<10240x128xf32, #tpu.memory_space<vmem_shared>> -> memref<10240x128xf32, #tpu.memory_space<vmem_shared>>
        tpu.wait_indirect_dma semaphore(%run_scoped3A : memref<!tpu.dma_semaphore, #tpu.memory_space<semaphore_mem>>) src(%arg9 : memref<128x128xf32, #tpu.memory_space<vmem>>) dst(%dma_wait3A_54 : memref<10240x128xf32, #tpu.memory_space<vmem_shared>>)
        tpu.yield
      }) : () -> ()
    }
    %scan3A_10 = arith.constant 79 : i32
    %barrier3A_11 = arith.constant 0 : index
    tpu.barrier barrier_id(%barrier3A_11)
    %mul3A_12 = arith.constant 640 : i32
    %mul3A_13 = arith.muli %arg1, %mul3A_12 : i32
    %mul3A_14 = arith.constant 10240 : i32
    %mul3A_15 = arith.muli %add3A_1, %mul3A_14 : i32
    %mul3A_16 = arith.constant 640 : i32
    %mul3A_17 = arith.muli %arg1, %mul3A_16 : i32
    %add3A_18 = arith.addi %mul3A_15, %mul3A_17 : i32
    "tpu.region"() ({
      %run_scoped3A = tpu.sem_alloc : memref<!tpu.dma_semaphore, #tpu.memory_space<semaphore_mem>>
      %dma_start3A = arith.constant 0 : i32
      %dma_start3A_44 = tpu.memref_slice %arg6[%add3A_18, %dma_start3A] : memref<40960x128xf32, #tpu.memory_space<hbm>> -> memref<640x128xf32, #tpu.memory_space<hbm>>
      %dma_start3A_45 = arith.constant 0 : i32
      %dma_start3A_46 = tpu.memref_slice %arg10[%mul3A_13, %dma_start3A_45] : memref<10240x128xf32, #tpu.memory_space<vmem_shared>> -> memref<640x128xf32, #tpu.memory_space<vmem_shared>>
      tpu.enqueue_dma source(%dma_start3A_46 : memref<640x128xf32, #tpu.memory_space<vmem_shared>>) target(%dma_start3A_44 : memref<640x128xf32, #tpu.memory_space<hbm>>) target_semaphore(%run_scoped3A : memref<!tpu.dma_semaphore, #tpu.memory_space<semaphore_mem>>)
      %dma_wait3A = arith.constant 0 : i32
      %dma_wait3A_47 = tpu.memref_slice %arg6[%add3A_18, %dma_wait3A] : memref<40960x128xf32, #tpu.memory_space<hbm>> -> memref<640x128xf32, #tpu.memory_space<hbm>>
      %dma_wait3A_48 = arith.constant 0 : i32
      %dma_wait3A_49 = tpu.memref_slice %arg10[%mul3A_13, %dma_wait3A_48] : memref<10240x128xf32, #tpu.memory_space<vmem_shared>> -> memref<640x128xf32, #tpu.memory_space<vmem_shared>>
      tpu.wait_dma2 semaphore(%run_scoped3A : memref<!tpu.dma_semaphore, #tpu.memory_space<semaphore_mem>>) src(%dma_wait3A_49 : memref<640x128xf32, #tpu.memory_space<vmem_shared>>) dst(%dma_wait3A_47 : memref<640x128xf32, #tpu.memory_space<hbm>>)
      tpu.yield
    }) : () -> ()
    %barrier3A_19 = arith.constant 0 : index
    tpu.barrier barrier_id(%barrier3A_19)
    %mul3A_20 = arith.constant 2 : i32
    %mul3A_21 = arith.muli %arg0, %mul3A_20 : i32
    %add3A_22 = arith.constant 1 : i32
    %add3A_23 = arith.addi %mul3A_21, %add3A_22 : i32
    %mul3A_24 = arith.constant 640 : i32
    %mul3A_25 = arith.muli %arg1, %mul3A_24 : i32
    %mul3A_26 = arith.constant 640 : i32
    %mul3A_27 = arith.muli %arg1, %mul3A_26 : i32
    "tpu.region"() ({
      %run_scoped3A = tpu.sem_alloc : memref<!tpu.dma_semaphore, #tpu.memory_space<semaphore_mem>>
      %dma_start3A = arith.constant 0 : i32
      %dma_start3A_44 = tpu.memref_slice %arg10[%mul3A_27, %dma_start3A] : memref<10240x128xf32, #tpu.memory_space<vmem_shared>> -> memref<640x128xf32, #tpu.memory_space<vmem_shared>>
      %dma_start3A_45 = arith.constant 0 : i32
      %dma_start3A_46 = tpu.memref_slice %arg5[%mul3A_25, %dma_start3A_45] : memref<10240x128xf32, #tpu.memory_space<hbm>> -> memref<640x128xf32, #tpu.memory_space<hbm>>
      tpu.enqueue_dma source(%dma_start3A_46 : memref<640x128xf32, #tpu.memory_space<hbm>>) target(%dma_start3A_44 : memref<640x128xf32, #tpu.memory_space<vmem_shared>>) target_semaphore(%run_scoped3A : memref<!tpu.dma_semaphore, #tpu.memory_space<semaphore_mem>>)
      %dma_wait3A = arith.constant 0 : i32
      %dma_wait3A_47 = tpu.memref_slice %arg10[%mul3A_27, %dma_wait3A] : memref<10240x128xf32, #tpu.memory_space<vmem_shared>> -> memref<640x128xf32, #tpu.memory_space<vmem_shared>>
      %dma_wait3A_48 = arith.constant 0 : i32
      %dma_wait3A_49 = tpu.memref_slice %arg5[%mul3A_25, %dma_wait3A_48] : memref<10240x128xf32, #tpu.memory_space<hbm>> -> memref<640x128xf32, #tpu.memory_space<hbm>>
      tpu.wait_dma2 semaphore(%run_scoped3A : memref<!tpu.dma_semaphore, #tpu.memory_space<semaphore_mem>>) src(%dma_wait3A_49 : memref<640x128xf32, #tpu.memory_space<hbm>>) dst(%dma_wait3A_47 : memref<640x128xf32, #tpu.memory_space<vmem_shared>>)
      tpu.yield
    }) : () -> ()
    "tpu.region"() ({
      %run_scoped3A = tpu.sem_alloc : memref<!tpu.dma_semaphore, #tpu.memory_space<semaphore_mem>>
      %dma_start3A = arith.constant 0 : i32
      %dma_start3A_44 = arith.constant 0 : i32
      %dma_start3A_45 = tpu.memref_slice %arg3[%add3A_23, %arg1, %dma_start3A, %dma_start3A_44] : memref<4x16x79x128xi32, #tpu.memory_space<hbm>> -> memref<1x1x79x128xi32, #tpu.memory_space<hbm>>
      %dma_start3A_46 = tpu.memref_squeeze %dma_start3A_45 : memref<1x1x79x128xi32, #tpu.memory_space<hbm>> -> memref<79x128xi32, #tpu.memory_space<hbm>>
      %dma_start3A_47 = arith.constant 0 : i32
      %dma_start3A_48 = arith.constant 0 : i32
      %dma_start3A_49 = tpu.memref_slice %arg3[%add3A_23, %arg1, %dma_start3A_47, %dma_start3A_48] : memref<4x16x79x128xi32, #tpu.memory_space<hbm>> -> memref<1x1x79x128xi32, #tpu.memory_space<hbm>>
      %dma_start3A_50 = tpu.memref_squeeze %dma_start3A_49 : memref<1x1x79x128xi32, #tpu.memory_space<hbm>> -> memref<79x128xi32, #tpu.memory_space<hbm>>
      tpu.enqueue_dma source(%dma_start3A_50 : memref<79x128xi32, #tpu.memory_space<hbm>>) target(%arg7 : memref<79x128xi32, #tpu.memory_space<vmem>>) target_semaphore(%run_scoped3A : memref<!tpu.dma_semaphore, #tpu.memory_space<semaphore_mem>>)
      %dma_wait3A = arith.constant 0 : i32
      %dma_wait3A_51 = arith.constant 0 : i32
      %dma_wait3A_52 = tpu.memref_slice %arg3[%add3A_23, %arg1, %dma_wait3A, %dma_wait3A_51] : memref<4x16x79x128xi32, #tpu.memory_space<hbm>> -> memref<1x1x79x128xi32, #tpu.memory_space<hbm>>
      %dma_wait3A_53 = tpu.memref_squeeze %dma_wait3A_52 : memref<1x1x79x128xi32, #tpu.memory_space<hbm>> -> memref<79x128xi32, #tpu.memory_space<hbm>>
      %dma_wait3A_54 = arith.constant 0 : i32
      %dma_wait3A_55 = arith.constant 0 : i32
      %dma_wait3A_56 = tpu.memref_slice %arg3[%add3A_23, %arg1, %dma_wait3A_54, %dma_wait3A_55] : memref<4x16x79x128xi32, #tpu.memory_space<hbm>> -> memref<1x1x79x128xi32, #tpu.memory_space<hbm>>
      %dma_wait3A_57 = tpu.memref_squeeze %dma_wait3A_56 : memref<1x1x79x128xi32, #tpu.memory_space<hbm>> -> memref<79x128xi32, #tpu.memory_space<hbm>>
      tpu.wait_dma2 semaphore(%run_scoped3A : memref<!tpu.dma_semaphore, #tpu.memory_space<semaphore_mem>>) src(%dma_wait3A_57 : memref<79x128xi32, #tpu.memory_space<hbm>>) dst(%arg7 : memref<79x128xi32, #tpu.memory_space<vmem>>)
      tpu.yield
    }) : () -> ()
    %barrier3A_28 = arith.constant 0 : index
    tpu.barrier barrier_id(%barrier3A_28)
    %scan3A_29 = arith.constant 0 : i32
    %scan3A_30 = arith.constant 0 : i32
    %scan3A_31 = arith.constant 79 : i32
    %scan3A_32 = arith.addi %scan3A_30, %scan3A_31 : i32
    %scan3A_33 = arith.constant 1 : i32
    scf.for %scan3A_44 = %scan3A_30 to %scan3A_32 step %scan3A_33  : i32 {
      "tpu.region"() ({
        %run_scoped3A = tpu.sem_alloc : memref<!tpu.dma_semaphore, #tpu.memory_space<semaphore_mem>>
        %dma_start3A = arith.constant 0 : i32
        %dma_start3A_45 = tpu.memref_slice %arg7[%scan3A_44, %dma_start3A] : memref<79x128xi32, #tpu.memory_space<vmem>> -> memref<1x128xi32, #tpu.memory_space<vmem>>
        %dma_start3A_46 = tpu.memref_squeeze %dma_start3A_45 : memref<1x128xi32, #tpu.memory_space<vmem>> -> memref<128xi32, #tpu.memory_space<vmem>>
        %dma_start3A_47 = arith.constant 0 : i32
        %dma_start3A_48 = arith.constant 0 : i32
        %dma_start3A_49 = tpu.memref_slice %arg2[%dma_start3A_47, %dma_start3A_48] : memref<40960x128xf32, #tpu.memory_space<hbm>> -> memref<40960x128xf32, #tpu.memory_space<hbm>>
        tpu.enqueue_indirect_dma source(%dma_start3A_49 : memref<40960x128xf32, #tpu.memory_space<hbm>>) target(%arg9 : memref<128x128xf32, #tpu.memory_space<vmem>>) offsets(%dma_start3A_46 : memref<128xi32, #tpu.memory_space<vmem>>) semaphore(%run_scoped3A : memref<!tpu.dma_semaphore, #tpu.memory_space<semaphore_mem>>)
        %dma_wait3A = arith.constant 0 : i32
        %dma_wait3A_50 = tpu.memref_slice %arg7[%scan3A_44, %dma_wait3A] : memref<79x128xi32, #tpu.memory_space<vmem>> -> memref<1x128xi32, #tpu.memory_space<vmem>>
        %dma_wait3A_51 = tpu.memref_squeeze %dma_wait3A_50 : memref<1x128xi32, #tpu.memory_space<vmem>> -> memref<128xi32, #tpu.memory_space<vmem>>
        %dma_wait3A_52 = arith.constant 0 : i32
        %dma_wait3A_53 = arith.constant 0 : i32
        %dma_wait3A_54 = tpu.memref_slice %arg2[%dma_wait3A_52, %dma_wait3A_53] : memref<40960x128xf32, #tpu.memory_space<hbm>> -> memref<40960x128xf32, #tpu.memory_space<hbm>>
        tpu.wait_indirect_dma semaphore(%run_scoped3A : memref<!tpu.dma_semaphore, #tpu.memory_space<semaphore_mem>>) src(%dma_wait3A_54 : memref<40960x128xf32, #tpu.memory_space<hbm>>) dst(%arg9 : memref<128x128xf32, #tpu.memory_space<vmem>>)
        tpu.yield
      }) : () -> ()
      "tpu.region"() ({
        %run_scoped3A = tpu.sem_alloc : memref<!tpu.dma_semaphore, #tpu.memory_space<semaphore_mem>>
        %dma_start3A = arith.constant 0 : i32
        %dma_start3A_45 = tpu.memref_slice %arg8[%scan3A_44, %dma_start3A] : memref<79x128xi32, #tpu.memory_space<vmem>> -> memref<1x128xi32, #tpu.memory_space<vmem>>
        %dma_start3A_46 = tpu.memref_squeeze %dma_start3A_45 : memref<1x128xi32, #tpu.memory_space<vmem>> -> memref<128xi32, #tpu.memory_space<vmem>>
        %dma_start3A_47 = arith.constant 0 : i32
        %dma_start3A_48 = arith.constant 0 : i32
        %dma_start3A_49 = tpu.memref_slice %arg10[%dma_start3A_47, %dma_start3A_48] : memref<10240x128xf32, #tpu.memory_space<vmem_shared>> -> memref<10240x128xf32, #tpu.memory_space<vmem_shared>>
        tpu.enqueue_indirect_dma source(%arg9 : memref<128x128xf32, #tpu.memory_space<vmem>>) target(%dma_start3A_49 : memref<10240x128xf32, #tpu.memory_space<vmem_shared>>) offsets(%dma_start3A_46 : memref<128xi32, #tpu.memory_space<vmem>>) semaphore(%run_scoped3A : memref<!tpu.dma_semaphore, #tpu.memory_space<semaphore_mem>>) {add = true}
        %dma_wait3A = arith.constant 0 : i32
        %dma_wait3A_50 = tpu.memref_slice %arg8[%scan3A_44, %dma_wait3A] : memref<79x128xi32, #tpu.memory_space<vmem>> -> memref<1x128xi32, #tpu.memory_space<vmem>>
        %dma_wait3A_51 = tpu.memref_squeeze %dma_wait3A_50 : memref<1x128xi32, #tpu.memory_space<vmem>> -> memref<128xi32, #tpu.memory_space<vmem>>
        %dma_wait3A_52 = arith.constant 0 : i32
        %dma_wait3A_53 = arith.constant 0 : i32
        %dma_wait3A_54 = tpu.memref_slice %arg10[%dma_wait3A_52, %dma_wait3A_53] : memref<10240x128xf32, #tpu.memory_space<vmem_shared>> -> memref<10240x128xf32, #tpu.memory_space<vmem_shared>>
        tpu.wait_indirect_dma semaphore(%run_scoped3A : memref<!tpu.dma_semaphore, #tpu.memory_space<semaphore_mem>>) src(%arg9 : memref<128x128xf32, #tpu.memory_space<vmem>>) dst(%dma_wait3A_54 : memref<10240x128xf32, #tpu.memory_space<vmem_shared>>)
        tpu.yield
      }) : () -> ()
    }
    %scan3A_34 = arith.constant 79 : i32
    %barrier3A_35 = arith.constant 0 : index
    tpu.barrier barrier_id(%barrier3A_35)
    %mul3A_36 = arith.constant 640 : i32
    %mul3A_37 = arith.muli %arg1, %mul3A_36 : i32
    %mul3A_38 = arith.constant 10240 : i32
    %mul3A_39 = arith.muli %add3A_23, %mul3A_38 : i32
    %mul3A_40 = arith.constant 640 : i32
    %mul3A_41 = arith.muli %arg1, %mul3A_40 : i32
    %add3A_42 = arith.addi %mul3A_39, %mul3A_41 : i32
    "tpu.region"() ({
      %run_scoped3A = tpu.sem_alloc : memref<!tpu.dma_semaphore, #tpu.memory_space<semaphore_mem>>
      %dma_start3A = arith.constant 0 : i32
      %dma_start3A_44 = tpu.memref_slice %arg6[%add3A_42, %dma_start3A] : memref<40960x128xf32, #tpu.memory_space<hbm>> -> memref<640x128xf32, #tpu.memory_space<hbm>>
      %dma_start3A_45 = arith.constant 0 : i32
      %dma_start3A_46 = tpu.memref_slice %arg10[%mul3A_37, %dma_start3A_45] : memref<10240x128xf32, #tpu.memory_space<vmem_shared>> -> memref<640x128xf32, #tpu.memory_space<vmem_shared>>
      tpu.enqueue_dma source(%dma_start3A_46 : memref<640x128xf32, #tpu.memory_space<vmem_shared>>) target(%dma_start3A_44 : memref<640x128xf32, #tpu.memory_space<hbm>>) target_semaphore(%run_scoped3A : memref<!tpu.dma_semaphore, #tpu.memory_space<semaphore_mem>>)
      %dma_wait3A = arith.constant 0 : i32
      %dma_wait3A_47 = tpu.memref_slice %arg6[%add3A_42, %dma_wait3A] : memref<40960x128xf32, #tpu.memory_space<hbm>> -> memref<640x128xf32, #tpu.memory_space<hbm>>
      %dma_wait3A_48 = arith.constant 0 : i32
      %dma_wait3A_49 = tpu.memref_slice %arg10[%mul3A_37, %dma_wait3A_48] : memref<10240x128xf32, #tpu.memory_space<vmem_shared>> -> memref<640x128xf32, #tpu.memory_space<vmem_shared>>
      tpu.wait_dma2 semaphore(%run_scoped3A : memref<!tpu.dma_semaphore, #tpu.memory_space<semaphore_mem>>) src(%dma_wait3A_49 : memref<640x128xf32, #tpu.memory_space<vmem_shared>>) dst(%dma_wait3A_47 : memref<640x128xf32, #tpu.memory_space<hbm>>)
      tpu.yield
    }) : () -> ()
    %barrier3A_43 = arith.constant 0 : index
    tpu.barrier barrier_id(%barrier3A_43)
    return
  }
}

#map = affine_map<(d0, d1) -> (0, 0)>
#map1 = affine_map<(d0, d1) -> (0, 0, 0, 0)>
#map2 = affine_map<(d0, d1) -> (0, 0, 0)>
module attributes {stable_mosaic.version = 14 : i64} {
  func.func @agg_kernel(%arg0: i32, %arg1: i32, %arg2: memref<40960x128xf32, #tpu.memory_space<hbm>>, %arg3: memref<4x16x79x128xi32, #tpu.memory_space<hbm>>, %arg4: memref<16x79x128xi32, #tpu.memory_space<hbm>>, %arg5: memref<10240x128xf32, #tpu.memory_space<hbm>>, %arg6: memref<40960x128xf32, #tpu.memory_space<hbm>>, %arg7: memref<79x128xi32, #tpu.memory_space<vmem>>, %arg8: memref<79x128xi32, #tpu.memory_space<vmem>>, %arg9: memref<128x128xf32, #tpu.memory_space<vmem>>, %arg10: memref<10240x128xf32, #tpu.memory_space<vmem_shared>>) attributes {dimension_semantics = [#tpu.dimension_semantics<core_parallel>, #tpu.dimension_semantics<subcore_parallel>], iteration_bounds = array<i64: 2, 16>, scalar_prefetch = 0 : i64, scratch_operands = 4 : i64, tpu.core_type = #tpu.core_type<sc_vector_subcore>, window_params = [{transform_indices = #map}, {transform_indices = #map1}, {transform_indices = #map2}, {transform_indices = #map}, {transform_indices = #map}]} {
    "tpu.region"() ({
      %run_scoped3A = tpu.sem_alloc : memref<!tpu.dma_semaphore, #tpu.memory_space<semaphore_mem>>
      %dma_start3A = arith.constant 0 : i32
      %dma_start3A_44 = arith.constant 0 : i32
      %dma_start3A_45 = tpu.memref_slice %arg4[%arg1, %dma_start3A, %dma_start3A_44] : memref<16x79x128xi32, #tpu.memory_space<hbm>> -> memref<1x79x128xi32, #tpu.memory_space<hbm>>
      %dma_start3A_46 = tpu.memref_squeeze %dma_start3A_45 : memref<1x79x128xi32, #tpu.memory_space<hbm>> -> memref<79x128xi32, #tpu.memory_space<hbm>>
      %dma_start3A_47 = arith.constant 0 : i32
      %dma_start3A_48 = arith.constant 0 : i32
      %dma_start3A_49 = tpu.memref_slice %arg4[%arg1, %dma_start3A_47, %dma_start3A_48] : memref<16x79x128xi32, #tpu.memory_space<hbm>> -> memref<1x79x128xi32, #tpu.memory_space<hbm>>
      %dma_start3A_50 = tpu.memref_squeeze %dma_start3A_49 : memref<1x79x128xi32, #tpu.memory_space<hbm>> -> memref<79x128xi32, #tpu.memory_space<hbm>>
      tpu.enqueue_dma source(%dma_start3A_50 : memref<79x128xi32, #tpu.memory_space<hbm>>) target(%arg8 : memref<79x128xi32, #tpu.memory_space<vmem>>) target_semaphore(%run_scoped3A : memref<!tpu.dma_semaphore, #tpu.memory_space<semaphore_mem>>)
      %dma_wait3A = arith.constant 0 : i32
      %dma_wait3A_51 = arith.constant 0 : i32
      %dma_wait3A_52 = tpu.memref_slice %arg4[%arg1, %dma_wait3A, %dma_wait3A_51] : memref<16x79x128xi32, #tpu.memory_space<hbm>> -> memref<1x79x128xi32, #tpu.memory_space<hbm>>
      %dma_wait3A_53 = tpu.memref_squeeze %dma_wait3A_52 : memref<1x79x128xi32, #tpu.memory_space<hbm>> -> memref<79x128xi32, #tpu.memory_space<hbm>>
      %dma_wait3A_54 = arith.constant 0 : i32
      %dma_wait3A_55 = arith.constant 0 : i32
      %dma_wait3A_56 = tpu.memref_slice %arg4[%arg1, %dma_wait3A_54, %dma_wait3A_55] : memref<16x79x128xi32, #tpu.memory_space<hbm>> -> memref<1x79x128xi32, #tpu.memory_space<hbm>>
      %dma_wait3A_57 = tpu.memref_squeeze %dma_wait3A_56 : memref<1x79x128xi32, #tpu.memory_space<hbm>> -> memref<79x128xi32, #tpu.memory_space<hbm>>
      tpu.wait_dma2 semaphore(%run_scoped3A : memref<!tpu.dma_semaphore, #tpu.memory_space<semaphore_mem>>) src(%dma_wait3A_57 : memref<79x128xi32, #tpu.memory_space<hbm>>) dst(%arg8 : memref<79x128xi32, #tpu.memory_space<vmem>>)
      tpu.yield
    }) : () -> ()
    %mul3A = arith.constant 2 : i32
    %mul3A_0 = arith.muli %arg0, %mul3A : i32
    %add3A = arith.constant 0 : i32
    %add3A_1 = arith.addi %mul3A_0, %add3A : i32
    %mul3A_2 = arith.constant 640 : i32
    %mul3A_3 = arith.muli %arg1, %mul3A_2 : i32
    %mul3A_4 = arith.constant 640 : i32
    %mul3A_5 = arith.muli %arg1, %mul3A_4 : i32
    "tpu.region"() ({
      %run_scoped3A = tpu.sem_alloc : memref<!tpu.dma_semaphore, #tpu.memory_space<semaphore_mem>>
      %dma_start3A = arith.constant 0 : i32
      %dma_start3A_44 = tpu.memref_slice %arg10[%mul3A_5, %dma_start3A] : memref<10240x128xf32, #tpu.memory_space<vmem_shared>> -> memref<640x128xf32, #tpu.memory_space<vmem_shared>>
      %dma_start3A_45 = arith.constant 0 : i32
      %dma_start3A_46 = tpu.memref_slice %arg5[%mul3A_3, %dma_start3A_45] : memref<10240x128xf32, #tpu.memory_space<hbm>> -> memref<640x128xf32, #tpu.memory_space<hbm>>
      tpu.enqueue_dma source(%dma_start3A_46 : memref<640x128xf32, #tpu.memory_space<hbm>>) target(%dma_start3A_44 : memref<640x128xf32, #tpu.memory_space<vmem_shared>>) target_semaphore(%run_scoped3A : memref<!tpu.dma_semaphore, #tpu.memory_space<semaphore_mem>>)
      %dma_wait3A = arith.constant 0 : i32
      %dma_wait3A_47 = tpu.memref_slice %arg10[%mul3A_5, %dma_wait3A] : memref<10240x128xf32, #tpu.memory_space<vmem_shared>> -> memref<640x128xf32, #tpu.memory_space<vmem_shared>>
      %dma_wait3A_48 = arith.constant 0 : i32
      %dma_wait3A_49 = tpu.memref_slice %arg5[%mul3A_3, %dma_wait3A_48] : memref<10240x128xf32, #tpu.memory_space<hbm>> -> memref<640x128xf32, #tpu.memory_space<hbm>>
      tpu.wait_dma2 semaphore(%run_scoped3A : memref<!tpu.dma_semaphore, #tpu.memory_space<semaphore_mem>>) src(%dma_wait3A_49 : memref<640x128xf32, #tpu.memory_space<hbm>>) dst(%dma_wait3A_47 : memref<640x128xf32, #tpu.memory_space<vmem_shared>>)
      tpu.yield
    }) : () -> ()
    "tpu.region"() ({
      %run_scoped3A = tpu.sem_alloc : memref<!tpu.dma_semaphore, #tpu.memory_space<semaphore_mem>>
      %dma_start3A = arith.constant 0 : i32
      %dma_start3A_44 = arith.constant 0 : i32
      %dma_start3A_45 = tpu.memref_slice %arg3[%add3A_1, %arg1, %dma_start3A, %dma_start3A_44] : memref<4x16x79x128xi32, #tpu.memory_space<hbm>> -> memref<1x1x79x128xi32, #tpu.memory_space<hbm>>
      %dma_start3A_46 = tpu.memref_squeeze %dma_start3A_45 : memref<1x1x79x128xi32, #tpu.memory_space<hbm>> -> memref<79x128xi32, #tpu.memory_space<hbm>>
      %dma_start3A_47 = arith.constant 0 : i32
      %dma_start3A_48 = arith.constant 0 : i32
      %dma_start3A_49 = tpu.memref_slice %arg3[%add3A_1, %arg1, %dma_start3A_47, %dma_start3A_48] : memref<4x16x79x128xi32, #tpu.memory_space<hbm>> -> memref<1x1x79x128xi32, #tpu.memory_space<hbm>>
      %dma_start3A_50 = tpu.memref_squeeze %dma_start3A_49 : memref<1x1x79x128xi32, #tpu.memory_space<hbm>> -> memref<79x128xi32, #tpu.memory_space<hbm>>
      tpu.enqueue_dma source(%dma_start3A_50 : memref<79x128xi32, #tpu.memory_space<hbm>>) target(%arg7 : memref<79x128xi32, #tpu.memory_space<vmem>>) target_semaphore(%run_scoped3A : memref<!tpu.dma_semaphore, #tpu.memory_space<semaphore_mem>>)
      %dma_wait3A = arith.constant 0 : i32
      %dma_wait3A_51 = arith.constant 0 : i32
      %dma_wait3A_52 = tpu.memref_slice %arg3[%add3A_1, %arg1, %dma_wait3A, %dma_wait3A_51] : memref<4x16x79x128xi32, #tpu.memory_space<hbm>> -> memref<1x1x79x128xi32, #tpu.memory_space<hbm>>
      %dma_wait3A_53 = tpu.memref_squeeze %dma_wait3A_52 : memref<1x1x79x128xi32, #tpu.memory_space<hbm>> -> memref<79x128xi32, #tpu.memory_space<hbm>>
      %dma_wait3A_54 = arith.constant 0 : i32
      %dma_wait3A_55 = arith.constant 0 : i32
      %dma_wait3A_56 = tpu.memref_slice %arg3[%add3A_1, %arg1, %dma_wait3A_54, %dma_wait3A_55] : memref<4x16x79x128xi32, #tpu.memory_space<hbm>> -> memref<1x1x79x128xi32, #tpu.memory_space<hbm>>
      %dma_wait3A_57 = tpu.memref_squeeze %dma_wait3A_56 : memref<1x1x79x128xi32, #tpu.memory_space<hbm>> -> memref<79x128xi32, #tpu.memory_space<hbm>>
      tpu.wait_dma2 semaphore(%run_scoped3A : memref<!tpu.dma_semaphore, #tpu.memory_space<semaphore_mem>>) src(%dma_wait3A_57 : memref<79x128xi32, #tpu.memory_space<hbm>>) dst(%arg7 : memref<79x128xi32, #tpu.memory_space<vmem>>)
      tpu.yield
    }) : () -> ()
    %barrier3A = arith.constant 0 : index
    tpu.barrier barrier_id(%barrier3A)
    %scan3A = arith.constant 0 : i32
    %scan3A_6 = arith.constant 0 : i32
    %scan3A_7 = arith.constant 79 : i32
    %scan3A_8 = arith.addi %scan3A_6, %scan3A_7 : i32
    %scan3A_9 = arith.constant 1 : i32
    scf.for %scan3A_44 = %scan3A_6 to %scan3A_8 step %scan3A_9  : i32 {
      "tpu.region"() ({
        %run_scoped3A = tpu.sem_alloc : memref<!tpu.dma_semaphore, #tpu.memory_space<semaphore_mem>>
        %dma_start3A = arith.constant 0 : i32
        %dma_start3A_45 = tpu.memref_slice %arg7[%scan3A_44, %dma_start3A] : memref<79x128xi32, #tpu.memory_space<vmem>> -> memref<1x128xi32, #tpu.memory_space<vmem>>
        %dma_start3A_46 = tpu.memref_squeeze %dma_start3A_45 : memref<1x128xi32, #tpu.memory_space<vmem>> -> memref<128xi32, #tpu.memory_space<vmem>>
        %dma_start3A_47 = arith.constant 0 : i32
        %dma_start3A_48 = arith.constant 0 : i32
        %dma_start3A_49 = tpu.memref_slice %arg2[%dma_start3A_47, %dma_start3A_48] : memref<40960x128xf32, #tpu.memory_space<hbm>> -> memref<40960x128xf32, #tpu.memory_space<hbm>>
        tpu.enqueue_indirect_dma source(%dma_start3A_49 : memref<40960x128xf32, #tpu.memory_space<hbm>>) target(%arg9 : memref<128x128xf32, #tpu.memory_space<vmem>>) offsets(%dma_start3A_46 : memref<128xi32, #tpu.memory_space<vmem>>) semaphore(%run_scoped3A : memref<!tpu.dma_semaphore, #tpu.memory_space<semaphore_mem>>)
        %dma_wait3A = arith.constant 0 : i32
        %dma_wait3A_50 = tpu.memref_slice %arg7[%scan3A_44, %dma_wait3A] : memref<79x128xi32, #tpu.memory_space<vmem>> -> memref<1x128xi32, #tpu.memory_space<vmem>>
        %dma_wait3A_51 = tpu.memref_squeeze %dma_wait3A_50 : memref<1x128xi32, #tpu.memory_space<vmem>> -> memref<128xi32, #tpu.memory_space<vmem>>
        %dma_wait3A_52 = arith.constant 0 : i32
        %dma_wait3A_53 = arith.constant 0 : i32
        %dma_wait3A_54 = tpu.memref_slice %arg2[%dma_wait3A_52, %dma_wait3A_53] : memref<40960x128xf32, #tpu.memory_space<hbm>> -> memref<40960x128xf32, #tpu.memory_space<hbm>>
        tpu.wait_indirect_dma semaphore(%run_scoped3A : memref<!tpu.dma_semaphore, #tpu.memory_space<semaphore_mem>>) src(%dma_wait3A_54 : memref<40960x128xf32, #tpu.memory_space<hbm>>) dst(%arg9 : memref<128x128xf32, #tpu.memory_space<vmem>>)
        tpu.yield
      }) : () -> ()
      "tpu.region"() ({
        %run_scoped3A = tpu.sem_alloc : memref<!tpu.dma_semaphore, #tpu.memory_space<semaphore_mem>>
        %dma_start3A = arith.constant 0 : i32
        %dma_start3A_45 = tpu.memref_slice %arg8[%scan3A_44, %dma_start3A] : memref<79x128xi32, #tpu.memory_space<vmem>> -> memref<1x128xi32, #tpu.memory_space<vmem>>
        %dma_start3A_46 = tpu.memref_squeeze %dma_start3A_45 : memref<1x128xi32, #tpu.memory_space<vmem>> -> memref<128xi32, #tpu.memory_space<vmem>>
        %dma_start3A_47 = arith.constant 0 : i32
        %dma_start3A_48 = arith.constant 0 : i32
        %dma_start3A_49 = tpu.memref_slice %arg10[%dma_start3A_47, %dma_start3A_48] : memref<10240x128xf32, #tpu.memory_space<vmem_shared>> -> memref<10240x128xf32, #tpu.memory_space<vmem_shared>>
        tpu.enqueue_indirect_dma source(%arg9 : memref<128x128xf32, #tpu.memory_space<vmem>>) target(%dma_start3A_49 : memref<10240x128xf32, #tpu.memory_space<vmem_shared>>) offsets(%dma_start3A_46 : memref<128xi32, #tpu.memory_space<vmem>>) semaphore(%run_scoped3A : memref<!tpu.dma_semaphore, #tpu.memory_space<semaphore_mem>>) {add = true}
        %dma_wait3A = arith.constant 0 : i32
        %dma_wait3A_50 = tpu.memref_slice %arg8[%scan3A_44, %dma_wait3A] : memref<79x128xi32, #tpu.memory_space<vmem>> -> memref<1x128xi32, #tpu.memory_space<vmem>>
        %dma_wait3A_51 = tpu.memref_squeeze %dma_wait3A_50 : memref<1x128xi32, #tpu.memory_space<vmem>> -> memref<128xi32, #tpu.memory_space<vmem>>
        %dma_wait3A_52 = arith.constant 0 : i32
        %dma_wait3A_53 = arith.constant 0 : i32
        %dma_wait3A_54 = tpu.memref_slice %arg10[%dma_wait3A_52, %dma_wait3A_53] : memref<10240x128xf32, #tpu.memory_space<vmem_shared>> -> memref<10240x128xf32, #tpu.memory_space<vmem_shared>>
        tpu.wait_indirect_dma semaphore(%run_scoped3A : memref<!tpu.dma_semaphore, #tpu.memory_space<semaphore_mem>>) src(%arg9 : memref<128x128xf32, #tpu.memory_space<vmem>>) dst(%dma_wait3A_54 : memref<10240x128xf32, #tpu.memory_space<vmem_shared>>)
        tpu.yield
      }) : () -> ()
    }
    %scan3A_10 = arith.constant 79 : i32
    %barrier3A_11 = arith.constant 0 : index
    tpu.barrier barrier_id(%barrier3A_11)
    %mul3A_12 = arith.constant 640 : i32
    %mul3A_13 = arith.muli %arg1, %mul3A_12 : i32
    %mul3A_14 = arith.constant 10240 : i32
    %mul3A_15 = arith.muli %add3A_1, %mul3A_14 : i32
    %mul3A_16 = arith.constant 640 : i32
    %mul3A_17 = arith.muli %arg1, %mul3A_16 : i32
    %add3A_18 = arith.addi %mul3A_15, %mul3A_17 : i32
    "tpu.region"() ({
      %run_scoped3A = tpu.sem_alloc : memref<!tpu.dma_semaphore, #tpu.memory_space<semaphore_mem>>
      %dma_start3A = arith.constant 0 : i32
      %dma_start3A_44 = tpu.memref_slice %arg6[%add3A_18, %dma_start3A] : memref<40960x128xf32, #tpu.memory_space<hbm>> -> memref<640x128xf32, #tpu.memory_space<hbm>>
      %dma_start3A_45 = arith.constant 0 : i32
      %dma_start3A_46 = tpu.memref_slice %arg10[%mul3A_13, %dma_start3A_45] : memref<10240x128xf32, #tpu.memory_space<vmem_shared>> -> memref<640x128xf32, #tpu.memory_space<vmem_shared>>
      tpu.enqueue_dma source(%dma_start3A_46 : memref<640x128xf32, #tpu.memory_space<vmem_shared>>) target(%dma_start3A_44 : memref<640x128xf32, #tpu.memory_space<hbm>>) target_semaphore(%run_scoped3A : memref<!tpu.dma_semaphore, #tpu.memory_space<semaphore_mem>>)
      %dma_wait3A = arith.constant 0 : i32
      %dma_wait3A_47 = tpu.memref_slice %arg6[%add3A_18, %dma_wait3A] : memref<40960x128xf32, #tpu.memory_space<hbm>> -> memref<640x128xf32, #tpu.memory_space<hbm>>
      %dma_wait3A_48 = arith.constant 0 : i32
      %dma_wait3A_49 = tpu.memref_slice %arg10[%mul3A_13, %dma_wait3A_48] : memref<10240x128xf32, #tpu.memory_space<vmem_shared>> -> memref<640x128xf32, #tpu.memory_space<vmem_shared>>
      tpu.wait_dma2 semaphore(%run_scoped3A : memref<!tpu.dma_semaphore, #tpu.memory_space<semaphore_mem>>) src(%dma_wait3A_49 : memref<640x128xf32, #tpu.memory_space<vmem_shared>>) dst(%dma_wait3A_47 : memref<640x128xf32, #tpu.memory_space<hbm>>)
      tpu.yield
    }) : () -> ()
    %barrier3A_19 = arith.constant 0 : index
    tpu.barrier barrier_id(%barrier3A_19)
    %mul3A_20 = arith.constant 2 : i32
    %mul3A_21 = arith.muli %arg0, %mul3A_20 : i32
    %add3A_22 = arith.constant 1 : i32
    %add3A_23 = arith.addi %mul3A_21, %add3A_22 : i32
    %mul3A_24 = arith.constant 640 : i32
    %mul3A_25 = arith.muli %arg1, %mul3A_24 : i32
    %mul3A_26 = arith.constant 640 : i32
    %mul3A_27 = arith.muli %arg1, %mul3A_26 : i32
    "tpu.region"() ({
      %run_scoped3A = tpu.sem_alloc : memref<!tpu.dma_semaphore, #tpu.memory_space<semaphore_mem>>
      %dma_start3A = arith.constant 0 : i32
      %dma_start3A_44 = tpu.memref_slice %arg10[%mul3A_27, %dma_start3A] : memref<10240x128xf32, #tpu.memory_space<vmem_shared>> -> memref<640x128xf32, #tpu.memory_space<vmem_shared>>
      %dma_start3A_45 = arith.constant 0 : i32
      %dma_start3A_46 = tpu.memref_slice %arg5[%mul3A_25, %dma_start3A_45] : memref<10240x128xf32, #tpu.memory_space<hbm>> -> memref<640x128xf32, #tpu.memory_space<hbm>>
      tpu.enqueue_dma source(%dma_start3A_46 : memref<640x128xf32, #tpu.memory_space<hbm>>) target(%dma_start3A_44 : memref<640x128xf32, #tpu.memory_space<vmem_shared>>) target_semaphore(%run_scoped3A : memref<!tpu.dma_semaphore, #tpu.memory_space<semaphore_mem>>)
      %dma_wait3A = arith.constant 0 : i32
      %dma_wait3A_47 = tpu.memref_slice %arg10[%mul3A_27, %dma_wait3A] : memref<10240x128xf32, #tpu.memory_space<vmem_shared>> -> memref<640x128xf32, #tpu.memory_space<vmem_shared>>
      %dma_wait3A_48 = arith.constant 0 : i32
      %dma_wait3A_49 = tpu.memref_slice %arg5[%mul3A_25, %dma_wait3A_48] : memref<10240x128xf32, #tpu.memory_space<hbm>> -> memref<640x128xf32, #tpu.memory_space<hbm>>
      tpu.wait_dma2 semaphore(%run_scoped3A : memref<!tpu.dma_semaphore, #tpu.memory_space<semaphore_mem>>) src(%dma_wait3A_49 : memref<640x128xf32, #tpu.memory_space<hbm>>) dst(%dma_wait3A_47 : memref<640x128xf32, #tpu.memory_space<vmem_shared>>)
      tpu.yield
    }) : () -> ()
    "tpu.region"() ({
      %run_scoped3A = tpu.sem_alloc : memref<!tpu.dma_semaphore, #tpu.memory_space<semaphore_mem>>
      %dma_start3A = arith.constant 0 : i32
      %dma_start3A_44 = arith.constant 0 : i32
      %dma_start3A_45 = tpu.memref_slice %arg3[%add3A_23, %arg1, %dma_start3A, %dma_start3A_44] : memref<4x16x79x128xi32, #tpu.memory_space<hbm>> -> memref<1x1x79x128xi32, #tpu.memory_space<hbm>>
      %dma_start3A_46 = tpu.memref_squeeze %dma_start3A_45 : memref<1x1x79x128xi32, #tpu.memory_space<hbm>> -> memref<79x128xi32, #tpu.memory_space<hbm>>
      %dma_start3A_47 = arith.constant 0 : i32
      %dma_start3A_48 = arith.constant 0 : i32
      %dma_start3A_49 = tpu.memref_slice %arg3[%add3A_23, %arg1, %dma_start3A_47, %dma_start3A_48] : memref<4x16x79x128xi32, #tpu.memory_space<hbm>> -> memref<1x1x79x128xi32, #tpu.memory_space<hbm>>
      %dma_start3A_50 = tpu.memref_squeeze %dma_start3A_49 : memref<1x1x79x128xi32, #tpu.memory_space<hbm>> -> memref<79x128xi32, #tpu.memory_space<hbm>>
      tpu.enqueue_dma source(%dma_start3A_50 : memref<79x128xi32, #tpu.memory_space<hbm>>) target(%arg7 : memref<79x128xi32, #tpu.memory_space<vmem>>) target_semaphore(%run_scoped3A : memref<!tpu.dma_semaphore, #tpu.memory_space<semaphore_mem>>)
      %dma_wait3A = arith.constant 0 : i32
      %dma_wait3A_51 = arith.constant 0 : i32
      %dma_wait3A_52 = tpu.memref_slice %arg3[%add3A_23, %arg1, %dma_wait3A, %dma_wait3A_51] : memref<4x16x79x128xi32, #tpu.memory_space<hbm>> -> memref<1x1x79x128xi32, #tpu.memory_space<hbm>>
      %dma_wait3A_53 = tpu.memref_squeeze %dma_wait3A_52 : memref<1x1x79x128xi32, #tpu.memory_space<hbm>> -> memref<79x128xi32, #tpu.memory_space<hbm>>
      %dma_wait3A_54 = arith.constant 0 : i32
      %dma_wait3A_55 = arith.constant 0 : i32
      %dma_wait3A_56 = tpu.memref_slice %arg3[%add3A_23, %arg1, %dma_wait3A_54, %dma_wait3A_55] : memref<4x16x79x128xi32, #tpu.memory_space<hbm>> -> memref<1x1x79x128xi32, #tpu.memory_space<hbm>>
      %dma_wait3A_57 = tpu.memref_squeeze %dma_wait3A_56 : memref<1x1x79x128xi32, #tpu.memory_space<hbm>> -> memref<79x128xi32, #tpu.memory_space<hbm>>
      tpu.wait_dma2 semaphore(%run_scoped3A : memref<!tpu.dma_semaphore, #tpu.memory_space<semaphore_mem>>) src(%dma_wait3A_57 : memref<79x128xi32, #tpu.memory_space<hbm>>) dst(%arg7 : memref<79x128xi32, #tpu.memory_space<vmem>>)
      tpu.yield
    }) : () -> ()
    %barrier3A_28 = arith.constant 0 : index
    tpu.barrier barrier_id(%barrier3A_28)
    %scan3A_29 = arith.constant 0 : i32
    %scan3A_30 = arith.constant 0 : i32
    %scan3A_31 = arith.constant 79 : i32
    %scan3A_32 = arith.addi %scan3A_30, %scan3A_31 : i32
    %scan3A_33 = arith.constant 1 : i32
    scf.for %scan3A_44 = %scan3A_30 to %scan3A_32 step %scan3A_33  : i32 {
      "tpu.region"() ({
        %run_scoped3A = tpu.sem_alloc : memref<!tpu.dma_semaphore, #tpu.memory_space<semaphore_mem>>
        %dma_start3A = arith.constant 0 : i32
        %dma_start3A_45 = tpu.memref_slice %arg7[%scan3A_44, %dma_start3A] : memref<79x128xi32, #tpu.memory_space<vmem>> -> memref<1x128xi32, #tpu.memory_space<vmem>>
        %dma_start3A_46 = tpu.memref_squeeze %dma_start3A_45 : memref<1x128xi32, #tpu.memory_space<vmem>> -> memref<128xi32, #tpu.memory_space<vmem>>
        %dma_start3A_47 = arith.constant 0 : i32
        %dma_start3A_48 = arith.constant 0 : i32
        %dma_start3A_49 = tpu.memref_slice %arg2[%dma_start3A_47, %dma_start3A_48] : memref<40960x128xf32, #tpu.memory_space<hbm>> -> memref<40960x128xf32, #tpu.memory_space<hbm>>
        tpu.enqueue_indirect_dma source(%dma_start3A_49 : memref<40960x128xf32, #tpu.memory_space<hbm>>) target(%arg9 : memref<128x128xf32, #tpu.memory_space<vmem>>) offsets(%dma_start3A_46 : memref<128xi32, #tpu.memory_space<vmem>>) semaphore(%run_scoped3A : memref<!tpu.dma_semaphore, #tpu.memory_space<semaphore_mem>>)
        %dma_wait3A = arith.constant 0 : i32
        %dma_wait3A_50 = tpu.memref_slice %arg7[%scan3A_44, %dma_wait3A] : memref<79x128xi32, #tpu.memory_space<vmem>> -> memref<1x128xi32, #tpu.memory_space<vmem>>
        %dma_wait3A_51 = tpu.memref_squeeze %dma_wait3A_50 : memref<1x128xi32, #tpu.memory_space<vmem>> -> memref<128xi32, #tpu.memory_space<vmem>>
        %dma_wait3A_52 = arith.constant 0 : i32
        %dma_wait3A_53 = arith.constant 0 : i32
        %dma_wait3A_54 = tpu.memref_slice %arg2[%dma_wait3A_52, %dma_wait3A_53] : memref<40960x128xf32, #tpu.memory_space<hbm>> -> memref<40960x128xf32, #tpu.memory_space<hbm>>
        tpu.wait_indirect_dma semaphore(%run_scoped3A : memref<!tpu.dma_semaphore, #tpu.memory_space<semaphore_mem>>) src(%dma_wait3A_54 : memref<40960x128xf32, #tpu.memory_space<hbm>>) dst(%arg9 : memref<128x128xf32, #tpu.memory_space<vmem>>)
        tpu.yield
      }) : () -> ()
      "tpu.region"() ({
        %run_scoped3A = tpu.sem_alloc : memref<!tpu.dma_semaphore, #tpu.memory_space<semaphore_mem>>
        %dma_start3A = arith.constant 0 : i32
        %dma_start3A_45 = tpu.memref_slice %arg8[%scan3A_44, %dma_start3A] : memref<79x128xi32, #tpu.memory_space<vmem>> -> memref<1x128xi32, #tpu.memory_space<vmem>>
        %dma_start3A_46 = tpu.memref_squeeze %dma_start3A_45 : memref<1x128xi32, #tpu.memory_space<vmem>> -> memref<128xi32, #tpu.memory_space<vmem>>
        %dma_start3A_47 = arith.constant 0 : i32
        %dma_start3A_48 = arith.constant 0 : i32
        %dma_start3A_49 = tpu.memref_slice %arg10[%dma_start3A_47, %dma_start3A_48] : memref<10240x128xf32, #tpu.memory_space<vmem_shared>> -> memref<10240x128xf32, #tpu.memory_space<vmem_shared>>
        tpu.enqueue_indirect_dma source(%arg9 : memref<128x128xf32, #tpu.memory_space<vmem>>) target(%dma_start3A_49 : memref<10240x128xf32, #tpu.memory_space<vmem_shared>>) offsets(%dma_start3A_46 : memref<128xi32, #tpu.memory_space<vmem>>) semaphore(%run_scoped3A : memref<!tpu.dma_semaphore, #tpu.memory_space<semaphore_mem>>) {add = true}
        %dma_wait3A = arith.constant 0 : i32
        %dma_wait3A_50 = tpu.memref_slice %arg8[%scan3A_44, %dma_wait3A] : memref<79x128xi32, #tpu.memory_space<vmem>> -> memref<1x128xi32, #tpu.memory_space<vmem>>
        %dma_wait3A_51 = tpu.memref_squeeze %dma_wait3A_50 : memref<1x128xi32, #tpu.memory_space<vmem>> -> memref<128xi32, #tpu.memory_space<vmem>>
        %dma_wait3A_52 = arith.constant 0 : i32
        %dma_wait3A_53 = arith.constant 0 : i32
        %dma_wait3A_54 = tpu.memref_slice %arg10[%dma_wait3A_52, %dma_wait3A_53] : memref<10240x128xf32, #tpu.memory_space<vmem_shared>> -> memref<10240x128xf32, #tpu.memory_space<vmem_shared>>
        tpu.wait_indirect_dma semaphore(%run_scoped3A : memref<!tpu.dma_semaphore, #tpu.memory_space<semaphore_mem>>) src(%arg9 : memref<128x128xf32, #tpu.memory_space<vmem>>) dst(%dma_wait3A_54 : memref<10240x128xf32, #tpu.memory_space<vmem_shared>>)
        tpu.yield
      }) : () -> ()
    }
    %scan3A_34 = arith.constant 79 : i32
    %barrier3A_35 = arith.constant 0 : index
    tpu.barrier barrier_id(%barrier3A_35)
    %mul3A_36 = arith.constant 640 : i32
    %mul3A_37 = arith.muli %arg1, %mul3A_36 : i32
    %mul3A_38 = arith.constant 10240 : i32
    %mul3A_39 = arith.muli %add3A_23, %mul3A_38 : i32
    %mul3A_40 = arith.constant 640 : i32
    %mul3A_41 = arith.muli %arg1, %mul3A_40 : i32
    %add3A_42 = arith.addi %mul3A_39, %mul3A_41 : i32
    "tpu.region"() ({
      %run_scoped3A = tpu.sem_alloc : memref<!tpu.dma_semaphore, #tpu.memory_space<semaphore_mem>>
      %dma_start3A = arith.constant 0 : i32
      %dma_start3A_44 = tpu.memref_slice %arg6[%add3A_42, %dma_start3A] : memref<40960x128xf32, #tpu.memory_space<hbm>> -> memref<640x128xf32, #tpu.memory_space<hbm>>
      %dma_start3A_45 = arith.constant 0 : i32
      %dma_start3A_46 = tpu.memref_slice %arg10[%mul3A_37, %dma_start3A_45] : memref<10240x128xf32, #tpu.memory_space<vmem_shared>> -> memref<640x128xf32, #tpu.memory_space<vmem_shared>>
      tpu.enqueue_dma source(%dma_start3A_46 : memref<640x128xf32, #tpu.memory_space<vmem_shared>>) target(%dma_start3A_44 : memref<640x128xf32, #tpu.memory_space<hbm>>) target_semaphore(%run_scoped3A : memref<!tpu.dma_semaphore, #tpu.memory_space<semaphore_mem>>)
      %dma_wait3A = arith.constant 0 : i32
      %dma_wait3A_47 = tpu.memref_slice %arg6[%add3A_42, %dma_wait3A] : memref<40960x128xf32, #tpu.memory_space<hbm>> -> memref<640x128xf32, #tpu.memory_space<hbm>>
      %dma_wait3A_48 = arith.constant 0 : i32
      %dma_wait3A_49 = tpu.memref_slice %arg10[%mul3A_37, %dma_wait3A_48] : memref<10240x128xf32, #tpu.memory_space<vmem_shared>> -> memref<640x128xf32, #tpu.memory_space<vmem_shared>>
      tpu.wait_dma2 semaphore(%run_scoped3A : memref<!tpu.dma_semaphore, #tpu.memory_space<semaphore_mem>>) src(%dma_wait3A_49 : memref<640x128xf32, #tpu.memory_space<vmem_shared>>) dst(%dma_wait3A_47 : memref<640x128xf32, #tpu.memory_space<hbm>>)
      tpu.yield
    }) : () -> ()
    %barrier3A_43 = arith.constant 0 : index
    tpu.barrier barrier_id(%barrier3A_43)
    return
  }
}

#map = affine_map<(d0, d1) -> (0, 0)>
#map1 = affine_map<(d0, d1) -> (0, 0, 0, 0)>
#map2 = affine_map<(d0, d1) -> (0, 0, 0)>
module attributes {stable_mosaic.version = 14 : i64} {
  func.func @agg_kernel(%arg0: i32, %arg1: i32, %arg2: memref<40960x128xf32, #tpu.memory_space<hbm>>, %arg3: memref<4x16x79x128xi32, #tpu.memory_space<hbm>>, %arg4: memref<16x79x128xi32, #tpu.memory_space<hbm>>, %arg5: memref<10240x128xf32, #tpu.memory_space<hbm>>, %arg6: memref<40960x128xf32, #tpu.memory_space<hbm>>, %arg7: memref<79x128xi32, #tpu.memory_space<vmem>>, %arg8: memref<79x128xi32, #tpu.memory_space<vmem>>, %arg9: memref<128x128xf32, #tpu.memory_space<vmem>>, %arg10: memref<10240x128xf32, #tpu.memory_space<vmem_shared>>) attributes {dimension_semantics = [#tpu.dimension_semantics<core_parallel>, #tpu.dimension_semantics<subcore_parallel>], iteration_bounds = array<i64: 2, 16>, scalar_prefetch = 0 : i64, scratch_operands = 4 : i64, tpu.core_type = #tpu.core_type<sc_vector_subcore>, window_params = [{transform_indices = #map}, {transform_indices = #map1}, {transform_indices = #map2}, {transform_indices = #map}, {transform_indices = #map}]} {
    "tpu.region"() ({
      %run_scoped3A = tpu.sem_alloc : memref<!tpu.dma_semaphore, #tpu.memory_space<semaphore_mem>>
      %dma_start3A = arith.constant 0 : i32
      %dma_start3A_44 = arith.constant 0 : i32
      %dma_start3A_45 = tpu.memref_slice %arg4[%arg1, %dma_start3A, %dma_start3A_44] : memref<16x79x128xi32, #tpu.memory_space<hbm>> -> memref<1x79x128xi32, #tpu.memory_space<hbm>>
      %dma_start3A_46 = tpu.memref_squeeze %dma_start3A_45 : memref<1x79x128xi32, #tpu.memory_space<hbm>> -> memref<79x128xi32, #tpu.memory_space<hbm>>
      %dma_start3A_47 = arith.constant 0 : i32
      %dma_start3A_48 = arith.constant 0 : i32
      %dma_start3A_49 = tpu.memref_slice %arg4[%arg1, %dma_start3A_47, %dma_start3A_48] : memref<16x79x128xi32, #tpu.memory_space<hbm>> -> memref<1x79x128xi32, #tpu.memory_space<hbm>>
      %dma_start3A_50 = tpu.memref_squeeze %dma_start3A_49 : memref<1x79x128xi32, #tpu.memory_space<hbm>> -> memref<79x128xi32, #tpu.memory_space<hbm>>
      tpu.enqueue_dma source(%dma_start3A_50 : memref<79x128xi32, #tpu.memory_space<hbm>>) target(%arg8 : memref<79x128xi32, #tpu.memory_space<vmem>>) target_semaphore(%run_scoped3A : memref<!tpu.dma_semaphore, #tpu.memory_space<semaphore_mem>>)
      %dma_wait3A = arith.constant 0 : i32
      %dma_wait3A_51 = arith.constant 0 : i32
      %dma_wait3A_52 = tpu.memref_slice %arg4[%arg1, %dma_wait3A, %dma_wait3A_51] : memref<16x79x128xi32, #tpu.memory_space<hbm>> -> memref<1x79x128xi32, #tpu.memory_space<hbm>>
      %dma_wait3A_53 = tpu.memref_squeeze %dma_wait3A_52 : memref<1x79x128xi32, #tpu.memory_space<hbm>> -> memref<79x128xi32, #tpu.memory_space<hbm>>
      %dma_wait3A_54 = arith.constant 0 : i32
      %dma_wait3A_55 = arith.constant 0 : i32
      %dma_wait3A_56 = tpu.memref_slice %arg4[%arg1, %dma_wait3A_54, %dma_wait3A_55] : memref<16x79x128xi32, #tpu.memory_space<hbm>> -> memref<1x79x128xi32, #tpu.memory_space<hbm>>
      %dma_wait3A_57 = tpu.memref_squeeze %dma_wait3A_56 : memref<1x79x128xi32, #tpu.memory_space<hbm>> -> memref<79x128xi32, #tpu.memory_space<hbm>>
      tpu.wait_dma2 semaphore(%run_scoped3A : memref<!tpu.dma_semaphore, #tpu.memory_space<semaphore_mem>>) src(%dma_wait3A_57 : memref<79x128xi32, #tpu.memory_space<hbm>>) dst(%arg8 : memref<79x128xi32, #tpu.memory_space<vmem>>)
      tpu.yield
    }) : () -> ()
    %mul3A = arith.constant 2 : i32
    %mul3A_0 = arith.muli %arg0, %mul3A : i32
    %add3A = arith.constant 0 : i32
    %add3A_1 = arith.addi %mul3A_0, %add3A : i32
    %mul3A_2 = arith.constant 640 : i32
    %mul3A_3 = arith.muli %arg1, %mul3A_2 : i32
    %mul3A_4 = arith.constant 640 : i32
    %mul3A_5 = arith.muli %arg1, %mul3A_4 : i32
    "tpu.region"() ({
      %run_scoped3A = tpu.sem_alloc : memref<!tpu.dma_semaphore, #tpu.memory_space<semaphore_mem>>
      %dma_start3A = arith.constant 0 : i32
      %dma_start3A_44 = tpu.memref_slice %arg10[%mul3A_5, %dma_start3A] : memref<10240x128xf32, #tpu.memory_space<vmem_shared>> -> memref<640x128xf32, #tpu.memory_space<vmem_shared>>
      %dma_start3A_45 = arith.constant 0 : i32
      %dma_start3A_46 = tpu.memref_slice %arg5[%mul3A_3, %dma_start3A_45] : memref<10240x128xf32, #tpu.memory_space<hbm>> -> memref<640x128xf32, #tpu.memory_space<hbm>>
      tpu.enqueue_dma source(%dma_start3A_46 : memref<640x128xf32, #tpu.memory_space<hbm>>) target(%dma_start3A_44 : memref<640x128xf32, #tpu.memory_space<vmem_shared>>) target_semaphore(%run_scoped3A : memref<!tpu.dma_semaphore, #tpu.memory_space<semaphore_mem>>)
      %dma_wait3A = arith.constant 0 : i32
      %dma_wait3A_47 = tpu.memref_slice %arg10[%mul3A_5, %dma_wait3A] : memref<10240x128xf32, #tpu.memory_space<vmem_shared>> -> memref<640x128xf32, #tpu.memory_space<vmem_shared>>
      %dma_wait3A_48 = arith.constant 0 : i32
      %dma_wait3A_49 = tpu.memref_slice %arg5[%mul3A_3, %dma_wait3A_48] : memref<10240x128xf32, #tpu.memory_space<hbm>> -> memref<640x128xf32, #tpu.memory_space<hbm>>
      tpu.wait_dma2 semaphore(%run_scoped3A : memref<!tpu.dma_semaphore, #tpu.memory_space<semaphore_mem>>) src(%dma_wait3A_49 : memref<640x128xf32, #tpu.memory_space<hbm>>) dst(%dma_wait3A_47 : memref<640x128xf32, #tpu.memory_space<vmem_shared>>)
      tpu.yield
    }) : () -> ()
    "tpu.region"() ({
      %run_scoped3A = tpu.sem_alloc : memref<!tpu.dma_semaphore, #tpu.memory_space<semaphore_mem>>
      %dma_start3A = arith.constant 0 : i32
      %dma_start3A_44 = arith.constant 0 : i32
      %dma_start3A_45 = tpu.memref_slice %arg3[%add3A_1, %arg1, %dma_start3A, %dma_start3A_44] : memref<4x16x79x128xi32, #tpu.memory_space<hbm>> -> memref<1x1x79x128xi32, #tpu.memory_space<hbm>>
      %dma_start3A_46 = tpu.memref_squeeze %dma_start3A_45 : memref<1x1x79x128xi32, #tpu.memory_space<hbm>> -> memref<79x128xi32, #tpu.memory_space<hbm>>
      %dma_start3A_47 = arith.constant 0 : i32
      %dma_start3A_48 = arith.constant 0 : i32
      %dma_start3A_49 = tpu.memref_slice %arg3[%add3A_1, %arg1, %dma_start3A_47, %dma_start3A_48] : memref<4x16x79x128xi32, #tpu.memory_space<hbm>> -> memref<1x1x79x128xi32, #tpu.memory_space<hbm>>
      %dma_start3A_50 = tpu.memref_squeeze %dma_start3A_49 : memref<1x1x79x128xi32, #tpu.memory_space<hbm>> -> memref<79x128xi32, #tpu.memory_space<hbm>>
      tpu.enqueue_dma source(%dma_start3A_50 : memref<79x128xi32, #tpu.memory_space<hbm>>) target(%arg7 : memref<79x128xi32, #tpu.memory_space<vmem>>) target_semaphore(%run_scoped3A : memref<!tpu.dma_semaphore, #tpu.memory_space<semaphore_mem>>)
      %dma_wait3A = arith.constant 0 : i32
      %dma_wait3A_51 = arith.constant 0 : i32
      %dma_wait3A_52 = tpu.memref_slice %arg3[%add3A_1, %arg1, %dma_wait3A, %dma_wait3A_51] : memref<4x16x79x128xi32, #tpu.memory_space<hbm>> -> memref<1x1x79x128xi32, #tpu.memory_space<hbm>>
      %dma_wait3A_53 = tpu.memref_squeeze %dma_wait3A_52 : memref<1x1x79x128xi32, #tpu.memory_space<hbm>> -> memref<79x128xi32, #tpu.memory_space<hbm>>
      %dma_wait3A_54 = arith.constant 0 : i32
      %dma_wait3A_55 = arith.constant 0 : i32
      %dma_wait3A_56 = tpu.memref_slice %arg3[%add3A_1, %arg1, %dma_wait3A_54, %dma_wait3A_55] : memref<4x16x79x128xi32, #tpu.memory_space<hbm>> -> memref<1x1x79x128xi32, #tpu.memory_space<hbm>>
      %dma_wait3A_57 = tpu.memref_squeeze %dma_wait3A_56 : memref<1x1x79x128xi32, #tpu.memory_space<hbm>> -> memref<79x128xi32, #tpu.memory_space<hbm>>
      tpu.wait_dma2 semaphore(%run_scoped3A : memref<!tpu.dma_semaphore, #tpu.memory_space<semaphore_mem>>) src(%dma_wait3A_57 : memref<79x128xi32, #tpu.memory_space<hbm>>) dst(%arg7 : memref<79x128xi32, #tpu.memory_space<vmem>>)
      tpu.yield
    }) : () -> ()
    %barrier3A = arith.constant 0 : index
    tpu.barrier barrier_id(%barrier3A)
    %scan3A = arith.constant 0 : i32
    %scan3A_6 = arith.constant 0 : i32
    %scan3A_7 = arith.constant 79 : i32
    %scan3A_8 = arith.addi %scan3A_6, %scan3A_7 : i32
    %scan3A_9 = arith.constant 1 : i32
    scf.for %scan3A_44 = %scan3A_6 to %scan3A_8 step %scan3A_9  : i32 {
      "tpu.region"() ({
        %run_scoped3A = tpu.sem_alloc : memref<!tpu.dma_semaphore, #tpu.memory_space<semaphore_mem>>
        %dma_start3A = arith.constant 0 : i32
        %dma_start3A_45 = tpu.memref_slice %arg7[%scan3A_44, %dma_start3A] : memref<79x128xi32, #tpu.memory_space<vmem>> -> memref<1x128xi32, #tpu.memory_space<vmem>>
        %dma_start3A_46 = tpu.memref_squeeze %dma_start3A_45 : memref<1x128xi32, #tpu.memory_space<vmem>> -> memref<128xi32, #tpu.memory_space<vmem>>
        %dma_start3A_47 = arith.constant 0 : i32
        %dma_start3A_48 = arith.constant 0 : i32
        %dma_start3A_49 = tpu.memref_slice %arg2[%dma_start3A_47, %dma_start3A_48] : memref<40960x128xf32, #tpu.memory_space<hbm>> -> memref<40960x128xf32, #tpu.memory_space<hbm>>
        tpu.enqueue_indirect_dma source(%dma_start3A_49 : memref<40960x128xf32, #tpu.memory_space<hbm>>) target(%arg9 : memref<128x128xf32, #tpu.memory_space<vmem>>) offsets(%dma_start3A_46 : memref<128xi32, #tpu.memory_space<vmem>>) semaphore(%run_scoped3A : memref<!tpu.dma_semaphore, #tpu.memory_space<semaphore_mem>>)
        %dma_wait3A = arith.constant 0 : i32
        %dma_wait3A_50 = tpu.memref_slice %arg7[%scan3A_44, %dma_wait3A] : memref<79x128xi32, #tpu.memory_space<vmem>> -> memref<1x128xi32, #tpu.memory_space<vmem>>
        %dma_wait3A_51 = tpu.memref_squeeze %dma_wait3A_50 : memref<1x128xi32, #tpu.memory_space<vmem>> -> memref<128xi32, #tpu.memory_space<vmem>>
        %dma_wait3A_52 = arith.constant 0 : i32
        %dma_wait3A_53 = arith.constant 0 : i32
        %dma_wait3A_54 = tpu.memref_slice %arg2[%dma_wait3A_52, %dma_wait3A_53] : memref<40960x128xf32, #tpu.memory_space<hbm>> -> memref<40960x128xf32, #tpu.memory_space<hbm>>
        tpu.wait_indirect_dma semaphore(%run_scoped3A : memref<!tpu.dma_semaphore, #tpu.memory_space<semaphore_mem>>) src(%dma_wait3A_54 : memref<40960x128xf32, #tpu.memory_space<hbm>>) dst(%arg9 : memref<128x128xf32, #tpu.memory_space<vmem>>)
        tpu.yield
      }) : () -> ()
      "tpu.region"() ({
        %run_scoped3A = tpu.sem_alloc : memref<!tpu.dma_semaphore, #tpu.memory_space<semaphore_mem>>
        %dma_start3A = arith.constant 0 : i32
        %dma_start3A_45 = tpu.memref_slice %arg8[%scan3A_44, %dma_start3A] : memref<79x128xi32, #tpu.memory_space<vmem>> -> memref<1x128xi32, #tpu.memory_space<vmem>>
        %dma_start3A_46 = tpu.memref_squeeze %dma_start3A_45 : memref<1x128xi32, #tpu.memory_space<vmem>> -> memref<128xi32, #tpu.memory_space<vmem>>
        %dma_start3A_47 = arith.constant 0 : i32
        %dma_start3A_48 = arith.constant 0 : i32
        %dma_start3A_49 = tpu.memref_slice %arg10[%dma_start3A_47, %dma_start3A_48] : memref<10240x128xf32, #tpu.memory_space<vmem_shared>> -> memref<10240x128xf32, #tpu.memory_space<vmem_shared>>
        tpu.enqueue_indirect_dma source(%arg9 : memref<128x128xf32, #tpu.memory_space<vmem>>) target(%dma_start3A_49 : memref<10240x128xf32, #tpu.memory_space<vmem_shared>>) offsets(%dma_start3A_46 : memref<128xi32, #tpu.memory_space<vmem>>) semaphore(%run_scoped3A : memref<!tpu.dma_semaphore, #tpu.memory_space<semaphore_mem>>) {add = true}
        %dma_wait3A = arith.constant 0 : i32
        %dma_wait3A_50 = tpu.memref_slice %arg8[%scan3A_44, %dma_wait3A] : memref<79x128xi32, #tpu.memory_space<vmem>> -> memref<1x128xi32, #tpu.memory_space<vmem>>
        %dma_wait3A_51 = tpu.memref_squeeze %dma_wait3A_50 : memref<1x128xi32, #tpu.memory_space<vmem>> -> memref<128xi32, #tpu.memory_space<vmem>>
        %dma_wait3A_52 = arith.constant 0 : i32
        %dma_wait3A_53 = arith.constant 0 : i32
        %dma_wait3A_54 = tpu.memref_slice %arg10[%dma_wait3A_52, %dma_wait3A_53] : memref<10240x128xf32, #tpu.memory_space<vmem_shared>> -> memref<10240x128xf32, #tpu.memory_space<vmem_shared>>
        tpu.wait_indirect_dma semaphore(%run_scoped3A : memref<!tpu.dma_semaphore, #tpu.memory_space<semaphore_mem>>) src(%arg9 : memref<128x128xf32, #tpu.memory_space<vmem>>) dst(%dma_wait3A_54 : memref<10240x128xf32, #tpu.memory_space<vmem_shared>>)
        tpu.yield
      }) : () -> ()
    }
    %scan3A_10 = arith.constant 79 : i32
    %barrier3A_11 = arith.constant 0 : index
    tpu.barrier barrier_id(%barrier3A_11)
    %mul3A_12 = arith.constant 640 : i32
    %mul3A_13 = arith.muli %arg1, %mul3A_12 : i32
    %mul3A_14 = arith.constant 10240 : i32
    %mul3A_15 = arith.muli %add3A_1, %mul3A_14 : i32
    %mul3A_16 = arith.constant 640 : i32
    %mul3A_17 = arith.muli %arg1, %mul3A_16 : i32
    %add3A_18 = arith.addi %mul3A_15, %mul3A_17 : i32
    "tpu.region"() ({
      %run_scoped3A = tpu.sem_alloc : memref<!tpu.dma_semaphore, #tpu.memory_space<semaphore_mem>>
      %dma_start3A = arith.constant 0 : i32
      %dma_start3A_44 = tpu.memref_slice %arg6[%add3A_18, %dma_start3A] : memref<40960x128xf32, #tpu.memory_space<hbm>> -> memref<640x128xf32, #tpu.memory_space<hbm>>
      %dma_start3A_45 = arith.constant 0 : i32
      %dma_start3A_46 = tpu.memref_slice %arg10[%mul3A_13, %dma_start3A_45] : memref<10240x128xf32, #tpu.memory_space<vmem_shared>> -> memref<640x128xf32, #tpu.memory_space<vmem_shared>>
      tpu.enqueue_dma source(%dma_start3A_46 : memref<640x128xf32, #tpu.memory_space<vmem_shared>>) target(%dma_start3A_44 : memref<640x128xf32, #tpu.memory_space<hbm>>) target_semaphore(%run_scoped3A : memref<!tpu.dma_semaphore, #tpu.memory_space<semaphore_mem>>)
      %dma_wait3A = arith.constant 0 : i32
      %dma_wait3A_47 = tpu.memref_slice %arg6[%add3A_18, %dma_wait3A] : memref<40960x128xf32, #tpu.memory_space<hbm>> -> memref<640x128xf32, #tpu.memory_space<hbm>>
      %dma_wait3A_48 = arith.constant 0 : i32
      %dma_wait3A_49 = tpu.memref_slice %arg10[%mul3A_13, %dma_wait3A_48] : memref<10240x128xf32, #tpu.memory_space<vmem_shared>> -> memref<640x128xf32, #tpu.memory_space<vmem_shared>>
      tpu.wait_dma2 semaphore(%run_scoped3A : memref<!tpu.dma_semaphore, #tpu.memory_space<semaphore_mem>>) src(%dma_wait3A_49 : memref<640x128xf32, #tpu.memory_space<vmem_shared>>) dst(%dma_wait3A_47 : memref<640x128xf32, #tpu.memory_space<hbm>>)
      tpu.yield
    }) : () -> ()
    %barrier3A_19 = arith.constant 0 : index
    tpu.barrier barrier_id(%barrier3A_19)
    %mul3A_20 = arith.constant 2 : i32
    %mul3A_21 = arith.muli %arg0, %mul3A_20 : i32
    %add3A_22 = arith.constant 1 : i32
    %add3A_23 = arith.addi %mul3A_21, %add3A_22 : i32
    %mul3A_24 = arith.constant 640 : i32
    %mul3A_25 = arith.muli %arg1, %mul3A_24 : i32
    %mul3A_26 = arith.constant 640 : i32
    %mul3A_27 = arith.muli %arg1, %mul3A_26 : i32
    "tpu.region"() ({
      %run_scoped3A = tpu.sem_alloc : memref<!tpu.dma_semaphore, #tpu.memory_space<semaphore_mem>>
      %dma_start3A = arith.constant 0 : i32
      %dma_start3A_44 = tpu.memref_slice %arg10[%mul3A_27, %dma_start3A] : memref<10240x128xf32, #tpu.memory_space<vmem_shared>> -> memref<640x128xf32, #tpu.memory_space<vmem_shared>>
      %dma_start3A_45 = arith.constant 0 : i32
      %dma_start3A_46 = tpu.memref_slice %arg5[%mul3A_25, %dma_start3A_45] : memref<10240x128xf32, #tpu.memory_space<hbm>> -> memref<640x128xf32, #tpu.memory_space<hbm>>
      tpu.enqueue_dma source(%dma_start3A_46 : memref<640x128xf32, #tpu.memory_space<hbm>>) target(%dma_start3A_44 : memref<640x128xf32, #tpu.memory_space<vmem_shared>>) target_semaphore(%run_scoped3A : memref<!tpu.dma_semaphore, #tpu.memory_space<semaphore_mem>>)
      %dma_wait3A = arith.constant 0 : i32
      %dma_wait3A_47 = tpu.memref_slice %arg10[%mul3A_27, %dma_wait3A] : memref<10240x128xf32, #tpu.memory_space<vmem_shared>> -> memref<640x128xf32, #tpu.memory_space<vmem_shared>>
      %dma_wait3A_48 = arith.constant 0 : i32
      %dma_wait3A_49 = tpu.memref_slice %arg5[%mul3A_25, %dma_wait3A_48] : memref<10240x128xf32, #tpu.memory_space<hbm>> -> memref<640x128xf32, #tpu.memory_space<hbm>>
      tpu.wait_dma2 semaphore(%run_scoped3A : memref<!tpu.dma_semaphore, #tpu.memory_space<semaphore_mem>>) src(%dma_wait3A_49 : memref<640x128xf32, #tpu.memory_space<hbm>>) dst(%dma_wait3A_47 : memref<640x128xf32, #tpu.memory_space<vmem_shared>>)
      tpu.yield
    }) : () -> ()
    "tpu.region"() ({
      %run_scoped3A = tpu.sem_alloc : memref<!tpu.dma_semaphore, #tpu.memory_space<semaphore_mem>>
      %dma_start3A = arith.constant 0 : i32
      %dma_start3A_44 = arith.constant 0 : i32
      %dma_start3A_45 = tpu.memref_slice %arg3[%add3A_23, %arg1, %dma_start3A, %dma_start3A_44] : memref<4x16x79x128xi32, #tpu.memory_space<hbm>> -> memref<1x1x79x128xi32, #tpu.memory_space<hbm>>
      %dma_start3A_46 = tpu.memref_squeeze %dma_start3A_45 : memref<1x1x79x128xi32, #tpu.memory_space<hbm>> -> memref<79x128xi32, #tpu.memory_space<hbm>>
      %dma_start3A_47 = arith.constant 0 : i32
      %dma_start3A_48 = arith.constant 0 : i32
      %dma_start3A_49 = tpu.memref_slice %arg3[%add3A_23, %arg1, %dma_start3A_47, %dma_start3A_48] : memref<4x16x79x128xi32, #tpu.memory_space<hbm>> -> memref<1x1x79x128xi32, #tpu.memory_space<hbm>>
      %dma_start3A_50 = tpu.memref_squeeze %dma_start3A_49 : memref<1x1x79x128xi32, #tpu.memory_space<hbm>> -> memref<79x128xi32, #tpu.memory_space<hbm>>
      tpu.enqueue_dma source(%dma_start3A_50 : memref<79x128xi32, #tpu.memory_space<hbm>>) target(%arg7 : memref<79x128xi32, #tpu.memory_space<vmem>>) target_semaphore(%run_scoped3A : memref<!tpu.dma_semaphore, #tpu.memory_space<semaphore_mem>>)
      %dma_wait3A = arith.constant 0 : i32
      %dma_wait3A_51 = arith.constant 0 : i32
      %dma_wait3A_52 = tpu.memref_slice %arg3[%add3A_23, %arg1, %dma_wait3A, %dma_wait3A_51] : memref<4x16x79x128xi32, #tpu.memory_space<hbm>> -> memref<1x1x79x128xi32, #tpu.memory_space<hbm>>
      %dma_wait3A_53 = tpu.memref_squeeze %dma_wait3A_52 : memref<1x1x79x128xi32, #tpu.memory_space<hbm>> -> memref<79x128xi32, #tpu.memory_space<hbm>>
      %dma_wait3A_54 = arith.constant 0 : i32
      %dma_wait3A_55 = arith.constant 0 : i32
      %dma_wait3A_56 = tpu.memref_slice %arg3[%add3A_23, %arg1, %dma_wait3A_54, %dma_wait3A_55] : memref<4x16x79x128xi32, #tpu.memory_space<hbm>> -> memref<1x1x79x128xi32, #tpu.memory_space<hbm>>
      %dma_wait3A_57 = tpu.memref_squeeze %dma_wait3A_56 : memref<1x1x79x128xi32, #tpu.memory_space<hbm>> -> memref<79x128xi32, #tpu.memory_space<hbm>>
      tpu.wait_dma2 semaphore(%run_scoped3A : memref<!tpu.dma_semaphore, #tpu.memory_space<semaphore_mem>>) src(%dma_wait3A_57 : memref<79x128xi32, #tpu.memory_space<hbm>>) dst(%arg7 : memref<79x128xi32, #tpu.memory_space<vmem>>)
      tpu.yield
    }) : () -> ()
    %barrier3A_28 = arith.constant 0 : index
    tpu.barrier barrier_id(%barrier3A_28)
    %scan3A_29 = arith.constant 0 : i32
    %scan3A_30 = arith.constant 0 : i32
    %scan3A_31 = arith.constant 79 : i32
    %scan3A_32 = arith.addi %scan3A_30, %scan3A_31 : i32
    %scan3A_33 = arith.constant 1 : i32
    scf.for %scan3A_44 = %scan3A_30 to %scan3A_32 step %scan3A_33  : i32 {
      "tpu.region"() ({
        %run_scoped3A = tpu.sem_alloc : memref<!tpu.dma_semaphore, #tpu.memory_space<semaphore_mem>>
        %dma_start3A = arith.constant 0 : i32
        %dma_start3A_45 = tpu.memref_slice %arg7[%scan3A_44, %dma_start3A] : memref<79x128xi32, #tpu.memory_space<vmem>> -> memref<1x128xi32, #tpu.memory_space<vmem>>
        %dma_start3A_46 = tpu.memref_squeeze %dma_start3A_45 : memref<1x128xi32, #tpu.memory_space<vmem>> -> memref<128xi32, #tpu.memory_space<vmem>>
        %dma_start3A_47 = arith.constant 0 : i32
        %dma_start3A_48 = arith.constant 0 : i32
        %dma_start3A_49 = tpu.memref_slice %arg2[%dma_start3A_47, %dma_start3A_48] : memref<40960x128xf32, #tpu.memory_space<hbm>> -> memref<40960x128xf32, #tpu.memory_space<hbm>>
        tpu.enqueue_indirect_dma source(%dma_start3A_49 : memref<40960x128xf32, #tpu.memory_space<hbm>>) target(%arg9 : memref<128x128xf32, #tpu.memory_space<vmem>>) offsets(%dma_start3A_46 : memref<128xi32, #tpu.memory_space<vmem>>) semaphore(%run_scoped3A : memref<!tpu.dma_semaphore, #tpu.memory_space<semaphore_mem>>)
        %dma_wait3A = arith.constant 0 : i32
        %dma_wait3A_50 = tpu.memref_slice %arg7[%scan3A_44, %dma_wait3A] : memref<79x128xi32, #tpu.memory_space<vmem>> -> memref<1x128xi32, #tpu.memory_space<vmem>>
        %dma_wait3A_51 = tpu.memref_squeeze %dma_wait3A_50 : memref<1x128xi32, #tpu.memory_space<vmem>> -> memref<128xi32, #tpu.memory_space<vmem>>
        %dma_wait3A_52 = arith.constant 0 : i32
        %dma_wait3A_53 = arith.constant 0 : i32
        %dma_wait3A_54 = tpu.memref_slice %arg2[%dma_wait3A_52, %dma_wait3A_53] : memref<40960x128xf32, #tpu.memory_space<hbm>> -> memref<40960x128xf32, #tpu.memory_space<hbm>>
        tpu.wait_indirect_dma semaphore(%run_scoped3A : memref<!tpu.dma_semaphore, #tpu.memory_space<semaphore_mem>>) src(%dma_wait3A_54 : memref<40960x128xf32, #tpu.memory_space<hbm>>) dst(%arg9 : memref<128x128xf32, #tpu.memory_space<vmem>>)
        tpu.yield
      }) : () -> ()
      "tpu.region"() ({
        %run_scoped3A = tpu.sem_alloc : memref<!tpu.dma_semaphore, #tpu.memory_space<semaphore_mem>>
        %dma_start3A = arith.constant 0 : i32
        %dma_start3A_45 = tpu.memref_slice %arg8[%scan3A_44, %dma_start3A] : memref<79x128xi32, #tpu.memory_space<vmem>> -> memref<1x128xi32, #tpu.memory_space<vmem>>
        %dma_start3A_46 = tpu.memref_squeeze %dma_start3A_45 : memref<1x128xi32, #tpu.memory_space<vmem>> -> memref<128xi32, #tpu.memory_space<vmem>>
        %dma_start3A_47 = arith.constant 0 : i32
        %dma_start3A_48 = arith.constant 0 : i32
        %dma_start3A_49 = tpu.memref_slice %arg10[%dma_start3A_47, %dma_start3A_48] : memref<10240x128xf32, #tpu.memory_space<vmem_shared>> -> memref<10240x128xf32, #tpu.memory_space<vmem_shared>>
        tpu.enqueue_indirect_dma source(%arg9 : memref<128x128xf32, #tpu.memory_space<vmem>>) target(%dma_start3A_49 : memref<10240x128xf32, #tpu.memory_space<vmem_shared>>) offsets(%dma_start3A_46 : memref<128xi32, #tpu.memory_space<vmem>>) semaphore(%run_scoped3A : memref<!tpu.dma_semaphore, #tpu.memory_space<semaphore_mem>>) {add = true}
        %dma_wait3A = arith.constant 0 : i32
        %dma_wait3A_50 = tpu.memref_slice %arg8[%scan3A_44, %dma_wait3A] : memref<79x128xi32, #tpu.memory_space<vmem>> -> memref<1x128xi32, #tpu.memory_space<vmem>>
        %dma_wait3A_51 = tpu.memref_squeeze %dma_wait3A_50 : memref<1x128xi32, #tpu.memory_space<vmem>> -> memref<128xi32, #tpu.memory_space<vmem>>
        %dma_wait3A_52 = arith.constant 0 : i32
        %dma_wait3A_53 = arith.constant 0 : i32
        %dma_wait3A_54 = tpu.memref_slice %arg10[%dma_wait3A_52, %dma_wait3A_53] : memref<10240x128xf32, #tpu.memory_space<vmem_shared>> -> memref<10240x128xf32, #tpu.memory_space<vmem_shared>>
        tpu.wait_indirect_dma semaphore(%run_scoped3A : memref<!tpu.dma_semaphore, #tpu.memory_space<semaphore_mem>>) src(%arg9 : memref<128x128xf32, #tpu.memory_space<vmem>>) dst(%dma_wait3A_54 : memref<10240x128xf32, #tpu.memory_space<vmem_shared>>)
        tpu.yield
      }) : () -> ()
    }
    %scan3A_34 = arith.constant 79 : i32
    %barrier3A_35 = arith.constant 0 : index
    tpu.barrier barrier_id(%barrier3A_35)
    %mul3A_36 = arith.constant 640 : i32
    %mul3A_37 = arith.muli %arg1, %mul3A_36 : i32
    %mul3A_38 = arith.constant 10240 : i32
    %mul3A_39 = arith.muli %add3A_23, %mul3A_38 : i32
    %mul3A_40 = arith.constant 640 : i32
    %mul3A_41 = arith.muli %arg1, %mul3A_40 : i32
    %add3A_42 = arith.addi %mul3A_39, %mul3A_41 : i32
    "tpu.region"() ({
      %run_scoped3A = tpu.sem_alloc : memref<!tpu.dma_semaphore, #tpu.memory_space<semaphore_mem>>
      %dma_start3A = arith.constant 0 : i32
      %dma_start3A_44 = tpu.memref_slice %arg6[%add3A_42, %dma_start3A] : memref<40960x128xf32, #tpu.memory_space<hbm>> -> memref<640x128xf32, #tpu.memory_space<hbm>>
      %dma_start3A_45 = arith.constant 0 : i32
      %dma_start3A_46 = tpu.memref_slice %arg10[%mul3A_37, %dma_start3A_45] : memref<10240x128xf32, #tpu.memory_space<vmem_shared>> -> memref<640x128xf32, #tpu.memory_space<vmem_shared>>
      tpu.enqueue_dma source(%dma_start3A_46 : memref<640x128xf32, #tpu.memory_space<vmem_shared>>) target(%dma_start3A_44 : memref<640x128xf32, #tpu.memory_space<hbm>>) target_semaphore(%run_scoped3A : memref<!tpu.dma_semaphore, #tpu.memory_space<semaphore_mem>>)
      %dma_wait3A = arith.constant 0 : i32
      %dma_wait3A_47 = tpu.memref_slice %arg6[%add3A_42, %dma_wait3A] : memref<40960x128xf32, #tpu.memory_space<hbm>> -> memref<640x128xf32, #tpu.memory_space<hbm>>
      %dma_wait3A_48 = arith.constant 0 : i32
      %dma_wait3A_49 = tpu.memref_slice %arg10[%mul3A_37, %dma_wait3A_48] : memref<10240x128xf32, #tpu.memory_space<vmem_shared>> -> memref<640x128xf32, #tpu.memory_space<vmem_shared>>
      tpu.wait_dma2 semaphore(%run_scoped3A : memref<!tpu.dma_semaphore, #tpu.memory_space<semaphore_mem>>) src(%dma_wait3A_49 : memref<640x128xf32, #tpu.memory_space<vmem_shared>>) dst(%dma_wait3A_47 : memref<640x128xf32, #tpu.memory_space<hbm>>)
      tpu.yield
    }) : () -> ()
    %barrier3A_43 = arith.constant 0 : index
    tpu.barrier barrier_id(%barrier3A_43)
    return
  }
}

#map = affine_map<(d0, d1) -> (0, 0)>
#map1 = affine_map<(d0, d1) -> (0, 0, 0, 0)>
#map2 = affine_map<(d0, d1) -> (0, 0, 0)>
module attributes {stable_mosaic.version = 14 : i64} {
  func.func @agg_kernel(%arg0: i32, %arg1: i32, %arg2: memref<40960x128xf32, #tpu.memory_space<hbm>>, %arg3: memref<4x16x79x128xi32, #tpu.memory_space<hbm>>, %arg4: memref<16x79x128xi32, #tpu.memory_space<hbm>>, %arg5: memref<10240x128xf32, #tpu.memory_space<hbm>>, %arg6: memref<40960x128xf32, #tpu.memory_space<hbm>>, %arg7: memref<79x128xi32, #tpu.memory_space<vmem>>, %arg8: memref<79x128xi32, #tpu.memory_space<vmem>>, %arg9: memref<128x128xf32, #tpu.memory_space<vmem>>, %arg10: memref<10240x128xf32, #tpu.memory_space<vmem_shared>>) attributes {dimension_semantics = [#tpu.dimension_semantics<core_parallel>, #tpu.dimension_semantics<subcore_parallel>], iteration_bounds = array<i64: 2, 16>, scalar_prefetch = 0 : i64, scratch_operands = 4 : i64, tpu.core_type = #tpu.core_type<sc_vector_subcore>, window_params = [{transform_indices = #map}, {transform_indices = #map1}, {transform_indices = #map2}, {transform_indices = #map}, {transform_indices = #map}]} {
    "tpu.region"() ({
      %run_scoped3A = tpu.sem_alloc : memref<!tpu.dma_semaphore, #tpu.memory_space<semaphore_mem>>
      %dma_start3A = arith.constant 0 : i32
      %dma_start3A_44 = arith.constant 0 : i32
      %dma_start3A_45 = tpu.memref_slice %arg4[%arg1, %dma_start3A, %dma_start3A_44] : memref<16x79x128xi32, #tpu.memory_space<hbm>> -> memref<1x79x128xi32, #tpu.memory_space<hbm>>
      %dma_start3A_46 = tpu.memref_squeeze %dma_start3A_45 : memref<1x79x128xi32, #tpu.memory_space<hbm>> -> memref<79x128xi32, #tpu.memory_space<hbm>>
      %dma_start3A_47 = arith.constant 0 : i32
      %dma_start3A_48 = arith.constant 0 : i32
      %dma_start3A_49 = tpu.memref_slice %arg4[%arg1, %dma_start3A_47, %dma_start3A_48] : memref<16x79x128xi32, #tpu.memory_space<hbm>> -> memref<1x79x128xi32, #tpu.memory_space<hbm>>
      %dma_start3A_50 = tpu.memref_squeeze %dma_start3A_49 : memref<1x79x128xi32, #tpu.memory_space<hbm>> -> memref<79x128xi32, #tpu.memory_space<hbm>>
      tpu.enqueue_dma source(%dma_start3A_50 : memref<79x128xi32, #tpu.memory_space<hbm>>) target(%arg8 : memref<79x128xi32, #tpu.memory_space<vmem>>) target_semaphore(%run_scoped3A : memref<!tpu.dma_semaphore, #tpu.memory_space<semaphore_mem>>)
      %dma_wait3A = arith.constant 0 : i32
      %dma_wait3A_51 = arith.constant 0 : i32
      %dma_wait3A_52 = tpu.memref_slice %arg4[%arg1, %dma_wait3A, %dma_wait3A_51] : memref<16x79x128xi32, #tpu.memory_space<hbm>> -> memref<1x79x128xi32, #tpu.memory_space<hbm>>
      %dma_wait3A_53 = tpu.memref_squeeze %dma_wait3A_52 : memref<1x79x128xi32, #tpu.memory_space<hbm>> -> memref<79x128xi32, #tpu.memory_space<hbm>>
      %dma_wait3A_54 = arith.constant 0 : i32
      %dma_wait3A_55 = arith.constant 0 : i32
      %dma_wait3A_56 = tpu.memref_slice %arg4[%arg1, %dma_wait3A_54, %dma_wait3A_55] : memref<16x79x128xi32, #tpu.memory_space<hbm>> -> memref<1x79x128xi32, #tpu.memory_space<hbm>>
      %dma_wait3A_57 = tpu.memref_squeeze %dma_wait3A_56 : memref<1x79x128xi32, #tpu.memory_space<hbm>> -> memref<79x128xi32, #tpu.memory_space<hbm>>
      tpu.wait_dma2 semaphore(%run_scoped3A : memref<!tpu.dma_semaphore, #tpu.memory_space<semaphore_mem>>) src(%dma_wait3A_57 : memref<79x128xi32, #tpu.memory_space<hbm>>) dst(%arg8 : memref<79x128xi32, #tpu.memory_space<vmem>>)
      tpu.yield
    }) : () -> ()
    %mul3A = arith.constant 2 : i32
    %mul3A_0 = arith.muli %arg0, %mul3A : i32
    %add3A = arith.constant 0 : i32
    %add3A_1 = arith.addi %mul3A_0, %add3A : i32
    %mul3A_2 = arith.constant 640 : i32
    %mul3A_3 = arith.muli %arg1, %mul3A_2 : i32
    %mul3A_4 = arith.constant 640 : i32
    %mul3A_5 = arith.muli %arg1, %mul3A_4 : i32
    "tpu.region"() ({
      %run_scoped3A = tpu.sem_alloc : memref<!tpu.dma_semaphore, #tpu.memory_space<semaphore_mem>>
      %dma_start3A = arith.constant 0 : i32
      %dma_start3A_44 = tpu.memref_slice %arg10[%mul3A_5, %dma_start3A] : memref<10240x128xf32, #tpu.memory_space<vmem_shared>> -> memref<640x128xf32, #tpu.memory_space<vmem_shared>>
      %dma_start3A_45 = arith.constant 0 : i32
      %dma_start3A_46 = tpu.memref_slice %arg5[%mul3A_3, %dma_start3A_45] : memref<10240x128xf32, #tpu.memory_space<hbm>> -> memref<640x128xf32, #tpu.memory_space<hbm>>
      tpu.enqueue_dma source(%dma_start3A_46 : memref<640x128xf32, #tpu.memory_space<hbm>>) target(%dma_start3A_44 : memref<640x128xf32, #tpu.memory_space<vmem_shared>>) target_semaphore(%run_scoped3A : memref<!tpu.dma_semaphore, #tpu.memory_space<semaphore_mem>>)
      %dma_wait3A = arith.constant 0 : i32
      %dma_wait3A_47 = tpu.memref_slice %arg10[%mul3A_5, %dma_wait3A] : memref<10240x128xf32, #tpu.memory_space<vmem_shared>> -> memref<640x128xf32, #tpu.memory_space<vmem_shared>>
      %dma_wait3A_48 = arith.constant 0 : i32
      %dma_wait3A_49 = tpu.memref_slice %arg5[%mul3A_3, %dma_wait3A_48] : memref<10240x128xf32, #tpu.memory_space<hbm>> -> memref<640x128xf32, #tpu.memory_space<hbm>>
      tpu.wait_dma2 semaphore(%run_scoped3A : memref<!tpu.dma_semaphore, #tpu.memory_space<semaphore_mem>>) src(%dma_wait3A_49 : memref<640x128xf32, #tpu.memory_space<hbm>>) dst(%dma_wait3A_47 : memref<640x128xf32, #tpu.memory_space<vmem_shared>>)
      tpu.yield
    }) : () -> ()
    "tpu.region"() ({
      %run_scoped3A = tpu.sem_alloc : memref<!tpu.dma_semaphore, #tpu.memory_space<semaphore_mem>>
      %dma_start3A = arith.constant 0 : i32
      %dma_start3A_44 = arith.constant 0 : i32
      %dma_start3A_45 = tpu.memref_slice %arg3[%add3A_1, %arg1, %dma_start3A, %dma_start3A_44] : memref<4x16x79x128xi32, #tpu.memory_space<hbm>> -> memref<1x1x79x128xi32, #tpu.memory_space<hbm>>
      %dma_start3A_46 = tpu.memref_squeeze %dma_start3A_45 : memref<1x1x79x128xi32, #tpu.memory_space<hbm>> -> memref<79x128xi32, #tpu.memory_space<hbm>>
      %dma_start3A_47 = arith.constant 0 : i32
      %dma_start3A_48 = arith.constant 0 : i32
      %dma_start3A_49 = tpu.memref_slice %arg3[%add3A_1, %arg1, %dma_start3A_47, %dma_start3A_48] : memref<4x16x79x128xi32, #tpu.memory_space<hbm>> -> memref<1x1x79x128xi32, #tpu.memory_space<hbm>>
      %dma_start3A_50 = tpu.memref_squeeze %dma_start3A_49 : memref<1x1x79x128xi32, #tpu.memory_space<hbm>> -> memref<79x128xi32, #tpu.memory_space<hbm>>
      tpu.enqueue_dma source(%dma_start3A_50 : memref<79x128xi32, #tpu.memory_space<hbm>>) target(%arg7 : memref<79x128xi32, #tpu.memory_space<vmem>>) target_semaphore(%run_scoped3A : memref<!tpu.dma_semaphore, #tpu.memory_space<semaphore_mem>>)
      %dma_wait3A = arith.constant 0 : i32
      %dma_wait3A_51 = arith.constant 0 : i32
      %dma_wait3A_52 = tpu.memref_slice %arg3[%add3A_1, %arg1, %dma_wait3A, %dma_wait3A_51] : memref<4x16x79x128xi32, #tpu.memory_space<hbm>> -> memref<1x1x79x128xi32, #tpu.memory_space<hbm>>
      %dma_wait3A_53 = tpu.memref_squeeze %dma_wait3A_52 : memref<1x1x79x128xi32, #tpu.memory_space<hbm>> -> memref<79x128xi32, #tpu.memory_space<hbm>>
      %dma_wait3A_54 = arith.constant 0 : i32
      %dma_wait3A_55 = arith.constant 0 : i32
      %dma_wait3A_56 = tpu.memref_slice %arg3[%add3A_1, %arg1, %dma_wait3A_54, %dma_wait3A_55] : memref<4x16x79x128xi32, #tpu.memory_space<hbm>> -> memref<1x1x79x128xi32, #tpu.memory_space<hbm>>
      %dma_wait3A_57 = tpu.memref_squeeze %dma_wait3A_56 : memref<1x1x79x128xi32, #tpu.memory_space<hbm>> -> memref<79x128xi32, #tpu.memory_space<hbm>>
      tpu.wait_dma2 semaphore(%run_scoped3A : memref<!tpu.dma_semaphore, #tpu.memory_space<semaphore_mem>>) src(%dma_wait3A_57 : memref<79x128xi32, #tpu.memory_space<hbm>>) dst(%arg7 : memref<79x128xi32, #tpu.memory_space<vmem>>)
      tpu.yield
    }) : () -> ()
    %barrier3A = arith.constant 0 : index
    tpu.barrier barrier_id(%barrier3A)
    %scan3A = arith.constant 0 : i32
    %scan3A_6 = arith.constant 0 : i32
    %scan3A_7 = arith.constant 79 : i32
    %scan3A_8 = arith.addi %scan3A_6, %scan3A_7 : i32
    %scan3A_9 = arith.constant 1 : i32
    scf.for %scan3A_44 = %scan3A_6 to %scan3A_8 step %scan3A_9  : i32 {
      "tpu.region"() ({
        %run_scoped3A = tpu.sem_alloc : memref<!tpu.dma_semaphore, #tpu.memory_space<semaphore_mem>>
        %dma_start3A = arith.constant 0 : i32
        %dma_start3A_45 = tpu.memref_slice %arg7[%scan3A_44, %dma_start3A] : memref<79x128xi32, #tpu.memory_space<vmem>> -> memref<1x128xi32, #tpu.memory_space<vmem>>
        %dma_start3A_46 = tpu.memref_squeeze %dma_start3A_45 : memref<1x128xi32, #tpu.memory_space<vmem>> -> memref<128xi32, #tpu.memory_space<vmem>>
        %dma_start3A_47 = arith.constant 0 : i32
        %dma_start3A_48 = arith.constant 0 : i32
        %dma_start3A_49 = tpu.memref_slice %arg2[%dma_start3A_47, %dma_start3A_48] : memref<40960x128xf32, #tpu.memory_space<hbm>> -> memref<40960x128xf32, #tpu.memory_space<hbm>>
        tpu.enqueue_indirect_dma source(%dma_start3A_49 : memref<40960x128xf32, #tpu.memory_space<hbm>>) target(%arg9 : memref<128x128xf32, #tpu.memory_space<vmem>>) offsets(%dma_start3A_46 : memref<128xi32, #tpu.memory_space<vmem>>) semaphore(%run_scoped3A : memref<!tpu.dma_semaphore, #tpu.memory_space<semaphore_mem>>)
        %dma_wait3A = arith.constant 0 : i32
        %dma_wait3A_50 = tpu.memref_slice %arg7[%scan3A_44, %dma_wait3A] : memref<79x128xi32, #tpu.memory_space<vmem>> -> memref<1x128xi32, #tpu.memory_space<vmem>>
        %dma_wait3A_51 = tpu.memref_squeeze %dma_wait3A_50 : memref<1x128xi32, #tpu.memory_space<vmem>> -> memref<128xi32, #tpu.memory_space<vmem>>
        %dma_wait3A_52 = arith.constant 0 : i32
        %dma_wait3A_53 = arith.constant 0 : i32
        %dma_wait3A_54 = tpu.memref_slice %arg2[%dma_wait3A_52, %dma_wait3A_53] : memref<40960x128xf32, #tpu.memory_space<hbm>> -> memref<40960x128xf32, #tpu.memory_space<hbm>>
        tpu.wait_indirect_dma semaphore(%run_scoped3A : memref<!tpu.dma_semaphore, #tpu.memory_space<semaphore_mem>>) src(%dma_wait3A_54 : memref<40960x128xf32, #tpu.memory_space<hbm>>) dst(%arg9 : memref<128x128xf32, #tpu.memory_space<vmem>>)
        tpu.yield
      }) : () -> ()
      "tpu.region"() ({
        %run_scoped3A = tpu.sem_alloc : memref<!tpu.dma_semaphore, #tpu.memory_space<semaphore_mem>>
        %dma_start3A = arith.constant 0 : i32
        %dma_start3A_45 = tpu.memref_slice %arg8[%scan3A_44, %dma_start3A] : memref<79x128xi32, #tpu.memory_space<vmem>> -> memref<1x128xi32, #tpu.memory_space<vmem>>
        %dma_start3A_46 = tpu.memref_squeeze %dma_start3A_45 : memref<1x128xi32, #tpu.memory_space<vmem>> -> memref<128xi32, #tpu.memory_space<vmem>>
        %dma_start3A_47 = arith.constant 0 : i32
        %dma_start3A_48 = arith.constant 0 : i32
        %dma_start3A_49 = tpu.memref_slice %arg10[%dma_start3A_47, %dma_start3A_48] : memref<10240x128xf32, #tpu.memory_space<vmem_shared>> -> memref<10240x128xf32, #tpu.memory_space<vmem_shared>>
        tpu.enqueue_indirect_dma source(%arg9 : memref<128x128xf32, #tpu.memory_space<vmem>>) target(%dma_start3A_49 : memref<10240x128xf32, #tpu.memory_space<vmem_shared>>) offsets(%dma_start3A_46 : memref<128xi32, #tpu.memory_space<vmem>>) semaphore(%run_scoped3A : memref<!tpu.dma_semaphore, #tpu.memory_space<semaphore_mem>>) {add = true}
        %dma_wait3A = arith.constant 0 : i32
        %dma_wait3A_50 = tpu.memref_slice %arg8[%scan3A_44, %dma_wait3A] : memref<79x128xi32, #tpu.memory_space<vmem>> -> memref<1x128xi32, #tpu.memory_space<vmem>>
        %dma_wait3A_51 = tpu.memref_squeeze %dma_wait3A_50 : memref<1x128xi32, #tpu.memory_space<vmem>> -> memref<128xi32, #tpu.memory_space<vmem>>
        %dma_wait3A_52 = arith.constant 0 : i32
        %dma_wait3A_53 = arith.constant 0 : i32
        %dma_wait3A_54 = tpu.memref_slice %arg10[%dma_wait3A_52, %dma_wait3A_53] : memref<10240x128xf32, #tpu.memory_space<vmem_shared>> -> memref<10240x128xf32, #tpu.memory_space<vmem_shared>>
        tpu.wait_indirect_dma semaphore(%run_scoped3A : memref<!tpu.dma_semaphore, #tpu.memory_space<semaphore_mem>>) src(%arg9 : memref<128x128xf32, #tpu.memory_space<vmem>>) dst(%dma_wait3A_54 : memref<10240x128xf32, #tpu.memory_space<vmem_shared>>)
        tpu.yield
      }) : () -> ()
    }
    %scan3A_10 = arith.constant 79 : i32
    %barrier3A_11 = arith.constant 0 : index
    tpu.barrier barrier_id(%barrier3A_11)
    %mul3A_12 = arith.constant 640 : i32
    %mul3A_13 = arith.muli %arg1, %mul3A_12 : i32
    %mul3A_14 = arith.constant 10240 : i32
    %mul3A_15 = arith.muli %add3A_1, %mul3A_14 : i32
    %mul3A_16 = arith.constant 640 : i32
    %mul3A_17 = arith.muli %arg1, %mul3A_16 : i32
    %add3A_18 = arith.addi %mul3A_15, %mul3A_17 : i32
    "tpu.region"() ({
      %run_scoped3A = tpu.sem_alloc : memref<!tpu.dma_semaphore, #tpu.memory_space<semaphore_mem>>
      %dma_start3A = arith.constant 0 : i32
      %dma_start3A_44 = tpu.memref_slice %arg6[%add3A_18, %dma_start3A] : memref<40960x128xf32, #tpu.memory_space<hbm>> -> memref<640x128xf32, #tpu.memory_space<hbm>>
      %dma_start3A_45 = arith.constant 0 : i32
      %dma_start3A_46 = tpu.memref_slice %arg10[%mul3A_13, %dma_start3A_45] : memref<10240x128xf32, #tpu.memory_space<vmem_shared>> -> memref<640x128xf32, #tpu.memory_space<vmem_shared>>
      tpu.enqueue_dma source(%dma_start3A_46 : memref<640x128xf32, #tpu.memory_space<vmem_shared>>) target(%dma_start3A_44 : memref<640x128xf32, #tpu.memory_space<hbm>>) target_semaphore(%run_scoped3A : memref<!tpu.dma_semaphore, #tpu.memory_space<semaphore_mem>>)
      %dma_wait3A = arith.constant 0 : i32
      %dma_wait3A_47 = tpu.memref_slice %arg6[%add3A_18, %dma_wait3A] : memref<40960x128xf32, #tpu.memory_space<hbm>> -> memref<640x128xf32, #tpu.memory_space<hbm>>
      %dma_wait3A_48 = arith.constant 0 : i32
      %dma_wait3A_49 = tpu.memref_slice %arg10[%mul3A_13, %dma_wait3A_48] : memref<10240x128xf32, #tpu.memory_space<vmem_shared>> -> memref<640x128xf32, #tpu.memory_space<vmem_shared>>
      tpu.wait_dma2 semaphore(%run_scoped3A : memref<!tpu.dma_semaphore, #tpu.memory_space<semaphore_mem>>) src(%dma_wait3A_49 : memref<640x128xf32, #tpu.memory_space<vmem_shared>>) dst(%dma_wait3A_47 : memref<640x128xf32, #tpu.memory_space<hbm>>)
      tpu.yield
    }) : () -> ()
    %barrier3A_19 = arith.constant 0 : index
    tpu.barrier barrier_id(%barrier3A_19)
    %mul3A_20 = arith.constant 2 : i32
    %mul3A_21 = arith.muli %arg0, %mul3A_20 : i32
    %add3A_22 = arith.constant 1 : i32
    %add3A_23 = arith.addi %mul3A_21, %add3A_22 : i32
    %mul3A_24 = arith.constant 640 : i32
    %mul3A_25 = arith.muli %arg1, %mul3A_24 : i32
    %mul3A_26 = arith.constant 640 : i32
    %mul3A_27 = arith.muli %arg1, %mul3A_26 : i32
    "tpu.region"() ({
      %run_scoped3A = tpu.sem_alloc : memref<!tpu.dma_semaphore, #tpu.memory_space<semaphore_mem>>
      %dma_start3A = arith.constant 0 : i32
      %dma_start3A_44 = tpu.memref_slice %arg10[%mul3A_27, %dma_start3A] : memref<10240x128xf32, #tpu.memory_space<vmem_shared>> -> memref<640x128xf32, #tpu.memory_space<vmem_shared>>
      %dma_start3A_45 = arith.constant 0 : i32
      %dma_start3A_46 = tpu.memref_slice %arg5[%mul3A_25, %dma_start3A_45] : memref<10240x128xf32, #tpu.memory_space<hbm>> -> memref<640x128xf32, #tpu.memory_space<hbm>>
      tpu.enqueue_dma source(%dma_start3A_46 : memref<640x128xf32, #tpu.memory_space<hbm>>) target(%dma_start3A_44 : memref<640x128xf32, #tpu.memory_space<vmem_shared>>) target_semaphore(%run_scoped3A : memref<!tpu.dma_semaphore, #tpu.memory_space<semaphore_mem>>)
      %dma_wait3A = arith.constant 0 : i32
      %dma_wait3A_47 = tpu.memref_slice %arg10[%mul3A_27, %dma_wait3A] : memref<10240x128xf32, #tpu.memory_space<vmem_shared>> -> memref<640x128xf32, #tpu.memory_space<vmem_shared>>
      %dma_wait3A_48 = arith.constant 0 : i32
      %dma_wait3A_49 = tpu.memref_slice %arg5[%mul3A_25, %dma_wait3A_48] : memref<10240x128xf32, #tpu.memory_space<hbm>> -> memref<640x128xf32, #tpu.memory_space<hbm>>
      tpu.wait_dma2 semaphore(%run_scoped3A : memref<!tpu.dma_semaphore, #tpu.memory_space<semaphore_mem>>) src(%dma_wait3A_49 : memref<640x128xf32, #tpu.memory_space<hbm>>) dst(%dma_wait3A_47 : memref<640x128xf32, #tpu.memory_space<vmem_shared>>)
      tpu.yield
    }) : () -> ()
    "tpu.region"() ({
      %run_scoped3A = tpu.sem_alloc : memref<!tpu.dma_semaphore, #tpu.memory_space<semaphore_mem>>
      %dma_start3A = arith.constant 0 : i32
      %dma_start3A_44 = arith.constant 0 : i32
      %dma_start3A_45 = tpu.memref_slice %arg3[%add3A_23, %arg1, %dma_start3A, %dma_start3A_44] : memref<4x16x79x128xi32, #tpu.memory_space<hbm>> -> memref<1x1x79x128xi32, #tpu.memory_space<hbm>>
      %dma_start3A_46 = tpu.memref_squeeze %dma_start3A_45 : memref<1x1x79x128xi32, #tpu.memory_space<hbm>> -> memref<79x128xi32, #tpu.memory_space<hbm>>
      %dma_start3A_47 = arith.constant 0 : i32
      %dma_start3A_48 = arith.constant 0 : i32
      %dma_start3A_49 = tpu.memref_slice %arg3[%add3A_23, %arg1, %dma_start3A_47, %dma_start3A_48] : memref<4x16x79x128xi32, #tpu.memory_space<hbm>> -> memref<1x1x79x128xi32, #tpu.memory_space<hbm>>
      %dma_start3A_50 = tpu.memref_squeeze %dma_start3A_49 : memref<1x1x79x128xi32, #tpu.memory_space<hbm>> -> memref<79x128xi32, #tpu.memory_space<hbm>>
      tpu.enqueue_dma source(%dma_start3A_50 : memref<79x128xi32, #tpu.memory_space<hbm>>) target(%arg7 : memref<79x128xi32, #tpu.memory_space<vmem>>) target_semaphore(%run_scoped3A : memref<!tpu.dma_semaphore, #tpu.memory_space<semaphore_mem>>)
      %dma_wait3A = arith.constant 0 : i32
      %dma_wait3A_51 = arith.constant 0 : i32
      %dma_wait3A_52 = tpu.memref_slice %arg3[%add3A_23, %arg1, %dma_wait3A, %dma_wait3A_51] : memref<4x16x79x128xi32, #tpu.memory_space<hbm>> -> memref<1x1x79x128xi32, #tpu.memory_space<hbm>>
      %dma_wait3A_53 = tpu.memref_squeeze %dma_wait3A_52 : memref<1x1x79x128xi32, #tpu.memory_space<hbm>> -> memref<79x128xi32, #tpu.memory_space<hbm>>
      %dma_wait3A_54 = arith.constant 0 : i32
      %dma_wait3A_55 = arith.constant 0 : i32
      %dma_wait3A_56 = tpu.memref_slice %arg3[%add3A_23, %arg1, %dma_wait3A_54, %dma_wait3A_55] : memref<4x16x79x128xi32, #tpu.memory_space<hbm>> -> memref<1x1x79x128xi32, #tpu.memory_space<hbm>>
      %dma_wait3A_57 = tpu.memref_squeeze %dma_wait3A_56 : memref<1x1x79x128xi32, #tpu.memory_space<hbm>> -> memref<79x128xi32, #tpu.memory_space<hbm>>
      tpu.wait_dma2 semaphore(%run_scoped3A : memref<!tpu.dma_semaphore, #tpu.memory_space<semaphore_mem>>) src(%dma_wait3A_57 : memref<79x128xi32, #tpu.memory_space<hbm>>) dst(%arg7 : memref<79x128xi32, #tpu.memory_space<vmem>>)
      tpu.yield
    }) : () -> ()
    %barrier3A_28 = arith.constant 0 : index
    tpu.barrier barrier_id(%barrier3A_28)
    %scan3A_29 = arith.constant 0 : i32
    %scan3A_30 = arith.constant 0 : i32
    %scan3A_31 = arith.constant 79 : i32
    %scan3A_32 = arith.addi %scan3A_30, %scan3A_31 : i32
    %scan3A_33 = arith.constant 1 : i32
    scf.for %scan3A_44 = %scan3A_30 to %scan3A_32 step %scan3A_33  : i32 {
      "tpu.region"() ({
        %run_scoped3A = tpu.sem_alloc : memref<!tpu.dma_semaphore, #tpu.memory_space<semaphore_mem>>
        %dma_start3A = arith.constant 0 : i32
        %dma_start3A_45 = tpu.memref_slice %arg7[%scan3A_44, %dma_start3A] : memref<79x128xi32, #tpu.memory_space<vmem>> -> memref<1x128xi32, #tpu.memory_space<vmem>>
        %dma_start3A_46 = tpu.memref_squeeze %dma_start3A_45 : memref<1x128xi32, #tpu.memory_space<vmem>> -> memref<128xi32, #tpu.memory_space<vmem>>
        %dma_start3A_47 = arith.constant 0 : i32
        %dma_start3A_48 = arith.constant 0 : i32
        %dma_start3A_49 = tpu.memref_slice %arg2[%dma_start3A_47, %dma_start3A_48] : memref<40960x128xf32, #tpu.memory_space<hbm>> -> memref<40960x128xf32, #tpu.memory_space<hbm>>
        tpu.enqueue_indirect_dma source(%dma_start3A_49 : memref<40960x128xf32, #tpu.memory_space<hbm>>) target(%arg9 : memref<128x128xf32, #tpu.memory_space<vmem>>) offsets(%dma_start3A_46 : memref<128xi32, #tpu.memory_space<vmem>>) semaphore(%run_scoped3A : memref<!tpu.dma_semaphore, #tpu.memory_space<semaphore_mem>>)
        %dma_wait3A = arith.constant 0 : i32
        %dma_wait3A_50 = tpu.memref_slice %arg7[%scan3A_44, %dma_wait3A] : memref<79x128xi32, #tpu.memory_space<vmem>> -> memref<1x128xi32, #tpu.memory_space<vmem>>
        %dma_wait3A_51 = tpu.memref_squeeze %dma_wait3A_50 : memref<1x128xi32, #tpu.memory_space<vmem>> -> memref<128xi32, #tpu.memory_space<vmem>>
        %dma_wait3A_52 = arith.constant 0 : i32
        %dma_wait3A_53 = arith.constant 0 : i32
        %dma_wait3A_54 = tpu.memref_slice %arg2[%dma_wait3A_52, %dma_wait3A_53] : memref<40960x128xf32, #tpu.memory_space<hbm>> -> memref<40960x128xf32, #tpu.memory_space<hbm>>
        tpu.wait_indirect_dma semaphore(%run_scoped3A : memref<!tpu.dma_semaphore, #tpu.memory_space<semaphore_mem>>) src(%dma_wait3A_54 : memref<40960x128xf32, #tpu.memory_space<hbm>>) dst(%arg9 : memref<128x128xf32, #tpu.memory_space<vmem>>)
        tpu.yield
      }) : () -> ()
      "tpu.region"() ({
        %run_scoped3A = tpu.sem_alloc : memref<!tpu.dma_semaphore, #tpu.memory_space<semaphore_mem>>
        %dma_start3A = arith.constant 0 : i32
        %dma_start3A_45 = tpu.memref_slice %arg8[%scan3A_44, %dma_start3A] : memref<79x128xi32, #tpu.memory_space<vmem>> -> memref<1x128xi32, #tpu.memory_space<vmem>>
        %dma_start3A_46 = tpu.memref_squeeze %dma_start3A_45 : memref<1x128xi32, #tpu.memory_space<vmem>> -> memref<128xi32, #tpu.memory_space<vmem>>
        %dma_start3A_47 = arith.constant 0 : i32
        %dma_start3A_48 = arith.constant 0 : i32
        %dma_start3A_49 = tpu.memref_slice %arg10[%dma_start3A_47, %dma_start3A_48] : memref<10240x128xf32, #tpu.memory_space<vmem_shared>> -> memref<10240x128xf32, #tpu.memory_space<vmem_shared>>
        tpu.enqueue_indirect_dma source(%arg9 : memref<128x128xf32, #tpu.memory_space<vmem>>) target(%dma_start3A_49 : memref<10240x128xf32, #tpu.memory_space<vmem_shared>>) offsets(%dma_start3A_46 : memref<128xi32, #tpu.memory_space<vmem>>) semaphore(%run_scoped3A : memref<!tpu.dma_semaphore, #tpu.memory_space<semaphore_mem>>) {add = true}
        %dma_wait3A = arith.constant 0 : i32
        %dma_wait3A_50 = tpu.memref_slice %arg8[%scan3A_44, %dma_wait3A] : memref<79x128xi32, #tpu.memory_space<vmem>> -> memref<1x128xi32, #tpu.memory_space<vmem>>
        %dma_wait3A_51 = tpu.memref_squeeze %dma_wait3A_50 : memref<1x128xi32, #tpu.memory_space<vmem>> -> memref<128xi32, #tpu.memory_space<vmem>>
        %dma_wait3A_52 = arith.constant 0 : i32
        %dma_wait3A_53 = arith.constant 0 : i32
        %dma_wait3A_54 = tpu.memref_slice %arg10[%dma_wait3A_52, %dma_wait3A_53] : memref<10240x128xf32, #tpu.memory_space<vmem_shared>> -> memref<10240x128xf32, #tpu.memory_space<vmem_shared>>
        tpu.wait_indirect_dma semaphore(%run_scoped3A : memref<!tpu.dma_semaphore, #tpu.memory_space<semaphore_mem>>) src(%arg9 : memref<128x128xf32, #tpu.memory_space<vmem>>) dst(%dma_wait3A_54 : memref<10240x128xf32, #tpu.memory_space<vmem_shared>>)
        tpu.yield
      }) : () -> ()
    }
    %scan3A_34 = arith.constant 79 : i32
    %barrier3A_35 = arith.constant 0 : index
    tpu.barrier barrier_id(%barrier3A_35)
    %mul3A_36 = arith.constant 640 : i32
    %mul3A_37 = arith.muli %arg1, %mul3A_36 : i32
    %mul3A_38 = arith.constant 10240 : i32
    %mul3A_39 = arith.muli %add3A_23, %mul3A_38 : i32
    %mul3A_40 = arith.constant 640 : i32
    %mul3A_41 = arith.muli %arg1, %mul3A_40 : i32
    %add3A_42 = arith.addi %mul3A_39, %mul3A_41 : i32
    "tpu.region"() ({
      %run_scoped3A = tpu.sem_alloc : memref<!tpu.dma_semaphore, #tpu.memory_space<semaphore_mem>>
      %dma_start3A = arith.constant 0 : i32
      %dma_start3A_44 = tpu.memref_slice %arg6[%add3A_42, %dma_start3A] : memref<40960x128xf32, #tpu.memory_space<hbm>> -> memref<640x128xf32, #tpu.memory_space<hbm>>
      %dma_start3A_45 = arith.constant 0 : i32
      %dma_start3A_46 = tpu.memref_slice %arg10[%mul3A_37, %dma_start3A_45] : memref<10240x128xf32, #tpu.memory_space<vmem_shared>> -> memref<640x128xf32, #tpu.memory_space<vmem_shared>>
      tpu.enqueue_dma source(%dma_start3A_46 : memref<640x128xf32, #tpu.memory_space<vmem_shared>>) target(%dma_start3A_44 : memref<640x128xf32, #tpu.memory_space<hbm>>) target_semaphore(%run_scoped3A : memref<!tpu.dma_semaphore, #tpu.memory_space<semaphore_mem>>)
      %dma_wait3A = arith.constant 0 : i32
      %dma_wait3A_47 = tpu.memref_slice %arg6[%add3A_42, %dma_wait3A] : memref<40960x128xf32, #tpu.memory_space<hbm>> -> memref<640x128xf32, #tpu.memory_space<hbm>>
      %dma_wait3A_48 = arith.constant 0 : i32
      %dma_wait3A_49 = tpu.memref_slice %arg10[%mul3A_37, %dma_wait3A_48] : memref<10240x128xf32, #tpu.memory_space<vmem_shared>> -> memref<640x128xf32, #tpu.memory_space<vmem_shared>>
      tpu.wait_dma2 semaphore(%run_scoped3A : memref<!tpu.dma_semaphore, #tpu.memory_space<semaphore_mem>>) src(%dma_wait3A_49 : memref<640x128xf32, #tpu.memory_space<vmem_shared>>) dst(%dma_wait3A_47 : memref<640x128xf32, #tpu.memory_space<hbm>>)
      tpu.yield
    }) : () -> ()
    %barrier3A_43 = arith.constant 0 : index
    tpu.barrier barrier_id(%barrier3A_43)
    return
  }
}

module attributes {stable_mosaic.version = 14 : i64} {
  func.func @body(%arg0: memref<32x2x10240xf32, #tpu.memory_space<vmem>>, %arg1: memref<2x10240xf32, #tpu.memory_space<vmem>>) attributes {dimension_semantics = [], scalar_prefetch = 0 : i64, scratch_operands = 0 : i64, tpu.core_type = #tpu.core_type<tc>} {
    %get3A = arith.constant 0 : index
    %get3A_0 = arith.constant 0 : index
    %get3A_1 = arith.constant 0 : index
    %get3A_2 = vector.load %arg0[%get3A, %get3A_0, %get3A_1] : memref<32x2x10240xf32, #tpu.memory_space<vmem>>, vector<32x2x10240xf32>
    %reshape3A = vector.shape_cast %get3A_2 : vector<32x2x10240xf32> to vector<32x20480xf32>
    %reduce_sum3A = arith.constant dense<0.000000e+00> : vector<20480xf32>
    %reduce_sum3A_3 = vector.multi_reduction <add>, %reshape3A, %reduce_sum3A [0] : vector<32x20480xf32> to vector<20480xf32>
    %max3A = arith.constant 1.000000e+00 : f32
    %max3A_4 = vector.broadcast %max3A : f32 to vector<20480xf32>
    %max3A_5 = arith.maximumf %reduce_sum3A_3, %max3A_4 : vector<20480xf32>
    %rsqrt3A = math.rsqrt %max3A_5 : vector<20480xf32>
    %reshape3A_6 = vector.shape_cast %rsqrt3A : vector<20480xf32> to vector<2x10240xf32>
    %swap3A = arith.constant 0 : index
    %swap3A_7 = arith.constant 0 : index
    %swap3A_8 = vector.load %arg1[%swap3A, %swap3A_7] : memref<2x10240xf32, #tpu.memory_space<vmem>>, vector<2x10240xf32>
    tpu.vector_store %arg1[%swap3A, %swap3A_7], %reshape3A_6 {strides = array<i32>} : memref<2x10240xf32, #tpu.memory_space<vmem>>, vector<2x10240xf32>,
    return
  }
}

module attributes {stable_mosaic.version = 14 : i64} {
  func.func @body(%arg0: i32, %arg1: memref<512x512xf32, #tpu.memory_space<vmem>>, %arg2: memref<512x128xf32, #tpu.memory_space<vmem>>, %arg3: memref<512x512xf32, #tpu.memory_space<vmem>>, %arg4: memref<4x512x128xf32, #tpu.memory_space<vmem>>) attributes {dimension_semantics = [#tpu.dimension_semantics<arbitrary>], iteration_bounds = array<i64: 20>, scalar_prefetch = 0 : i64, scratch_operands = 0 : i64, tpu.core_type = #tpu.core_type<tc>, window_params = [{transform_indices = @transform_0, window_bounds = array<i64: 512, 512>}, {transform_indices = @transform_1, window_bounds = array<i64: 512, 128>}, {pipeline_mode = #tpu.pipeline_mode<synchronous>, transform_indices = @transform_2, window_bounds = array<i64: 512, 512>}, {transform_indices = @transform_3, window_bounds = array<i64: 4, 512, 128>}]} {
    %get3A = arith.constant 0 : index
    %get3A_0 = arith.constant 0 : index
    %get3A_1 = vector.load %arg1[%get3A, %get3A_0] : memref<512x512xf32, #tpu.memory_space<vmem>>, vector<512x512xf32>
    %get3A_2 = arith.constant 0 : index
    %get3A_3 = arith.constant 0 : index
    %get3A_4 = vector.load %arg2[%get3A_2, %get3A_3] : memref<512x128xf32, #tpu.memory_space<vmem>>, vector<512x1xf32>
    %mul3A = vector.broadcast %get3A_4 : vector<512x1xf32> to vector<512x512xf32>
    %mul3A_5 = arith.mulf %get3A_1, %mul3A : vector<512x512xf32>
    %get3A_6 = arith.constant 0 : index
    %get3A_7 = arith.constant 0 : index
    %get3A_8 = vector.load %arg3[%get3A_6, %get3A_7] : memref<512x512xf32, #tpu.memory_space<vmem>>, vector<512x512xf32>
    %dot_general3A = arith.constant dense<0.000000e+00> : vector<512x512xf32>
    %dot_general3A_9 = tpu.matmul %mul3A_5, %get3A_8, %dot_general3A {dimension_numbers = #tpu.dot_dimension_numbers<[1], [0], [0], [1], [0, 0, 1, 1], [], []>, transpose_lhs_hint = false} : vector<512x512xf32>, vector<512x512xf32>, vector<512x512xf32> -> vector<512x512xf32>
    %slice3A = vector.extract_strided_slice %dot_general3A_9 {offsets = [0, 0], sizes = [512, 128], strides = [1, 1]} : vector<512x512xf32> to vector<512x128xf32>
    %swap3A = arith.constant 0 : index
    %swap3A_10 = arith.constant 0 : index
    %swap3A_11 = arith.constant 0 : index
    %swap3A_12 = vector.load %arg4[%swap3A, %swap3A_10, %swap3A_11] : memref<4x512x128xf32, #tpu.memory_space<vmem>>, vector<1x512x128xf32>
    %swap3A_13 = vector.shape_cast %swap3A_12 : vector<1x512x128xf32> to vector<512x128xf32>
    %swap3A_14 = vector.shape_cast %slice3A : vector<512x128xf32> to vector<1x512x128xf32>
    tpu.vector_store %arg4[%swap3A, %swap3A_10, %swap3A_11], %swap3A_14 {strides = array<i32>} : memref<4x512x128xf32, #tpu.memory_space<vmem>>, vector<1x512x128xf32>,
    %slice3A_15 = vector.extract_strided_slice %dot_general3A_9 {offsets = [0, 128], sizes = [512, 128], strides = [1, 1]} : vector<512x512xf32> to vector<512x128xf32>
    %swap3A_16 = arith.constant 1 : index
    %swap3A_17 = arith.constant 0 : index
    %swap3A_18 = arith.constant 0 : index
    %swap3A_19 = vector.load %arg4[%swap3A_16, %swap3A_17, %swap3A_18] : memref<4x512x128xf32, #tpu.memory_space<vmem>>, vector<1x512x128xf32>
    %swap3A_20 = vector.shape_cast %swap3A_19 : vector<1x512x128xf32> to vector<512x128xf32>
    %swap3A_21 = vector.shape_cast %slice3A_15 : vector<512x128xf32> to vector<1x512x128xf32>
    tpu.vector_store %arg4[%swap3A_16, %swap3A_17, %swap3A_18], %swap3A_21 {strides = array<i32>} : memref<4x512x128xf32, #tpu.memory_space<vmem>>, vector<1x512x128xf32>,
    %slice3A_22 = vector.extract_strided_slice %dot_general3A_9 {offsets = [0, 256], sizes = [512, 128], strides = [1, 1]} : vector<512x512xf32> to vector<512x128xf32>
    %swap3A_23 = arith.constant 2 : index
    %swap3A_24 = arith.constant 0 : index
    %swap3A_25 = arith.constant 0 : index
    %swap3A_26 = vector.load %arg4[%swap3A_23, %swap3A_24, %swap3A_25] : memref<4x512x128xf32, #tpu.memory_space<vmem>>, vector<1x512x128xf32>
    %swap3A_27 = vector.shape_cast %swap3A_26 : vector<1x512x128xf32> to vector<512x128xf32>
    %swap3A_28 = vector.shape_cast %slice3A_22 : vector<512x128xf32> to vector<1x512x128xf32>
    tpu.vector_store %arg4[%swap3A_23, %swap3A_24, %swap3A_25], %swap3A_28 {strides = array<i32>} : memref<4x512x128xf32, #tpu.memory_space<vmem>>, vector<1x512x128xf32>,
    %slice3A_29 = vector.extract_strided_slice %dot_general3A_9 {offsets = [0, 384], sizes = [512, 128], strides = [1, 1]} : vector<512x512xf32> to vector<512x128xf32>
    %swap3A_30 = arith.constant 3 : index
    %swap3A_31 = arith.constant 0 : index
    %swap3A_32 = arith.constant 0 : index
    %swap3A_33 = vector.load %arg4[%swap3A_30, %swap3A_31, %swap3A_32] : memref<4x512x128xf32, #tpu.memory_space<vmem>>, vector<1x512x128xf32>
    %swap3A_34 = vector.shape_cast %swap3A_33 : vector<1x512x128xf32> to vector<512x128xf32>
    %swap3A_35 = vector.shape_cast %slice3A_29 : vector<512x128xf32> to vector<1x512x128xf32>
    tpu.vector_store %arg4[%swap3A_30, %swap3A_31, %swap3A_32], %swap3A_35 {strides = array<i32>} : memref<4x512x128xf32, #tpu.memory_space<vmem>>, vector<1x512x128xf32>,
    return
  }
  func.func @transform_0(%arg0: i32) -> (i32, i32) {
    %c0_i32 = arith.constant 0 : i32
    %c0_i32_0 = arith.constant 0 : i32
    return %arg0, %c0_i32 : i32, i32
  }
  func.func @transform_1(%arg0: i32) -> (i32, i32) {
    %c0_i32 = arith.constant 0 : i32
    %c0_i32_0 = arith.constant 0 : i32
    return %arg0, %c0_i32 : i32, i32
  }
  func.func @transform_2(%arg0: i32) -> (i32, i32) {
    %c0_i32 = arith.constant 0 : i32
    %c0_i32_0 = arith.constant 0 : i32
    %c0_i32_1 = arith.constant 0 : i32
    return %c0_i32, %c0_i32_0 : i32, i32
  }
  func.func @transform_3(%arg0: i32) -> (i32, i32, i32) {
    %c0_i32 = arith.constant 0 : i32
    %c0_i32_0 = arith.constant 0 : i32
    %c0_i32_1 = arith.constant 0 : i32
    return %c0_i32, %arg0, %c0_i32_0 : i32, i32, i32
  }
}

module attributes {stable_mosaic.version = 14 : i64} {
  func.func @body(%arg0: i32, %arg1: memref<4x512x128xf32, #tpu.memory_space<vmem>>, %arg2: memref<512x128xf32, #tpu.memory_space<vmem>>, %arg3: memref<1x512xf32, #tpu.memory_space<vmem>>, %arg4: memref<1x512xf32, #tpu.memory_space<vmem>>, %arg5: memref<1x512xf32, #tpu.memory_space<vmem>>, %arg6: memref<512x128xf32, #tpu.memory_space<vmem>>, %arg7: memref<512x512xf32, #tpu.memory_space<vmem>>, %arg8: memref<4x512x128xf32, #tpu.memory_space<vmem>>) attributes {dimension_semantics = [#tpu.dimension_semantics<arbitrary>], iteration_bounds = array<i64: 20>, scalar_prefetch = 0 : i64, scratch_operands = 0 : i64, tpu.core_type = #tpu.core_type<tc>, window_params = [{transform_indices = @transform_0, window_bounds = array<i64: 4, 512, 128>}, {transform_indices = @transform_1, window_bounds = array<i64: 512, 128>}, {pipeline_mode = #tpu.pipeline_mode<synchronous>, transform_indices = @transform_2, window_bounds = array<i64: 1, 512>}, {pipeline_mode = #tpu.pipeline_mode<synchronous>, transform_indices = @transform_3, window_bounds = array<i64: 1, 512>}, {pipeline_mode = #tpu.pipeline_mode<synchronous>, transform_indices = @transform_4, window_bounds = array<i64: 1, 512>}, {transform_indices = @transform_5, window_bounds = array<i64: 512, 128>}, {pipeline_mode = #tpu.pipeline_mode<synchronous>, transform_indices = @transform_6, window_bounds = array<i64: 512, 512>}, {transform_indices = @transform_7, window_bounds = array<i64: 4, 512, 128>}]} {
    %get3A = arith.constant 0 : index
    %get3A_0 = arith.constant 0 : index
    %get3A_1 = arith.constant 0 : index
    %get3A_2 = vector.load %arg1[%get3A, %get3A_0, %get3A_1] : memref<4x512x128xf32, #tpu.memory_space<vmem>>, vector<1x512x128xf32>
    %get3A_3 = vector.shape_cast %get3A_2 : vector<1x512x128xf32> to vector<512x128xf32>
    %get3A_4 = arith.constant 1 : index
    %get3A_5 = arith.constant 0 : index
    %get3A_6 = arith.constant 0 : index
    %get3A_7 = vector.load %arg1[%get3A_4, %get3A_5, %get3A_6] : memref<4x512x128xf32, #tpu.memory_space<vmem>>, vector<1x512x128xf32>
    %get3A_8 = vector.shape_cast %get3A_7 : vector<1x512x128xf32> to vector<512x128xf32>
    %get3A_9 = arith.constant 2 : index
    %get3A_10 = arith.constant 0 : index
    %get3A_11 = arith.constant 0 : index
    %get3A_12 = vector.load %arg1[%get3A_9, %get3A_10, %get3A_11] : memref<4x512x128xf32, #tpu.memory_space<vmem>>, vector<1x512x128xf32>
    %get3A_13 = vector.shape_cast %get3A_12 : vector<1x512x128xf32> to vector<512x128xf32>
    %get3A_14 = arith.constant 3 : index
    %get3A_15 = arith.constant 0 : index
    %get3A_16 = arith.constant 0 : index
    %get3A_17 = vector.load %arg1[%get3A_14, %get3A_15, %get3A_16] : memref<4x512x128xf32, #tpu.memory_space<vmem>>, vector<1x512x128xf32>
    %get3A_18 = vector.shape_cast %get3A_17 : vector<1x512x128xf32> to vector<512x128xf32>
    %concatenate3A = tpu.concatenate %get3A_3, %get3A_8, %get3A_13, %get3A_18 in 1 : vector<512x128xf32>, vector<512x128xf32>, vector<512x128xf32>, vector<512x128xf32> -> vector<512x512xf32>
    %get3A_19 = arith.constant 0 : index
    %get3A_20 = arith.constant 0 : index
    %get3A_21 = vector.load %arg2[%get3A_19, %get3A_20] : memref<512x128xf32, #tpu.memory_space<vmem>>, vector<512x1xf32>
    %mul3A = vector.broadcast %get3A_21 : vector<512x1xf32> to vector<512x512xf32>
    %mul3A_22 = arith.mulf %concatenate3A, %mul3A : vector<512x512xf32>
    %get3A_23 = arith.constant 0 : index
    %get3A_24 = arith.constant 0 : index
    %get3A_25 = vector.load %arg3[%get3A_23, %get3A_24] : memref<1x512xf32, #tpu.memory_space<vmem>>, vector<1x512xf32>
    %add3A = vector.broadcast %get3A_25 : vector<1x512xf32> to vector<512x512xf32>
    %add3A_26 = arith.addf %mul3A_22, %add3A : vector<512x512xf32>
    %reduce_sum3A = arith.constant dense<0.000000e+00> : vector<512xf32>
    %reduce_sum3A_27 = vector.multi_reduction <add>, %add3A_26, %reduce_sum3A [1] : vector<512x512xf32> to vector<512xf32>
    %broadcast_in_dim3A = vector.shape_cast %reduce_sum3A_27 : vector<512xf32> to vector<512x1xf32>
    %div3A = arith.constant 5.120000e+02 : f32
    %div3A_28 = vector.broadcast %div3A : f32 to vector<512x1xf32>
    %div3A_29 = arith.divf %broadcast_in_dim3A, %div3A_28 : vector<512x1xf32>
    %sub3A = vector.broadcast %div3A_29 : vector<512x1xf32> to vector<512x512xf32>
    %sub3A_30 = arith.subf %add3A_26, %sub3A : vector<512x512xf32>
    %mul3A_31 = arith.mulf %sub3A_30, %sub3A_30 : vector<512x512xf32>
    %reduce_sum3A_32 = arith.constant dense<0.000000e+00> : vector<512xf32>
    %reduce_sum3A_33 = vector.multi_reduction <add>, %mul3A_31, %reduce_sum3A_32 [1] : vector<512x512xf32> to vector<512xf32>
    %broadcast_in_dim3A_34 = vector.shape_cast %reduce_sum3A_33 : vector<512xf32> to vector<512x1xf32>
    %div3A_35 = arith.constant 5.120000e+02 : f32
    %div3A_36 = vector.broadcast %div3A_35 : f32 to vector<512x1xf32>
    %div3A_37 = arith.divf %broadcast_in_dim3A_34, %div3A_36 : vector<512x1xf32>
    %add3A_38 = arith.constant 9.99999974E-6 : f32
    %add3A_39 = vector.broadcast %add3A_38 : f32 to vector<512x1xf32>
    %add3A_40 = arith.addf %div3A_37, %add3A_39 : vector<512x1xf32>
    %rsqrt3A = math.rsqrt %add3A_40 : vector<512x1xf32>
    %mul3A_41 = vector.broadcast %rsqrt3A : vector<512x1xf32> to vector<512x512xf32>
    %mul3A_42 = arith.mulf %sub3A_30, %mul3A_41 : vector<512x512xf32>
    %get3A_43 = arith.constant 0 : index
    %get3A_44 = arith.constant 0 : index
    %get3A_45 = vector.load %arg4[%get3A_43, %get3A_44] : memref<1x512xf32, #tpu.memory_space<vmem>>, vector<1x512xf32>
    %mul3A_46 = vector.broadcast %get3A_45 : vector<1x512xf32> to vector<512x512xf32>
    %mul3A_47 = arith.mulf %mul3A_42, %mul3A_46 : vector<512x512xf32>
    %get3A_48 = arith.constant 0 : index
    %get3A_49 = arith.constant 0 : index
    %get3A_50 = vector.load %arg5[%get3A_48, %get3A_49] : memref<1x512xf32, #tpu.memory_space<vmem>>, vector<1x512xf32>
    %add3A_51 = vector.broadcast %get3A_50 : vector<1x512xf32> to vector<512x512xf32>
    %add3A_52 = arith.addf %mul3A_47, %add3A_51 : vector<512x512xf32>
    %mul3A_53 = arith.constant 5.000000e-01 : f32
    %mul3A_54 = vector.broadcast %mul3A_53 : f32 to vector<512x512xf32>
    %mul3A_55 = arith.mulf %mul3A_54, %add3A_52 : vector<512x512xf32>
    %mul3A_56 = arith.constant 0.707106769 : f32
    %mul3A_57 = vector.broadcast %mul3A_56 : f32 to vector<512x512xf32>
    %mul3A_58 = arith.mulf %add3A_52, %mul3A_57 : vector<512x512xf32>
    %erf3A = math.erf %mul3A_58 : vector<512x512xf32>
    %add3A_59 = arith.constant 1.000000e+00 : f32
    %add3A_60 = vector.broadcast %add3A_59 : f32 to vector<512x512xf32>
    %add3A_61 = arith.addf %add3A_60, %erf3A : vector<512x512xf32>
    %mul3A_62 = arith.mulf %mul3A_55, %add3A_61 : vector<512x512xf32>
    %get3A_63 = arith.constant 0 : index
    %get3A_64 = arith.constant 0 : index
    %get3A_65 = vector.load %arg6[%get3A_63, %get3A_64] : memref<512x128xf32, #tpu.memory_space<vmem>>, vector<512x1xf32>
    %mul3A_66 = vector.broadcast %get3A_65 : vector<512x1xf32> to vector<512x512xf32>
    %mul3A_67 = arith.mulf %mul3A_62, %mul3A_66 : vector<512x512xf32>
    %get3A_68 = arith.constant 0 : index
    %get3A_69 = arith.constant 0 : index
    %get3A_70 = vector.load %arg7[%get3A_68, %get3A_69] : memref<512x512xf32, #tpu.memory_space<vmem>>, vector<512x512xf32>
    %dot_general3A = arith.constant dense<0.000000e+00> : vector<512x512xf32>
    %dot_general3A_71 = tpu.matmul %mul3A_67, %get3A_70, %dot_general3A {dimension_numbers = #tpu.dot_dimension_numbers<[1], [0], [0], [1], [0, 0, 1, 1], [], []>, transpose_lhs_hint = false} : vector<512x512xf32>, vector<512x512xf32>, vector<512x512xf32> -> vector<512x512xf32>
    %slice3A = vector.extract_strided_slice %dot_general3A_71 {offsets = [0, 0], sizes = [512, 128], strides = [1, 1]} : vector<512x512xf32> to vector<512x128xf32>
    %swap3A = arith.constant 0 : index
    %swap3A_72 = arith.constant 0 : index
    %swap3A_73 = arith.constant 0 : index
    %swap3A_74 = vector.load %arg8[%swap3A, %swap3A_72, %swap3A_73] : memref<4x512x128xf32, #tpu.memory_space<vmem>>, vector<1x512x128xf32>
    %swap3A_75 = vector.shape_cast %swap3A_74 : vector<1x512x128xf32> to vector<512x128xf32>
    %swap3A_76 = vector.shape_cast %slice3A : vector<512x128xf32> to vector<1x512x128xf32>
    tpu.vector_store %arg8[%swap3A, %swap3A_72, %swap3A_73], %swap3A_76 {strides = array<i32>} : memref<4x512x128xf32, #tpu.memory_space<vmem>>, vector<1x512x128xf32>,
    %slice3A_77 = vector.extract_strided_slice %dot_general3A_71 {offsets = [0, 128], sizes = [512, 128], strides = [1, 1]} : vector<512x512xf32> to vector<512x128xf32>
    %swap3A_78 = arith.constant 1 : index
    %swap3A_79 = arith.constant 0 : index
    %swap3A_80 = arith.constant 0 : index
    %swap3A_81 = vector.load %arg8[%swap3A_78, %swap3A_79, %swap3A_80] : memref<4x512x128xf32, #tpu.memory_space<vmem>>, vector<1x512x128xf32>
    %swap3A_82 = vector.shape_cast %swap3A_81 : vector<1x512x128xf32> to vector<512x128xf32>
    %swap3A_83 = vector.shape_cast %slice3A_77 : vector<512x128xf32> to vector<1x512x128xf32>
    tpu.vector_store %arg8[%swap3A_78, %swap3A_79, %swap3A_80], %swap3A_83 {strides = array<i32>} : memref<4x512x128xf32, #tpu.memory_space<vmem>>, vector<1x512x128xf32>,
    %slice3A_84 = vector.extract_strided_slice %dot_general3A_71 {offsets = [0, 256], sizes = [512, 128], strides = [1, 1]} : vector<512x512xf32> to vector<512x128xf32>
    %swap3A_85 = arith.constant 2 : index
    %swap3A_86 = arith.constant 0 : index
    %swap3A_87 = arith.constant 0 : index
    %swap3A_88 = vector.load %arg8[%swap3A_85, %swap3A_86, %swap3A_87] : memref<4x512x128xf32, #tpu.memory_space<vmem>>, vector<1x512x128xf32>
    %swap3A_89 = vector.shape_cast %swap3A_88 : vector<1x512x128xf32> to vector<512x128xf32>
    %swap3A_90 = vector.shape_cast %slice3A_84 : vector<512x128xf32> to vector<1x512x128xf32>
    tpu.vector_store %arg8[%swap3A_85, %swap3A_86, %swap3A_87], %swap3A_90 {strides = array<i32>} : memref<4x512x128xf32, #tpu.memory_space<vmem>>, vector<1x512x128xf32>,
    %slice3A_91 = vector.extract_strided_slice %dot_general3A_71 {offsets = [0, 384], sizes = [512, 128], strides = [1, 1]} : vector<512x512xf32> to vector<512x128xf32>
    %swap3A_92 = arith.constant 3 : index
    %swap3A_93 = arith.constant 0 : index
    %swap3A_94 = arith.constant 0 : index
    %swap3A_95 = vector.load %arg8[%swap3A_92, %swap3A_93, %swap3A_94] : memref<4x512x128xf32, #tpu.memory_space<vmem>>, vector<1x512x128xf32>
    %swap3A_96 = vector.shape_cast %swap3A_95 : vector<1x512x128xf32> to vector<512x128xf32>
    %swap3A_97 = vector.shape_cast %slice3A_91 : vector<512x128xf32> to vector<1x512x128xf32>
    tpu.vector_store %arg8[%swap3A_92, %swap3A_93, %swap3A_94], %swap3A_97 {strides = array<i32>} : memref<4x512x128xf32, #tpu.memory_space<vmem>>, vector<1x512x128xf32>,
    return
  }
  func.func @transform_0(%arg0: i32) -> (i32, i32, i32) {
    %c0_i32 = arith.constant 0 : i32
    %c0_i32_0 = arith.constant 0 : i32
    %c0_i32_1 = arith.constant 0 : i32
    return %c0_i32, %arg0, %c0_i32_0 : i32, i32, i32
  }
  func.func @transform_1(%arg0: i32) -> (i32, i32) {
    %c0_i32 = arith.constant 0 : i32
    %c0_i32_0 = arith.constant 0 : i32
    return %arg0, %c0_i32 : i32, i32
  }
  func.func @transform_2(%arg0: i32) -> (i32, i32) {
    %c0_i32 = arith.constant 0 : i32
    %c0_i32_0 = arith.constant 0 : i32
    %c0_i32_1 = arith.constant 0 : i32
    return %c0_i32, %c0_i32_0 : i32, i32
  }
  func.func @transform_3(%arg0: i32) -> (i32, i32) {
    %c0_i32 = arith.constant 0 : i32
    %c0_i32_0 = arith.constant 0 : i32
    %c0_i32_1 = arith.constant 0 : i32
    return %c0_i32, %c0_i32_0 : i32, i32
  }
  func.func @transform_4(%arg0: i32) -> (i32, i32) {
    %c0_i32 = arith.constant 0 : i32
    %c0_i32_0 = arith.constant 0 : i32
    %c0_i32_1 = arith.constant 0 : i32
    return %c0_i32, %c0_i32_0 : i32, i32
  }
  func.func @transform_5(%arg0: i32) -> (i32, i32) {
    %c0_i32 = arith.constant 0 : i32
    %c0_i32_0 = arith.constant 0 : i32
    return %arg0, %c0_i32 : i32, i32
  }
  func.func @transform_6(%arg0: i32) -> (i32, i32) {
    %c0_i32 = arith.constant 0 : i32
    %c0_i32_0 = arith.constant 0 : i32
    %c0_i32_1 = arith.constant 0 : i32
    return %c0_i32, %c0_i32_0 : i32, i32
  }
  func.func @transform_7(%arg0: i32) -> (i32, i32, i32) {
    %c0_i32 = arith.constant 0 : i32
    %c0_i32_0 = arith.constant 0 : i32
    %c0_i32_1 = arith.constant 0 : i32
    return %c0_i32, %arg0, %c0_i32_0 : i32, i32, i32
  }
}

module attributes {stable_mosaic.version = 14 : i64} {
  func.func @body(%arg0: i32, %arg1: memref<4x512x128xf32, #tpu.memory_space<vmem>>, %arg2: memref<512x128xf32, #tpu.memory_space<vmem>>, %arg3: memref<1x512xf32, #tpu.memory_space<vmem>>, %arg4: memref<1x512xf32, #tpu.memory_space<vmem>>, %arg5: memref<1x512xf32, #tpu.memory_space<vmem>>, %arg6: memref<512x512xf32, #tpu.memory_space<vmem>>) attributes {dimension_semantics = [#tpu.dimension_semantics<arbitrary>], iteration_bounds = array<i64: 20>, scalar_prefetch = 0 : i64, scratch_operands = 0 : i64, tpu.core_type = #tpu.core_type<tc>, window_params = [{transform_indices = @transform_0, window_bounds = array<i64: 4, 512, 128>}, {transform_indices = @transform_1, window_bounds = array<i64: 512, 128>}, {pipeline_mode = #tpu.pipeline_mode<synchronous>, transform_indices = @transform_2, window_bounds = array<i64: 1, 512>}, {pipeline_mode = #tpu.pipeline_mode<synchronous>, transform_indices = @transform_3, window_bounds = array<i64: 1, 512>}, {pipeline_mode = #tpu.pipeline_mode<synchronous>, transform_indices = @transform_4, window_bounds = array<i64: 1, 512>}, {transform_indices = @transform_5, window_bounds = array<i64: 512, 512>}]} {
    %get3A = arith.constant 0 : index
    %get3A_0 = arith.constant 0 : index
    %get3A_1 = arith.constant 0 : index
    %get3A_2 = vector.load %arg1[%get3A, %get3A_0, %get3A_1] : memref<4x512x128xf32, #tpu.memory_space<vmem>>, vector<1x512x128xf32>
    %get3A_3 = vector.shape_cast %get3A_2 : vector<1x512x128xf32> to vector<512x128xf32>
    %get3A_4 = arith.constant 1 : index
    %get3A_5 = arith.constant 0 : index
    %get3A_6 = arith.constant 0 : index
    %get3A_7 = vector.load %arg1[%get3A_4, %get3A_5, %get3A_6] : memref<4x512x128xf32, #tpu.memory_space<vmem>>, vector<1x512x128xf32>
    %get3A_8 = vector.shape_cast %get3A_7 : vector<1x512x128xf32> to vector<512x128xf32>
    %get3A_9 = arith.constant 2 : index
    %get3A_10 = arith.constant 0 : index
    %get3A_11 = arith.constant 0 : index
    %get3A_12 = vector.load %arg1[%get3A_9, %get3A_10, %get3A_11] : memref<4x512x128xf32, #tpu.memory_space<vmem>>, vector<1x512x128xf32>
    %get3A_13 = vector.shape_cast %get3A_12 : vector<1x512x128xf32> to vector<512x128xf32>
    %get3A_14 = arith.constant 3 : index
    %get3A_15 = arith.constant 0 : index
    %get3A_16 = arith.constant 0 : index
    %get3A_17 = vector.load %arg1[%get3A_14, %get3A_15, %get3A_16] : memref<4x512x128xf32, #tpu.memory_space<vmem>>, vector<1x512x128xf32>
    %get3A_18 = vector.shape_cast %get3A_17 : vector<1x512x128xf32> to vector<512x128xf32>
    %concatenate3A = tpu.concatenate %get3A_3, %get3A_8, %get3A_13, %get3A_18 in 1 : vector<512x128xf32>, vector<512x128xf32>, vector<512x128xf32>, vector<512x128xf32> -> vector<512x512xf32>
    %get3A_19 = arith.constant 0 : index
    %get3A_20 = arith.constant 0 : index
    %get3A_21 = vector.load %arg2[%get3A_19, %get3A_20] : memref<512x128xf32, #tpu.memory_space<vmem>>, vector<512x1xf32>
    %mul3A = vector.broadcast %get3A_21 : vector<512x1xf32> to vector<512x512xf32>
    %mul3A_22 = arith.mulf %concatenate3A, %mul3A : vector<512x512xf32>
    %get3A_23 = arith.constant 0 : index
    %get3A_24 = arith.constant 0 : index
    %get3A_25 = vector.load %arg3[%get3A_23, %get3A_24] : memref<1x512xf32, #tpu.memory_space<vmem>>, vector<1x512xf32>
    %add3A = vector.broadcast %get3A_25 : vector<1x512xf32> to vector<512x512xf32>
    %add3A_26 = arith.addf %mul3A_22, %add3A : vector<512x512xf32>
    %reduce_sum3A = arith.constant dense<0.000000e+00> : vector<512xf32>
    %reduce_sum3A_27 = vector.multi_reduction <add>, %add3A_26, %reduce_sum3A [1] : vector<512x512xf32> to vector<512xf32>
    %broadcast_in_dim3A = vector.shape_cast %reduce_sum3A_27 : vector<512xf32> to vector<512x1xf32>
    %div3A = arith.constant 5.120000e+02 : f32
    %div3A_28 = vector.broadcast %div3A : f32 to vector<512x1xf32>
    %div3A_29 = arith.divf %broadcast_in_dim3A, %div3A_28 : vector<512x1xf32>
    %sub3A = vector.broadcast %div3A_29 : vector<512x1xf32> to vector<512x512xf32>
    %sub3A_30 = arith.subf %add3A_26, %sub3A : vector<512x512xf32>
    %mul3A_31 = arith.mulf %sub3A_30, %sub3A_30 : vector<512x512xf32>
    %reduce_sum3A_32 = arith.constant dense<0.000000e+00> : vector<512xf32>
    %reduce_sum3A_33 = vector.multi_reduction <add>, %mul3A_31, %reduce_sum3A_32 [1] : vector<512x512xf32> to vector<512xf32>
    %broadcast_in_dim3A_34 = vector.shape_cast %reduce_sum3A_33 : vector<512xf32> to vector<512x1xf32>
    %div3A_35 = arith.constant 5.120000e+02 : f32
    %div3A_36 = vector.broadcast %div3A_35 : f32 to vector<512x1xf32>
    %div3A_37 = arith.divf %broadcast_in_dim3A_34, %div3A_36 : vector<512x1xf32>
    %add3A_38 = arith.constant 9.99999974E-6 : f32
    %add3A_39 = vector.broadcast %add3A_38 : f32 to vector<512x1xf32>
    %add3A_40 = arith.addf %div3A_37, %add3A_39 : vector<512x1xf32>
    %rsqrt3A = math.rsqrt %add3A_40 : vector<512x1xf32>
    %mul3A_41 = vector.broadcast %rsqrt3A : vector<512x1xf32> to vector<512x512xf32>
    %mul3A_42 = arith.mulf %sub3A_30, %mul3A_41 : vector<512x512xf32>
    %get3A_43 = arith.constant 0 : index
    %get3A_44 = arith.constant 0 : index
    %get3A_45 = vector.load %arg4[%get3A_43, %get3A_44] : memref<1x512xf32, #tpu.memory_space<vmem>>, vector<1x512xf32>
    %mul3A_46 = vector.broadcast %get3A_45 : vector<1x512xf32> to vector<512x512xf32>
    %mul3A_47 = arith.mulf %mul3A_42, %mul3A_46 : vector<512x512xf32>
    %get3A_48 = arith.constant 0 : index
    %get3A_49 = arith.constant 0 : index
    %get3A_50 = vector.load %arg5[%get3A_48, %get3A_49] : memref<1x512xf32, #tpu.memory_space<vmem>>, vector<1x512xf32>
    %add3A_51 = vector.broadcast %get3A_50 : vector<1x512xf32> to vector<512x512xf32>
    %add3A_52 = arith.addf %mul3A_47, %add3A_51 : vector<512x512xf32>
    %mul3A_53 = arith.constant 5.000000e-01 : f32
    %mul3A_54 = vector.broadcast %mul3A_53 : f32 to vector<512x512xf32>
    %mul3A_55 = arith.mulf %mul3A_54, %add3A_52 : vector<512x512xf32>
    %mul3A_56 = arith.constant 0.707106769 : f32
    %mul3A_57 = vector.broadcast %mul3A_56 : f32 to vector<512x512xf32>
    %mul3A_58 = arith.mulf %add3A_52, %mul3A_57 : vector<512x512xf32>
    %erf3A = math.erf %mul3A_58 : vector<512x512xf32>
    %add3A_59 = arith.constant 1.000000e+00 : f32
    %add3A_60 = vector.broadcast %add3A_59 : f32 to vector<512x512xf32>
    %add3A_61 = arith.addf %add3A_60, %erf3A : vector<512x512xf32>
    %mul3A_62 = arith.mulf %mul3A_55, %add3A_61 : vector<512x512xf32>
    %swap3A = arith.constant 0 : index
    %swap3A_63 = arith.constant 0 : index
    %swap3A_64 = vector.load %arg6[%swap3A, %swap3A_63] : memref<512x512xf32, #tpu.memory_space<vmem>>, vector<512x512xf32>
    tpu.vector_store %arg6[%swap3A, %swap3A_63], %mul3A_62 {strides = array<i32>} : memref<512x512xf32, #tpu.memory_space<vmem>>, vector<512x512xf32>,
    return
  }
  func.func @transform_0(%arg0: i32) -> (i32, i32, i32) {
    %c0_i32 = arith.constant 0 : i32
    %c0_i32_0 = arith.constant 0 : i32
    %c0_i32_1 = arith.constant 0 : i32
    return %c0_i32, %arg0, %c0_i32_0 : i32, i32, i32
  }
  func.func @transform_1(%arg0: i32) -> (i32, i32) {
    %c0_i32 = arith.constant 0 : i32
    %c0_i32_0 = arith.constant 0 : i32
    return %arg0, %c0_i32 : i32, i32
  }
  func.func @transform_2(%arg0: i32) -> (i32, i32) {
    %c0_i32 = arith.constant 0 : i32
    %c0_i32_0 = arith.constant 0 : i32
    %c0_i32_1 = arith.constant 0 : i32
    return %c0_i32, %c0_i32_0 : i32, i32
  }
  func.func @transform_3(%arg0: i32) -> (i32, i32) {
    %c0_i32 = arith.constant 0 : i32
    %c0_i32_0 = arith.constant 0 : i32
    %c0_i32_1 = arith.constant 0 : i32
    return %c0_i32, %c0_i32_0 : i32, i32
  }
  func.func @transform_4(%arg0: i32) -> (i32, i32) {
    %c0_i32 = arith.constant 0 : i32
    %c0_i32_0 = arith.constant 0 : i32
    %c0_i32_1 = arith.constant 0 : i32
    return %c0_i32, %c0_i32_0 : i32, i32
  }
  func.func @transform_5(%arg0: i32) -> (i32, i32) {
    %c0_i32 = arith.constant 0 : i32
    %c0_i32_0 = arith.constant 0 : i32
    return %arg0, %c0_i32 : i32, i32
  }
}

</mosaic_0001>

<sc_bundles>
// kernel: kernel.21.cloned.1.call-start
scs
__scs_entry_jumppad:
0x0: {  	(pc) =	sbr.rel $0x88, $3  }
0x1: {  	(tag) =	ssettag $0x0;
	lr =	simm.s32 $0x1  }
0x2: {  	[smem:$0x3F9B] =	sst lr;
	_ =	strace $0xD0000000  }
0x3: {  	_ = 	snop  }
0x4: {  	_ = 	snop  }
0x5: {  	_ = 	snop  }
0x6: {  	_ = 	snop  }
0x7: {  	_ = 	snop  }
__scs_overlays_trampoline_lowered:
0x8: {  	[smem:$0x3FAA] =	sst s0  }
0x9: {  	[smem:$0x3FAB] =	sst s1  }
0xa: {  	[smem:$0x3FAC] =	sst s2  }
0xb: {  	[smem:$0x3FAD] =	sst s3  }
0xc: {  	[smem:$0x3FAE] =	sst s4  }
0xd: {  	[smem:$0x3FAF] =	sst s5  }
0xe: {  	[smem:$0x3FB0] =	sst s6  }
0xf: {  	[smem:$0x3FB1] =	sst s7  }
0x10: {  	[smem:$0x3FB2] =	sst s8  }
0x11: {  	[smem:$0x3FB3] =	sst s9;
	s0 =	simm.s32 @!p0 $0x0  }
0x12: {  	s1 =	sld [smem:$0x3F99];
	s0 =	simm.s32 @p0 $0x1  }
0x13: {  	[smem:$0x3FB4] =	sst s0;
	s0 =	simm.s32 @!p1 $0x0  }
0x14: {  	s2 =	sld [smem:$0x3F98];
	s0 =	simm.s32 @p1 $0x1  }
0x15: {  	[smem:$0x3FB5] =	sst s0;
	s0 =	simm.s32 @!p2 $0x0  }
0x16: {  	s3 =	sld [smem:$0x3FDB];
	s0 =	simm.s32 @p2 $0x1  }
0x17: {  	s4 =	simm.s32 $0x1BF5;
	[smem:$0x3FB7] =	sst s0  }
0x18: {  	s0 =	sld [smem:$0x3F9A];
	_ =	swait.ge [sflag:s4], $0x0  }
0x19: {  	s7 =	sld [smem:$0x3F9B]  }
0x1a: {  	s8 =	sadd.s32 $0xFFFFE003, lr  }
0x1b: {  	s9 =	sadd.s32 $0xFFFFFEF7, lr;
	s5 =	simm.s32 $0xFFFFFFFF;
	p2 =	slt.u32 s8, $0xFFFFF086  }
0x1c: {  	p1 =	slt.u32 s9, $0xF7A;
	s5 =	simm.s32 @!p2 $0x0  }
0x1d: {  	s5 =	simm.s32 @p1 $0x1;
	p0 =	seq.s32 s7, s2  }
0x1e: {  	s7 =	smul.u32 @!p0 $0xF7A, s2;
	p2 =	seq.s32 @!p0 s5, $0x0  }
0x1f: {  	s9 =	smul.u32 $0xF7A, s1;
	s8 =	simm.s32 @!p0 $0x1BF5;
	p2 =	por !p2, p0  }
0x20: {  	[sflag:s8] =	ssyncset.s32 @!p0 $0xFFFFF086;
	s6 =	sadd.s32 @!p0 s3, s7;
	s7 =	simm.s32 @!p0 $0x108  }
0x21: {  	s3 =	sadd.s32 s3, s9;
	s6 =	sadd.s32 @!p0 $0x88, s6;
	s7 =	simm.s32 @p2 $0x1082  }
0x22: {  	[simem:s7], [sflag:s8] =	dma.local @!p0 [hbm:s6], $0xF7A  }
0x23: {  	s9 =	sor.u32 $0xD0000000, s2;
	s6 =	simm.s32 $0x108;
	_ =	swait.ge @!p0 [sflag:s8], $0x0  }
0x24: {  	s3 =	sadd.s32 $0x88, s3;
	s6 =	simm.s32 @!p1 $0x1082;
	[sflag:s4] =	ssyncset.s32 $0xFFFFF086  }
0x25: {  	[simem:s6], [sflag:s4] =	dma.local [hbm:s3], $0xF7A  }
0x26: {  	[smem:$0x3F9B] =	sst s1;
	(tag) =	ssettag s2;
	_ =	strace s9  }
0x27: {  	s1 =	sld [smem:$0x3FAB]  }
0x28: {  	s2 =	sld [smem:$0x3FAC]  }
0x29: {  	s4 =	sld [smem:$0x3FAE]  }
0x2a: {  	p0 =	seq.s32 s5, $0x0;
	s5 =	sld [smem:$0x3FAF]  }
0x2b: {  	s6 =	sld [smem:$0x3FB0]  }
0x2c: {  	s7 =	sld [smem:$0x3FB1]  }
0x2d: {  	s3 =	simm.s32 $0x108;
	s8 =	sld [smem:$0x3FB2]  }
0x2e: {  	s3 =	simm.s32 @!p0 $0x1082;
	s9 =	sld [smem:$0x3FB3]  }
0x2f: {  	lr =	sadd.s32 s0, s3;
	s0 =	sld [smem:$0x3FAA]  }
0x30: {  	s3 =	sld [smem:$0x3FAD]  }
0x31: {  	[smem:$0x3FB6] =	sst s10  }
0x32: {  	s10 =	sld [smem:$0x3FB4];
	_ =	sdelay $0x3  }
0x33: {  	p0 =	seq.s32 s10, $0x1;
	s10 =	sld [smem:$0x3FB6];
	_ =	sdelay $0x3  }
0x34: {  	[smem:$0x3FB6] =	sst s10  }
0x35: {  	s10 =	sld [smem:$0x3FB5];
	_ =	sdelay $0x3  }
0x36: {  	p1 =	seq.s32 s10, $0x1;
	s10 =	sld [smem:$0x3FB6];
	_ =	sdelay $0x3  }
0x37: {  	[smem:$0x3FB6] =	sst s10  }
0x38: {  	s10 =	sld [smem:$0x3FB7]  }
0x39: {  	_ = 	snop;
	(pc) =	sbr.ind lr, $3  }
0x3a: {  	_ = 	snop  }
0x3b: {  	_ = 	snop  }
0x3c: {  	p2 =	seq.s32 s10, $0x1;
	s10 =	sld [smem:$0x3FB6]  }
0x3d: {  	_ =	shalt  }
0x3e: {  	_ =	shalt  }
0x3f: {  	_ =	shalt  }
0x40: {  	_ =	shalt  }
0x41: {  	_ =	shalt  }
0x42: {  	_ =	shalt  }
0x43: {  	_ =	shalt  }
0x44: {  	_ =	shalt  }
0x45: {  	_ =	shalt  }
0x46: {  	_ =	shalt  }
0x47: {  	_ =	shalt  }
0x48: {  	_ =	shalt  }
0x49: {  	_ =	shalt  }
0x4a: {  	_ =	shalt  }
0x4b: {  	_ =	shalt  }
0x4c: {  	_ =	shalt  }
0x4d: {  	_ =	shalt  }
0x4e: {  	_ =	shalt  }
0x4f: {  	_ =	shalt  }
0x50: {  	_ =	shalt  }
0x51: {  	_ =	shalt  }
0x52: {  	_ =	shalt  }
0x53: {  	_ =	shalt  }
0x54: {  	_ =	shalt  }
0x55: {  	_ =	shalt  }
0x56: {  	_ =	shalt  }
0x57: {  	_ =	shalt  }
0x58: {  	_ =	shalt  }
0x59: {  	_ =	shalt  }
0x5a: {  	_ =	shalt  }
0x5b: {  	_ =	shalt  }
0x5c: {  	_ =	shalt  }
0x5d: {  	_ =	shalt  }
0x5e: {  	_ =	shalt  }
0x5f: {  	_ =	shalt  }
0x60: {  	_ =	shalt  }
0x61: {  	_ =	shalt  }
0x62: {  	_ =	shalt  }
0x63: {  	_ =	shalt  }
0x64: {  	_ =	shalt  }
0x65: {  	_ =	shalt  }
0x66: {  	_ =	shalt  }
0x67: {  	_ =	shalt  }
0x68: {  	_ =	shalt  }
0x69: {  	_ =	shalt  }
0x6a: {  	_ =	shalt  }
0x6b: {  	_ =	shalt  }
0x6c: {  	_ =	shalt  }
0x6d: {  	_ =	shalt  }
0x6e: {  	_ =	shalt  }
0x6f: {  	_ =	shalt  }
0x70: {  	_ =	shalt  }
0x71: {  	_ =	shalt  }
0x72: {  	_ =	shalt  }
0x73: {  	_ =	shalt  }
0x74: {  	_ =	shalt  }
0x75: {  	_ =	shalt  }
0x76: {  	_ =	shalt  }
0x77: {  	_ =	shalt  }
0x78: {  	_ =	shalt  }
0x79: {  	_ =	shalt  }
0x7a: {  	_ =	shalt  }
0x7b: {  	_ =	shalt  }
0x7c: {  	_ =	shalt  }
0x7d: {  	_ =	shalt  }
0x7e: {  	_ =	shalt  }
0x7f: {  	_ =	shalt  }
0x80: {  	_ =	shalt  }
0x81: {  	_ =	shalt  }
0x82: {  	_ =	shalt  }
0x83: {  	_ =	shalt  }
0x84: {  	_ =	shalt  }
0x85: {  	_ =	shalt  }
0x86: {  	_ =	shalt  }
0x87: {  	_ =	shalt  }
.Lfunc_end0:
.L_simem_size_0:
called_computation_lowered:
.L_overlay_start_0:
0x88: {  	s2 =	sld [smem:$0x3FD9]  }
0x89: {  	s3 =	sld [smem:$0x3FFE];
	_ =	sdelay $0x1  }
0x8a: {  	s1 =	srdreg.scid  }
0x8b: {  	s0 =	sand.u32 $0x1, s1  }
0x8c: {  	s17 =	sshll.u32 s0, $0xA;
	s2 =	sadd.s32 s3, s2  }
0x8d: {  	s2 =	sadd.s32 s2, s17  }
0x8e: {  	[smem:$0x3FC2] =	sst s2  }
0x8f: {  	_ = 	snop  }
0x90: {  	s2 =	sld [smem:$0x3FD0];
	(tm) =	ssettm $0x1  }
0x91: {  	s18 =	sld [smem:$0x3FFB];
	_ =	sdelay $0x3  }
0x92: {  	_ =	strace s18  }
0x93: {  	s3 =	sld [smem:$0x3FFC];
	_ =	sdelay $0x3  }
0x94: {  	_ =	strace s3  }
0x95: {  	s3 =	sld [smem:$0x3FFD];
	_ =	sdelay $0x3  }
0x96: {  	_ =	strace s3  }
0x97: {  	_ =	strace $0x8FFFFFFF  }
0x98: {  	s19 =	sld [smem:$0x3FDB];
	_ =	sdelay $0x1  }
0x99: {  	s4 =	simm.s32 $_scs_section_size  }
0x9a: {  	s5 =	simm.s32 $_size__tile_overlayer_lowered;
	s6 =	simm.s32 $_tile_overlayer_lowered  }
0x9b: {  	s22 =	simm.s32 $0x1BFF;
	s21 =	sshll.u32 s6, $0x1;
	s3 =	sadd.s32 s4, s19  }
0x9c: {  	s7 =	simm.s32 $0x0;
	s20 =	sshll.u32 s5, $0x1;
	s5 =	sadd.s32 s21, s3  }
0x9d: {  	[timem:s7], [sflag:s22] =	dma.local [hbm:s5], s20  }
0x9e: {  	_ =	swait.ge [sflag:s22], s20  }
0x9f: {  	s4 =	ssub.s32 $0x0, s20;
	[sflag:s22] =	ssyncset.done $0x0  }
0xa0: {  	[sflag:s22] =	ssyncadd.s32 s4;
	_ =	sdelay $0x1  }
0xa1: {  	s23 =	simm.s32 $0x1B8B  }
0xa2: {  	_ =	swait.ge [sflag:s23], $0x1  }
0xa3: {  	[sflag:s23] =	ssyncset.done $0x0  }
0xa4: {  	s25 =	simm.s32 $0x1B8E;
	s24 =	sld [smem:$0x3FFE];
	[sflag:s23] =	ssyncadd.s32 $0xFFFFFFFF  }
0xa5: {  	s26 =	simm.s32 $execute0_lowered;
	[smem:$0x3FD2] =	sst s25  }
0xa6: {  	s5 =	sshll.u32 s26, $0x1;
	_ =	strace $0x80000046;
	[dreg:$0x1] =	wrdreg $0xFFFFFFFF  }
0xa7: {  	s28 =	simm.s32 $_size_execute0_lowered;
	s3 =	sadd.s32 s3, s5;
	[dreg:$0x0] =	wrdreg $0x0  }
0xa8: {  	s5 =	sshll.u32 s28, $0x1;
	[dreg:$0x2] =	wrdreg s3  }
0xa9: {  	[dreg:$0x3] =	wrdreg s5  }
0xaa: {  	[dreg:$0x4] =	wrdreg $0xC0  }
0xab: {  	_ =	task [dreg:s7], $0x5FFFF  }
0xac: {  	[dreg:$0x1] =	wrdreg $0xFFFFFFFF  }
0xad: {  	[dreg:$0x0] =	wrdreg $0x60  }
0xae: {  	[dreg:$0x2] =	wrdreg s24  }
0xaf: {  	[dreg:$0x3] =	wrdreg s2  }
0xb0: {  	[dreg:$0x4] =	wrdreg $0x9  }
0xb1: {  	_ =	task.clear_ibuf [dreg:s7], $0x5FFFF;
	_ =	strace $0x90000046  }
0xb2: {  	s29 =	simm.s32 $0x9;
	_ =	strace $0x80000048  }
0xb3: {  	_ =	swait.ge [sflag:s29], $0x1  }
0xb4: {  	[sflag:s29] =	ssyncadd.s32 $0xFFFFFFFF  }
0xb5: {  	_ =	strace $0x90000048  }
0xb6: {  	_ =	sfence  }
0xb7: {  	s30 =	sld [smem:$0x0];
	_ =	sdelay $0x2  }
0xb8: {  	s31 =	sshll.u32 s1, $0xD;
	s1 =	sshrl.u32 s1, $0x2  }
0xb9: {  	s3 =	sand.u32 $0x4000, s31;
	s1 =	sadd.s32 s1, s30  }
0xba: {  	s0 =	sor.u32 s3, s0;
	s1 =	sshll.u32 s1, $0x11  }
0xbb: {  	s0 =	sor.u32 s1, s0  }
0xbc: {  	s0 =	sadd.s32 $0x8F2B, s0  }
0xbd: {  	[sflag:s0] =	ssyncadd.remote.s32 $0x1  }
0xbe: {  	_ =	sfence.sel $0xFFFF  }
0xbf: {  	[dreg:$0x0] =	wrdreg $0xFFFFFFFF;
	(pc) =	sbr.abs _section_cstart, $3  }
0xc0: {  	[dreg:$0x1] =	wrdreg $0xFFFFFFFF  }
0xc1: {  	_ =	task.clear_ibuf [dreg:s7], $0x2FFFF;
	_ =	strace $0x9FFFFFFF  }
0xc2: {  	(tm) =	ssettm $0x7FFFFFFF  }
0xc3: {  	_ =	shalt  }
tec
execute0_lowered:
.L_overlay_start_1:
0x0: {  	(tag) =	ssettag $0x1  }
0x1: {  	s0 =	srdreg.scid;
	s4 =	rddreg [dreg:$0x0]  }
0x2: {  	s7 =	rddreg [dreg:$0x1];
	s1 =	stileid.u32  }
0x3: {  	s2 =	simm.s32 $0x0;
	s11 =	simm.s32 $0x100;
	s12 =	simm.s32 $0x2800  }
0x4: {  	s13 =	simm.s32 $0x1;
	s14 =	simm.s32 $0x5000;
	s3 =	sand.u32 $0x1, s0  }
0x5: {  	s15 =	simm.s32 $0x1400;
	s16 =	simm.s32 $0x0;
	s5 =	sshll.u32 s3, $0x4  }
0x6: {  	s0 =	rddreg [dreg:$0x2];
	s8 =	ssub.s32 $0x2, s3;
	s5 =	sor.u32 s1, s5  }
0x7: {  	[smem:$0x7FF] =	sst s2;
	s9 =	sshrl.u32 s8, $0x1;
	s6 =	smul.u32 $0x278, s5  }
0x8: {  	_ =	strace $0x80000047;
	s10 =	smul.u32 $0xA00, s5;
	s9 =	ssub.s32 s8, s9  }
0x9: {  	s3 =	sadd.s32 $0xF600, s4;
	s9 =	smax.u32 s9, $0x1;
	s6 =	sadd.s32 s6, s4  }
0xa: {  	s4 =	sadd.s32 $0xF610, s4;
	s7 =	sadd.s32 s7, s10;
	s10 =	simm.s32 $0x80  }
0xb: {  	v0 =	vimm.f32 $1.000000000e+00;
	s5 =	sadd.s32 $0x5600, s6;
	s6 =	sadd.s32 $0xA600, s6;
	s8 =	sadd.s32 $0x10, s7  }
.LBB2_1:
0xc: {  	[tilespmem:s12], [sflag:$0x1] =	stream.strided.gather [hbm4b:s3+s10], $0x2800, s11, s10, $0x38;
	[tilespmem:$0x7800] =	vst v63  }
0xd: {  	_ =	swait.ge [sflag:s13], $0x2800  }
0xe: {  	[sflag:s13] =	ssyncset.done $0x0  }
0xf: {  	[sflag:s13] =	ssyncadd.s32 $0xFFFFD800  }
0x10: {  	[tilespmem:s14], [sflag:$0x1] =	stream.strided.gather [hbm4b:s4+s10], $0x2800, s11, s10, $0x38;
	[tilespmem:$0x7800] =	vst v63  }
0x11: {  	_ =	swait.ge [sflag:s13], $0x2800  }
0x12: {  	[sflag:s13] =	ssyncset.done $0x0  }
0x13: {  	[sflag:s13] =	ssyncadd.s32 $0xFFFFD800  }
0x14: {  	[tilespmem:s2], [sflag:$0x1] =	stream.linear.gather [hbm4b:s5+s2], $0x13C0, $0x38;
	[tilespmem:$0x7800] =	vst v63  }
0x15: {  	_ =	swait.ge [sflag:s13], $0x13C0  }
0x16: {  	[sflag:s13] =	ssyncset.done $0x0  }
0x17: {  	[sflag:s13] =	ssyncadd.s32 $0xFFFFEC40  }
0x18: {  	[tilespmem:s15], [sflag:$0x1] =	stream.linear.gather [hbm4b:s6+s2], $0x13C0, $0x38;
	[tilespmem:$0x7800] =	vst v63  }
0x19: {  	_ =	swait.ge [sflag:s13], $0x13C0  }
0x1a: {  	[sflag:s13] =	ssyncset.done $0x0  }
0x1b: {  	s18 =	simm.s32 $0x0;
	s17 =	simm.s32 $0x40;
	[sflag:s13] =	ssyncadd.s32 $0xFFFFEC40  }
.LBB2_2:
0x1c: {  	p0 =	sne.s32 s17, $0x4EC0;
	v1 =	vld [tilespmem:s18+$0x0];
	_ =	sdelay $0x7  }
0x1d: {  	[tilespmem:v1+s12+$0x0] =	vst.idx.add.f32.msk $0xffff, v0  }
0x1e: {  	v1 =	vld [tilespmem:s18+$0x1400];
	_ =	sdelay $0x3  }
.Ltmp0:
0x1f: {  	(pc) =	sbr.rel @p0 .LBB2_2-.Ltmp0, $2  }
0x20: {  	_ =	sdelay $0x2  }
0x21: {  	s18 =	sshra.s32 s17, $0x2;
	s17 =	sadd.s32 $0x40, s17;
	[tilespmem:v1+s14+$0x0] =	vst.idx.add.f32.msk $0xffff, v0  }
0x22: {  	v1 =	vld [tilespmem:s18+$0x0];
	_ =	sdelay $0x7  }
0x23: {  	[tilespmem:v1+s12+$0x0] =	vst.idx.add.f32.msk $0xffff, v0  }
0x24: {  	v1 =	vld [tilespmem:s18+$0x1400];
	_ =	sdelay $0x7  }
0x25: {  	[tilespmem:v1+s14+$0x0] =	vst.idx.add.f32.msk $0xffff, v0  }
0x26: {  	[hbm4b:s7+s10] =	stream.strided.scatter [tilespmem:s12], [sflag:$0x1], $0x2800, s11, s10, $0x38;
	[tilespmem:$0x7800] =	vst v63  }
0x27: {  	s16 =	sadd.s32 $0x1, s16;
	_ =	swait.ge [sflag:s13], $0x2800  }
0x28: {  	p0 =	sne.s32 s16, s9;
	[sflag:s13] =	ssyncset.done $0x0  }
.Ltmp1:
0x29: {  	[sflag:s13] =	ssyncadd.s32 $0xFFFFD800;
	(pc) =	sbr.rel @p0 .LBB2_1-.Ltmp1, $4  }
0x2a: {  	[hbm4b:s8+s10] =	stream.strided.scatter [tilespmem:s14], [sflag:$0x1], $0x2800, s11, s10, $0x38;
	[tilespmem:$0x7800] =	vst v63  }
0x2b: {  	_ =	swait.ge [sflag:s13], $0x2800  }
0x2c: {  	[sflag:s13] =	ssyncset.done $0x0  }
0x2d: {  	[sflag:s13] =	ssyncadd.s32 $0xFFFFD800  }
0x2e: {  	_ =	sfence.sel $0x180000  }
0x2f: {  	[bflag:$0x0] =	sbarrier.arrive $0xFFFF  }
0x30: {  	p0 =	sne.s32 s1, $0x0;
	_ =	strace $0x90000047  }
0x31: {  	s0 =	sadd.s32 @!p0 $0x100000, s0;
	[bflag:$0x2] =	sbarrier.arrive $0xFFFF  }
0x32: {  	[sflag:s0] =	ssyncadd.tile.s32 @!p0 $0x1;
	_ =	shalt  }
.Lfunc_end2:
_tile_overlayer_lowered:
.L_overlay_start_2:
0x33: {  	(tag) =	ssettag $0x2  }
0x34: {  	s0 =	rddreg [dreg:$0x0];
	s2 =	stileid.u32  }
0x35: {  	s1 =	rddreg [dreg:$0x1];
	p0 =	sne.s32 s2, $0x0  }
0x36: {  	s3 =	rddreg [dreg:$0x2];
	[bflag:$0x3] =	sbarrier.arrive $0xFFFF;
	s2 =	simm.s32 @!p0 $0x1C01  }
0x37: {  	[timem:s3], [sflag:s2] =	dma.local @!p0 [hbm:s0], s1  }
0x38: {  	s0 =	simm.s32 @!p0 $0x1  }
0x39: {  	_ =	swait.ge @!p0 [sflag:s0], s1  }
0x3a: {  	s1 =	ssub.s32 @!p0 $0x0, s1;
	[sflag:s0] =	ssyncset.done @!p0 $0x0  }
0x3b: {  	[sflag:s0] =	ssyncadd.s32 @!p0 s1  }
0x3c: {  	[bflag:$0x3] =	sbarrier.arrive $0xFFFF  }
0x3d: {  	_ =	shalt  }

// kernel: kernel.24.cloned.1.call-start
scs
__scs_entry_jumppad:
0x0: {  	(pc) =	sbr.rel $0x88, $3  }
0x1: {  	(tag) =	ssettag $0x0;
	lr =	simm.s32 $0x1  }
0x2: {  	[smem:$0x3F9B] =	sst lr;
	_ =	strace $0xD0000000  }
0x3: {  	_ = 	snop  }
0x4: {  	_ = 	snop  }
0x5: {  	_ = 	snop  }
0x6: {  	_ = 	snop  }
0x7: {  	_ = 	snop  }
__scs_overlays_trampoline_lowered:
0x8: {  	[smem:$0x3FAA] =	sst s0  }
0x9: {  	[smem:$0x3FAB] =	sst s1  }
0xa: {  	[smem:$0x3FAC] =	sst s2  }
0xb: {  	[smem:$0x3FAD] =	sst s3  }
0xc: {  	[smem:$0x3FAE] =	sst s4  }
0xd: {  	[smem:$0x3FAF] =	sst s5  }
0xe: {  	[smem:$0x3FB0] =	sst s6  }
0xf: {  	[smem:$0x3FB1] =	sst s7  }
0x10: {  	[smem:$0x3FB2] =	sst s8  }
0x11: {  	[smem:$0x3FB3] =	sst s9;
	s0 =	simm.s32 @!p0 $0x0  }
0x12: {  	s1 =	sld [smem:$0x3F99];
	s0 =	simm.s32 @p0 $0x1  }
0x13: {  	[smem:$0x3FB4] =	sst s0;
	s0 =	simm.s32 @!p1 $0x0  }
0x14: {  	s2 =	sld [smem:$0x3F98];
	s0 =	simm.s32 @p1 $0x1  }
0x15: {  	[smem:$0x3FB5] =	sst s0;
	s0 =	simm.s32 @!p2 $0x0  }
0x16: {  	s3 =	sld [smem:$0x3FDB];
	s0 =	simm.s32 @p2 $0x1  }
0x17: {  	s4 =	simm.s32 $0x1BF5;
	[smem:$0x3FB7] =	sst s0  }
0x18: {  	s0 =	sld [smem:$0x3F9A];
	_ =	swait.ge [sflag:s4], $0x0  }
0x19: {  	s7 =	sld [smem:$0x3F9B]  }
0x1a: {  	s8 =	sadd.s32 $0xFFFFE003, lr  }
0x1b: {  	s9 =	sadd.s32 $0xFFFFFEF7, lr;
	s5 =	simm.s32 $0xFFFFFFFF;
	p2 =	slt.u32 s8, $0xFFFFF086  }
0x1c: {  	p1 =	slt.u32 s9, $0xF7A;
	s5 =	simm.s32 @!p2 $0x0  }
0x1d: {  	s5 =	simm.s32 @p1 $0x1;
	p0 =	seq.s32 s7, s2  }
0x1e: {  	s7 =	smul.u32 @!p0 $0xF7A, s2;
	p2 =	seq.s32 @!p0 s5, $0x0  }
0x1f: {  	s9 =	smul.u32 $0xF7A, s1;
	s8 =	simm.s32 @!p0 $0x1BF5;
	p2 =	por !p2, p0  }
0x20: {  	[sflag:s8] =	ssyncset.s32 @!p0 $0xFFFFF086;
	s6 =	sadd.s32 @!p0 s3, s7;
	s7 =	simm.s32 @!p0 $0x108  }
0x21: {  	s3 =	sadd.s32 s3, s9;
	s6 =	sadd.s32 @!p0 $0x88, s6;
	s7 =	simm.s32 @p2 $0x1082  }
0x22: {  	[simem:s7], [sflag:s8] =	dma.local @!p0 [hbm:s6], $0xF7A  }
0x23: {  	s9 =	sor.u32 $0xD0000000, s2;
	s6 =	simm.s32 $0x108;
	_ =	swait.ge @!p0 [sflag:s8], $0x0  }
0x24: {  	s3 =	sadd.s32 $0x88, s3;
	s6 =	simm.s32 @!p1 $0x1082;
	[sflag:s4] =	ssyncset.s32 $0xFFFFF086  }
0x25: {  	[simem:s6], [sflag:s4] =	dma.local [hbm:s3], $0xF7A  }
0x26: {  	[smem:$0x3F9B] =	sst s1;
	(tag) =	ssettag s2;
	_ =	strace s9  }
0x27: {  	s1 =	sld [smem:$0x3FAB]  }
0x28: {  	s2 =	sld [smem:$0x3FAC]  }
0x29: {  	s4 =	sld [smem:$0x3FAE]  }
0x2a: {  	p0 =	seq.s32 s5, $0x0;
	s5 =	sld [smem:$0x3FAF]  }
0x2b: {  	s6 =	sld [smem:$0x3FB0]  }
0x2c: {  	s7 =	sld [smem:$0x3FB1]  }
0x2d: {  	s3 =	simm.s32 $0x108;
	s8 =	sld [smem:$0x3FB2]  }
0x2e: {  	s3 =	simm.s32 @!p0 $0x1082;
	s9 =	sld [smem:$0x3FB3]  }
0x2f: {  	lr =	sadd.s32 s0, s3;
	s0 =	sld [smem:$0x3FAA]  }
0x30: {  	s3 =	sld [smem:$0x3FAD]  }
0x31: {  	[smem:$0x3FB6] =	sst s10  }
0x32: {  	s10 =	sld [smem:$0x3FB4];
	_ =	sdelay $0x3  }
0x33: {  	p0 =	seq.s32 s10, $0x1;
	s10 =	sld [smem:$0x3FB6];
	_ =	sdelay $0x3  }
0x34: {  	[smem:$0x3FB6] =	sst s10  }
0x35: {  	s10 =	sld [smem:$0x3FB5];
	_ =	sdelay $0x3  }
0x36: {  	p1 =	seq.s32 s10, $0x1;
	s10 =	sld [smem:$0x3FB6];
	_ =	sdelay $0x3  }
0x37: {  	[smem:$0x3FB6] =	sst s10  }
0x38: {  	s10 =	sld [smem:$0x3FB7]  }
0x39: {  	_ = 	snop;
	(pc) =	sbr.ind lr, $3  }
0x3a: {  	_ = 	snop  }
0x3b: {  	_ = 	snop  }
0x3c: {  	p2 =	seq.s32 s10, $0x1;
	s10 =	sld [smem:$0x3FB6]  }
0x3d: {  	_ =	shalt  }
0x3e: {  	_ =	shalt  }
0x3f: {  	_ =	shalt  }
0x40: {  	_ =	shalt  }
0x41: {  	_ =	shalt  }
0x42: {  	_ =	shalt  }
0x43: {  	_ =	shalt  }
0x44: {  	_ =	shalt  }
0x45: {  	_ =	shalt  }
0x46: {  	_ =	shalt  }
0x47: {  	_ =	shalt  }
0x48: {  	_ =	shalt  }
0x49: {  	_ =	shalt  }
0x4a: {  	_ =	shalt  }
0x4b: {  	_ =	shalt  }
0x4c: {  	_ =	shalt  }
0x4d: {  	_ =	shalt  }
0x4e: {  	_ =	shalt  }
0x4f: {  	_ =	shalt  }
0x50: {  	_ =	shalt  }
0x51: {  	_ =	shalt  }
0x52: {  	_ =	shalt  }
0x53: {  	_ =	shalt  }
0x54: {  	_ =	shalt  }
0x55: {  	_ =	shalt  }
0x56: {  	_ =	shalt  }
0x57: {  	_ =	shalt  }
0x58: {  	_ =	shalt  }
0x59: {  	_ =	shalt  }
0x5a: {  	_ =	shalt  }
0x5b: {  	_ =	shalt  }
0x5c: {  	_ =	shalt  }
0x5d: {  	_ =	shalt  }
0x5e: {  	_ =	shalt  }
0x5f: {  	_ =	shalt  }
0x60: {  	_ =	shalt  }
0x61: {  	_ =	shalt  }
0x62: {  	_ =	shalt  }
0x63: {  	_ =	shalt  }
0x64: {  	_ =	shalt  }
0x65: {  	_ =	shalt  }
0x66: {  	_ =	shalt  }
0x67: {  	_ =	shalt  }
0x68: {  	_ =	shalt  }
0x69: {  	_ =	shalt  }
0x6a: {  	_ =	shalt  }
0x6b: {  	_ =	shalt  }
0x6c: {  	_ =	shalt  }
0x6d: {  	_ =	shalt  }
0x6e: {  	_ =	shalt  }
0x6f: {  	_ =	shalt  }
0x70: {  	_ =	shalt  }
0x71: {  	_ =	shalt  }
0x72: {  	_ =	shalt  }
0x73: {  	_ =	shalt  }
0x74: {  	_ =	shalt  }
0x75: {  	_ =	shalt  }
0x76: {  	_ =	shalt  }
0x77: {  	_ =	shalt  }
0x78: {  	_ =	shalt  }
0x79: {  	_ =	shalt  }
0x7a: {  	_ =	shalt  }
0x7b: {  	_ =	shalt  }
0x7c: {  	_ =	shalt  }
0x7d: {  	_ =	shalt  }
0x7e: {  	_ =	shalt  }
0x7f: {  	_ =	shalt  }
0x80: {  	_ =	shalt  }
0x81: {  	_ =	shalt  }
0x82: {  	_ =	shalt  }
0x83: {  	_ =	shalt  }
0x84: {  	_ =	shalt  }
0x85: {  	_ =	shalt  }
0x86: {  	_ =	shalt  }
0x87: {  	_ =	shalt  }
.Lfunc_end0:
.L_simem_size_0:
called_computation.1_lowered:
.L_overlay_start_0:
0x88: {  	s2 =	sld [smem:$0x3FD9]  }
0x89: {  	s3 =	sld [smem:$0x3FFE];
	_ =	sdelay $0x1  }
0x8a: {  	s1 =	srdreg.scid  }
0x8b: {  	s0 =	sand.u32 $0x1, s1  }
0x8c: {  	s17 =	sshll.u32 s0, $0xA;
	s2 =	sadd.s32 s3, s2  }
0x8d: {  	s2 =	sadd.s32 s2, s17  }
0x8e: {  	[smem:$0x3FC2] =	sst s2  }
0x8f: {  	_ = 	snop  }
0x90: {  	s2 =	sld [smem:$0x3FD0];
	(tm) =	ssettm $0x1  }
0x91: {  	s18 =	sld [smem:$0x3FFB];
	_ =	sdelay $0x3  }
0x92: {  	_ =	strace s18  }
0x93: {  	s3 =	sld [smem:$0x3FFC];
	_ =	sdelay $0x3  }
0x94: {  	_ =	strace s3  }
0x95: {  	s3 =	sld [smem:$0x3FFD];
	_ =	sdelay $0x3  }
0x96: {  	_ =	strace s3  }
0x97: {  	_ =	strace $0x8FFFFFFF  }
0x98: {  	s19 =	sld [smem:$0x3FDB];
	_ =	sdelay $0x1  }
0x99: {  	s4 =	simm.s32 $_scs_section_size  }
0x9a: {  	s5 =	simm.s32 $_size__tile_overlayer_lowered;
	s6 =	simm.s32 $_tile_overlayer_lowered  }
0x9b: {  	s22 =	simm.s32 $0x1BFF;
	s21 =	sshll.u32 s6, $0x1;
	s3 =	sadd.s32 s4, s19  }
0x9c: {  	s7 =	simm.s32 $0x0;
	s20 =	sshll.u32 s5, $0x1;
	s5 =	sadd.s32 s21, s3  }
0x9d: {  	[timem:s7], [sflag:s22] =	dma.local [hbm:s5], s20  }
0x9e: {  	_ =	swait.ge [sflag:s22], s20  }
0x9f: {  	s4 =	ssub.s32 $0x0, s20;
	[sflag:s22] =	ssyncset.done $0x0  }
0xa0: {  	[sflag:s22] =	ssyncadd.s32 s4;
	_ =	sdelay $0x1  }
0xa1: {  	s23 =	simm.s32 $0x1B8B  }
0xa2: {  	_ =	swait.ge [sflag:s23], $0x1  }
0xa3: {  	[sflag:s23] =	ssyncset.done $0x0  }
0xa4: {  	s25 =	simm.s32 $0x1B8E;
	s24 =	sld [smem:$0x3FFE];
	[sflag:s23] =	ssyncadd.s32 $0xFFFFFFFF  }
0xa5: {  	s26 =	simm.s32 $execute0_lowered;
	[smem:$0x3FD2] =	sst s25  }
0xa6: {  	s5 =	sshll.u32 s26, $0x1;
	_ =	strace $0x80000049;
	[dreg:$0x1] =	wrdreg $0xFFFFFFFF  }
0xa7: {  	s28 =	simm.s32 $_size_execute0_lowered;
	s3 =	sadd.s32 s3, s5;
	[dreg:$0x0] =	wrdreg $0x0  }
0xa8: {  	s5 =	sshll.u32 s28, $0x1;
	[dreg:$0x2] =	wrdreg s3  }
0xa9: {  	[dreg:$0x3] =	wrdreg s5  }
0xaa: {  	[dreg:$0x4] =	wrdreg $0xC0  }
0xab: {  	_ =	task [dreg:s7], $0x5FFFF  }
0xac: {  	[dreg:$0x1] =	wrdreg $0xFFFFFFFF  }
0xad: {  	[dreg:$0x0] =	wrdreg $0x60  }
0xae: {  	[dreg:$0x2] =	wrdreg s24  }
0xaf: {  	[dreg:$0x3] =	wrdreg s2  }
0xb0: {  	[dreg:$0x4] =	wrdreg $0x90000  }
0xb1: {  	[dreg:$0x5] =	wrdreg $0x9  }
0xb2: {  	_ =	task.clear_ibuf [dreg:s7], $0x6FFFF;
	_ =	strace $0x90000049  }
0xb3: {  	s29 =	simm.s32 $0x9;
	_ =	strace $0x8000004B  }
0xb4: {  	_ =	swait.ge [sflag:s29], $0x1  }
0xb5: {  	[sflag:s29] =	ssyncadd.s32 $0xFFFFFFFF  }
0xb6: {  	_ =	strace $0x9000004B  }
0xb7: {  	_ =	sfence  }
0xb8: {  	s30 =	sld [smem:$0x0];
	_ =	sdelay $0x2  }
0xb9: {  	s31 =	sshll.u32 s1, $0xD;
	s1 =	sshrl.u32 s1, $0x2  }
0xba: {  	s3 =	sand.u32 $0x4000, s31;
	s1 =	sadd.s32 s1, s30  }
0xbb: {  	s0 =	sor.u32 s3, s0;
	s1 =	sshll.u32 s1, $0x11  }
0xbc: {  	s0 =	sor.u32 s1, s0  }
0xbd: {  	s0 =	sadd.s32 $0x8F2B, s0  }
0xbe: {  	[sflag:s0] =	ssyncadd.remote.s32 $0x1  }
0xbf: {  	_ =	sfence.sel $0xFFFF  }
0xc0: {  	[dreg:$0x0] =	wrdreg $0xFFFFFFFF;
	(pc) =	sbr.abs _section_cstart, $3  }
0xc1: {  	[dreg:$0x1] =	wrdreg $0xFFFFFFFF  }
0xc2: {  	_ =	task.clear_ibuf [dreg:s7], $0x2FFFF;
	_ =	strace $0x9FFFFFFF  }
0xc3: {  	(tm) =	ssettm $0x7FFFFFFF  }
tec
execute0_lowered:
.L_overlay_start_1:
0x0: {  	(tag) =	ssettag $0x1  }
0x1: {  	s5 =	rddreg [dreg:$0x0]  }
0x2: {  	s6 =	rddreg [dreg:$0x1]  }
0x3: {  	s2 =	rddreg [dreg:$0x2]  }
0x4: {  	s0 =	rddreg [dreg:$0x3]  }
0x5: {  	s3 =	simm.s32 $0x0;
	s1 =	stileid.u32;
	s7 =	srdreg.scid  }
0x6: {  	[smem:$0x7FF] =	sst s3;
	s8 =	smul.u32 $0x2800, s1  }
0x7: {  	s4 =	sadd.s32 $0xF1000, s5;
	s9 =	sadd.s32 $0xB5000, s5;
	s11 =	smul.u32 $0x280, s1  }
0x8: {  	s7 =	sand.u32 $0x1, s7;
	s13 =	smul.u32 $0x50000, s1;
	s14 =	sadd.s32 $0x15000, s5  }
0x9: {  	s31 =	sshll.u32 s1, $0x6;
	_ =	strace $0x8000004A;
	s15 =	smul.u32 $0x50000, s7  }
0xa: {  	s12 =	ssub.s32 $0x2, s7;
	s16 =	smul.u32 $0x5000, s7;
	s7 =	sshllo.u32 s7, $0x1  }
0xb: {  	s10 =	sshrl.u32 s8, $0x3;
	s25 =	sshrl.u32 s12, $0x1;
	s28 =	smul.u32 $0x28000, s7  }
0xc: {  	s13 =	sshrl.u32 s13, $0x2;
	s17 =	smul.u32 $0x2800, s7;
	s6 =	sadd.s32 s6, s8  }
0xd: {  	s10 =	sadd.s32 s10, s5;
	s12 =	ssub.s32 s12, s25;
	s26 =	sadd.s32 s8, s15  }
0xe: {  	s18 =	sadd.s32 s13, s2;
	s29 =	sadd.s32 s11, s16;
	s13 =	simm.s32 $0x1  }
0xf: {  	s16 =	simm.s32 $0x80;
	s5 =	sadd.s32 $0x10000, s10;
	s10 =	sshrl.u32 s26, $0x3  }
0x10: {  	s8 =	sadd.s32 s8, s28;
	s11 =	sadd.s32 s11, s17;
	s15 =	sshrl.u32 s18, $0x3  }
0x11: {  	s17 =	simm.s32 $0x5000;
	s18 =	simm.s32 $0x0;
	s7 =	sadd.s32 s9, s10  }
0x12: {  	s10 =	sshll.u32 s29, $0x4;
	s30 =	sshrl.u32 s8, $0x3;
	s11 =	sshll.u32 s11, $0x4  }
0x13: {  	s8 =	sadd.s32 s14, s10;
	s9 =	sadd.s32 s9, s30;
	s10 =	sadd.s32 s14, s11  }
0x14: {  	s11 =	smax.u32 s12, $0x1;
	s12 =	simm.s32 $0x2800;
	s14 =	sor.u32 $0x1C01, s31  }
.LBB2_1:
0x15: {  	[tilespmem:s12], [sflag:$0x1] =	stream.linear.gather [hbm4b:s5+s3], $0x2780, $0x38;
	[tilespmem:$0x1D000] =	vst v63  }
0x16: {  	_ =	swait.ge [sflag:s13], $0x2780  }
0x17: {  	[sflag:s13] =	ssyncset.done $0x0  }
0x18: {  	[sflag:s13] =	ssyncadd.s32 $0xFFFFD880  }
0x19: {  	[spmem:s15], [sflag:s14] =	dma.local [hbm:s6], $0x2800  }
0x1a: {  	_ =	swait.ge [sflag:s13], $0x2800  }
0x1b: {  	[sflag:s13] =	ssyncset.done $0x0  }
0x1c: {  	[sflag:s13] =	ssyncadd.s32 $0xFFFFD800  }
0x1d: {  	[tilespmem:s3], [sflag:$0x1] =	stream.linear.gather [hbm4b:s7+s3], $0x2780, $0x38;
	[tilespmem:$0x1D000] =	vst v63  }
0x1e: {  	_ =	swait.ge [sflag:s13], $0x2780  }
0x1f: {  	[sflag:s13] =	ssyncset.done $0x0  }
0x20: {  	[sflag:s13] =	ssyncadd.s32 $0xFFFFD880  }
0x21: {  	s19 =	simm.s32 $0x0;
	[bflag:$0x0] =	sbarrier.arrive $0xFFFF  }
0x22: {  	[tilespmem:s17], [sflag:$0x1] =	stream.indirect.gather [hbm4b:s4+s16], $0x80, s19, s16, $0xb8;
	[tilespmem:$0x1D000] =	vst v63  }
0x23: {  	_ =	swait.ge [sflag:s13], $0x4000  }
0x24: {  	[sflag:s13] =	ssyncset.done $0x0  }
0x25: {  	s31 =	simm.s32 $0x2800;
	[sflag:s13] =	ssyncadd.s32 $0xFFFFC000  }
0x26: {  	[spmem:s2] =	stream.indirect.scatter.add.f32 [tilespmem:s17], [sflag:$0x1], $0x80, s31, s16, $0xb8;
	[tilespmem:$0x1D000] =	vst v63  }
0x27: {  	_ =	swait.ge [sflag:s13], $0x4000  }
0x28: {  	s20 =	simm.s32 $0x400;
	s19 =	simm.s32 $0x200;
	[sflag:s13] =	ssyncset.done $0x0  }
.LBB2_2:
0x29: {  	s21 =	sshra.s32 s19, $0x2  }
0x2a: {  	[sflag:s13] =	ssyncadd.s32 $0xFFFFC000;
	s19 =	smov.u32 s20;
	s22 =	sadd.s32 $0x200, s20  }
0x2b: {  	[tilespmem:s17], [sflag:$0x1] =	stream.indirect.gather [hbm4b:s4+s16], $0x80, s21, s16, $0xb8;
	[tilespmem:$0x1D000] =	vst v63  }
0x2c: {  	p0 =	sne.s32 s20, $0x9C00;
	_ =	swait.ge [sflag:s13], $0x4000  }
.Ltmp0:
0x2d: {  	[sflag:s13] =	ssyncset.done $0x0;
	(pc) =	sbr.rel @p0 .LBB2_2-.Ltmp0, $4  }
0x2e: {  	s20 =	sadd.s32 $0x2800, s21;
	[sflag:s13] =	ssyncadd.s32 $0xFFFFC000  }
0x2f: {  	[spmem:s2] =	stream.indirect.scatter.add.f32 [tilespmem:s17], [sflag:$0x1], $0x80, s20, s16, $0xb8;
	[tilespmem:$0x1D000] =	vst v63  }
0x30: {  	_ =	swait.ge [sflag:s13], $0x4000  }
0x31: {  	s20 =	smov.u32 s22;
	[sflag:s13] =	ssyncset.done $0x0  }
0x32: {  	s19 =	sshra.s32 s19, $0x2;
	[sflag:s13] =	ssyncadd.s32 $0xFFFFC000  }
0x33: {  	[tilespmem:s17], [sflag:$0x1] =	stream.indirect.gather [hbm4b:s4+s16], $0x80, s19, s16, $0xb8;
	[tilespmem:$0x1D000] =	vst v63  }
0x34: {  	_ =	swait.ge [sflag:s13], $0x4000  }
0x35: {  	[sflag:s13] =	ssyncset.done $0x0  }
0x36: {  	s19 =	sadd.s32 $0x2800, s19;
	[sflag:s13] =	ssyncadd.s32 $0xFFFFC000  }
0x37: {  	[spmem:s2] =	stream.indirect.scatter.add.f32 [tilespmem:s17], [sflag:$0x1], $0x80, s19, s16, $0xb8;
	[tilespmem:$0x1D000] =	vst v63  }
0x38: {  	_ =	swait.ge [sflag:s13], $0x4000  }
0x39: {  	[sflag:s13] =	ssyncset.done $0x0  }
0x3a: {  	[sflag:s13] =	ssyncadd.s32 $0xFFFFC000  }
0x3b: {  	[bflag:$0x0] =	sbarrier.arrive $0xFFFF  }
0x3c: {  	[hbm:s8], [sflag:s14] =	dma.local [spmem:s15], $0x2800  }
0x3d: {  	_ =	swait.ge [sflag:s13], $0x2800  }
0x3e: {  	[sflag:s13] =	ssyncset.done $0x0  }
0x3f: {  	[sflag:s13] =	ssyncadd.s32 $0xFFFFD800  }
0x40: {  	[bflag:$0x0] =	sbarrier.arrive $0xFFFF  }
0x41: {  	[spmem:s15], [sflag:s14] =	dma.local [hbm:s6], $0x2800  }
0x42: {  	_ =	swait.ge [sflag:s13], $0x2800  }
0x43: {  	[sflag:s13] =	ssyncset.done $0x0  }
0x44: {  	s29 =	simm.s32 $0x0;
	[sflag:s13] =	ssyncadd.s32 $0xFFFFD800  }
0x45: {  	[tilespmem:s29], [sflag:$0x1] =	stream.linear.gather [hbm4b:s9+s29], $0x2780, $0x38;
	[tilespmem:$0x1D000] =	vst v63  }
0x46: {  	_ =	swait.ge [sflag:s13], $0x2780  }
0x47: {  	[sflag:s13] =	ssyncset.done $0x0  }
0x48: {  	[sflag:s13] =	ssyncadd.s32 $0xFFFFD880  }
0x49: {  	s30 =	simm.s32 $0x0;
	[bflag:$0x0] =	sbarrier.arrive $0xFFFF  }
0x4a: {  	[tilespmem:s17], [sflag:$0x1] =	stream.indirect.gather [hbm4b:s4+s16], $0x80, s30, s16, $0xb8;
	[tilespmem:$0x1D000] =	vst v63  }
0x4b: {  	_ =	swait.ge [sflag:s13], $0x4000  }
0x4c: {  	[sflag:s13] =	ssyncset.done $0x0  }
0x4d: {  	s31 =	simm.s32 $0x2800;
	[sflag:s13] =	ssyncadd.s32 $0xFFFFC000  }
0x4e: {  	[spmem:s2] =	stream.indirect.scatter.add.f32 [tilespmem:s17], [sflag:$0x1], $0x80, s31, s16, $0xb8;
	[tilespmem:$0x1D000] =	vst v63  }
0x4f: {  	_ =	swait.ge [sflag:s13], $0x4000  }
0x50: {  	s20 =	simm.s32 $0x400;
	s19 =	simm.s32 $0x200;
	[sflag:s13] =	ssyncset.done $0x0  }
.LBB2_4:
0x51: {  	s21 =	sshra.s32 s19, $0x2  }
0x52: {  	[sflag:s13] =	ssyncadd.s32 $0xFFFFC000;
	s19 =	smov.u32 s20;
	s22 =	sadd.s32 $0x200, s20  }
0x53: {  	[tilespmem:s17], [sflag:$0x1] =	stream.indirect.gather [hbm4b:s4+s16], $0x80, s21, s16, $0xb8;
	[tilespmem:$0x1D000] =	vst v63  }
0x54: {  	p0 =	sne.s32 s20, $0x9C00;
	_ =	swait.ge [sflag:s13], $0x4000  }
.Ltmp1:
0x55: {  	[sflag:s13] =	ssyncset.done $0x0;
	(pc) =	sbr.rel @p0 .LBB2_4-.Ltmp1, $4  }
0x56: {  	s20 =	sadd.s32 $0x2800, s21;
	[sflag:s13] =	ssyncadd.s32 $0xFFFFC000  }
0x57: {  	[spmem:s2] =	stream.indirect.scatter.add.f32 [tilespmem:s17], [sflag:$0x1], $0x80, s20, s16, $0xb8;
	[tilespmem:$0x1D000] =	vst v63  }
0x58: {  	_ =	swait.ge [sflag:s13], $0x4000  }
0x59: {  	s20 =	smov.u32 s22;
	[sflag:s13] =	ssyncset.done $0x0  }
0x5a: {  	s19 =	sshra.s32 s19, $0x2;
	[sflag:s13] =	ssyncadd.s32 $0xFFFFC000  }
0x5b: {  	[tilespmem:s17], [sflag:$0x1] =	stream.indirect.gather [hbm4b:s4+s16], $0x80, s19, s16, $0xb8;
	[tilespmem:$0x1D000] =	vst v63  }
0x5c: {  	_ =	swait.ge [sflag:s13], $0x4000  }
0x5d: {  	[sflag:s13] =	ssyncset.done $0x0  }
0x5e: {  	s19 =	sadd.s32 $0x2800, s19;
	[sflag:s13] =	ssyncadd.s32 $0xFFFFC000  }
0x5f: {  	[spmem:s2] =	stream.indirect.scatter.add.f32 [tilespmem:s17], [sflag:$0x1], $0x80, s19, s16, $0xb8;
	[tilespmem:$0x1D000] =	vst v63  }
0x60: {  	_ =	swait.ge [sflag:s13], $0x4000  }
0x61: {  	[sflag:s13] =	ssyncset.done $0x0  }
0x62: {  	s18 =	sadd.s32 $0x1, s18;
	[sflag:s13] =	ssyncadd.s32 $0xFFFFC000  }
0x63: {  	p0 =	sne.s32 s18, s11;
	[bflag:$0x0] =	sbarrier.arrive $0xFFFF  }
0x64: {  	[hbm:s10], [sflag:s14] =	dma.local [spmem:s15], $0x2800  }
.Ltmp2:
0x65: {  	_ =	swait.ge [sflag:s13], $0x2800;
	(pc) =	sbr.rel @p0 .LBB2_1-.Ltmp2, $3  }
0x66: {  	[sflag:s13] =	ssyncset.done $0x0  }
0x67: {  	[sflag:s13] =	ssyncadd.s32 $0xFFFFD800  }
0x68: {  	[bflag:$0x0] =	sbarrier.arrive $0xFFFF;
	_ =	sdelay $0x1  }
0x69: {  	_ =	sfence.sel $0x180000  }
0x6a: {  	[bflag:$0x0] =	sbarrier.arrive $0xFFFF  }
0x6b: {  	p0 =	sne.s32 s1, $0x0;
	_ =	strace $0x9000004A  }
0x6c: {  	s0 =	sadd.s32 @!p0 $0x100000, s0;
	[bflag:$0x2] =	sbarrier.arrive $0xFFFF  }
0x6d: {  	[sflag:s0] =	ssyncadd.tile.s32 @!p0 $0x1;
	_ =	shalt  }
.Lfunc_end2:
_tile_overlayer_lowered:
.L_overlay_start_2:
0x6e: {  	(tag) =	ssettag $0x2  }
0x6f: {  	s0 =	rddreg [dreg:$0x0];
	s2 =	stileid.u32  }
0x70: {  	s1 =	rddreg [dreg:$0x1];
	p0 =	sne.s32 s2, $0x0  }
0x71: {  	s3 =	rddreg [dreg:$0x2];
	[bflag:$0x3] =	sbarrier.arrive $0xFFFF;
	s2 =	simm.s32 @!p0 $0x1C01  }
0x72: {  	[timem:s3], [sflag:s2] =	dma.local @!p0 [hbm:s0], s1  }
0x73: {  	s0 =	simm.s32 @!p0 $0x1  }
0x74: {  	_ =	swait.ge @!p0 [sflag:s0], s1  }
0x75: {  	s1 =	ssub.s32 @!p0 $0x0, s1;
	[sflag:s0] =	ssyncset.done @!p0 $0x0  }
0x76: {  	[sflag:s0] =	ssyncadd.s32 @!p0 s1  }
0x77: {  	[bflag:$0x3] =	sbarrier.arrive $0xFFFF  }
0x78: {  	_ =	shalt  }

// kernel: kernel.27.cloned.1.call-start
scs
__scs_entry_jumppad:
0x0: {  	(pc) =	sbr.rel $0x88, $3  }
0x1: {  	(tag) =	ssettag $0x0;
	lr =	simm.s32 $0x1  }
0x2: {  	[smem:$0x3F9B] =	sst lr;
	_ =	strace $0xD0000000  }
0x3: {  	_ = 	snop  }
0x4: {  	_ = 	snop  }
0x5: {  	_ = 	snop  }
0x6: {  	_ = 	snop  }
0x7: {  	_ = 	snop  }
__scs_overlays_trampoline_lowered:
0x8: {  	[smem:$0x3FAA] =	sst s0  }
0x9: {  	[smem:$0x3FAB] =	sst s1  }
0xa: {  	[smem:$0x3FAC] =	sst s2  }
0xb: {  	[smem:$0x3FAD] =	sst s3  }
0xc: {  	[smem:$0x3FAE] =	sst s4  }
0xd: {  	[smem:$0x3FAF] =	sst s5  }
0xe: {  	[smem:$0x3FB0] =	sst s6  }
0xf: {  	[smem:$0x3FB1] =	sst s7  }
0x10: {  	[smem:$0x3FB2] =	sst s8  }
0x11: {  	[smem:$0x3FB3] =	sst s9;
	s0 =	simm.s32 @!p0 $0x0  }
0x12: {  	s1 =	sld [smem:$0x3F99];
	s0 =	simm.s32 @p0 $0x1  }
0x13: {  	[smem:$0x3FB4] =	sst s0;
	s0 =	simm.s32 @!p1 $0x0  }
0x14: {  	s2 =	sld [smem:$0x3F98];
	s0 =	simm.s32 @p1 $0x1  }
0x15: {  	[smem:$0x3FB5] =	sst s0;
	s0 =	simm.s32 @!p2 $0x0  }
0x16: {  	s3 =	sld [smem:$0x3FDB];
	s0 =	simm.s32 @p2 $0x1  }
0x17: {  	s4 =	simm.s32 $0x1BF5;
	[smem:$0x3FB7] =	sst s0  }
0x18: {  	s0 =	sld [smem:$0x3F9A];
	_ =	swait.ge [sflag:s4], $0x0  }
0x19: {  	s7 =	sld [smem:$0x3F9B]  }
0x1a: {  	s8 =	sadd.s32 $0xFFFFE003, lr  }
0x1b: {  	s9 =	sadd.s32 $0xFFFFFEF7, lr;
	s5 =	simm.s32 $0xFFFFFFFF;
	p2 =	slt.u32 s8, $0xFFFFF086  }
0x1c: {  	p1 =	slt.u32 s9, $0xF7A;
	s5 =	simm.s32 @!p2 $0x0  }
0x1d: {  	s5 =	simm.s32 @p1 $0x1;
	p0 =	seq.s32 s7, s2  }
0x1e: {  	s7 =	smul.u32 @!p0 $0xF7A, s2;
	p2 =	seq.s32 @!p0 s5, $0x0  }
0x1f: {  	s9 =	smul.u32 $0xF7A, s1;
	s8 =	simm.s32 @!p0 $0x1BF5;
	p2 =	por !p2, p0  }
0x20: {  	[sflag:s8] =	ssyncset.s32 @!p0 $0xFFFFF086;
	s6 =	sadd.s32 @!p0 s3, s7;
	s7 =	simm.s32 @!p0 $0x108  }
0x21: {  	s3 =	sadd.s32 s3, s9;
	s6 =	sadd.s32 @!p0 $0x88, s6;
	s7 =	simm.s32 @p2 $0x1082  }
0x22: {  	[simem:s7], [sflag:s8] =	dma.local @!p0 [hbm:s6], $0xF7A  }
0x23: {  	s9 =	sor.u32 $0xD0000000, s2;
	s6 =	simm.s32 $0x108;
	_ =	swait.ge @!p0 [sflag:s8], $0x0  }
0x24: {  	s3 =	sadd.s32 $0x88, s3;
	s6 =	simm.s32 @!p1 $0x1082;
	[sflag:s4] =	ssyncset.s32 $0xFFFFF086  }
0x25: {  	[simem:s6], [sflag:s4] =	dma.local [hbm:s3], $0xF7A  }
0x26: {  	[smem:$0x3F9B] =	sst s1;
	(tag) =	ssettag s2;
	_ =	strace s9  }
0x27: {  	s1 =	sld [smem:$0x3FAB]  }
0x28: {  	s2 =	sld [smem:$0x3FAC]  }
0x29: {  	s4 =	sld [smem:$0x3FAE]  }
0x2a: {  	p0 =	seq.s32 s5, $0x0;
	s5 =	sld [smem:$0x3FAF]  }
0x2b: {  	s6 =	sld [smem:$0x3FB0]  }
0x2c: {  	s7 =	sld [smem:$0x3FB1]  }
0x2d: {  	s3 =	simm.s32 $0x108;
	s8 =	sld [smem:$0x3FB2]  }
0x2e: {  	s3 =	simm.s32 @!p0 $0x1082;
	s9 =	sld [smem:$0x3FB3]  }
0x2f: {  	lr =	sadd.s32 s0, s3;
	s0 =	sld [smem:$0x3FAA]  }
0x30: {  	s3 =	sld [smem:$0x3FAD]  }
0x31: {  	[smem:$0x3FB6] =	sst s10  }
0x32: {  	s10 =	sld [smem:$0x3FB4];
	_ =	sdelay $0x3  }
0x33: {  	p0 =	seq.s32 s10, $0x1;
	s10 =	sld [smem:$0x3FB6];
	_ =	sdelay $0x3  }
0x34: {  	[smem:$0x3FB6] =	sst s10  }
0x35: {  	s10 =	sld [smem:$0x3FB5];
	_ =	sdelay $0x3  }
0x36: {  	p1 =	seq.s32 s10, $0x1;
	s10 =	sld [smem:$0x3FB6];
	_ =	sdelay $0x3  }
0x37: {  	[smem:$0x3FB6] =	sst s10  }
0x38: {  	s10 =	sld [smem:$0x3FB7]  }
0x39: {  	_ = 	snop;
	(pc) =	sbr.ind lr, $3  }
0x3a: {  	_ = 	snop  }
0x3b: {  	_ = 	snop  }
0x3c: {  	p2 =	seq.s32 s10, $0x1;
	s10 =	sld [smem:$0x3FB6]  }
0x3d: {  	_ =	shalt  }
0x3e: {  	_ =	shalt  }
0x3f: {  	_ =	shalt  }
0x40: {  	_ =	shalt  }
0x41: {  	_ =	shalt  }
0x42: {  	_ =	shalt  }
0x43: {  	_ =	shalt  }
0x44: {  	_ =	shalt  }
0x45: {  	_ =	shalt  }
0x46: {  	_ =	shalt  }
0x47: {  	_ =	shalt  }
0x48: {  	_ =	shalt  }
0x49: {  	_ =	shalt  }
0x4a: {  	_ =	shalt  }
0x4b: {  	_ =	shalt  }
0x4c: {  	_ =	shalt  }
0x4d: {  	_ =	shalt  }
0x4e: {  	_ =	shalt  }
0x4f: {  	_ =	shalt  }
0x50: {  	_ =	shalt  }
0x51: {  	_ =	shalt  }
0x52: {  	_ =	shalt  }
0x53: {  	_ =	shalt  }
0x54: {  	_ =	shalt  }
0x55: {  	_ =	shalt  }
0x56: {  	_ =	shalt  }
0x57: {  	_ =	shalt  }
0x58: {  	_ =	shalt  }
0x59: {  	_ =	shalt  }
0x5a: {  	_ =	shalt  }
0x5b: {  	_ =	shalt  }
0x5c: {  	_ =	shalt  }
0x5d: {  	_ =	shalt  }
0x5e: {  	_ =	shalt  }
0x5f: {  	_ =	shalt  }
0x60: {  	_ =	shalt  }
0x61: {  	_ =	shalt  }
0x62: {  	_ =	shalt  }
0x63: {  	_ =	shalt  }
0x64: {  	_ =	shalt  }
0x65: {  	_ =	shalt  }
0x66: {  	_ =	shalt  }
0x67: {  	_ =	shalt  }
0x68: {  	_ =	shalt  }
0x69: {  	_ =	shalt  }
0x6a: {  	_ =	shalt  }
0x6b: {  	_ =	shalt  }
0x6c: {  	_ =	shalt  }
0x6d: {  	_ =	shalt  }
0x6e: {  	_ =	shalt  }
0x6f: {  	_ =	shalt  }
0x70: {  	_ =	shalt  }
0x71: {  	_ =	shalt  }
0x72: {  	_ =	shalt  }
0x73: {  	_ =	shalt  }
0x74: {  	_ =	shalt  }
0x75: {  	_ =	shalt  }
0x76: {  	_ =	shalt  }
0x77: {  	_ =	shalt  }
0x78: {  	_ =	shalt  }
0x79: {  	_ =	shalt  }
0x7a: {  	_ =	shalt  }
0x7b: {  	_ =	shalt  }
0x7c: {  	_ =	shalt  }
0x7d: {  	_ =	shalt  }
0x7e: {  	_ =	shalt  }
0x7f: {  	_ =	shalt  }
0x80: {  	_ =	shalt  }
0x81: {  	_ =	shalt  }
0x82: {  	_ =	shalt  }
0x83: {  	_ =	shalt  }
0x84: {  	_ =	shalt  }
0x85: {  	_ =	shalt  }
0x86: {  	_ =	shalt  }
0x87: {  	_ =	shalt  }
.Lfunc_end0:
.L_simem_size_0:
called_computation.2_lowered:
.L_overlay_start_0:
0x88: {  	s2 =	sld [smem:$0x3FD9]  }
0x89: {  	s3 =	sld [smem:$0x3FFE];
	_ =	sdelay $0x1  }
0x8a: {  	s1 =	srdreg.scid  }
0x8b: {  	s0 =	sand.u32 $0x1, s1  }
0x8c: {  	s17 =	sshll.u32 s0, $0xA;
	s2 =	sadd.s32 s3, s2  }
0x8d: {  	s2 =	sadd.s32 s2, s17  }
0x8e: {  	[smem:$0x3FC2] =	sst s2  }
0x8f: {  	_ = 	snop  }
0x90: {  	s2 =	sld [smem:$0x3FD0];
	(tm) =	ssettm $0x1  }
0x91: {  	s18 =	sld [smem:$0x3FFB];
	_ =	sdelay $0x3  }
0x92: {  	_ =	strace s18  }
0x93: {  	s3 =	sld [smem:$0x3FFC];
	_ =	sdelay $0x3  }
0x94: {  	_ =	strace s3  }
0x95: {  	s3 =	sld [smem:$0x3FFD];
	_ =	sdelay $0x3  }
0x96: {  	_ =	strace s3  }
0x97: {  	_ =	strace $0x8FFFFFFF  }
0x98: {  	s19 =	sld [smem:$0x3FDB];
	_ =	sdelay $0x1  }
0x99: {  	s4 =	simm.s32 $_scs_section_size  }
0x9a: {  	s5 =	simm.s32 $_size__tile_overlayer_lowered;
	s6 =	simm.s32 $_tile_overlayer_lowered  }
0x9b: {  	s22 =	simm.s32 $0x1BFF;
	s21 =	sshll.u32 s6, $0x1;
	s3 =	sadd.s32 s4, s19  }
0x9c: {  	s7 =	simm.s32 $0x0;
	s20 =	sshll.u32 s5, $0x1;
	s5 =	sadd.s32 s21, s3  }
0x9d: {  	[timem:s7], [sflag:s22] =	dma.local [hbm:s5], s20  }
0x9e: {  	_ =	swait.ge [sflag:s22], s20  }
0x9f: {  	s4 =	ssub.s32 $0x0, s20;
	[sflag:s22] =	ssyncset.done $0x0  }
0xa0: {  	[sflag:s22] =	ssyncadd.s32 s4;
	_ =	sdelay $0x1  }
0xa1: {  	s23 =	simm.s32 $0x1B8B  }
0xa2: {  	_ =	swait.ge [sflag:s23], $0x1  }
0xa3: {  	[sflag:s23] =	ssyncset.done $0x0  }
0xa4: {  	s25 =	simm.s32 $0x1B8E;
	s24 =	sld [smem:$0x3FFE];
	[sflag:s23] =	ssyncadd.s32 $0xFFFFFFFF  }
0xa5: {  	s26 =	simm.s32 $execute0_lowered;
	[smem:$0x3FD2] =	sst s25  }
0xa6: {  	s5 =	sshll.u32 s26, $0x1;
	_ =	strace $0x8000004C;
	[dreg:$0x1] =	wrdreg $0xFFFFFFFF  }
0xa7: {  	s28 =	simm.s32 $_size_execute0_lowered;
	s3 =	sadd.s32 s3, s5;
	[dreg:$0x0] =	wrdreg $0x0  }
0xa8: {  	s5 =	sshll.u32 s28, $0x1;
	[dreg:$0x2] =	wrdreg s3  }
0xa9: {  	[dreg:$0x3] =	wrdreg s5  }
0xaa: {  	[dreg:$0x4] =	wrdreg $0xC0  }
0xab: {  	_ =	task [dreg:s7], $0x5FFFF  }
0xac: {  	[dreg:$0x1] =	wrdreg $0xFFFFFFFF  }
0xad: {  	[dreg:$0x0] =	wrdreg $0x60  }
0xae: {  	[dreg:$0x2] =	wrdreg s24  }
0xaf: {  	[dreg:$0x3] =	wrdreg s2  }
0xb0: {  	[dreg:$0x4] =	wrdreg $0x90000  }
0xb1: {  	[dreg:$0x5] =	wrdreg $0x9  }
0xb2: {  	_ =	task.clear_ibuf [dreg:s7], $0x6FFFF;
	_ =	strace $0x9000004C  }
0xb3: {  	s29 =	simm.s32 $0x9;
	_ =	strace $0x8000004E  }
0xb4: {  	_ =	swait.ge [sflag:s29], $0x1  }
0xb5: {  	[sflag:s29] =	ssyncadd.s32 $0xFFFFFFFF  }
0xb6: {  	_ =	strace $0x9000004E  }
0xb7: {  	_ =	sfence  }
0xb8: {  	s30 =	sld [smem:$0x0];
	_ =	sdelay $0x2  }
0xb9: {  	s31 =	sshll.u32 s1, $0xD;
	s1 =	sshrl.u32 s1, $0x2  }
0xba: {  	s3 =	sand.u32 $0x4000, s31;
	s1 =	sadd.s32 s1, s30  }
0xbb: {  	s0 =	sor.u32 s3, s0;
	s1 =	sshll.u32 s1, $0x11  }
0xbc: {  	s0 =	sor.u32 s1, s0  }
0xbd: {  	s0 =	sadd.s32 $0x8F2B, s0  }
0xbe: {  	[sflag:s0] =	ssyncadd.remote.s32 $0x1  }
0xbf: {  	_ =	sfence.sel $0xFFFF  }
0xc0: {  	[dreg:$0x0] =	wrdreg $0xFFFFFFFF;
	(pc) =	sbr.abs _section_cstart, $3  }
0xc1: {  	[dreg:$0x1] =	wrdreg $0xFFFFFFFF  }
0xc2: {  	_ =	task.clear_ibuf [dreg:s7], $0x2FFFF;
	_ =	strace $0x9FFFFFFF  }
0xc3: {  	(tm) =	ssettm $0x7FFFFFFF  }
tec
execute0_lowered:
.L_overlay_start_1:
0x0: {  	(tag) =	ssettag $0x1  }
0x1: {  	s5 =	rddreg [dreg:$0x0]  }
0x2: {  	s6 =	rddreg [dreg:$0x1]  }
0x3: {  	s2 =	rddreg [dreg:$0x2]  }
0x4: {  	s0 =	rddreg [dreg:$0x3]  }
0x5: {  	s3 =	simm.s32 $0x0;
	s1 =	stileid.u32;
	s7 =	srdreg.scid  }
0x6: {  	[smem:$0x7FF] =	sst s3;
	s8 =	smul.u32 $0x2800, s1  }
0x7: {  	s4 =	sadd.s32 $0xF1000, s5;
	s9 =	sadd.s32 $0xB5000, s5;
	s11 =	smul.u32 $0x280, s1  }
0x8: {  	s7 =	sand.u32 $0x1, s7;
	s13 =	smul.u32 $0x50000, s1;
	s14 =	sadd.s32 $0x15000, s5  }
0x9: {  	s31 =	sshll.u32 s1, $0x6;
	_ =	strace $0x8000004D;
	s15 =	smul.u32 $0x50000, s7  }
0xa: {  	s12 =	ssub.s32 $0x2, s7;
	s16 =	smul.u32 $0x5000, s7;
	s7 =	sshllo.u32 s7, $0x1  }
0xb: {  	s10 =	sshrl.u32 s8, $0x3;
	s25 =	sshrl.u32 s12, $0x1;
	s28 =	smul.u32 $0x28000, s7  }
0xc: {  	s13 =	sshrl.u32 s13, $0x2;
	s17 =	smul.u32 $0x2800, s7;
	s6 =	sadd.s32 s6, s8  }
0xd: {  	s10 =	sadd.s32 s10, s5;
	s12 =	ssub.s32 s12, s25;
	s26 =	sadd.s32 s8, s15  }
0xe: {  	s18 =	sadd.s32 s13, s2;
	s29 =	sadd.s32 s11, s16;
	s13 =	simm.s32 $0x1  }
0xf: {  	s16 =	simm.s32 $0x80;
	s5 =	sadd.s32 $0x10000, s10;
	s10 =	sshrl.u32 s26, $0x3  }
0x10: {  	s8 =	sadd.s32 s8, s28;
	s11 =	sadd.s32 s11, s17;
	s15 =	sshrl.u32 s18, $0x3  }
0x11: {  	s17 =	simm.s32 $0x5000;
	s18 =	simm.s32 $0x0;
	s7 =	sadd.s32 s9, s10  }
0x12: {  	s10 =	sshll.u32 s29, $0x4;
	s30 =	sshrl.u32 s8, $0x3;
	s11 =	sshll.u32 s11, $0x4  }
0x13: {  	s8 =	sadd.s32 s14, s10;
	s9 =	sadd.s32 s9, s30;
	s10 =	sadd.s32 s14, s11  }
0x14: {  	s11 =	smax.u32 s12, $0x1;
	s12 =	simm.s32 $0x2800;
	s14 =	sor.u32 $0x1C01, s31  }
.LBB2_1:
0x15: {  	[tilespmem:s12], [sflag:$0x1] =	stream.linear.gather [hbm4b:s5+s3], $0x2780, $0x38;
	[tilespmem:$0x1D000] =	vst v63  }
0x16: {  	_ =	swait.ge [sflag:s13], $0x2780  }
0x17: {  	[sflag:s13] =	ssyncset.done $0x0  }
0x18: {  	[sflag:s13] =	ssyncadd.s32 $0xFFFFD880  }
0x19: {  	[spmem:s15], [sflag:s14] =	dma.local [hbm:s6], $0x2800  }
0x1a: {  	_ =	swait.ge [sflag:s13], $0x2800  }
0x1b: {  	[sflag:s13] =	ssyncset.done $0x0  }
0x1c: {  	[sflag:s13] =	ssyncadd.s32 $0xFFFFD800  }
0x1d: {  	[tilespmem:s3], [sflag:$0x1] =	stream.linear.gather [hbm4b:s7+s3], $0x2780, $0x38;
	[tilespmem:$0x1D000] =	vst v63  }
0x1e: {  	_ =	swait.ge [sflag:s13], $0x2780  }
0x1f: {  	[sflag:s13] =	ssyncset.done $0x0  }
0x20: {  	[sflag:s13] =	ssyncadd.s32 $0xFFFFD880  }
0x21: {  	s19 =	simm.s32 $0x0;
	[bflag:$0x0] =	sbarrier.arrive $0xFFFF  }
0x22: {  	[tilespmem:s17], [sflag:$0x1] =	stream.indirect.gather [hbm4b:s4+s16], $0x80, s19, s16, $0xb8;
	[tilespmem:$0x1D000] =	vst v63  }
0x23: {  	_ =	swait.ge [sflag:s13], $0x4000  }
0x24: {  	[sflag:s13] =	ssyncset.done $0x0  }
0x25: {  	s31 =	simm.s32 $0x2800;
	[sflag:s13] =	ssyncadd.s32 $0xFFFFC000  }
0x26: {  	[spmem:s2] =	stream.indirect.scatter.add.f32 [tilespmem:s17], [sflag:$0x1], $0x80, s31, s16, $0xb8;
	[tilespmem:$0x1D000] =	vst v63  }
0x27: {  	_ =	swait.ge [sflag:s13], $0x4000  }
0x28: {  	s20 =	simm.s32 $0x400;
	s19 =	simm.s32 $0x200;
	[sflag:s13] =	ssyncset.done $0x0  }
.LBB2_2:
0x29: {  	s21 =	sshra.s32 s19, $0x2  }
0x2a: {  	[sflag:s13] =	ssyncadd.s32 $0xFFFFC000;
	s19 =	smov.u32 s20;
	s22 =	sadd.s32 $0x200, s20  }
0x2b: {  	[tilespmem:s17], [sflag:$0x1] =	stream.indirect.gather [hbm4b:s4+s16], $0x80, s21, s16, $0xb8;
	[tilespmem:$0x1D000] =	vst v63  }
0x2c: {  	p0 =	sne.s32 s20, $0x9C00;
	_ =	swait.ge [sflag:s13], $0x4000  }
.Ltmp0:
0x2d: {  	[sflag:s13] =	ssyncset.done $0x0;
	(pc) =	sbr.rel @p0 .LBB2_2-.Ltmp0, $4  }
0x2e: {  	s20 =	sadd.s32 $0x2800, s21;
	[sflag:s13] =	ssyncadd.s32 $0xFFFFC000  }
0x2f: {  	[spmem:s2] =	stream.indirect.scatter.add.f32 [tilespmem:s17], [sflag:$0x1], $0x80, s20, s16, $0xb8;
	[tilespmem:$0x1D000] =	vst v63  }
0x30: {  	_ =	swait.ge [sflag:s13], $0x4000  }
0x31: {  	s20 =	smov.u32 s22;
	[sflag:s13] =	ssyncset.done $0x0  }
0x32: {  	s19 =	sshra.s32 s19, $0x2;
	[sflag:s13] =	ssyncadd.s32 $0xFFFFC000  }
0x33: {  	[tilespmem:s17], [sflag:$0x1] =	stream.indirect.gather [hbm4b:s4+s16], $0x80, s19, s16, $0xb8;
	[tilespmem:$0x1D000] =	vst v63  }
0x34: {  	_ =	swait.ge [sflag:s13], $0x4000  }
0x35: {  	[sflag:s13] =	ssyncset.done $0x0  }
0x36: {  	s19 =	sadd.s32 $0x2800, s19;
	[sflag:s13] =	ssyncadd.s32 $0xFFFFC000  }
0x37: {  	[spmem:s2] =	stream.indirect.scatter.add.f32 [tilespmem:s17], [sflag:$0x1], $0x80, s19, s16, $0xb8;
	[tilespmem:$0x1D000] =	vst v63  }
0x38: {  	_ =	swait.ge [sflag:s13], $0x4000  }
0x39: {  	[sflag:s13] =	ssyncset.done $0x0  }
0x3a: {  	[sflag:s13] =	ssyncadd.s32 $0xFFFFC000  }
0x3b: {  	[bflag:$0x0] =	sbarrier.arrive $0xFFFF  }
0x3c: {  	[hbm:s8], [sflag:s14] =	dma.local [spmem:s15], $0x2800  }
0x3d: {  	_ =	swait.ge [sflag:s13], $0x2800  }
0x3e: {  	[sflag:s13] =	ssyncset.done $0x0  }
0x3f: {  	[sflag:s13] =	ssyncadd.s32 $0xFFFFD800  }
0x40: {  	[bflag:$0x0] =	sbarrier.arrive $0xFFFF  }
0x41: {  	[spmem:s15], [sflag:s14] =	dma.local [hbm:s6], $0x2800  }
0x42: {  	_ =	swait.ge [sflag:s13], $0x2800  }
0x43: {  	[sflag:s13] =	ssyncset.done $0x0  }
0x44: {  	s29 =	simm.s32 $0x0;
	[sflag:s13] =	ssyncadd.s32 $0xFFFFD800  }
0x45: {  	[tilespmem:s29], [sflag:$0x1] =	stream.linear.gather [hbm4b:s9+s29], $0x2780, $0x38;
	[tilespmem:$0x1D000] =	vst v63  }
0x46: {  	_ =	swait.ge [sflag:s13], $0x2780  }
0x47: {  	[sflag:s13] =	ssyncset.done $0x0  }
0x48: {  	[sflag:s13] =	ssyncadd.s32 $0xFFFFD880  }
0x49: {  	s30 =	simm.s32 $0x0;
	[bflag:$0x0] =	sbarrier.arrive $0xFFFF  }
0x4a: {  	[tilespmem:s17], [sflag:$0x1] =	stream.indirect.gather [hbm4b:s4+s16], $0x80, s30, s16, $0xb8;
	[tilespmem:$0x1D000] =	vst v63  }
0x4b: {  	_ =	swait.ge [sflag:s13], $0x4000  }
0x4c: {  	[sflag:s13] =	ssyncset.done $0x0  }
0x4d: {  	s31 =	simm.s32 $0x2800;
	[sflag:s13] =	ssyncadd.s32 $0xFFFFC000  }
0x4e: {  	[spmem:s2] =	stream.indirect.scatter.add.f32 [tilespmem:s17], [sflag:$0x1], $0x80, s31, s16, $0xb8;
	[tilespmem:$0x1D000] =	vst v63  }
0x4f: {  	_ =	swait.ge [sflag:s13], $0x4000  }
0x50: {  	s20 =	simm.s32 $0x400;
	s19 =	simm.s32 $0x200;
	[sflag:s13] =	ssyncset.done $0x0  }
.LBB2_4:
0x51: {  	s21 =	sshra.s32 s19, $0x2  }
0x52: {  	[sflag:s13] =	ssyncadd.s32 $0xFFFFC000;
	s19 =	smov.u32 s20;
	s22 =	sadd.s32 $0x200, s20  }
0x53: {  	[tilespmem:s17], [sflag:$0x1] =	stream.indirect.gather [hbm4b:s4+s16], $0x80, s21, s16, $0xb8;
	[tilespmem:$0x1D000] =	vst v63  }
0x54: {  	p0 =	sne.s32 s20, $0x9C00;
	_ =	swait.ge [sflag:s13], $0x4000  }
.Ltmp1:
0x55: {  	[sflag:s13] =	ssyncset.done $0x0;
	(pc) =	sbr.rel @p0 .LBB2_4-.Ltmp1, $4  }
0x56: {  	s20 =	sadd.s32 $0x2800, s21;
	[sflag:s13] =	ssyncadd.s32 $0xFFFFC000  }
0x57: {  	[spmem:s2] =	stream.indirect.scatter.add.f32 [tilespmem:s17], [sflag:$0x1], $0x80, s20, s16, $0xb8;
	[tilespmem:$0x1D000] =	vst v63  }
0x58: {  	_ =	swait.ge [sflag:s13], $0x4000  }
0x59: {  	s20 =	smov.u32 s22;
	[sflag:s13] =	ssyncset.done $0x0  }
0x5a: {  	s19 =	sshra.s32 s19, $0x2;
	[sflag:s13] =	ssyncadd.s32 $0xFFFFC000  }
0x5b: {  	[tilespmem:s17], [sflag:$0x1] =	stream.indirect.gather [hbm4b:s4+s16], $0x80, s19, s16, $0xb8;
	[tilespmem:$0x1D000] =	vst v63  }
0x5c: {  	_ =	swait.ge [sflag:s13], $0x4000  }
0x5d: {  	[sflag:s13] =	ssyncset.done $0x0  }
0x5e: {  	s19 =	sadd.s32 $0x2800, s19;
	[sflag:s13] =	ssyncadd.s32 $0xFFFFC000  }
0x5f: {  	[spmem:s2] =	stream.indirect.scatter.add.f32 [tilespmem:s17], [sflag:$0x1], $0x80, s19, s16, $0xb8;
	[tilespmem:$0x1D000] =	vst v63  }
0x60: {  	_ =	swait.ge [sflag:s13], $0x4000  }
0x61: {  	[sflag:s13] =	ssyncset.done $0x0  }
0x62: {  	s18 =	sadd.s32 $0x1, s18;
	[sflag:s13] =	ssyncadd.s32 $0xFFFFC000  }
0x63: {  	p0 =	sne.s32 s18, s11;
	[bflag:$0x0] =	sbarrier.arrive $0xFFFF  }
0x64: {  	[hbm:s10], [sflag:s14] =	dma.local [spmem:s15], $0x2800  }
.Ltmp2:
0x65: {  	_ =	swait.ge [sflag:s13], $0x2800;
	(pc) =	sbr.rel @p0 .LBB2_1-.Ltmp2, $3  }
0x66: {  	[sflag:s13] =	ssyncset.done $0x0  }
0x67: {  	[sflag:s13] =	ssyncadd.s32 $0xFFFFD800  }
0x68: {  	[bflag:$0x0] =	sbarrier.arrive $0xFFFF;
	_ =	sdelay $0x1  }
0x69: {  	_ =	sfence.sel $0x180000  }
0x6a: {  	[bflag:$0x0] =	sbarrier.arrive $0xFFFF  }
0x6b: {  	p0 =	sne.s32 s1, $0x0;
	_ =	strace $0x9000004D  }
0x6c: {  	s0 =	sadd.s32 @!p0 $0x100000, s0;
	[bflag:$0x2] =	sbarrier.arrive $0xFFFF  }
0x6d: {  	[sflag:s0] =	ssyncadd.tile.s32 @!p0 $0x1;
	_ =	shalt  }
.Lfunc_end2:
_tile_overlayer_lowered:
.L_overlay_start_2:
0x6e: {  	(tag) =	ssettag $0x2  }
0x6f: {  	s0 =	rddreg [dreg:$0x0];
	s2 =	stileid.u32  }
0x70: {  	s1 =	rddreg [dreg:$0x1];
	p0 =	sne.s32 s2, $0x0  }
0x71: {  	s3 =	rddreg [dreg:$0x2];
	[bflag:$0x3] =	sbarrier.arrive $0xFFFF;
	s2 =	simm.s32 @!p0 $0x1C01  }
0x72: {  	[timem:s3], [sflag:s2] =	dma.local @!p0 [hbm:s0], s1  }
0x73: {  	s0 =	simm.s32 @!p0 $0x1  }
0x74: {  	_ =	swait.ge @!p0 [sflag:s0], s1  }
0x75: {  	s1 =	ssub.s32 @!p0 $0x0, s1;
	[sflag:s0] =	ssyncset.done @!p0 $0x0  }
0x76: {  	[sflag:s0] =	ssyncadd.s32 @!p0 s1  }
0x77: {  	[bflag:$0x3] =	sbarrier.arrive $0xFFFF  }
0x78: {  	_ =	shalt  }

// kernel: kernel.30.cloned.1.call-start
scs
__scs_entry_jumppad:
0x0: {  	(pc) =	sbr.rel $0x88, $3  }
0x1: {  	(tag) =	ssettag $0x0;
	lr =	simm.s32 $0x1  }
0x2: {  	[smem:$0x3F9B] =	sst lr;
	_ =	strace $0xD0000000  }
0x3: {  	_ = 	snop  }
0x4: {  	_ = 	snop  }
0x5: {  	_ = 	snop  }
0x6: {  	_ = 	snop  }
0x7: {  	_ = 	snop  }
__scs_overlays_trampoline_lowered:
0x8: {  	[smem:$0x3FAA] =	sst s0  }
0x9: {  	[smem:$0x3FAB] =	sst s1  }
0xa: {  	[smem:$0x3FAC] =	sst s2  }
0xb: {  	[smem:$0x3FAD] =	sst s3  }
0xc: {  	[smem:$0x3FAE] =	sst s4  }
0xd: {  	[smem:$0x3FAF] =	sst s5  }
0xe: {  	[smem:$0x3FB0] =	sst s6  }
0xf: {  	[smem:$0x3FB1] =	sst s7  }
0x10: {  	[smem:$0x3FB2] =	sst s8  }
0x11: {  	[smem:$0x3FB3] =	sst s9;
	s0 =	simm.s32 @!p0 $0x0  }
0x12: {  	s1 =	sld [smem:$0x3F99];
	s0 =	simm.s32 @p0 $0x1  }
0x13: {  	[smem:$0x3FB4] =	sst s0;
	s0 =	simm.s32 @!p1 $0x0  }
0x14: {  	s2 =	sld [smem:$0x3F98];
	s0 =	simm.s32 @p1 $0x1  }
0x15: {  	[smem:$0x3FB5] =	sst s0;
	s0 =	simm.s32 @!p2 $0x0  }
0x16: {  	s3 =	sld [smem:$0x3FDB];
	s0 =	simm.s32 @p2 $0x1  }
0x17: {  	s4 =	simm.s32 $0x1BF5;
	[smem:$0x3FB7] =	sst s0  }
0x18: {  	s0 =	sld [smem:$0x3F9A];
	_ =	swait.ge [sflag:s4], $0x0  }
0x19: {  	s7 =	sld [smem:$0x3F9B]  }
0x1a: {  	s8 =	sadd.s32 $0xFFFFE003, lr  }
0x1b: {  	s9 =	sadd.s32 $0xFFFFFEF7, lr;
	s5 =	simm.s32 $0xFFFFFFFF;
	p2 =	slt.u32 s8, $0xFFFFF086  }
0x1c: {  	p1 =	slt.u32 s9, $0xF7A;
	s5 =	simm.s32 @!p2 $0x0  }
0x1d: {  	s5 =	simm.s32 @p1 $0x1;
	p0 =	seq.s32 s7, s2  }
0x1e: {  	s7 =	smul.u32 @!p0 $0xF7A, s2;
	p2 =	seq.s32 @!p0 s5, $0x0  }
0x1f: {  	s9 =	smul.u32 $0xF7A, s1;
	s8 =	simm.s32 @!p0 $0x1BF5;
	p2 =	por !p2, p0  }
0x20: {  	[sflag:s8] =	ssyncset.s32 @!p0 $0xFFFFF086;
	s6 =	sadd.s32 @!p0 s3, s7;
	s7 =	simm.s32 @!p0 $0x108  }
0x21: {  	s3 =	sadd.s32 s3, s9;
	s6 =	sadd.s32 @!p0 $0x88, s6;
	s7 =	simm.s32 @p2 $0x1082  }
0x22: {  	[simem:s7], [sflag:s8] =	dma.local @!p0 [hbm:s6], $0xF7A  }
0x23: {  	s9 =	sor.u32 $0xD0000000, s2;
	s6 =	simm.s32 $0x108;
	_ =	swait.ge @!p0 [sflag:s8], $0x0  }
0x24: {  	s3 =	sadd.s32 $0x88, s3;
	s6 =	simm.s32 @!p1 $0x1082;
	[sflag:s4] =	ssyncset.s32 $0xFFFFF086  }
0x25: {  	[simem:s6], [sflag:s4] =	dma.local [hbm:s3], $0xF7A  }
0x26: {  	[smem:$0x3F9B] =	sst s1;
	(tag) =	ssettag s2;
	_ =	strace s9  }
0x27: {  	s1 =	sld [smem:$0x3FAB]  }
0x28: {  	s2 =	sld [smem:$0x3FAC]  }
0x29: {  	s4 =	sld [smem:$0x3FAE]  }
0x2a: {  	p0 =	seq.s32 s5, $0x0;
	s5 =	sld [smem:$0x3FAF]  }
0x2b: {  	s6 =	sld [smem:$0x3FB0]  }
0x2c: {  	s7 =	sld [smem:$0x3FB1]  }
0x2d: {  	s3 =	simm.s32 $0x108;
	s8 =	sld [smem:$0x3FB2]  }
0x2e: {  	s3 =	simm.s32 @!p0 $0x1082;
	s9 =	sld [smem:$0x3FB3]  }
0x2f: {  	lr =	sadd.s32 s0, s3;
	s0 =	sld [smem:$0x3FAA]  }
0x30: {  	s3 =	sld [smem:$0x3FAD]  }
0x31: {  	[smem:$0x3FB6] =	sst s10  }
0x32: {  	s10 =	sld [smem:$0x3FB4];
	_ =	sdelay $0x3  }
0x33: {  	p0 =	seq.s32 s10, $0x1;
	s10 =	sld [smem:$0x3FB6];
	_ =	sdelay $0x3  }
0x34: {  	[smem:$0x3FB6] =	sst s10  }
0x35: {  	s10 =	sld [smem:$0x3FB5];
	_ =	sdelay $0x3  }
0x36: {  	p1 =	seq.s32 s10, $0x1;
	s10 =	sld [smem:$0x3FB6];
	_ =	sdelay $0x3  }
0x37: {  	[smem:$0x3FB6] =	sst s10  }
0x38: {  	s10 =	sld [smem:$0x3FB7]  }
0x39: {  	_ = 	snop;
	(pc) =	sbr.ind lr, $3  }
0x3a: {  	_ = 	snop  }
0x3b: {  	_ = 	snop  }
0x3c: {  	p2 =	seq.s32 s10, $0x1;
	s10 =	sld [smem:$0x3FB6]  }
0x3d: {  	_ =	shalt  }
0x3e: {  	_ =	shalt  }
0x3f: {  	_ =	shalt  }
0x40: {  	_ =	shalt  }
0x41: {  	_ =	shalt  }
0x42: {  	_ =	shalt  }
0x43: {  	_ =	shalt  }
0x44: {  	_ =	shalt  }
0x45: {  	_ =	shalt  }
0x46: {  	_ =	shalt  }
0x47: {  	_ =	shalt  }
0x48: {  	_ =	shalt  }
0x49: {  	_ =	shalt  }
0x4a: {  	_ =	shalt  }
0x4b: {  	_ =	shalt  }
0x4c: {  	_ =	shalt  }
0x4d: {  	_ =	shalt  }
0x4e: {  	_ =	shalt  }
0x4f: {  	_ =	shalt  }
0x50: {  	_ =	shalt  }
0x51: {  	_ =	shalt  }
0x52: {  	_ =	shalt  }
0x53: {  	_ =	shalt  }
0x54: {  	_ =	shalt  }
0x55: {  	_ =	shalt  }
0x56: {  	_ =	shalt  }
0x57: {  	_ =	shalt  }
0x58: {  	_ =	shalt  }
0x59: {  	_ =	shalt  }
0x5a: {  	_ =	shalt  }
0x5b: {  	_ =	shalt  }
0x5c: {  	_ =	shalt  }
0x5d: {  	_ =	shalt  }
0x5e: {  	_ =	shalt  }
0x5f: {  	_ =	shalt  }
0x60: {  	_ =	shalt  }
0x61: {  	_ =	shalt  }
0x62: {  	_ =	shalt  }
0x63: {  	_ =	shalt  }
0x64: {  	_ =	shalt  }
0x65: {  	_ =	shalt  }
0x66: {  	_ =	shalt  }
0x67: {  	_ =	shalt  }
0x68: {  	_ =	shalt  }
0x69: {  	_ =	shalt  }
0x6a: {  	_ =	shalt  }
0x6b: {  	_ =	shalt  }
0x6c: {  	_ =	shalt  }
0x6d: {  	_ =	shalt  }
0x6e: {  	_ =	shalt  }
0x6f: {  	_ =	shalt  }
0x70: {  	_ =	shalt  }
0x71: {  	_ =	shalt  }
0x72: {  	_ =	shalt  }
0x73: {  	_ =	shalt  }
0x74: {  	_ =	shalt  }
0x75: {  	_ =	shalt  }
0x76: {  	_ =	shalt  }
0x77: {  	_ =	shalt  }
0x78: {  	_ =	shalt  }
0x79: {  	_ =	shalt  }
0x7a: {  	_ =	shalt  }
0x7b: {  	_ =	shalt  }
0x7c: {  	_ =	shalt  }
0x7d: {  	_ =	shalt  }
0x7e: {  	_ =	shalt  }
0x7f: {  	_ =	shalt  }
0x80: {  	_ =	shalt  }
0x81: {  	_ =	shalt  }
0x82: {  	_ =	shalt  }
0x83: {  	_ =	shalt  }
0x84: {  	_ =	shalt  }
0x85: {  	_ =	shalt  }
0x86: {  	_ =	shalt  }
0x87: {  	_ =	shalt  }
.Lfunc_end0:
.L_simem_size_0:
called_computation.3_lowered:
.L_overlay_start_0:
0x88: {  	s2 =	sld [smem:$0x3FD9]  }
0x89: {  	s3 =	sld [smem:$0x3FFE];
	_ =	sdelay $0x1  }
0x8a: {  	s1 =	srdreg.scid  }
0x8b: {  	s0 =	sand.u32 $0x1, s1  }
0x8c: {  	s17 =	sshll.u32 s0, $0xA;
	s2 =	sadd.s32 s3, s2  }
0x8d: {  	s2 =	sadd.s32 s2, s17  }
0x8e: {  	[smem:$0x3FC2] =	sst s2  }
0x8f: {  	_ = 	snop  }
0x90: {  	s2 =	sld [smem:$0x3FD0];
	(tm) =	ssettm $0x1  }
0x91: {  	s18 =	sld [smem:$0x3FFB];
	_ =	sdelay $0x3  }
0x92: {  	_ =	strace s18  }
0x93: {  	s3 =	sld [smem:$0x3FFC];
	_ =	sdelay $0x3  }
0x94: {  	_ =	strace s3  }
0x95: {  	s3 =	sld [smem:$0x3FFD];
	_ =	sdelay $0x3  }
0x96: {  	_ =	strace s3  }
0x97: {  	_ =	strace $0x8FFFFFFF  }
0x98: {  	s19 =	sld [smem:$0x3FDB];
	_ =	sdelay $0x1  }
0x99: {  	s4 =	simm.s32 $_scs_section_size  }
0x9a: {  	s5 =	simm.s32 $_size__tile_overlayer_lowered;
	s6 =	simm.s32 $_tile_overlayer_lowered  }
0x9b: {  	s22 =	simm.s32 $0x1BFF;
	s21 =	sshll.u32 s6, $0x1;
	s3 =	sadd.s32 s4, s19  }
0x9c: {  	s7 =	simm.s32 $0x0;
	s20 =	sshll.u32 s5, $0x1;
	s5 =	sadd.s32 s21, s3  }
0x9d: {  	[timem:s7], [sflag:s22] =	dma.local [hbm:s5], s20  }
0x9e: {  	_ =	swait.ge [sflag:s22], s20  }
0x9f: {  	s4 =	ssub.s32 $0x0, s20;
	[sflag:s22] =	ssyncset.done $0x0  }
0xa0: {  	[sflag:s22] =	ssyncadd.s32 s4;
	_ =	sdelay $0x1  }
0xa1: {  	s23 =	simm.s32 $0x1B8B  }
0xa2: {  	_ =	swait.ge [sflag:s23], $0x1  }
0xa3: {  	[sflag:s23] =	ssyncset.done $0x0  }
0xa4: {  	s25 =	simm.s32 $0x1B8E;
	s24 =	sld [smem:$0x3FFE];
	[sflag:s23] =	ssyncadd.s32 $0xFFFFFFFF  }
0xa5: {  	s26 =	simm.s32 $execute0_lowered;
	[smem:$0x3FD2] =	sst s25  }
0xa6: {  	s5 =	sshll.u32 s26, $0x1;
	_ =	strace $0x8000004F;
	[dreg:$0x1] =	wrdreg $0xFFFFFFFF  }
0xa7: {  	s28 =	simm.s32 $_size_execute0_lowered;
	s3 =	sadd.s32 s3, s5;
	[dreg:$0x0] =	wrdreg $0x0  }
0xa8: {  	s5 =	sshll.u32 s28, $0x1;
	[dreg:$0x2] =	wrdreg s3  }
0xa9: {  	[dreg:$0x3] =	wrdreg s5  }
0xaa: {  	[dreg:$0x4] =	wrdreg $0xC0  }
0xab: {  	_ =	task [dreg:s7], $0x5FFFF  }
0xac: {  	[dreg:$0x1] =	wrdreg $0xFFFFFFFF  }
0xad: {  	[dreg:$0x0] =	wrdreg $0x60  }
0xae: {  	[dreg:$0x2] =	wrdreg s24  }
0xaf: {  	[dreg:$0x3] =	wrdreg s2  }
0xb0: {  	[dreg:$0x4] =	wrdreg $0x90000  }
0xb1: {  	[dreg:$0x5] =	wrdreg $0x9  }
0xb2: {  	_ =	task.clear_ibuf [dreg:s7], $0x6FFFF;
	_ =	strace $0x9000004F  }
0xb3: {  	s29 =	simm.s32 $0x9;
	_ =	strace $0x80000051  }
0xb4: {  	_ =	swait.ge [sflag:s29], $0x1  }
0xb5: {  	[sflag:s29] =	ssyncadd.s32 $0xFFFFFFFF  }
0xb6: {  	_ =	strace $0x90000051  }
0xb7: {  	_ =	sfence  }
0xb8: {  	s30 =	sld [smem:$0x0];
	_ =	sdelay $0x2  }
0xb9: {  	s31 =	sshll.u32 s1, $0xD;
	s1 =	sshrl.u32 s1, $0x2  }
0xba: {  	s3 =	sand.u32 $0x4000, s31;
	s1 =	sadd.s32 s1, s30  }
0xbb: {  	s0 =	sor.u32 s3, s0;
	s1 =	sshll.u32 s1, $0x11  }
0xbc: {  	s0 =	sor.u32 s1, s0  }
0xbd: {  	s0 =	sadd.s32 $0x8F2B, s0  }
0xbe: {  	[sflag:s0] =	ssyncadd.remote.s32 $0x1  }
0xbf: {  	_ =	sfence.sel $0xFFFF  }
0xc0: {  	[dreg:$0x0] =	wrdreg $0xFFFFFFFF;
	(pc) =	sbr.abs _section_cstart, $3  }
0xc1: {  	[dreg:$0x1] =	wrdreg $0xFFFFFFFF  }
0xc2: {  	_ =	task.clear_ibuf [dreg:s7], $0x2FFFF;
	_ =	strace $0x9FFFFFFF  }
0xc3: {  	(tm) =	ssettm $0x7FFFFFFF  }
tec
execute0_lowered:
.L_overlay_start_1:
0x0: {  	(tag) =	ssettag $0x1  }
0x1: {  	s5 =	rddreg [dreg:$0x0]  }
0x2: {  	s6 =	rddreg [dreg:$0x1]  }
0x3: {  	s2 =	rddreg [dreg:$0x2]  }
0x4: {  	s0 =	rddreg [dreg:$0x3]  }
0x5: {  	s3 =	simm.s32 $0x0;
	s1 =	stileid.u32;
	s7 =	srdreg.scid  }
0x6: {  	[smem:$0x7FF] =	sst s3;
	s8 =	smul.u32 $0x2800, s1  }
0x7: {  	s4 =	sadd.s32 $0xF1000, s5;
	s9 =	sadd.s32 $0xB5000, s5;
	s11 =	smul.u32 $0x280, s1  }
0x8: {  	s7 =	sand.u32 $0x1, s7;
	s13 =	smul.u32 $0x50000, s1;
	s14 =	sadd.s32 $0x15000, s5  }
0x9: {  	s31 =	sshll.u32 s1, $0x6;
	_ =	strace $0x80000050;
	s15 =	smul.u32 $0x50000, s7  }
0xa: {  	s12 =	ssub.s32 $0x2, s7;
	s16 =	smul.u32 $0x5000, s7;
	s7 =	sshllo.u32 s7, $0x1  }
0xb: {  	s10 =	sshrl.u32 s8, $0x3;
	s25 =	sshrl.u32 s12, $0x1;
	s28 =	smul.u32 $0x28000, s7  }
0xc: {  	s13 =	sshrl.u32 s13, $0x2;
	s17 =	smul.u32 $0x2800, s7;
	s6 =	sadd.s32 s6, s8  }
0xd: {  	s10 =	sadd.s32 s10, s5;
	s12 =	ssub.s32 s12, s25;
	s26 =	sadd.s32 s8, s15  }
0xe: {  	s18 =	sadd.s32 s13, s2;
	s29 =	sadd.s32 s11, s16;
	s13 =	simm.s32 $0x1  }
0xf: {  	s16 =	simm.s32 $0x80;
	s5 =	sadd.s32 $0x10000, s10;
	s10 =	sshrl.u32 s26, $0x3  }
0x10: {  	s8 =	sadd.s32 s8, s28;
	s11 =	sadd.s32 s11, s17;
	s15 =	sshrl.u32 s18, $0x3  }
0x11: {  	s17 =	simm.s32 $0x5000;
	s18 =	simm.s32 $0x0;
	s7 =	sadd.s32 s9, s10  }
0x12: {  	s10 =	sshll.u32 s29, $0x4;
	s30 =	sshrl.u32 s8, $0x3;
	s11 =	sshll.u32 s11, $0x4  }
0x13: {  	s8 =	sadd.s32 s14, s10;
	s9 =	sadd.s32 s9, s30;
	s10 =	sadd.s32 s14, s11  }
0x14: {  	s11 =	smax.u32 s12, $0x1;
	s12 =	simm.s32 $0x2800;
	s14 =	sor.u32 $0x1C01, s31  }
.LBB2_1:
0x15: {  	[tilespmem:s12], [sflag:$0x1] =	stream.linear.gather [hbm4b:s5+s3], $0x2780, $0x38;
	[tilespmem:$0x1D000] =	vst v63  }
0x16: {  	_ =	swait.ge [sflag:s13], $0x2780  }
0x17: {  	[sflag:s13] =	ssyncset.done $0x0  }
0x18: {  	[sflag:s13] =	ssyncadd.s32 $0xFFFFD880  }
0x19: {  	[spmem:s15], [sflag:s14] =	dma.local [hbm:s6], $0x2800  }
0x1a: {  	_ =	swait.ge [sflag:s13], $0x2800  }
0x1b: {  	[sflag:s13] =	ssyncset.done $0x0  }
0x1c: {  	[sflag:s13] =	ssyncadd.s32 $0xFFFFD800  }
0x1d: {  	[tilespmem:s3], [sflag:$0x1] =	stream.linear.gather [hbm4b:s7+s3], $0x2780, $0x38;
	[tilespmem:$0x1D000] =	vst v63  }
0x1e: {  	_ =	swait.ge [sflag:s13], $0x2780  }
0x1f: {  	[sflag:s13] =	ssyncset.done $0x0  }
0x20: {  	[sflag:s13] =	ssyncadd.s32 $0xFFFFD880  }
0x21: {  	s19 =	simm.s32 $0x0;
	[bflag:$0x0] =	sbarrier.arrive $0xFFFF  }
0x22: {  	[tilespmem:s17], [sflag:$0x1] =	stream.indirect.gather [hbm4b:s4+s16], $0x80, s19, s16, $0xb8;
	[tilespmem:$0x1D000] =	vst v63  }
0x23: {  	_ =	swait.ge [sflag:s13], $0x4000  }
0x24: {  	[sflag:s13] =	ssyncset.done $0x0  }
0x25: {  	s31 =	simm.s32 $0x2800;
	[sflag:s13] =	ssyncadd.s32 $0xFFFFC000  }
0x26: {  	[spmem:s2] =	stream.indirect.scatter.add.f32 [tilespmem:s17], [sflag:$0x1], $0x80, s31, s16, $0xb8;
	[tilespmem:$0x1D000] =	vst v63  }
0x27: {  	_ =	swait.ge [sflag:s13], $0x4000  }
0x28: {  	s20 =	simm.s32 $0x400;
	s19 =	simm.s32 $0x200;
	[sflag:s13] =	ssyncset.done $0x0  }
.LBB2_2:
0x29: {  	s21 =	sshra.s32 s19, $0x2  }
0x2a: {  	[sflag:s13] =	ssyncadd.s32 $0xFFFFC000;
	s19 =	smov.u32 s20;
	s22 =	sadd.s32 $0x200, s20  }
0x2b: {  	[tilespmem:s17], [sflag:$0x1] =	stream.indirect.gather [hbm4b:s4+s16], $0x80, s21, s16, $0xb8;
	[tilespmem:$0x1D000] =	vst v63  }
0x2c: {  	p0 =	sne.s32 s20, $0x9C00;
	_ =	swait.ge [sflag:s13], $0x4000  }
.Ltmp0:
0x2d: {  	[sflag:s13] =	ssyncset.done $0x0;
	(pc) =	sbr.rel @p0 .LBB2_2-.Ltmp0, $4  }
0x2e: {  	s20 =	sadd.s32 $0x2800, s21;
	[sflag:s13] =	ssyncadd.s32 $0xFFFFC000  }
0x2f: {  	[spmem:s2] =	stream.indirect.scatter.add.f32 [tilespmem:s17], [sflag:$0x1], $0x80, s20, s16, $0xb8;
	[tilespmem:$0x1D000] =	vst v63  }
0x30: {  	_ =	swait.ge [sflag:s13], $0x4000  }
0x31: {  	s20 =	smov.u32 s22;
	[sflag:s13] =	ssyncset.done $0x0  }
0x32: {  	s19 =	sshra.s32 s19, $0x2;
	[sflag:s13] =	ssyncadd.s32 $0xFFFFC000  }
0x33: {  	[tilespmem:s17], [sflag:$0x1] =	stream.indirect.gather [hbm4b:s4+s16], $0x80, s19, s16, $0xb8;
	[tilespmem:$0x1D000] =	vst v63  }
0x34: {  	_ =	swait.ge [sflag:s13], $0x4000  }
0x35: {  	[sflag:s13] =	ssyncset.done $0x0  }
0x36: {  	s19 =	sadd.s32 $0x2800, s19;
	[sflag:s13] =	ssyncadd.s32 $0xFFFFC000  }
0x37: {  	[spmem:s2] =	stream.indirect.scatter.add.f32 [tilespmem:s17], [sflag:$0x1], $0x80, s19, s16, $0xb8;
	[tilespmem:$0x1D000] =	vst v63  }
0x38: {  	_ =	swait.ge [sflag:s13], $0x4000  }
0x39: {  	[sflag:s13] =	ssyncset.done $0x0  }
0x3a: {  	[sflag:s13] =	ssyncadd.s32 $0xFFFFC000  }
0x3b: {  	[bflag:$0x0] =	sbarrier.arrive $0xFFFF  }
0x3c: {  	[hbm:s8], [sflag:s14] =	dma.local [spmem:s15], $0x2800  }
0x3d: {  	_ =	swait.ge [sflag:s13], $0x2800  }
0x3e: {  	[sflag:s13] =	ssyncset.done $0x0  }
0x3f: {  	[sflag:s13] =	ssyncadd.s32 $0xFFFFD800  }
0x40: {  	[bflag:$0x0] =	sbarrier.arrive $0xFFFF  }
0x41: {  	[spmem:s15], [sflag:s14] =	dma.local [hbm:s6], $0x2800  }
0x42: {  	_ =	swait.ge [sflag:s13], $0x2800  }
0x43: {  	[sflag:s13] =	ssyncset.done $0x0  }
0x44: {  	s29 =	simm.s32 $0x0;
	[sflag:s13] =	ssyncadd.s32 $0xFFFFD800  }
0x45: {  	[tilespmem:s29], [sflag:$0x1] =	stream.linear.gather [hbm4b:s9+s29], $0x2780, $0x38;
	[tilespmem:$0x1D000] =	vst v63  }
0x46: {  	_ =	swait.ge [sflag:s13], $0x2780  }
0x47: {  	[sflag:s13] =	ssyncset.done $0x0  }
0x48: {  	[sflag:s13] =	ssyncadd.s32 $0xFFFFD880  }
0x49: {  	s30 =	simm.s32 $0x0;
	[bflag:$0x0] =	sbarrier.arrive $0xFFFF  }
0x4a: {  	[tilespmem:s17], [sflag:$0x1] =	stream.indirect.gather [hbm4b:s4+s16], $0x80, s30, s16, $0xb8;
	[tilespmem:$0x1D000] =	vst v63  }
0x4b: {  	_ =	swait.ge [sflag:s13], $0x4000  }
0x4c: {  	[sflag:s13] =	ssyncset.done $0x0  }
0x4d: {  	s31 =	simm.s32 $0x2800;
	[sflag:s13] =	ssyncadd.s32 $0xFFFFC000  }
0x4e: {  	[spmem:s2] =	stream.indirect.scatter.add.f32 [tilespmem:s17], [sflag:$0x1], $0x80, s31, s16, $0xb8;
	[tilespmem:$0x1D000] =	vst v63  }
0x4f: {  	_ =	swait.ge [sflag:s13], $0x4000  }
0x50: {  	s20 =	simm.s32 $0x400;
	s19 =	simm.s32 $0x200;
	[sflag:s13] =	ssyncset.done $0x0  }
.LBB2_4:
0x51: {  	s21 =	sshra.s32 s19, $0x2  }
0x52: {  	[sflag:s13] =	ssyncadd.s32 $0xFFFFC000;
	s19 =	smov.u32 s20;
	s22 =	sadd.s32 $0x200, s20  }
0x53: {  	[tilespmem:s17], [sflag:$0x1] =	stream.indirect.gather [hbm4b:s4+s16], $0x80, s21, s16, $0xb8;
	[tilespmem:$0x1D000] =	vst v63  }
0x54: {  	p0 =	sne.s32 s20, $0x9C00;
	_ =	swait.ge [sflag:s13], $0x4000  }
.Ltmp1:
0x55: {  	[sflag:s13] =	ssyncset.done $0x0;
	(pc) =	sbr.rel @p0 .LBB2_4-.Ltmp1, $4  }
0x56: {  	s20 =	sadd.s32 $0x2800, s21;
	[sflag:s13] =	ssyncadd.s32 $0xFFFFC000  }
0x57: {  	[spmem:s2] =	stream.indirect.scatter.add.f32 [tilespmem:s17], [sflag:$0x1], $0x80, s20, s16, $0xb8;
	[tilespmem:$0x1D000] =	vst v63  }
0x58: {  	_ =	swait.ge [sflag:s13], $0x4000  }
0x59: {  	s20 =	smov.u32 s22;
	[sflag:s13] =	ssyncset.done $0x0  }
0x5a: {  	s19 =	sshra.s32 s19, $0x2;
	[sflag:s13] =	ssyncadd.s32 $0xFFFFC000  }
0x5b: {  	[tilespmem:s17], [sflag:$0x1] =	stream.indirect.gather [hbm4b:s4+s16], $0x80, s19, s16, $0xb8;
	[tilespmem:$0x1D000] =	vst v63  }
0x5c: {  	_ =	swait.ge [sflag:s13], $0x4000  }
0x5d: {  	[sflag:s13] =	ssyncset.done $0x0  }
0x5e: {  	s19 =	sadd.s32 $0x2800, s19;
	[sflag:s13] =	ssyncadd.s32 $0xFFFFC000  }
0x5f: {  	[spmem:s2] =	stream.indirect.scatter.add.f32 [tilespmem:s17], [sflag:$0x1], $0x80, s19, s16, $0xb8;
	[tilespmem:$0x1D000] =	vst v63  }
0x60: {  	_ =	swait.ge [sflag:s13], $0x4000  }
0x61: {  	[sflag:s13] =	ssyncset.done $0x0  }
0x62: {  	s18 =	sadd.s32 $0x1, s18;
	[sflag:s13] =	ssyncadd.s32 $0xFFFFC000  }
0x63: {  	p0 =	sne.s32 s18, s11;
	[bflag:$0x0] =	sbarrier.arrive $0xFFFF  }
0x64: {  	[hbm:s10], [sflag:s14] =	dma.local [spmem:s15], $0x2800  }
.Ltmp2:
0x65: {  	_ =	swait.ge [sflag:s13], $0x2800;
	(pc) =	sbr.rel @p0 .LBB2_1-.Ltmp2, $3  }
0x66: {  	[sflag:s13] =	ssyncset.done $0x0  }
0x67: {  	[sflag:s13] =	ssyncadd.s32 $0xFFFFD800  }
0x68: {  	[bflag:$0x0] =	sbarrier.arrive $0xFFFF;
	_ =	sdelay $0x1  }
0x69: {  	_ =	sfence.sel $0x180000  }
0x6a: {  	[bflag:$0x0] =	sbarrier.arrive $0xFFFF  }
0x6b: {  	p0 =	sne.s32 s1, $0x0;
	_ =	strace $0x90000050  }
0x6c: {  	s0 =	sadd.s32 @!p0 $0x100000, s0;
	[bflag:$0x2] =	sbarrier.arrive $0xFFFF  }
0x6d: {  	[sflag:s0] =	ssyncadd.tile.s32 @!p0 $0x1;
	_ =	shalt  }
.Lfunc_end2:
_tile_overlayer_lowered:
.L_overlay_start_2:
0x6e: {  	(tag) =	ssettag $0x2  }
0x6f: {  	s0 =	rddreg [dreg:$0x0];
	s2 =	stileid.u32  }
0x70: {  	s1 =	rddreg [dreg:$0x1];
	p0 =	sne.s32 s2, $0x0  }
0x71: {  	s3 =	rddreg [dreg:$0x2];
	[bflag:$0x3] =	sbarrier.arrive $0xFFFF;
	s2 =	simm.s32 @!p0 $0x1C01  }
0x72: {  	[timem:s3], [sflag:s2] =	dma.local @!p0 [hbm:s0], s1  }
0x73: {  	s0 =	simm.s32 @!p0 $0x1  }
0x74: {  	_ =	swait.ge @!p0 [sflag:s0], s1  }
0x75: {  	s1 =	ssub.s32 @!p0 $0x0, s1;
	[sflag:s0] =	ssyncset.done @!p0 $0x0  }
0x76: {  	[sflag:s0] =	ssyncadd.s32 @!p0 s1  }
0x77: {  	[bflag:$0x3] =	sbarrier.arrive $0xFFFF  }
0x78: {  	_ =	shalt  }

// kernel: kernel.33.cloned.1.call-start
scs
__scs_entry_jumppad:
0x0: {  	(pc) =	sbr.rel $0x88, $3  }
0x1: {  	(tag) =	ssettag $0x0;
	lr =	simm.s32 $0x1  }
0x2: {  	[smem:$0x3F9B] =	sst lr;
	_ =	strace $0xD0000000  }
0x3: {  	_ = 	snop  }
0x4: {  	_ = 	snop  }
0x5: {  	_ = 	snop  }
0x6: {  	_ = 	snop  }
0x7: {  	_ = 	snop  }
__scs_overlays_trampoline_lowered:
0x8: {  	[smem:$0x3FAA] =	sst s0  }
0x9: {  	[smem:$0x3FAB] =	sst s1  }
0xa: {  	[smem:$0x3FAC] =	sst s2  }
0xb: {  	[smem:$0x3FAD] =	sst s3  }
0xc: {  	[smem:$0x3FAE] =	sst s4  }
0xd: {  	[smem:$0x3FAF] =	sst s5  }
0xe: {  	[smem:$0x3FB0] =	sst s6  }
0xf: {  	[smem:$0x3FB1] =	sst s7  }
0x10: {  	[smem:$0x3FB2] =	sst s8  }
0x11: {  	[smem:$0x3FB3] =	sst s9;
	s0 =	simm.s32 @!p0 $0x0  }
0x12: {  	s1 =	sld [smem:$0x3F99];
	s0 =	simm.s32 @p0 $0x1  }
0x13: {  	[smem:$0x3FB4] =	sst s0;
	s0 =	simm.s32 @!p1 $0x0  }
0x14: {  	s2 =	sld [smem:$0x3F98];
	s0 =	simm.s32 @p1 $0x1  }
0x15: {  	[smem:$0x3FB5] =	sst s0;
	s0 =	simm.s32 @!p2 $0x0  }
0x16: {  	s3 =	sld [smem:$0x3FDB];
	s0 =	simm.s32 @p2 $0x1  }
0x17: {  	s4 =	simm.s32 $0x1BF5;
	[smem:$0x3FB7] =	sst s0  }
0x18: {  	s0 =	sld [smem:$0x3F9A];
	_ =	swait.ge [sflag:s4], $0x0  }
0x19: {  	s7 =	sld [smem:$0x3F9B]  }
0x1a: {  	s8 =	sadd.s32 $0xFFFFE003, lr  }
0x1b: {  	s9 =	sadd.s32 $0xFFFFFEF7, lr;
	s5 =	simm.s32 $0xFFFFFFFF;
	p2 =	slt.u32 s8, $0xFFFFF086  }
0x1c: {  	p1 =	slt.u32 s9, $0xF7A;
	s5 =	simm.s32 @!p2 $0x0  }
0x1d: {  	s5 =	simm.s32 @p1 $0x1;
	p0 =	seq.s32 s7, s2  }
0x1e: {  	s7 =	smul.u32 @!p0 $0xF7A, s2;
	p2 =	seq.s32 @!p0 s5, $0x0  }
0x1f: {  	s9 =	smul.u32 $0xF7A, s1;
	s8 =	simm.s32 @!p0 $0x1BF5;
	p2 =	por !p2, p0  }
0x20: {  	[sflag:s8] =	ssyncset.s32 @!p0 $0xFFFFF086;
	s6 =	sadd.s32 @!p0 s3, s7;
	s7 =	simm.s32 @!p0 $0x108  }
0x21: {  	s3 =	sadd.s32 s3, s9;
	s6 =	sadd.s32 @!p0 $0x88, s6;
	s7 =	simm.s32 @p2 $0x1082  }
0x22: {  	[simem:s7], [sflag:s8] =	dma.local @!p0 [hbm:s6], $0xF7A  }
0x23: {  	s9 =	sor.u32 $0xD0000000, s2;
	s6 =	simm.s32 $0x108;
	_ =	swait.ge @!p0 [sflag:s8], $0x0  }
0x24: {  	s3 =	sadd.s32 $0x88, s3;
	s6 =	simm.s32 @!p1 $0x1082;
	[sflag:s4] =	ssyncset.s32 $0xFFFFF086  }
0x25: {  	[simem:s6], [sflag:s4] =	dma.local [hbm:s3], $0xF7A  }
0x26: {  	[smem:$0x3F9B] =	sst s1;
	(tag) =	ssettag s2;
	_ =	strace s9  }
0x27: {  	s1 =	sld [smem:$0x3FAB]  }
0x28: {  	s2 =	sld [smem:$0x3FAC]  }
0x29: {  	s4 =	sld [smem:$0x3FAE]  }
0x2a: {  	p0 =	seq.s32 s5, $0x0;
	s5 =	sld [smem:$0x3FAF]  }
0x2b: {  	s6 =	sld [smem:$0x3FB0]  }
0x2c: {  	s7 =	sld [smem:$0x3FB1]  }
0x2d: {  	s3 =	simm.s32 $0x108;
	s8 =	sld [smem:$0x3FB2]  }
0x2e: {  	s3 =	simm.s32 @!p0 $0x1082;
	s9 =	sld [smem:$0x3FB3]  }
0x2f: {  	lr =	sadd.s32 s0, s3;
	s0 =	sld [smem:$0x3FAA]  }
0x30: {  	s3 =	sld [smem:$0x3FAD]  }
0x31: {  	[smem:$0x3FB6] =	sst s10  }
0x32: {  	s10 =	sld [smem:$0x3FB4];
	_ =	sdelay $0x3  }
0x33: {  	p0 =	seq.s32 s10, $0x1;
	s10 =	sld [smem:$0x3FB6];
	_ =	sdelay $0x3  }
0x34: {  	[smem:$0x3FB6] =	sst s10  }
0x35: {  	s10 =	sld [smem:$0x3FB5];
	_ =	sdelay $0x3  }
0x36: {  	p1 =	seq.s32 s10, $0x1;
	s10 =	sld [smem:$0x3FB6];
	_ =	sdelay $0x3  }
0x37: {  	[smem:$0x3FB6] =	sst s10  }
0x38: {  	s10 =	sld [smem:$0x3FB7]  }
0x39: {  	_ = 	snop;
	(pc) =	sbr.ind lr, $3  }
0x3a: {  	_ = 	snop  }
0x3b: {  	_ = 	snop  }
0x3c: {  	p2 =	seq.s32 s10, $0x1;
	s10 =	sld [smem:$0x3FB6]  }
0x3d: {  	_ =	shalt  }
0x3e: {  	_ =	shalt  }
0x3f: {  	_ =	shalt  }
0x40: {  	_ =	shalt  }
0x41: {  	_ =	shalt  }
0x42: {  	_ =	shalt  }
0x43: {  	_ =	shalt  }
0x44: {  	_ =	shalt  }
0x45: {  	_ =	shalt  }
0x46: {  	_ =	shalt  }
0x47: {  	_ =	shalt  }
0x48: {  	_ =	shalt  }
0x49: {  	_ =	shalt  }
0x4a: {  	_ =	shalt  }
0x4b: {  	_ =	shalt  }
0x4c: {  	_ =	shalt  }
0x4d: {  	_ =	shalt  }
0x4e: {  	_ =	shalt  }
0x4f: {  	_ =	shalt  }
0x50: {  	_ =	shalt  }
0x51: {  	_ =	shalt  }
0x52: {  	_ =	shalt  }
0x53: {  	_ =	shalt  }
0x54: {  	_ =	shalt  }
0x55: {  	_ =	shalt  }
0x56: {  	_ =	shalt  }
0x57: {  	_ =	shalt  }
0x58: {  	_ =	shalt  }
0x59: {  	_ =	shalt  }
0x5a: {  	_ =	shalt  }
0x5b: {  	_ =	shalt  }
0x5c: {  	_ =	shalt  }
0x5d: {  	_ =	shalt  }
0x5e: {  	_ =	shalt  }
0x5f: {  	_ =	shalt  }
0x60: {  	_ =	shalt  }
0x61: {  	_ =	shalt  }
0x62: {  	_ =	shalt  }
0x63: {  	_ =	shalt  }
0x64: {  	_ =	shalt  }
0x65: {  	_ =	shalt  }
0x66: {  	_ =	shalt  }
0x67: {  	_ =	shalt  }
0x68: {  	_ =	shalt  }
0x69: {  	_ =	shalt  }
0x6a: {  	_ =	shalt  }
0x6b: {  	_ =	shalt  }
0x6c: {  	_ =	shalt  }
0x6d: {  	_ =	shalt  }
0x6e: {  	_ =	shalt  }
0x6f: {  	_ =	shalt  }
0x70: {  	_ =	shalt  }
0x71: {  	_ =	shalt  }
0x72: {  	_ =	shalt  }
0x73: {  	_ =	shalt  }
0x74: {  	_ =	shalt  }
0x75: {  	_ =	shalt  }
0x76: {  	_ =	shalt  }
0x77: {  	_ =	shalt  }
0x78: {  	_ =	shalt  }
0x79: {  	_ =	shalt  }
0x7a: {  	_ =	shalt  }
0x7b: {  	_ =	shalt  }
0x7c: {  	_ =	shalt  }
0x7d: {  	_ =	shalt  }
0x7e: {  	_ =	shalt  }
0x7f: {  	_ =	shalt  }
0x80: {  	_ =	shalt  }
0x81: {  	_ =	shalt  }
0x82: {  	_ =	shalt  }
0x83: {  	_ =	shalt  }
0x84: {  	_ =	shalt  }
0x85: {  	_ =	shalt  }
0x86: {  	_ =	shalt  }
0x87: {  	_ =	shalt  }
.Lfunc_end0:
.L_simem_size_0:
called_computation.4_lowered:
.L_overlay_start_0:
0x88: {  	s2 =	sld [smem:$0x3FD9]  }
0x89: {  	s3 =	sld [smem:$0x3FFE];
	_ =	sdelay $0x1  }
0x8a: {  	s1 =	srdreg.scid  }
0x8b: {  	s0 =	sand.u32 $0x1, s1  }
0x8c: {  	s17 =	sshll.u32 s0, $0xA;
	s2 =	sadd.s32 s3, s2  }
0x8d: {  	s2 =	sadd.s32 s2, s17  }
0x8e: {  	[smem:$0x3FC2] =	sst s2  }
0x8f: {  	_ = 	snop  }
0x90: {  	s2 =	sld [smem:$0x3FD0];
	(tm) =	ssettm $0x1  }
0x91: {  	s18 =	sld [smem:$0x3FFB];
	_ =	sdelay $0x3  }
0x92: {  	_ =	strace s18  }
0x93: {  	s3 =	sld [smem:$0x3FFC];
	_ =	sdelay $0x3  }
0x94: {  	_ =	strace s3  }
0x95: {  	s3 =	sld [smem:$0x3FFD];
	_ =	sdelay $0x3  }
0x96: {  	_ =	strace s3  }
0x97: {  	_ =	strace $0x8FFFFFFF  }
0x98: {  	s19 =	sld [smem:$0x3FDB];
	_ =	sdelay $0x1  }
0x99: {  	s4 =	simm.s32 $_scs_section_size  }
0x9a: {  	s5 =	simm.s32 $_size__tile_overlayer_lowered;
	s6 =	simm.s32 $_tile_overlayer_lowered  }
0x9b: {  	s22 =	simm.s32 $0x1BFF;
	s21 =	sshll.u32 s6, $0x1;
	s3 =	sadd.s32 s4, s19  }
0x9c: {  	s7 =	simm.s32 $0x0;
	s20 =	sshll.u32 s5, $0x1;
	s5 =	sadd.s32 s21, s3  }
0x9d: {  	[timem:s7], [sflag:s22] =	dma.local [hbm:s5], s20  }
0x9e: {  	_ =	swait.ge [sflag:s22], s20  }
0x9f: {  	s4 =	ssub.s32 $0x0, s20;
	[sflag:s22] =	ssyncset.done $0x0  }
0xa0: {  	[sflag:s22] =	ssyncadd.s32 s4;
	_ =	sdelay $0x1  }
0xa1: {  	s23 =	simm.s32 $0x1B8B  }
0xa2: {  	_ =	swait.ge [sflag:s23], $0x1  }
0xa3: {  	[sflag:s23] =	ssyncset.done $0x0  }
0xa4: {  	s25 =	simm.s32 $0x1B8E;
	s24 =	sld [smem:$0x3FFE];
	[sflag:s23] =	ssyncadd.s32 $0xFFFFFFFF  }
0xa5: {  	s26 =	simm.s32 $execute0_lowered;
	[smem:$0x3FD2] =	sst s25  }
0xa6: {  	s5 =	sshll.u32 s26, $0x1;
	_ =	strace $0x80000052;
	[dreg:$0x1] =	wrdreg $0xFFFFFFFF  }
0xa7: {  	s28 =	simm.s32 $_size_execute0_lowered;
	s3 =	sadd.s32 s3, s5;
	[dreg:$0x0] =	wrdreg $0x0  }
0xa8: {  	s5 =	sshll.u32 s28, $0x1;
	[dreg:$0x2] =	wrdreg s3  }
0xa9: {  	[dreg:$0x3] =	wrdreg s5  }
0xaa: {  	[dreg:$0x4] =	wrdreg $0xC0  }
0xab: {  	_ =	task [dreg:s7], $0x5FFFF  }
0xac: {  	[dreg:$0x1] =	wrdreg $0xFFFFFFFF  }
0xad: {  	[dreg:$0x0] =	wrdreg $0x60  }
0xae: {  	[dreg:$0x2] =	wrdreg s24  }
0xaf: {  	[dreg:$0x3] =	wrdreg s2  }
0xb0: {  	[dreg:$0x4] =	wrdreg $0x90000  }
0xb1: {  	[dreg:$0x5] =	wrdreg $0x9  }
0xb2: {  	_ =	task.clear_ibuf [dreg:s7], $0x6FFFF;
	_ =	strace $0x90000052  }
0xb3: {  	s29 =	simm.s32 $0x9;
	_ =	strace $0x80000054  }
0xb4: {  	_ =	swait.ge [sflag:s29], $0x1  }
0xb5: {  	[sflag:s29] =	ssyncadd.s32 $0xFFFFFFFF  }
0xb6: {  	_ =	strace $0x90000054  }
0xb7: {  	_ =	sfence  }
0xb8: {  	s30 =	sld [smem:$0x0];
	_ =	sdelay $0x2  }
0xb9: {  	s31 =	sshll.u32 s1, $0xD;
	s1 =	sshrl.u32 s1, $0x2  }
0xba: {  	s3 =	sand.u32 $0x4000, s31;
	s1 =	sadd.s32 s1, s30  }
0xbb: {  	s0 =	sor.u32 s3, s0;
	s1 =	sshll.u32 s1, $0x11  }
0xbc: {  	s0 =	sor.u32 s1, s0  }
0xbd: {  	s0 =	sadd.s32 $0x8F2B, s0  }
0xbe: {  	[sflag:s0] =	ssyncadd.remote.s32 $0x1  }
0xbf: {  	_ =	sfence.sel $0xFFFF  }
0xc0: {  	[dreg:$0x0] =	wrdreg $0xFFFFFFFF;
	(pc) =	sbr.abs _section_cstart, $3  }
0xc1: {  	[dreg:$0x1] =	wrdreg $0xFFFFFFFF  }
0xc2: {  	_ =	task.clear_ibuf [dreg:s7], $0x2FFFF;
	_ =	strace $0x9FFFFFFF  }
0xc3: {  	(tm) =	ssettm $0x7FFFFFFF  }
tec
execute0_lowered:
.L_overlay_start_1:
0x0: {  	(tag) =	ssettag $0x1  }
0x1: {  	s5 =	rddreg [dreg:$0x0]  }
0x2: {  	s6 =	rddreg [dreg:$0x1]  }
0x3: {  	s2 =	rddreg [dreg:$0x2]  }
0x4: {  	s0 =	rddreg [dreg:$0x3]  }
0x5: {  	s3 =	simm.s32 $0x0;
	s1 =	stileid.u32;
	s7 =	srdreg.scid  }
0x6: {  	[smem:$0x7FF] =	sst s3;
	s8 =	smul.u32 $0x2800, s1  }
0x7: {  	s4 =	sadd.s32 $0xF1000, s5;
	s9 =	sadd.s32 $0xB5000, s5;
	s11 =	smul.u32 $0x280, s1  }
0x8: {  	s7 =	sand.u32 $0x1, s7;
	s13 =	smul.u32 $0x50000, s1;
	s14 =	sadd.s32 $0x15000, s5  }
0x9: {  	s31 =	sshll.u32 s1, $0x6;
	_ =	strace $0x80000053;
	s15 =	smul.u32 $0x50000, s7  }
0xa: {  	s12 =	ssub.s32 $0x2, s7;
	s16 =	smul.u32 $0x5000, s7;
	s7 =	sshllo.u32 s7, $0x1  }
0xb: {  	s10 =	sshrl.u32 s8, $0x3;
	s25 =	sshrl.u32 s12, $0x1;
	s28 =	smul.u32 $0x28000, s7  }
0xc: {  	s13 =	sshrl.u32 s13, $0x2;
	s17 =	smul.u32 $0x2800, s7;
	s6 =	sadd.s32 s6, s8  }
0xd: {  	s10 =	sadd.s32 s10, s5;
	s12 =	ssub.s32 s12, s25;
	s26 =	sadd.s32 s8, s15  }
0xe: {  	s18 =	sadd.s32 s13, s2;
	s29 =	sadd.s32 s11, s16;
	s13 =	simm.s32 $0x1  }
0xf: {  	s16 =	simm.s32 $0x80;
	s5 =	sadd.s32 $0x10000, s10;
	s10 =	sshrl.u32 s26, $0x3  }
0x10: {  	s8 =	sadd.s32 s8, s28;
	s11 =	sadd.s32 s11, s17;
	s15 =	sshrl.u32 s18, $0x3  }
0x11: {  	s17 =	simm.s32 $0x5000;
	s18 =	simm.s32 $0x0;
	s7 =	sadd.s32 s9, s10  }
0x12: {  	s10 =	sshll.u32 s29, $0x4;
	s30 =	sshrl.u32 s8, $0x3;
	s11 =	sshll.u32 s11, $0x4  }
0x13: {  	s8 =	sadd.s32 s14, s10;
	s9 =	sadd.s32 s9, s30;
	s10 =	sadd.s32 s14, s11  }
0x14: {  	s11 =	smax.u32 s12, $0x1;
	s12 =	simm.s32 $0x2800;
	s14 =	sor.u32 $0x1C01, s31  }
.LBB2_1:
0x15: {  	[tilespmem:s12], [sflag:$0x1] =	stream.linear.gather [hbm4b:s5+s3], $0x2780, $0x38;
	[tilespmem:$0x1D000] =	vst v63  }
0x16: {  	_ =	swait.ge [sflag:s13], $0x2780  }
0x17: {  	[sflag:s13] =	ssyncset.done $0x0  }
0x18: {  	[sflag:s13] =	ssyncadd.s32 $0xFFFFD880  }
0x19: {  	[spmem:s15], [sflag:s14] =	dma.local [hbm:s6], $0x2800  }
0x1a: {  	_ =	swait.ge [sflag:s13], $0x2800  }
0x1b: {  	[sflag:s13] =	ssyncset.done $0x0  }
0x1c: {  	[sflag:s13] =	ssyncadd.s32 $0xFFFFD800  }
0x1d: {  	[tilespmem:s3], [sflag:$0x1] =	stream.linear.gather [hbm4b:s7+s3], $0x2780, $0x38;
	[tilespmem:$0x1D000] =	vst v63  }
0x1e: {  	_ =	swait.ge [sflag:s13], $0x2780  }
0x1f: {  	[sflag:s13] =	ssyncset.done $0x0  }
0x20: {  	[sflag:s13] =	ssyncadd.s32 $0xFFFFD880  }
0x21: {  	s19 =	simm.s32 $0x0;
	[bflag:$0x0] =	sbarrier.arrive $0xFFFF  }
0x22: {  	[tilespmem:s17], [sflag:$0x1] =	stream.indirect.gather [hbm4b:s4+s16], $0x80, s19, s16, $0xb8;
	[tilespmem:$0x1D000] =	vst v63  }
0x23: {  	_ =	swait.ge [sflag:s13], $0x4000  }
0x24: {  	[sflag:s13] =	ssyncset.done $0x0  }
0x25: {  	s31 =	simm.s32 $0x2800;
	[sflag:s13] =	ssyncadd.s32 $0xFFFFC000  }
0x26: {  	[spmem:s2] =	stream.indirect.scatter.add.f32 [tilespmem:s17], [sflag:$0x1], $0x80, s31, s16, $0xb8;
	[tilespmem:$0x1D000] =	vst v63  }
0x27: {  	_ =	swait.ge [sflag:s13], $0x4000  }
0x28: {  	s20 =	simm.s32 $0x400;
	s19 =	simm.s32 $0x200;
	[sflag:s13] =	ssyncset.done $0x0  }
.LBB2_2:
0x29: {  	s21 =	sshra.s32 s19, $0x2  }
0x2a: {  	[sflag:s13] =	ssyncadd.s32 $0xFFFFC000;
	s19 =	smov.u32 s20;
	s22 =	sadd.s32 $0x200, s20  }
0x2b: {  	[tilespmem:s17], [sflag:$0x1] =	stream.indirect.gather [hbm4b:s4+s16], $0x80, s21, s16, $0xb8;
	[tilespmem:$0x1D000] =	vst v63  }
0x2c: {  	p0 =	sne.s32 s20, $0x9C00;
	_ =	swait.ge [sflag:s13], $0x4000  }
.Ltmp0:
0x2d: {  	[sflag:s13] =	ssyncset.done $0x0;
	(pc) =	sbr.rel @p0 .LBB2_2-.Ltmp0, $4  }
0x2e: {  	s20 =	sadd.s32 $0x2800, s21;
	[sflag:s13] =	ssyncadd.s32 $0xFFFFC000  }
0x2f: {  	[spmem:s2] =	stream.indirect.scatter.add.f32 [tilespmem:s17], [sflag:$0x1], $0x80, s20, s16, $0xb8;
	[tilespmem:$0x1D000] =	vst v63  }
0x30: {  	_ =	swait.ge [sflag:s13], $0x4000  }
0x31: {  	s20 =	smov.u32 s22;
	[sflag:s13] =	ssyncset.done $0x0  }
0x32: {  	s19 =	sshra.s32 s19, $0x2;
	[sflag:s13] =	ssyncadd.s32 $0xFFFFC000  }
0x33: {  	[tilespmem:s17], [sflag:$0x1] =	stream.indirect.gather [hbm4b:s4+s16], $0x80, s19, s16, $0xb8;
	[tilespmem:$0x1D000] =	vst v63  }
0x34: {  	_ =	swait.ge [sflag:s13], $0x4000  }
0x35: {  	[sflag:s13] =	ssyncset.done $0x0  }
0x36: {  	s19 =	sadd.s32 $0x2800, s19;
	[sflag:s13] =	ssyncadd.s32 $0xFFFFC000  }
0x37: {  	[spmem:s2] =	stream.indirect.scatter.add.f32 [tilespmem:s17], [sflag:$0x1], $0x80, s19, s16, $0xb8;
	[tilespmem:$0x1D000] =	vst v63  }
0x38: {  	_ =	swait.ge [sflag:s13], $0x4000  }
0x39: {  	[sflag:s13] =	ssyncset.done $0x0  }
0x3a: {  	[sflag:s13] =	ssyncadd.s32 $0xFFFFC000  }
0x3b: {  	[bflag:$0x0] =	sbarrier.arrive $0xFFFF  }
0x3c: {  	[hbm:s8], [sflag:s14] =	dma.local [spmem:s15], $0x2800  }
0x3d: {  	_ =	swait.ge [sflag:s13], $0x2800  }
0x3e: {  	[sflag:s13] =	ssyncset.done $0x0  }
0x3f: {  	[sflag:s13] =	ssyncadd.s32 $0xFFFFD800  }
0x40: {  	[bflag:$0x0] =	sbarrier.arrive $0xFFFF  }
0x41: {  	[spmem:s15], [sflag:s14] =	dma.local [hbm:s6], $0x2800  }
0x42: {  	_ =	swait.ge [sflag:s13], $0x2800  }
0x43: {  	[sflag:s13] =	ssyncset.done $0x0  }
0x44: {  	s29 =	simm.s32 $0x0;
	[sflag:s13] =	ssyncadd.s32 $0xFFFFD800  }
0x45: {  	[tilespmem:s29], [sflag:$0x1] =	stream.linear.gather [hbm4b:s9+s29], $0x2780, $0x38;
	[tilespmem:$0x1D000] =	vst v63  }
0x46: {  	_ =	swait.ge [sflag:s13], $0x2780  }
0x47: {  	[sflag:s13] =	ssyncset.done $0x0  }
0x48: {  	[sflag:s13] =	ssyncadd.s32 $0xFFFFD880  }
0x49: {  	s30 =	simm.s32 $0x0;
	[bflag:$0x0] =	sbarrier.arrive $0xFFFF  }
0x4a: {  	[tilespmem:s17], [sflag:$0x1] =	stream.indirect.gather [hbm4b:s4+s16], $0x80, s30, s16, $0xb8;
	[tilespmem:$0x1D000] =	vst v63  }
0x4b: {  	_ =	swait.ge [sflag:s13], $0x4000  }
0x4c: {  	[sflag:s13] =	ssyncset.done $0x0  }
0x4d: {  	s31 =	simm.s32 $0x2800;
	[sflag:s13] =	ssyncadd.s32 $0xFFFFC000  }
0x4e: {  	[spmem:s2] =	stream.indirect.scatter.add.f32 [tilespmem:s17], [sflag:$0x1], $0x80, s31, s16, $0xb8;
	[tilespmem:$0x1D000] =	vst v63  }
0x4f: {  	_ =	swait.ge [sflag:s13], $0x4000  }
0x50: {  	s20 =	simm.s32 $0x400;
	s19 =	simm.s32 $0x200;
	[sflag:s13] =	ssyncset.done $0x0  }
.LBB2_4:
0x51: {  	s21 =	sshra.s32 s19, $0x2  }
0x52: {  	[sflag:s13] =	ssyncadd.s32 $0xFFFFC000;
	s19 =	smov.u32 s20;
	s22 =	sadd.s32 $0x200, s20  }
0x53: {  	[tilespmem:s17], [sflag:$0x1] =	stream.indirect.gather [hbm4b:s4+s16], $0x80, s21, s16, $0xb8;
	[tilespmem:$0x1D000] =	vst v63  }
0x54: {  	p0 =	sne.s32 s20, $0x9C00;
	_ =	swait.ge [sflag:s13], $0x4000  }
.Ltmp1:
0x55: {  	[sflag:s13] =	ssyncset.done $0x0;
	(pc) =	sbr.rel @p0 .LBB2_4-.Ltmp1, $4  }
0x56: {  	s20 =	sadd.s32 $0x2800, s21;
	[sflag:s13] =	ssyncadd.s32 $0xFFFFC000  }
0x57: {  	[spmem:s2] =	stream.indirect.scatter.add.f32 [tilespmem:s17], [sflag:$0x1], $0x80, s20, s16, $0xb8;
	[tilespmem:$0x1D000] =	vst v63  }
0x58: {  	_ =	swait.ge [sflag:s13], $0x4000  }
0x59: {  	s20 =	smov.u32 s22;
	[sflag:s13] =	ssyncset.done $0x0  }
0x5a: {  	s19 =	sshra.s32 s19, $0x2;
	[sflag:s13] =	ssyncadd.s32 $0xFFFFC000  }
0x5b: {  	[tilespmem:s17], [sflag:$0x1] =	stream.indirect.gather [hbm4b:s4+s16], $0x80, s19, s16, $0xb8;
	[tilespmem:$0x1D000] =	vst v63  }
0x5c: {  	_ =	swait.ge [sflag:s13], $0x4000  }
0x5d: {  	[sflag:s13] =	ssyncset.done $0x0  }
0x5e: {  	s19 =	sadd.s32 $0x2800, s19;
	[sflag:s13] =	ssyncadd.s32 $0xFFFFC000  }
0x5f: {  	[spmem:s2] =	stream.indirect.scatter.add.f32 [tilespmem:s17], [sflag:$0x1], $0x80, s19, s16, $0xb8;
	[tilespmem:$0x1D000] =	vst v63  }
0x60: {  	_ =	swait.ge [sflag:s13], $0x4000  }
0x61: {  	[sflag:s13] =	ssyncset.done $0x0  }
0x62: {  	s18 =	sadd.s32 $0x1, s18;
	[sflag:s13] =	ssyncadd.s32 $0xFFFFC000  }
0x63: {  	p0 =	sne.s32 s18, s11;
	[bflag:$0x0] =	sbarrier.arrive $0xFFFF  }
0x64: {  	[hbm:s10], [sflag:s14] =	dma.local [spmem:s15], $0x2800  }
.Ltmp2:
0x65: {  	_ =	swait.ge [sflag:s13], $0x2800;
	(pc) =	sbr.rel @p0 .LBB2_1-.Ltmp2, $3  }
0x66: {  	[sflag:s13] =	ssyncset.done $0x0  }
0x67: {  	[sflag:s13] =	ssyncadd.s32 $0xFFFFD800  }
0x68: {  	[bflag:$0x0] =	sbarrier.arrive $0xFFFF;
	_ =	sdelay $0x1  }
0x69: {  	_ =	sfence.sel $0x180000  }
0x6a: {  	[bflag:$0x0] =	sbarrier.arrive $0xFFFF  }
0x6b: {  	p0 =	sne.s32 s1, $0x0;
	_ =	strace $0x90000053  }
0x6c: {  	s0 =	sadd.s32 @!p0 $0x100000, s0;
	[bflag:$0x2] =	sbarrier.arrive $0xFFFF  }
0x6d: {  	[sflag:s0] =	ssyncadd.tile.s32 @!p0 $0x1;
	_ =	shalt  }
.Lfunc_end2:
_tile_overlayer_lowered:
.L_overlay_start_2:
0x6e: {  	(tag) =	ssettag $0x2  }
0x6f: {  	s0 =	rddreg [dreg:$0x0];
	s2 =	stileid.u32  }
0x70: {  	s1 =	rddreg [dreg:$0x1];
	p0 =	sne.s32 s2, $0x0  }
0x71: {  	s3 =	rddreg [dreg:$0x2];
	[bflag:$0x3] =	sbarrier.arrive $0xFFFF;
	s2 =	simm.s32 @!p0 $0x1C01  }
0x72: {  	[timem:s3], [sflag:s2] =	dma.local @!p0 [hbm:s0], s1  }
0x73: {  	s0 =	simm.s32 @!p0 $0x1  }
0x74: {  	_ =	swait.ge @!p0 [sflag:s0], s1  }
0x75: {  	s1 =	ssub.s32 @!p0 $0x0, s1;
	[sflag:s0] =	ssyncset.done @!p0 $0x0  }
0x76: {  	[sflag:s0] =	ssyncadd.s32 @!p0 s1  }
0x77: {  	[bflag:$0x3] =	sbarrier.arrive $0xFFFF  }
0x78: {  	_ =	shalt  }

// kernel: kernel.36.cloned.1.call-start
scs
__scs_entry_jumppad:
0x0: {  	(pc) =	sbr.rel $0x88, $3  }
0x1: {  	(tag) =	ssettag $0x0;
	lr =	simm.s32 $0x1  }
0x2: {  	[smem:$0x3F9B] =	sst lr;
	_ =	strace $0xD0000000  }
0x3: {  	_ = 	snop  }
0x4: {  	_ = 	snop  }
0x5: {  	_ = 	snop  }
0x6: {  	_ = 	snop  }
0x7: {  	_ = 	snop  }
__scs_overlays_trampoline_lowered:
0x8: {  	[smem:$0x3FAA] =	sst s0  }
0x9: {  	[smem:$0x3FAB] =	sst s1  }
0xa: {  	[smem:$0x3FAC] =	sst s2  }
0xb: {  	[smem:$0x3FAD] =	sst s3  }
0xc: {  	[smem:$0x3FAE] =	sst s4  }
0xd: {  	[smem:$0x3FAF] =	sst s5  }
0xe: {  	[smem:$0x3FB0] =	sst s6  }
0xf: {  	[smem:$0x3FB1] =	sst s7  }
0x10: {  	[smem:$0x3FB2] =	sst s8  }
0x11: {  	[smem:$0x3FB3] =	sst s9;
	s0 =	simm.s32 @!p0 $0x0  }
0x12: {  	s1 =	sld [smem:$0x3F99];
	s0 =	simm.s32 @p0 $0x1  }
0x13: {  	[smem:$0x3FB4] =	sst s0;
	s0 =	simm.s32 @!p1 $0x0  }
0x14: {  	s2 =	sld [smem:$0x3F98];
	s0 =	simm.s32 @p1 $0x1  }
0x15: {  	[smem:$0x3FB5] =	sst s0;
	s0 =	simm.s32 @!p2 $0x0  }
0x16: {  	s3 =	sld [smem:$0x3FDB];
	s0 =	simm.s32 @p2 $0x1  }
0x17: {  	s4 =	simm.s32 $0x1BF5;
	[smem:$0x3FB7] =	sst s0  }
0x18: {  	s0 =	sld [smem:$0x3F9A];
	_ =	swait.ge [sflag:s4], $0x0  }
0x19: {  	s7 =	sld [smem:$0x3F9B]  }
0x1a: {  	s8 =	sadd.s32 $0xFFFFE003, lr  }
0x1b: {  	s9 =	sadd.s32 $0xFFFFFEF7, lr;
	s5 =	simm.s32 $0xFFFFFFFF;
	p2 =	slt.u32 s8, $0xFFFFF086  }
0x1c: {  	p1 =	slt.u32 s9, $0xF7A;
	s5 =	simm.s32 @!p2 $0x0  }
0x1d: {  	s5 =	simm.s32 @p1 $0x1;
	p0 =	seq.s32 s7, s2  }
0x1e: {  	s7 =	smul.u32 @!p0 $0xF7A, s2;
	p2 =	seq.s32 @!p0 s5, $0x0  }
0x1f: {  	s9 =	smul.u32 $0xF7A, s1;
	s8 =	simm.s32 @!p0 $0x1BF5;
	p2 =	por !p2, p0  }
0x20: {  	[sflag:s8] =	ssyncset.s32 @!p0 $0xFFFFF086;
	s6 =	sadd.s32 @!p0 s3, s7;
	s7 =	simm.s32 @!p0 $0x108  }
0x21: {  	s3 =	sadd.s32 s3, s9;
	s6 =	sadd.s32 @!p0 $0x88, s6;
	s7 =	simm.s32 @p2 $0x1082  }
0x22: {  	[simem:s7], [sflag:s8] =	dma.local @!p0 [hbm:s6], $0xF7A  }
0x23: {  	s9 =	sor.u32 $0xD0000000, s2;
	s6 =	simm.s32 $0x108;
	_ =	swait.ge @!p0 [sflag:s8], $0x0  }
0x24: {  	s3 =	sadd.s32 $0x88, s3;
	s6 =	simm.s32 @!p1 $0x1082;
	[sflag:s4] =	ssyncset.s32 $0xFFFFF086  }
0x25: {  	[simem:s6], [sflag:s4] =	dma.local [hbm:s3], $0xF7A  }
0x26: {  	[smem:$0x3F9B] =	sst s1;
	(tag) =	ssettag s2;
	_ =	strace s9  }
0x27: {  	s1 =	sld [smem:$0x3FAB]  }
0x28: {  	s2 =	sld [smem:$0x3FAC]  }
0x29: {  	s4 =	sld [smem:$0x3FAE]  }
0x2a: {  	p0 =	seq.s32 s5, $0x0;
	s5 =	sld [smem:$0x3FAF]  }
0x2b: {  	s6 =	sld [smem:$0x3FB0]  }
0x2c: {  	s7 =	sld [smem:$0x3FB1]  }
0x2d: {  	s3 =	simm.s32 $0x108;
	s8 =	sld [smem:$0x3FB2]  }
0x2e: {  	s3 =	simm.s32 @!p0 $0x1082;
	s9 =	sld [smem:$0x3FB3]  }
0x2f: {  	lr =	sadd.s32 s0, s3;
	s0 =	sld [smem:$0x3FAA]  }
0x30: {  	s3 =	sld [smem:$0x3FAD]  }
0x31: {  	[smem:$0x3FB6] =	sst s10  }
0x32: {  	s10 =	sld [smem:$0x3FB4];
	_ =	sdelay $0x3  }
0x33: {  	p0 =	seq.s32 s10, $0x1;
	s10 =	sld [smem:$0x3FB6];
	_ =	sdelay $0x3  }
0x34: {  	[smem:$0x3FB6] =	sst s10  }
0x35: {  	s10 =	sld [smem:$0x3FB5];
	_ =	sdelay $0x3  }
0x36: {  	p1 =	seq.s32 s10, $0x1;
	s10 =	sld [smem:$0x3FB6];
	_ =	sdelay $0x3  }
0x37: {  	[smem:$0x3FB6] =	sst s10  }
0x38: {  	s10 =	sld [smem:$0x3FB7]  }
0x39: {  	_ = 	snop;
	(pc) =	sbr.ind lr, $3  }
0x3a: {  	_ = 	snop  }
0x3b: {  	_ = 	snop  }
0x3c: {  	p2 =	seq.s32 s10, $0x1;
	s10 =	sld [smem:$0x3FB6]  }
0x3d: {  	_ =	shalt  }
0x3e: {  	_ =	shalt  }
0x3f: {  	_ =	shalt  }
0x40: {  	_ =	shalt  }
0x41: {  	_ =	shalt  }
0x42: {  	_ =	shalt  }
0x43: {  	_ =	shalt  }
0x44: {  	_ =	shalt  }
0x45: {  	_ =	shalt  }
0x46: {  	_ =	shalt  }
0x47: {  	_ =	shalt  }
0x48: {  	_ =	shalt  }
0x49: {  	_ =	shalt  }
0x4a: {  	_ =	shalt  }
0x4b: {  	_ =	shalt  }
0x4c: {  	_ =	shalt  }
0x4d: {  	_ =	shalt  }
0x4e: {  	_ =	shalt  }
0x4f: {  	_ =	shalt  }
0x50: {  	_ =	shalt  }
0x51: {  	_ =	shalt  }
0x52: {  	_ =	shalt  }
0x53: {  	_ =	shalt  }
0x54: {  	_ =	shalt  }
0x55: {  	_ =	shalt  }
0x56: {  	_ =	shalt  }
0x57: {  	_ =	shalt  }
0x58: {  	_ =	shalt  }
0x59: {  	_ =	shalt  }
0x5a: {  	_ =	shalt  }
0x5b: {  	_ =	shalt  }
0x5c: {  	_ =	shalt  }
0x5d: {  	_ =	shalt  }
0x5e: {  	_ =	shalt  }
0x5f: {  	_ =	shalt  }
0x60: {  	_ =	shalt  }
0x61: {  	_ =	shalt  }
0x62: {  	_ =	shalt  }
0x63: {  	_ =	shalt  }
0x64: {  	_ =	shalt  }
0x65: {  	_ =	shalt  }
0x66: {  	_ =	shalt  }
0x67: {  	_ =	shalt  }
0x68: {  	_ =	shalt  }
0x69: {  	_ =	shalt  }
0x6a: {  	_ =	shalt  }
0x6b: {  	_ =	shalt  }
0x6c: {  	_ =	shalt  }
0x6d: {  	_ =	shalt  }
0x6e: {  	_ =	shalt  }
0x6f: {  	_ =	shalt  }
0x70: {  	_ =	shalt  }
0x71: {  	_ =	shalt  }
0x72: {  	_ =	shalt  }
0x73: {  	_ =	shalt  }
0x74: {  	_ =	shalt  }
0x75: {  	_ =	shalt  }
0x76: {  	_ =	shalt  }
0x77: {  	_ =	shalt  }
0x78: {  	_ =	shalt  }
0x79: {  	_ =	shalt  }
0x7a: {  	_ =	shalt  }
0x7b: {  	_ =	shalt  }
0x7c: {  	_ =	shalt  }
0x7d: {  	_ =	shalt  }
0x7e: {  	_ =	shalt  }
0x7f: {  	_ =	shalt  }
0x80: {  	_ =	shalt  }
0x81: {  	_ =	shalt  }
0x82: {  	_ =	shalt  }
0x83: {  	_ =	shalt  }
0x84: {  	_ =	shalt  }
0x85: {  	_ =	shalt  }
0x86: {  	_ =	shalt  }
0x87: {  	_ =	shalt  }
.Lfunc_end0:
.L_simem_size_0:
called_computation.5_lowered:
.L_overlay_start_0:
0x88: {  	s2 =	sld [smem:$0x3FD9]  }
0x89: {  	s3 =	sld [smem:$0x3FFE];
	_ =	sdelay $0x1  }
0x8a: {  	s1 =	srdreg.scid  }
0x8b: {  	s0 =	sand.u32 $0x1, s1  }
0x8c: {  	s17 =	sshll.u32 s0, $0xA;
	s2 =	sadd.s32 s3, s2  }
0x8d: {  	s2 =	sadd.s32 s2, s17  }
0x8e: {  	[smem:$0x3FC2] =	sst s2  }
0x8f: {  	_ = 	snop  }
0x90: {  	s2 =	sld [smem:$0x3FD0];
	(tm) =	ssettm $0x1  }
0x91: {  	s18 =	sld [smem:$0x3FFB];
	_ =	sdelay $0x3  }
0x92: {  	_ =	strace s18  }
0x93: {  	s3 =	sld [smem:$0x3FFC];
	_ =	sdelay $0x3  }
0x94: {  	_ =	strace s3  }
0x95: {  	s3 =	sld [smem:$0x3FFD];
	_ =	sdelay $0x3  }
0x96: {  	_ =	strace s3  }
0x97: {  	_ =	strace $0x8FFFFFFF  }
0x98: {  	s19 =	sld [smem:$0x3FDB];
	_ =	sdelay $0x1  }
0x99: {  	s4 =	simm.s32 $_scs_section_size  }
0x9a: {  	s5 =	simm.s32 $_size__tile_overlayer_lowered;
	s6 =	simm.s32 $_tile_overlayer_lowered  }
0x9b: {  	s22 =	simm.s32 $0x1BFF;
	s21 =	sshll.u32 s6, $0x1;
	s3 =	sadd.s32 s4, s19  }
0x9c: {  	s7 =	simm.s32 $0x0;
	s20 =	sshll.u32 s5, $0x1;
	s5 =	sadd.s32 s21, s3  }
0x9d: {  	[timem:s7], [sflag:s22] =	dma.local [hbm:s5], s20  }
0x9e: {  	_ =	swait.ge [sflag:s22], s20  }
0x9f: {  	s4 =	ssub.s32 $0x0, s20;
	[sflag:s22] =	ssyncset.done $0x0  }
0xa0: {  	[sflag:s22] =	ssyncadd.s32 s4;
	_ =	sdelay $0x1  }
0xa1: {  	s23 =	simm.s32 $0x1B8B  }
0xa2: {  	_ =	swait.ge [sflag:s23], $0x1  }
0xa3: {  	[sflag:s23] =	ssyncset.done $0x0  }
0xa4: {  	s25 =	simm.s32 $0x1B8E;
	s24 =	sld [smem:$0x3FFE];
	[sflag:s23] =	ssyncadd.s32 $0xFFFFFFFF  }
0xa5: {  	s26 =	simm.s32 $execute0_lowered;
	[smem:$0x3FD2] =	sst s25  }
0xa6: {  	s5 =	sshll.u32 s26, $0x1;
	_ =	strace $0x80000055;
	[dreg:$0x1] =	wrdreg $0xFFFFFFFF  }
0xa7: {  	s28 =	simm.s32 $_size_execute0_lowered;
	s3 =	sadd.s32 s3, s5;
	[dreg:$0x0] =	wrdreg $0x0  }
0xa8: {  	s5 =	sshll.u32 s28, $0x1;
	[dreg:$0x2] =	wrdreg s3  }
0xa9: {  	[dreg:$0x3] =	wrdreg s5  }
0xaa: {  	[dreg:$0x4] =	wrdreg $0xC0  }
0xab: {  	_ =	task [dreg:s7], $0x5FFFF  }
0xac: {  	[dreg:$0x1] =	wrdreg $0xFFFFFFFF  }
0xad: {  	[dreg:$0x0] =	wrdreg $0x60  }
0xae: {  	[dreg:$0x2] =	wrdreg s24  }
0xaf: {  	[dreg:$0x3] =	wrdreg s2  }
0xb0: {  	[dreg:$0x4] =	wrdreg $0x90000  }
0xb1: {  	[dreg:$0x5] =	wrdreg $0x9  }
0xb2: {  	_ =	task.clear_ibuf [dreg:s7], $0x6FFFF;
	_ =	strace $0x90000055  }
0xb3: {  	s29 =	simm.s32 $0x9;
	_ =	strace $0x80000057  }
0xb4: {  	_ =	swait.ge [sflag:s29], $0x1  }
0xb5: {  	[sflag:s29] =	ssyncadd.s32 $0xFFFFFFFF  }
0xb6: {  	_ =	strace $0x90000057  }
0xb7: {  	_ =	sfence  }
0xb8: {  	s30 =	sld [smem:$0x0];
	_ =	sdelay $0x2  }
0xb9: {  	s31 =	sshll.u32 s1, $0xD;
	s1 =	sshrl.u32 s1, $0x2  }
0xba: {  	s3 =	sand.u32 $0x4000, s31;
	s1 =	sadd.s32 s1, s30  }
0xbb: {  	s0 =	sor.u32 s3, s0;
	s1 =	sshll.u32 s1, $0x11  }
0xbc: {  	s0 =	sor.u32 s1, s0  }
0xbd: {  	s0 =	sadd.s32 $0x8F2B, s0  }
0xbe: {  	[sflag:s0] =	ssyncadd.remote.s32 $0x1  }
0xbf: {  	_ =	sfence.sel $0xFFFF  }
0xc0: {  	[dreg:$0x0] =	wrdreg $0xFFFFFFFF;
	(pc) =	sbr.abs _section_cstart, $3  }
0xc1: {  	[dreg:$0x1] =	wrdreg $0xFFFFFFFF  }
0xc2: {  	_ =	task.clear_ibuf [dreg:s7], $0x2FFFF;
	_ =	strace $0x9FFFFFFF  }
0xc3: {  	(tm) =	ssettm $0x7FFFFFFF  }
tec
execute0_lowered:
.L_overlay_start_1:
0x0: {  	(tag) =	ssettag $0x1  }
0x1: {  	s5 =	rddreg [dreg:$0x0]  }
0x2: {  	s6 =	rddreg [dreg:$0x1]  }
0x3: {  	s2 =	rddreg [dreg:$0x2]  }
0x4: {  	s0 =	rddreg [dreg:$0x3]  }
0x5: {  	s3 =	simm.s32 $0x0;
	s1 =	stileid.u32;
	s7 =	srdreg.scid  }
0x6: {  	[smem:$0x7FF] =	sst s3;
	s8 =	smul.u32 $0x2800, s1  }
0x7: {  	s4 =	sadd.s32 $0xF1000, s5;
	s9 =	sadd.s32 $0xB5000, s5;
	s11 =	smul.u32 $0x280, s1  }
0x8: {  	s7 =	sand.u32 $0x1, s7;
	s13 =	smul.u32 $0x50000, s1;
	s14 =	sadd.s32 $0x15000, s5  }
0x9: {  	s31 =	sshll.u32 s1, $0x6;
	_ =	strace $0x80000056;
	s15 =	smul.u32 $0x50000, s7  }
0xa: {  	s12 =	ssub.s32 $0x2, s7;
	s16 =	smul.u32 $0x5000, s7;
	s7 =	sshllo.u32 s7, $0x1  }
0xb: {  	s10 =	sshrl.u32 s8, $0x3;
	s25 =	sshrl.u32 s12, $0x1;
	s28 =	smul.u32 $0x28000, s7  }
0xc: {  	s13 =	sshrl.u32 s13, $0x2;
	s17 =	smul.u32 $0x2800, s7;
	s6 =	sadd.s32 s6, s8  }
0xd: {  	s10 =	sadd.s32 s10, s5;
	s12 =	ssub.s32 s12, s25;
	s26 =	sadd.s32 s8, s15  }
0xe: {  	s18 =	sadd.s32 s13, s2;
	s29 =	sadd.s32 s11, s16;
	s13 =	simm.s32 $0x1  }
0xf: {  	s16 =	simm.s32 $0x80;
	s5 =	sadd.s32 $0x10000, s10;
	s10 =	sshrl.u32 s26, $0x3  }
0x10: {  	s8 =	sadd.s32 s8, s28;
	s11 =	sadd.s32 s11, s17;
	s15 =	sshrl.u32 s18, $0x3  }
0x11: {  	s17 =	simm.s32 $0x5000;
	s18 =	simm.s32 $0x0;
	s7 =	sadd.s32 s9, s10  }
0x12: {  	s10 =	sshll.u32 s29, $0x4;
	s30 =	sshrl.u32 s8, $0x3;
	s11 =	sshll.u32 s11, $0x4  }
0x13: {  	s8 =	sadd.s32 s14, s10;
	s9 =	sadd.s32 s9, s30;
	s10 =	sadd.s32 s14, s11  }
0x14: {  	s11 =	smax.u32 s12, $0x1;
	s12 =	simm.s32 $0x2800;
	s14 =	sor.u32 $0x1C01, s31  }
.LBB2_1:
0x15: {  	[tilespmem:s12], [sflag:$0x1] =	stream.linear.gather [hbm4b:s5+s3], $0x2780, $0x38;
	[tilespmem:$0x1D000] =	vst v63  }
0x16: {  	_ =	swait.ge [sflag:s13], $0x2780  }
0x17: {  	[sflag:s13] =	ssyncset.done $0x0  }
0x18: {  	[sflag:s13] =	ssyncadd.s32 $0xFFFFD880  }
0x19: {  	[spmem:s15], [sflag:s14] =	dma.local [hbm:s6], $0x2800  }
0x1a: {  	_ =	swait.ge [sflag:s13], $0x2800  }
0x1b: {  	[sflag:s13] =	ssyncset.done $0x0  }
0x1c: {  	[sflag:s13] =	ssyncadd.s32 $0xFFFFD800  }
0x1d: {  	[tilespmem:s3], [sflag:$0x1] =	stream.linear.gather [hbm4b:s7+s3], $0x2780, $0x38;
	[tilespmem:$0x1D000] =	vst v63  }
0x1e: {  	_ =	swait.ge [sflag:s13], $0x2780  }
0x1f: {  	[sflag:s13] =	ssyncset.done $0x0  }
0x20: {  	[sflag:s13] =	ssyncadd.s32 $0xFFFFD880  }
0x21: {  	s19 =	simm.s32 $0x0;
	[bflag:$0x0] =	sbarrier.arrive $0xFFFF  }
0x22: {  	[tilespmem:s17], [sflag:$0x1] =	stream.indirect.gather [hbm4b:s4+s16], $0x80, s19, s16, $0xb8;
	[tilespmem:$0x1D000] =	vst v63  }
0x23: {  	_ =	swait.ge [sflag:s13], $0x4000  }
0x24: {  	[sflag:s13] =	ssyncset.done $0x0  }
0x25: {  	s31 =	simm.s32 $0x2800;
	[sflag:s13] =	ssyncadd.s32 $0xFFFFC000  }
0x26: {  	[spmem:s2] =	stream.indirect.scatter.add.f32 [tilespmem:s17], [sflag:$0x1], $0x80, s31, s16, $0xb8;
	[tilespmem:$0x1D000] =	vst v63  }
0x27: {  	_ =	swait.ge [sflag:s13], $0x4000  }
0x28: {  	s20 =	simm.s32 $0x400;
	s19 =	simm.s32 $0x200;
	[sflag:s13] =	ssyncset.done $0x0  }
.LBB2_2:
0x29: {  	s21 =	sshra.s32 s19, $0x2  }
0x2a: {  	[sflag:s13] =	ssyncadd.s32 $0xFFFFC000;
	s19 =	smov.u32 s20;
	s22 =	sadd.s32 $0x200, s20  }
0x2b: {  	[tilespmem:s17], [sflag:$0x1] =	stream.indirect.gather [hbm4b:s4+s16], $0x80, s21, s16, $0xb8;
	[tilespmem:$0x1D000] =	vst v63  }
0x2c: {  	p0 =	sne.s32 s20, $0x9C00;
	_ =	swait.ge [sflag:s13], $0x4000  }
.Ltmp0:
0x2d: {  	[sflag:s13] =	ssyncset.done $0x0;
	(pc) =	sbr.rel @p0 .LBB2_2-.Ltmp0, $4  }
0x2e: {  	s20 =	sadd.s32 $0x2800, s21;
	[sflag:s13] =	ssyncadd.s32 $0xFFFFC000  }
0x2f: {  	[spmem:s2] =	stream.indirect.scatter.add.f32 [tilespmem:s17], [sflag:$0x1], $0x80, s20, s16, $0xb8;
	[tilespmem:$0x1D000] =	vst v63  }
0x30: {  	_ =	swait.ge [sflag:s13], $0x4000  }
0x31: {  	s20 =	smov.u32 s22;
	[sflag:s13] =	ssyncset.done $0x0  }
0x32: {  	s19 =	sshra.s32 s19, $0x2;
	[sflag:s13] =	ssyncadd.s32 $0xFFFFC000  }
0x33: {  	[tilespmem:s17], [sflag:$0x1] =	stream.indirect.gather [hbm4b:s4+s16], $0x80, s19, s16, $0xb8;
	[tilespmem:$0x1D000] =	vst v63  }
0x34: {  	_ =	swait.ge [sflag:s13], $0x4000  }
0x35: {  	[sflag:s13] =	ssyncset.done $0x0  }
0x36: {  	s19 =	sadd.s32 $0x2800, s19;
	[sflag:s13] =	ssyncadd.s32 $0xFFFFC000  }
0x37: {  	[spmem:s2] =	stream.indirect.scatter.add.f32 [tilespmem:s17], [sflag:$0x1], $0x80, s19, s16, $0xb8;
	[tilespmem:$0x1D000] =	vst v63  }
0x38: {  	_ =	swait.ge [sflag:s13], $0x4000  }
0x39: {  	[sflag:s13] =	ssyncset.done $0x0  }
0x3a: {  	[sflag:s13] =	ssyncadd.s32 $0xFFFFC000  }
0x3b: {  	[bflag:$0x0] =	sbarrier.arrive $0xFFFF  }
0x3c: {  	[hbm:s8], [sflag:s14] =	dma.local [spmem:s15], $0x2800  }
0x3d: {  	_ =	swait.ge [sflag:s13], $0x2800  }
0x3e: {  	[sflag:s13] =	ssyncset.done $0x0  }
0x3f: {  	[sflag:s13] =	ssyncadd.s32 $0xFFFFD800  }
0x40: {  	[bflag:$0x0] =	sbarrier.arrive $0xFFFF  }
0x41: {  	[spmem:s15], [sflag:s14] =	dma.local [hbm:s6], $0x2800  }
0x42: {  	_ =	swait.ge [sflag:s13], $0x2800  }
0x43: {  	[sflag:s13] =	ssyncset.done $0x0  }
0x44: {  	s29 =	simm.s32 $0x0;
	[sflag:s13] =	ssyncadd.s32 $0xFFFFD800  }
0x45: {  	[tilespmem:s29], [sflag:$0x1] =	stream.linear.gather [hbm4b:s9+s29], $0x2780, $0x38;
	[tilespmem:$0x1D000] =	vst v63  }
0x46: {  	_ =	swait.ge [sflag:s13], $0x2780  }
0x47: {  	[sflag:s13] =	ssyncset.done $0x0  }
0x48: {  	[sflag:s13] =	ssyncadd.s32 $0xFFFFD880  }
0x49: {  	s30 =	simm.s32 $0x0;
	[bflag:$0x0] =	sbarrier.arrive $0xFFFF  }
0x4a: {  	[tilespmem:s17], [sflag:$0x1] =	stream.indirect.gather [hbm4b:s4+s16], $0x80, s30, s16, $0xb8;
	[tilespmem:$0x1D000] =	vst v63  }
0x4b: {  	_ =	swait.ge [sflag:s13], $0x4000  }
0x4c: {  	[sflag:s13] =	ssyncset.done $0x0  }
0x4d: {  	s31 =	simm.s32 $0x2800;
	[sflag:s13] =	ssyncadd.s32 $0xFFFFC000  }
0x4e: {  	[spmem:s2] =	stream.indirect.scatter.add.f32 [tilespmem:s17], [sflag:$0x1], $0x80, s31, s16, $0xb8;
	[tilespmem:$0x1D000] =	vst v63  }
0x4f: {  	_ =	swait.ge [sflag:s13], $0x4000  }
0x50: {  	s20 =	simm.s32 $0x400;
	s19 =	simm.s32 $0x200;
	[sflag:s13] =	ssyncset.done $0x0  }
.LBB2_4:
0x51: {  	s21 =	sshra.s32 s19, $0x2  }
0x52: {  	[sflag:s13] =	ssyncadd.s32 $0xFFFFC000;
	s19 =	smov.u32 s20;
	s22 =	sadd.s32 $0x200, s20  }
0x53: {  	[tilespmem:s17], [sflag:$0x1] =	stream.indirect.gather [hbm4b:s4+s16], $0x80, s21, s16, $0xb8;
	[tilespmem:$0x1D000] =	vst v63  }
0x54: {  	p0 =	sne.s32 s20, $0x9C00;
	_ =	swait.ge [sflag:s13], $0x4000  }
.Ltmp1:
0x55: {  	[sflag:s13] =	ssyncset.done $0x0;
	(pc) =	sbr.rel @p0 .LBB2_4-.Ltmp1, $4  }
0x56: {  	s20 =	sadd.s32 $0x2800, s21;
	[sflag:s13] =	ssyncadd.s32 $0xFFFFC000  }
0x57: {  	[spmem:s2] =	stream.indirect.scatter.add.f32 [tilespmem:s17], [sflag:$0x1], $0x80, s20, s16, $0xb8;
	[tilespmem:$0x1D000] =	vst v63  }
0x58: {  	_ =	swait.ge [sflag:s13], $0x4000  }
0x59: {  	s20 =	smov.u32 s22;
	[sflag:s13] =	ssyncset.done $0x0  }
0x5a: {  	s19 =	sshra.s32 s19, $0x2;
	[sflag:s13] =	ssyncadd.s32 $0xFFFFC000  }
0x5b: {  	[tilespmem:s17], [sflag:$0x1] =	stream.indirect.gather [hbm4b:s4+s16], $0x80, s19, s16, $0xb8;
	[tilespmem:$0x1D000] =	vst v63  }
0x5c: {  	_ =	swait.ge [sflag:s13], $0x4000  }
0x5d: {  	[sflag:s13] =	ssyncset.done $0x0  }
0x5e: {  	s19 =	sadd.s32 $0x2800, s19;
	[sflag:s13] =	ssyncadd.s32 $0xFFFFC000  }
0x5f: {  	[spmem:s2] =	stream.indirect.scatter.add.f32 [tilespmem:s17], [sflag:$0x1], $0x80, s19, s16, $0xb8;
	[tilespmem:$0x1D000] =	vst v63  }
0x60: {  	_ =	swait.ge [sflag:s13], $0x4000  }
0x61: {  	[sflag:s13] =	ssyncset.done $0x0  }
0x62: {  	s18 =	sadd.s32 $0x1, s18;
	[sflag:s13] =	ssyncadd.s32 $0xFFFFC000  }
0x63: {  	p0 =	sne.s32 s18, s11;
	[bflag:$0x0] =	sbarrier.arrive $0xFFFF  }
0x64: {  	[hbm:s10], [sflag:s14] =	dma.local [spmem:s15], $0x2800  }
.Ltmp2:
0x65: {  	_ =	swait.ge [sflag:s13], $0x2800;
	(pc) =	sbr.rel @p0 .LBB2_1-.Ltmp2, $3  }
0x66: {  	[sflag:s13] =	ssyncset.done $0x0  }
0x67: {  	[sflag:s13] =	ssyncadd.s32 $0xFFFFD800  }
0x68: {  	[bflag:$0x0] =	sbarrier.arrive $0xFFFF;
	_ =	sdelay $0x1  }
0x69: {  	_ =	sfence.sel $0x180000  }
0x6a: {  	[bflag:$0x0] =	sbarrier.arrive $0xFFFF  }
0x6b: {  	p0 =	sne.s32 s1, $0x0;
	_ =	strace $0x90000056  }
0x6c: {  	s0 =	sadd.s32 @!p0 $0x100000, s0;
	[bflag:$0x2] =	sbarrier.arrive $0xFFFF  }
0x6d: {  	[sflag:s0] =	ssyncadd.tile.s32 @!p0 $0x1;
	_ =	shalt  }
.Lfunc_end2:
_tile_overlayer_lowered:
.L_overlay_start_2:
0x6e: {  	(tag) =	ssettag $0x2  }
0x6f: {  	s0 =	rddreg [dreg:$0x0];
	s2 =	stileid.u32  }
0x70: {  	s1 =	rddreg [dreg:$0x1];
	p0 =	sne.s32 s2, $0x0  }
0x71: {  	s3 =	rddreg [dreg:$0x2];
	[bflag:$0x3] =	sbarrier.arrive $0xFFFF;
	s2 =	simm.s32 @!p0 $0x1C01  }
0x72: {  	[timem:s3], [sflag:s2] =	dma.local @!p0 [hbm:s0], s1  }
0x73: {  	s0 =	simm.s32 @!p0 $0x1  }
0x74: {  	_ =	swait.ge @!p0 [sflag:s0], s1  }
0x75: {  	s1 =	ssub.s32 @!p0 $0x0, s1;
	[sflag:s0] =	ssyncset.done @!p0 $0x0  }
0x76: {  	[sflag:s0] =	ssyncadd.s32 @!p0 s1  }
0x77: {  	[bflag:$0x3] =	sbarrier.arrive $0xFFFF  }
0x78: {  	_ =	shalt  }

// kernel: kernel.39.cloned.1.call-start
scs
__scs_entry_jumppad:
0x0: {  	(pc) =	sbr.rel $0x88, $3  }
0x1: {  	(tag) =	ssettag $0x0;
	lr =	simm.s32 $0x1  }
0x2: {  	[smem:$0x3F9B] =	sst lr;
	_ =	strace $0xD0000000  }
0x3: {  	_ = 	snop  }
0x4: {  	_ = 	snop  }
0x5: {  	_ = 	snop  }
0x6: {  	_ = 	snop  }
0x7: {  	_ = 	snop  }
__scs_overlays_trampoline_lowered:
0x8: {  	[smem:$0x3FAA] =	sst s0  }
0x9: {  	[smem:$0x3FAB] =	sst s1  }
0xa: {  	[smem:$0x3FAC] =	sst s2  }
0xb: {  	[smem:$0x3FAD] =	sst s3  }
0xc: {  	[smem:$0x3FAE] =	sst s4  }
0xd: {  	[smem:$0x3FAF] =	sst s5  }
0xe: {  	[smem:$0x3FB0] =	sst s6  }
0xf: {  	[smem:$0x3FB1] =	sst s7  }
0x10: {  	[smem:$0x3FB2] =	sst s8  }
0x11: {  	[smem:$0x3FB3] =	sst s9;
	s0 =	simm.s32 @!p0 $0x0  }
0x12: {  	s1 =	sld [smem:$0x3F99];
	s0 =	simm.s32 @p0 $0x1  }
0x13: {  	[smem:$0x3FB4] =	sst s0;
	s0 =	simm.s32 @!p1 $0x0  }
0x14: {  	s2 =	sld [smem:$0x3F98];
	s0 =	simm.s32 @p1 $0x1  }
0x15: {  	[smem:$0x3FB5] =	sst s0;
	s0 =	simm.s32 @!p2 $0x0  }
0x16: {  	s3 =	sld [smem:$0x3FDB];
	s0 =	simm.s32 @p2 $0x1  }
0x17: {  	s4 =	simm.s32 $0x1BF5;
	[smem:$0x3FB7] =	sst s0  }
0x18: {  	s0 =	sld [smem:$0x3F9A];
	_ =	swait.ge [sflag:s4], $0x0  }
0x19: {  	s7 =	sld [smem:$0x3F9B]  }
0x1a: {  	s8 =	sadd.s32 $0xFFFFE003, lr  }
0x1b: {  	s9 =	sadd.s32 $0xFFFFFEF7, lr;
	s5 =	simm.s32 $0xFFFFFFFF;
	p2 =	slt.u32 s8, $0xFFFFF086  }
0x1c: {  	p1 =	slt.u32 s9, $0xF7A;
	s5 =	simm.s32 @!p2 $0x0  }
0x1d: {  	s5 =	simm.s32 @p1 $0x1;
	p0 =	seq.s32 s7, s2  }
0x1e: {  	s7 =	smul.u32 @!p0 $0xF7A, s2;
	p2 =	seq.s32 @!p0 s5, $0x0  }
0x1f: {  	s9 =	smul.u32 $0xF7A, s1;
	s8 =	simm.s32 @!p0 $0x1BF5;
	p2 =	por !p2, p0  }
0x20: {  	[sflag:s8] =	ssyncset.s32 @!p0 $0xFFFFF086;
	s6 =	sadd.s32 @!p0 s3, s7;
	s7 =	simm.s32 @!p0 $0x108  }
0x21: {  	s3 =	sadd.s32 s3, s9;
	s6 =	sadd.s32 @!p0 $0x88, s6;
	s7 =	simm.s32 @p2 $0x1082  }
0x22: {  	[simem:s7], [sflag:s8] =	dma.local @!p0 [hbm:s6], $0xF7A  }
0x23: {  	s9 =	sor.u32 $0xD0000000, s2;
	s6 =	simm.s32 $0x108;
	_ =	swait.ge @!p0 [sflag:s8], $0x0  }
0x24: {  	s3 =	sadd.s32 $0x88, s3;
	s6 =	simm.s32 @!p1 $0x1082;
	[sflag:s4] =	ssyncset.s32 $0xFFFFF086  }
0x25: {  	[simem:s6], [sflag:s4] =	dma.local [hbm:s3], $0xF7A  }
0x26: {  	[smem:$0x3F9B] =	sst s1;
	(tag) =	ssettag s2;
	_ =	strace s9  }
0x27: {  	s1 =	sld [smem:$0x3FAB]  }
0x28: {  	s2 =	sld [smem:$0x3FAC]  }
0x29: {  	s4 =	sld [smem:$0x3FAE]  }
0x2a: {  	p0 =	seq.s32 s5, $0x0;
	s5 =	sld [smem:$0x3FAF]  }
0x2b: {  	s6 =	sld [smem:$0x3FB0]  }
0x2c: {  	s7 =	sld [smem:$0x3FB1]  }
0x2d: {  	s3 =	simm.s32 $0x108;
	s8 =	sld [smem:$0x3FB2]  }
0x2e: {  	s3 =	simm.s32 @!p0 $0x1082;
	s9 =	sld [smem:$0x3FB3]  }
0x2f: {  	lr =	sadd.s32 s0, s3;
	s0 =	sld [smem:$0x3FAA]  }
0x30: {  	s3 =	sld [smem:$0x3FAD]  }
0x31: {  	[smem:$0x3FB6] =	sst s10  }
0x32: {  	s10 =	sld [smem:$0x3FB4];
	_ =	sdelay $0x3  }
0x33: {  	p0 =	seq.s32 s10, $0x1;
	s10 =	sld [smem:$0x3FB6];
	_ =	sdelay $0x3  }
0x34: {  	[smem:$0x3FB6] =	sst s10  }
0x35: {  	s10 =	sld [smem:$0x3FB5];
	_ =	sdelay $0x3  }
0x36: {  	p1 =	seq.s32 s10, $0x1;
	s10 =	sld [smem:$0x3FB6];
	_ =	sdelay $0x3  }
0x37: {  	[smem:$0x3FB6] =	sst s10  }
0x38: {  	s10 =	sld [smem:$0x3FB7]  }
0x39: {  	_ = 	snop;
	(pc) =	sbr.ind lr, $3  }
0x3a: {  	_ = 	snop  }
0x3b: {  	_ = 	snop  }
0x3c: {  	p2 =	seq.s32 s10, $0x1;
	s10 =	sld [smem:$0x3FB6]  }
0x3d: {  	_ =	shalt  }
0x3e: {  	_ =	shalt  }
0x3f: {  	_ =	shalt  }
0x40: {  	_ =	shalt  }
0x41: {  	_ =	shalt  }
0x42: {  	_ =	shalt  }
0x43: {  	_ =	shalt  }
0x44: {  	_ =	shalt  }
0x45: {  	_ =	shalt  }
0x46: {  	_ =	shalt  }
0x47: {  	_ =	shalt  }
0x48: {  	_ =	shalt  }
0x49: {  	_ =	shalt  }
0x4a: {  	_ =	shalt  }
0x4b: {  	_ =	shalt  }
0x4c: {  	_ =	shalt  }
0x4d: {  	_ =	shalt  }
0x4e: {  	_ =	shalt  }
0x4f: {  	_ =	shalt  }
0x50: {  	_ =	shalt  }
0x51: {  	_ =	shalt  }
0x52: {  	_ =	shalt  }
0x53: {  	_ =	shalt  }
0x54: {  	_ =	shalt  }
0x55: {  	_ =	shalt  }
0x56: {  	_ =	shalt  }
0x57: {  	_ =	shalt  }
0x58: {  	_ =	shalt  }
0x59: {  	_ =	shalt  }
0x5a: {  	_ =	shalt  }
0x5b: {  	_ =	shalt  }
0x5c: {  	_ =	shalt  }
0x5d: {  	_ =	shalt  }
0x5e: {  	_ =	shalt  }
0x5f: {  	_ =	shalt  }
0x60: {  	_ =	shalt  }
0x61: {  	_ =	shalt  }
0x62: {  	_ =	shalt  }
0x63: {  	_ =	shalt  }
0x64: {  	_ =	shalt  }
0x65: {  	_ =	shalt  }
0x66: {  	_ =	shalt  }
0x67: {  	_ =	shalt  }
0x68: {  	_ =	shalt  }
0x69: {  	_ =	shalt  }
0x6a: {  	_ =	shalt  }
0x6b: {  	_ =	shalt  }
0x6c: {  	_ =	shalt  }
0x6d: {  	_ =	shalt  }
0x6e: {  	_ =	shalt  }
0x6f: {  	_ =	shalt  }
0x70: {  	_ =	shalt  }
0x71: {  	_ =	shalt  }
0x72: {  	_ =	shalt  }
0x73: {  	_ =	shalt  }
0x74: {  	_ =	shalt  }
0x75: {  	_ =	shalt  }
0x76: {  	_ =	shalt  }
0x77: {  	_ =	shalt  }
0x78: {  	_ =	shalt  }
0x79: {  	_ =	shalt  }
0x7a: {  	_ =	shalt  }
0x7b: {  	_ =	shalt  }
0x7c: {  	_ =	shalt  }
0x7d: {  	_ =	shalt  }
0x7e: {  	_ =	shalt  }
0x7f: {  	_ =	shalt  }
0x80: {  	_ =	shalt  }
0x81: {  	_ =	shalt  }
0x82: {  	_ =	shalt  }
0x83: {  	_ =	shalt  }
0x84: {  	_ =	shalt  }
0x85: {  	_ =	shalt  }
0x86: {  	_ =	shalt  }
0x87: {  	_ =	shalt  }
.Lfunc_end0:
.L_simem_size_0:
called_computation.6_lowered:
.L_overlay_start_0:
0x88: {  	s2 =	sld [smem:$0x3FD9]  }
0x89: {  	s3 =	sld [smem:$0x3FFE];
	_ =	sdelay $0x1  }
0x8a: {  	s1 =	srdreg.scid  }
0x8b: {  	s0 =	sand.u32 $0x1, s1  }
0x8c: {  	s17 =	sshll.u32 s0, $0xA;
	s2 =	sadd.s32 s3, s2  }
0x8d: {  	s2 =	sadd.s32 s2, s17  }
0x8e: {  	[smem:$0x3FC2] =	sst s2  }
0x8f: {  	_ = 	snop  }
0x90: {  	s2 =	sld [smem:$0x3FD0];
	(tm) =	ssettm $0x1  }
0x91: {  	s18 =	sld [smem:$0x3FFB];
	_ =	sdelay $0x3  }
0x92: {  	_ =	strace s18  }
0x93: {  	s3 =	sld [smem:$0x3FFC];
	_ =	sdelay $0x3  }
0x94: {  	_ =	strace s3  }
0x95: {  	s3 =	sld [smem:$0x3FFD];
	_ =	sdelay $0x3  }
0x96: {  	_ =	strace s3  }
0x97: {  	_ =	strace $0x8FFFFFFF  }
0x98: {  	s19 =	sld [smem:$0x3FDB];
	_ =	sdelay $0x1  }
0x99: {  	s4 =	simm.s32 $_scs_section_size  }
0x9a: {  	s5 =	simm.s32 $_size__tile_overlayer_lowered;
	s6 =	simm.s32 $_tile_overlayer_lowered  }
0x9b: {  	s22 =	simm.s32 $0x1BFF;
	s21 =	sshll.u32 s6, $0x1;
	s3 =	sadd.s32 s4, s19  }
0x9c: {  	s7 =	simm.s32 $0x0;
	s20 =	sshll.u32 s5, $0x1;
	s5 =	sadd.s32 s21, s3  }
0x9d: {  	[timem:s7], [sflag:s22] =	dma.local [hbm:s5], s20  }
0x9e: {  	_ =	swait.ge [sflag:s22], s20  }
0x9f: {  	s4 =	ssub.s32 $0x0, s20;
	[sflag:s22] =	ssyncset.done $0x0  }
0xa0: {  	[sflag:s22] =	ssyncadd.s32 s4;
	_ =	sdelay $0x1  }
0xa1: {  	s23 =	simm.s32 $0x1B8B  }
0xa2: {  	_ =	swait.ge [sflag:s23], $0x1  }
0xa3: {  	[sflag:s23] =	ssyncset.done $0x0  }
0xa4: {  	s25 =	simm.s32 $0x1B8E;
	s24 =	sld [smem:$0x3FFE];
	[sflag:s23] =	ssyncadd.s32 $0xFFFFFFFF  }
0xa5: {  	s26 =	simm.s32 $execute0_lowered;
	[smem:$0x3FD2] =	sst s25  }
0xa6: {  	s5 =	sshll.u32 s26, $0x1;
	_ =	strace $0x80000058;
	[dreg:$0x1] =	wrdreg $0xFFFFFFFF  }
0xa7: {  	s28 =	simm.s32 $_size_execute0_lowered;
	s3 =	sadd.s32 s3, s5;
	[dreg:$0x0] =	wrdreg $0x0  }
0xa8: {  	s5 =	sshll.u32 s28, $0x1;
	[dreg:$0x2] =	wrdreg s3  }
0xa9: {  	[dreg:$0x3] =	wrdreg s5  }
0xaa: {  	[dreg:$0x4] =	wrdreg $0xC0  }
0xab: {  	_ =	task [dreg:s7], $0x5FFFF  }
0xac: {  	[dreg:$0x1] =	wrdreg $0xFFFFFFFF  }
0xad: {  	[dreg:$0x0] =	wrdreg $0x60  }
0xae: {  	[dreg:$0x2] =	wrdreg s24  }
0xaf: {  	[dreg:$0x3] =	wrdreg s2  }
0xb0: {  	[dreg:$0x4] =	wrdreg $0x90000  }
0xb1: {  	[dreg:$0x5] =	wrdreg $0x9  }
0xb2: {  	_ =	task.clear_ibuf [dreg:s7], $0x6FFFF;
	_ =	strace $0x90000058  }
0xb3: {  	s29 =	simm.s32 $0x9;
	_ =	strace $0x8000005A  }
0xb4: {  	_ =	swait.ge [sflag:s29], $0x1  }
0xb5: {  	[sflag:s29] =	ssyncadd.s32 $0xFFFFFFFF  }
0xb6: {  	_ =	strace $0x9000005A  }
0xb7: {  	_ =	sfence  }
0xb8: {  	s30 =	sld [smem:$0x0];
	_ =	sdelay $0x2  }
0xb9: {  	s31 =	sshll.u32 s1, $0xD;
	s1 =	sshrl.u32 s1, $0x2  }
0xba: {  	s3 =	sand.u32 $0x4000, s31;
	s1 =	sadd.s32 s1, s30  }
0xbb: {  	s0 =	sor.u32 s3, s0;
	s1 =	sshll.u32 s1, $0x11  }
0xbc: {  	s0 =	sor.u32 s1, s0  }
0xbd: {  	s0 =	sadd.s32 $0x8F2B, s0  }
0xbe: {  	[sflag:s0] =	ssyncadd.remote.s32 $0x1  }
0xbf: {  	_ =	sfence.sel $0xFFFF  }
0xc0: {  	[dreg:$0x0] =	wrdreg $0xFFFFFFFF;
	(pc) =	sbr.abs _section_cstart, $3  }
0xc1: {  	[dreg:$0x1] =	wrdreg $0xFFFFFFFF  }
0xc2: {  	_ =	task.clear_ibuf [dreg:s7], $0x2FFFF;
	_ =	strace $0x9FFFFFFF  }
0xc3: {  	(tm) =	ssettm $0x7FFFFFFF  }
tec
execute0_lowered:
.L_overlay_start_1:
0x0: {  	(tag) =	ssettag $0x1  }
0x1: {  	s5 =	rddreg [dreg:$0x0]  }
0x2: {  	s6 =	rddreg [dreg:$0x1]  }
0x3: {  	s2 =	rddreg [dreg:$0x2]  }
0x4: {  	s0 =	rddreg [dreg:$0x3]  }
0x5: {  	s3 =	simm.s32 $0x0;
	s1 =	stileid.u32;
	s7 =	srdreg.scid  }
0x6: {  	[smem:$0x7FF] =	sst s3;
	s8 =	smul.u32 $0x2800, s1  }
0x7: {  	s4 =	sadd.s32 $0xF1000, s5;
	s9 =	sadd.s32 $0xB5000, s5;
	s11 =	smul.u32 $0x280, s1  }
0x8: {  	s7 =	sand.u32 $0x1, s7;
	s13 =	smul.u32 $0x50000, s1;
	s14 =	sadd.s32 $0x15000, s5  }
0x9: {  	s31 =	sshll.u32 s1, $0x6;
	_ =	strace $0x80000059;
	s15 =	smul.u32 $0x50000, s7  }
0xa: {  	s12 =	ssub.s32 $0x2, s7;
	s16 =	smul.u32 $0x5000, s7;
	s7 =	sshllo.u32 s7, $0x1  }
0xb: {  	s10 =	sshrl.u32 s8, $0x3;
	s25 =	sshrl.u32 s12, $0x1;
	s28 =	smul.u32 $0x28000, s7  }
0xc: {  	s13 =	sshrl.u32 s13, $0x2;
	s17 =	smul.u32 $0x2800, s7;
	s6 =	sadd.s32 s6, s8  }
0xd: {  	s10 =	sadd.s32 s10, s5;
	s12 =	ssub.s32 s12, s25;
	s26 =	sadd.s32 s8, s15  }
0xe: {  	s18 =	sadd.s32 s13, s2;
	s29 =	sadd.s32 s11, s16;
	s13 =	simm.s32 $0x1  }
0xf: {  	s16 =	simm.s32 $0x80;
	s5 =	sadd.s32 $0x10000, s10;
	s10 =	sshrl.u32 s26, $0x3  }
0x10: {  	s8 =	sadd.s32 s8, s28;
	s11 =	sadd.s32 s11, s17;
	s15 =	sshrl.u32 s18, $0x3  }
0x11: {  	s17 =	simm.s32 $0x5000;
	s18 =	simm.s32 $0x0;
	s7 =	sadd.s32 s9, s10  }
0x12: {  	s10 =	sshll.u32 s29, $0x4;
	s30 =	sshrl.u32 s8, $0x3;
	s11 =	sshll.u32 s11, $0x4  }
0x13: {  	s8 =	sadd.s32 s14, s10;
	s9 =	sadd.s32 s9, s30;
	s10 =	sadd.s32 s14, s11  }
0x14: {  	s11 =	smax.u32 s12, $0x1;
	s12 =	simm.s32 $0x2800;
	s14 =	sor.u32 $0x1C01, s31  }
.LBB2_1:
0x15: {  	[tilespmem:s12], [sflag:$0x1] =	stream.linear.gather [hbm4b:s5+s3], $0x2780, $0x38;
	[tilespmem:$0x1D000] =	vst v63  }
0x16: {  	_ =	swait.ge [sflag:s13], $0x2780  }
0x17: {  	[sflag:s13] =	ssyncset.done $0x0  }
0x18: {  	[sflag:s13] =	ssyncadd.s32 $0xFFFFD880  }
0x19: {  	[spmem:s15], [sflag:s14] =	dma.local [hbm:s6], $0x2800  }
0x1a: {  	_ =	swait.ge [sflag:s13], $0x2800  }
0x1b: {  	[sflag:s13] =	ssyncset.done $0x0  }
0x1c: {  	[sflag:s13] =	ssyncadd.s32 $0xFFFFD800  }
0x1d: {  	[tilespmem:s3], [sflag:$0x1] =	stream.linear.gather [hbm4b:s7+s3], $0x2780, $0x38;
	[tilespmem:$0x1D000] =	vst v63  }
0x1e: {  	_ =	swait.ge [sflag:s13], $0x2780  }
0x1f: {  	[sflag:s13] =	ssyncset.done $0x0  }
0x20: {  	[sflag:s13] =	ssyncadd.s32 $0xFFFFD880  }
0x21: {  	s19 =	simm.s32 $0x0;
	[bflag:$0x0] =	sbarrier.arrive $0xFFFF  }
0x22: {  	[tilespmem:s17], [sflag:$0x1] =	stream.indirect.gather [hbm4b:s4+s16], $0x80, s19, s16, $0xb8;
	[tilespmem:$0x1D000] =	vst v63  }
0x23: {  	_ =	swait.ge [sflag:s13], $0x4000  }
0x24: {  	[sflag:s13] =	ssyncset.done $0x0  }
0x25: {  	s31 =	simm.s32 $0x2800;
	[sflag:s13] =	ssyncadd.s32 $0xFFFFC000  }
0x26: {  	[spmem:s2] =	stream.indirect.scatter.add.f32 [tilespmem:s17], [sflag:$0x1], $0x80, s31, s16, $0xb8;
	[tilespmem:$0x1D000] =	vst v63  }
0x27: {  	_ =	swait.ge [sflag:s13], $0x4000  }
0x28: {  	s20 =	simm.s32 $0x400;
	s19 =	simm.s32 $0x200;
	[sflag:s13] =	ssyncset.done $0x0  }
.LBB2_2:
0x29: {  	s21 =	sshra.s32 s19, $0x2  }
0x2a: {  	[sflag:s13] =	ssyncadd.s32 $0xFFFFC000;
	s19 =	smov.u32 s20;
	s22 =	sadd.s32 $0x200, s20  }
0x2b: {  	[tilespmem:s17], [sflag:$0x1] =	stream.indirect.gather [hbm4b:s4+s16], $0x80, s21, s16, $0xb8;
	[tilespmem:$0x1D000] =	vst v63  }
0x2c: {  	p0 =	sne.s32 s20, $0x9C00;
	_ =	swait.ge [sflag:s13], $0x4000  }
.Ltmp0:
0x2d: {  	[sflag:s13] =	ssyncset.done $0x0;
	(pc) =	sbr.rel @p0 .LBB2_2-.Ltmp0, $4  }
0x2e: {  	s20 =	sadd.s32 $0x2800, s21;
	[sflag:s13] =	ssyncadd.s32 $0xFFFFC000  }
0x2f: {  	[spmem:s2] =	stream.indirect.scatter.add.f32 [tilespmem:s17], [sflag:$0x1], $0x80, s20, s16, $0xb8;
	[tilespmem:$0x1D000] =	vst v63  }
0x30: {  	_ =	swait.ge [sflag:s13], $0x4000  }
0x31: {  	s20 =	smov.u32 s22;
	[sflag:s13] =	ssyncset.done $0x0  }
0x32: {  	s19 =	sshra.s32 s19, $0x2;
	[sflag:s13] =	ssyncadd.s32 $0xFFFFC000  }
0x33: {  	[tilespmem:s17], [sflag:$0x1] =	stream.indirect.gather [hbm4b:s4+s16], $0x80, s19, s16, $0xb8;
	[tilespmem:$0x1D000] =	vst v63  }
0x34: {  	_ =	swait.ge [sflag:s13], $0x4000  }
0x35: {  	[sflag:s13] =	ssyncset.done $0x0  }
0x36: {  	s19 =	sadd.s32 $0x2800, s19;
	[sflag:s13] =	ssyncadd.s32 $0xFFFFC000  }
0x37: {  	[spmem:s2] =	stream.indirect.scatter.add.f32 [tilespmem:s17], [sflag:$0x1], $0x80, s19, s16, $0xb8;
	[tilespmem:$0x1D000] =	vst v63  }
0x38: {  	_ =	swait.ge [sflag:s13], $0x4000  }
0x39: {  	[sflag:s13] =	ssyncset.done $0x0  }
0x3a: {  	[sflag:s13] =	ssyncadd.s32 $0xFFFFC000  }
0x3b: {  	[bflag:$0x0] =	sbarrier.arrive $0xFFFF  }
0x3c: {  	[hbm:s8], [sflag:s14] =	dma.local [spmem:s15], $0x2800  }
0x3d: {  	_ =	swait.ge [sflag:s13], $0x2800  }
0x3e: {  	[sflag:s13] =	ssyncset.done $0x0  }
0x3f: {  	[sflag:s13] =	ssyncadd.s32 $0xFFFFD800  }
0x40: {  	[bflag:$0x0] =	sbarrier.arrive $0xFFFF  }
0x41: {  	[spmem:s15], [sflag:s14] =	dma.local [hbm:s6], $0x2800  }
0x42: {  	_ =	swait.ge [sflag:s13], $0x2800  }
0x43: {  	[sflag:s13] =	ssyncset.done $0x0  }
0x44: {  	s29 =	simm.s32 $0x0;
	[sflag:s13] =	ssyncadd.s32 $0xFFFFD800  }
0x45: {  	[tilespmem:s29], [sflag:$0x1] =	stream.linear.gather [hbm4b:s9+s29], $0x2780, $0x38;
	[tilespmem:$0x1D000] =	vst v63  }
0x46: {  	_ =	swait.ge [sflag:s13], $0x2780  }
0x47: {  	[sflag:s13] =	ssyncset.done $0x0  }
0x48: {  	[sflag:s13] =	ssyncadd.s32 $0xFFFFD880  }
0x49: {  	s30 =	simm.s32 $0x0;
	[bflag:$0x0] =	sbarrier.arrive $0xFFFF  }
0x4a: {  	[tilespmem:s17], [sflag:$0x1] =	stream.indirect.gather [hbm4b:s4+s16], $0x80, s30, s16, $0xb8;
	[tilespmem:$0x1D000] =	vst v63  }
0x4b: {  	_ =	swait.ge [sflag:s13], $0x4000  }
0x4c: {  	[sflag:s13] =	ssyncset.done $0x0  }
0x4d: {  	s31 =	simm.s32 $0x2800;
	[sflag:s13] =	ssyncadd.s32 $0xFFFFC000  }
0x4e: {  	[spmem:s2] =	stream.indirect.scatter.add.f32 [tilespmem:s17], [sflag:$0x1], $0x80, s31, s16, $0xb8;
	[tilespmem:$0x1D000] =	vst v63  }
0x4f: {  	_ =	swait.ge [sflag:s13], $0x4000  }
0x50: {  	s20 =	simm.s32 $0x400;
	s19 =	simm.s32 $0x200;
	[sflag:s13] =	ssyncset.done $0x0  }
.LBB2_4:
0x51: {  	s21 =	sshra.s32 s19, $0x2  }
0x52: {  	[sflag:s13] =	ssyncadd.s32 $0xFFFFC000;
	s19 =	smov.u32 s20;
	s22 =	sadd.s32 $0x200, s20  }
0x53: {  	[tilespmem:s17], [sflag:$0x1] =	stream.indirect.gather [hbm4b:s4+s16], $0x80, s21, s16, $0xb8;
	[tilespmem:$0x1D000] =	vst v63  }
0x54: {  	p0 =	sne.s32 s20, $0x9C00;
	_ =	swait.ge [sflag:s13], $0x4000  }
.Ltmp1:
0x55: {  	[sflag:s13] =	ssyncset.done $0x0;
	(pc) =	sbr.rel @p0 .LBB2_4-.Ltmp1, $4  }
0x56: {  	s20 =	sadd.s32 $0x2800, s21;
	[sflag:s13] =	ssyncadd.s32 $0xFFFFC000  }
0x57: {  	[spmem:s2] =	stream.indirect.scatter.add.f32 [tilespmem:s17], [sflag:$0x1], $0x80, s20, s16, $0xb8;
	[tilespmem:$0x1D000] =	vst v63  }
0x58: {  	_ =	swait.ge [sflag:s13], $0x4000  }
0x59: {  	s20 =	smov.u32 s22;
	[sflag:s13] =	ssyncset.done $0x0  }
0x5a: {  	s19 =	sshra.s32 s19, $0x2;
	[sflag:s13] =	ssyncadd.s32 $0xFFFFC000  }
0x5b: {  	[tilespmem:s17], [sflag:$0x1] =	stream.indirect.gather [hbm4b:s4+s16], $0x80, s19, s16, $0xb8;
	[tilespmem:$0x1D000] =	vst v63  }
0x5c: {  	_ =	swait.ge [sflag:s13], $0x4000  }
0x5d: {  	[sflag:s13] =	ssyncset.done $0x0  }
0x5e: {  	s19 =	sadd.s32 $0x2800, s19;
	[sflag:s13] =	ssyncadd.s32 $0xFFFFC000  }
0x5f: {  	[spmem:s2] =	stream.indirect.scatter.add.f32 [tilespmem:s17], [sflag:$0x1], $0x80, s19, s16, $0xb8;
	[tilespmem:$0x1D000] =	vst v63  }
0x60: {  	_ =	swait.ge [sflag:s13], $0x4000  }
0x61: {  	[sflag:s13] =	ssyncset.done $0x0  }
0x62: {  	s18 =	sadd.s32 $0x1, s18;
	[sflag:s13] =	ssyncadd.s32 $0xFFFFC000  }
0x63: {  	p0 =	sne.s32 s18, s11;
	[bflag:$0x0] =	sbarrier.arrive $0xFFFF  }
0x64: {  	[hbm:s10], [sflag:s14] =	dma.local [spmem:s15], $0x2800  }
.Ltmp2:
0x65: {  	_ =	swait.ge [sflag:s13], $0x2800;
	(pc) =	sbr.rel @p0 .LBB2_1-.Ltmp2, $3  }
0x66: {  	[sflag:s13] =	ssyncset.done $0x0  }
0x67: {  	[sflag:s13] =	ssyncadd.s32 $0xFFFFD800  }
0x68: {  	[bflag:$0x0] =	sbarrier.arrive $0xFFFF;
	_ =	sdelay $0x1  }
0x69: {  	_ =	sfence.sel $0x180000  }
0x6a: {  	[bflag:$0x0] =	sbarrier.arrive $0xFFFF  }
0x6b: {  	p0 =	sne.s32 s1, $0x0;
	_ =	strace $0x90000059  }
0x6c: {  	s0 =	sadd.s32 @!p0 $0x100000, s0;
	[bflag:$0x2] =	sbarrier.arrive $0xFFFF  }
0x6d: {  	[sflag:s0] =	ssyncadd.tile.s32 @!p0 $0x1;
	_ =	shalt  }
.Lfunc_end2:
_tile_overlayer_lowered:
.L_overlay_start_2:
0x6e: {  	(tag) =	ssettag $0x2  }
0x6f: {  	s0 =	rddreg [dreg:$0x0];
	s2 =	stileid.u32  }
0x70: {  	s1 =	rddreg [dreg:$0x1];
	p0 =	sne.s32 s2, $0x0  }
0x71: {  	s3 =	rddreg [dreg:$0x2];
	[bflag:$0x3] =	sbarrier.arrive $0xFFFF;
	s2 =	simm.s32 @!p0 $0x1C01  }
0x72: {  	[timem:s3], [sflag:s2] =	dma.local @!p0 [hbm:s0], s1  }
0x73: {  	s0 =	simm.s32 @!p0 $0x1  }
0x74: {  	_ =	swait.ge @!p0 [sflag:s0], s1  }
0x75: {  	s1 =	ssub.s32 @!p0 $0x0, s1;
	[sflag:s0] =	ssyncset.done @!p0 $0x0  }
0x76: {  	[sflag:s0] =	ssyncadd.s32 @!p0 s1  }
0x77: {  	[bflag:$0x3] =	sbarrier.arrive $0xFFFF  }
0x78: {  	_ =	shalt  }

// kernel: kernel.42.cloned.1.call-start
scs
__scs_entry_jumppad:
0x0: {  	(pc) =	sbr.rel $0x88, $3  }
0x1: {  	(tag) =	ssettag $0x0;
	lr =	simm.s32 $0x1  }
0x2: {  	[smem:$0x3F9B] =	sst lr;
	_ =	strace $0xD0000000  }
0x3: {  	_ = 	snop  }
0x4: {  	_ = 	snop  }
0x5: {  	_ = 	snop  }
0x6: {  	_ = 	snop  }
0x7: {  	_ = 	snop  }
__scs_overlays_trampoline_lowered:
0x8: {  	[smem:$0x3FAA] =	sst s0  }
0x9: {  	[smem:$0x3FAB] =	sst s1  }
0xa: {  	[smem:$0x3FAC] =	sst s2  }
0xb: {  	[smem:$0x3FAD] =	sst s3  }
0xc: {  	[smem:$0x3FAE] =	sst s4  }
0xd: {  	[smem:$0x3FAF] =	sst s5  }
0xe: {  	[smem:$0x3FB0] =	sst s6  }
0xf: {  	[smem:$0x3FB1] =	sst s7  }
0x10: {  	[smem:$0x3FB2] =	sst s8  }
0x11: {  	[smem:$0x3FB3] =	sst s9;
	s0 =	simm.s32 @!p0 $0x0  }
0x12: {  	s1 =	sld [smem:$0x3F99];
	s0 =	simm.s32 @p0 $0x1  }
0x13: {  	[smem:$0x3FB4] =	sst s0;
	s0 =	simm.s32 @!p1 $0x0  }
0x14: {  	s2 =	sld [smem:$0x3F98];
	s0 =	simm.s32 @p1 $0x1  }
0x15: {  	[smem:$0x3FB5] =	sst s0;
	s0 =	simm.s32 @!p2 $0x0  }
0x16: {  	s3 =	sld [smem:$0x3FDB];
	s0 =	simm.s32 @p2 $0x1  }
0x17: {  	s4 =	simm.s32 $0x1BF5;
	[smem:$0x3FB7] =	sst s0  }
0x18: {  	s0 =	sld [smem:$0x3F9A];
	_ =	swait.ge [sflag:s4], $0x0  }
0x19: {  	s7 =	sld [smem:$0x3F9B]  }
0x1a: {  	s8 =	sadd.s32 $0xFFFFE003, lr  }
0x1b: {  	s9 =	sadd.s32 $0xFFFFFEF7, lr;
	s5 =	simm.s32 $0xFFFFFFFF;
	p2 =	slt.u32 s8, $0xFFFFF086  }
0x1c: {  	p1 =	slt.u32 s9, $0xF7A;
	s5 =	simm.s32 @!p2 $0x0  }
0x1d: {  	s5 =	simm.s32 @p1 $0x1;
	p0 =	seq.s32 s7, s2  }
0x1e: {  	s7 =	smul.u32 @!p0 $0xF7A, s2;
	p2 =	seq.s32 @!p0 s5, $0x0  }
0x1f: {  	s9 =	smul.u32 $0xF7A, s1;
	s8 =	simm.s32 @!p0 $0x1BF5;
	p2 =	por !p2, p0  }
0x20: {  	[sflag:s8] =	ssyncset.s32 @!p0 $0xFFFFF086;
	s6 =	sadd.s32 @!p0 s3, s7;
	s7 =	simm.s32 @!p0 $0x108  }
0x21: {  	s3 =	sadd.s32 s3, s9;
	s6 =	sadd.s32 @!p0 $0x88, s6;
	s7 =	simm.s32 @p2 $0x1082  }
0x22: {  	[simem:s7], [sflag:s8] =	dma.local @!p0 [hbm:s6], $0xF7A  }
0x23: {  	s9 =	sor.u32 $0xD0000000, s2;
	s6 =	simm.s32 $0x108;
	_ =	swait.ge @!p0 [sflag:s8], $0x0  }
0x24: {  	s3 =	sadd.s32 $0x88, s3;
	s6 =	simm.s32 @!p1 $0x1082;
	[sflag:s4] =	ssyncset.s32 $0xFFFFF086  }
0x25: {  	[simem:s6], [sflag:s4] =	dma.local [hbm:s3], $0xF7A  }
0x26: {  	[smem:$0x3F9B] =	sst s1;
	(tag) =	ssettag s2;
	_ =	strace s9  }
0x27: {  	s1 =	sld [smem:$0x3FAB]  }
0x28: {  	s2 =	sld [smem:$0x3FAC]  }
0x29: {  	s4 =	sld [smem:$0x3FAE]  }
0x2a: {  	p0 =	seq.s32 s5, $0x0;
	s5 =	sld [smem:$0x3FAF]  }
0x2b: {  	s6 =	sld [smem:$0x3FB0]  }
0x2c: {  	s7 =	sld [smem:$0x3FB1]  }
0x2d: {  	s3 =	simm.s32 $0x108;
	s8 =	sld [smem:$0x3FB2]  }
0x2e: {  	s3 =	simm.s32 @!p0 $0x1082;
	s9 =	sld [smem:$0x3FB3]  }
0x2f: {  	lr =	sadd.s32 s0, s3;
	s0 =	sld [smem:$0x3FAA]  }
0x30: {  	s3 =	sld [smem:$0x3FAD]  }
0x31: {  	[smem:$0x3FB6] =	sst s10  }
0x32: {  	s10 =	sld [smem:$0x3FB4];
	_ =	sdelay $0x3  }
0x33: {  	p0 =	seq.s32 s10, $0x1;
	s10 =	sld [smem:$0x3FB6];
	_ =	sdelay $0x3  }
0x34: {  	[smem:$0x3FB6] =	sst s10  }
0x35: {  	s10 =	sld [smem:$0x3FB5];
	_ =	sdelay $0x3  }
0x36: {  	p1 =	seq.s32 s10, $0x1;
	s10 =	sld [smem:$0x3FB6];
	_ =	sdelay $0x3  }
0x37: {  	[smem:$0x3FB6] =	sst s10  }
0x38: {  	s10 =	sld [smem:$0x3FB7]  }
0x39: {  	_ = 	snop;
	(pc) =	sbr.ind lr, $3  }
0x3a: {  	_ = 	snop  }
0x3b: {  	_ = 	snop  }
0x3c: {  	p2 =	seq.s32 s10, $0x1;
	s10 =	sld [smem:$0x3FB6]  }
0x3d: {  	_ =	shalt  }
0x3e: {  	_ =	shalt  }
0x3f: {  	_ =	shalt  }
0x40: {  	_ =	shalt  }
0x41: {  	_ =	shalt  }
0x42: {  	_ =	shalt  }
0x43: {  	_ =	shalt  }
0x44: {  	_ =	shalt  }
0x45: {  	_ =	shalt  }
0x46: {  	_ =	shalt  }
0x47: {  	_ =	shalt  }
0x48: {  	_ =	shalt  }
0x49: {  	_ =	shalt  }
0x4a: {  	_ =	shalt  }
0x4b: {  	_ =	shalt  }
0x4c: {  	_ =	shalt  }
0x4d: {  	_ =	shalt  }
0x4e: {  	_ =	shalt  }
0x4f: {  	_ =	shalt  }
0x50: {  	_ =	shalt  }
0x51: {  	_ =	shalt  }
0x52: {  	_ =	shalt  }
0x53: {  	_ =	shalt  }
0x54: {  	_ =	shalt  }
0x55: {  	_ =	shalt  }
0x56: {  	_ =	shalt  }
0x57: {  	_ =	shalt  }
0x58: {  	_ =	shalt  }
0x59: {  	_ =	shalt  }
0x5a: {  	_ =	shalt  }
0x5b: {  	_ =	shalt  }
0x5c: {  	_ =	shalt  }
0x5d: {  	_ =	shalt  }
0x5e: {  	_ =	shalt  }
0x5f: {  	_ =	shalt  }
0x60: {  	_ =	shalt  }
0x61: {  	_ =	shalt  }
0x62: {  	_ =	shalt  }
0x63: {  	_ =	shalt  }
0x64: {  	_ =	shalt  }
0x65: {  	_ =	shalt  }
0x66: {  	_ =	shalt  }
0x67: {  	_ =	shalt  }
0x68: {  	_ =	shalt  }
0x69: {  	_ =	shalt  }
0x6a: {  	_ =	shalt  }
0x6b: {  	_ =	shalt  }
0x6c: {  	_ =	shalt  }
0x6d: {  	_ =	shalt  }
0x6e: {  	_ =	shalt  }
0x6f: {  	_ =	shalt  }
0x70: {  	_ =	shalt  }
0x71: {  	_ =	shalt  }
0x72: {  	_ =	shalt  }
0x73: {  	_ =	shalt  }
0x74: {  	_ =	shalt  }
0x75: {  	_ =	shalt  }
0x76: {  	_ =	shalt  }
0x77: {  	_ =	shalt  }
0x78: {  	_ =	shalt  }
0x79: {  	_ =	shalt  }
0x7a: {  	_ =	shalt  }
0x7b: {  	_ =	shalt  }
0x7c: {  	_ =	shalt  }
0x7d: {  	_ =	shalt  }
0x7e: {  	_ =	shalt  }
0x7f: {  	_ =	shalt  }
0x80: {  	_ =	shalt  }
0x81: {  	_ =	shalt  }
0x82: {  	_ =	shalt  }
0x83: {  	_ =	shalt  }
0x84: {  	_ =	shalt  }
0x85: {  	_ =	shalt  }
0x86: {  	_ =	shalt  }
0x87: {  	_ =	shalt  }
.Lfunc_end0:
.L_simem_size_0:
called_computation.7_lowered:
.L_overlay_start_0:
0x88: {  	s2 =	sld [smem:$0x3FD9]  }
0x89: {  	s3 =	sld [smem:$0x3FFE];
	_ =	sdelay $0x1  }
0x8a: {  	s1 =	srdreg.scid  }
0x8b: {  	s0 =	sand.u32 $0x1, s1  }
0x8c: {  	s17 =	sshll.u32 s0, $0xA;
	s2 =	sadd.s32 s3, s2  }
0x8d: {  	s2 =	sadd.s32 s2, s17  }
0x8e: {  	[smem:$0x3FC2] =	sst s2  }
0x8f: {  	_ = 	snop  }
0x90: {  	s2 =	sld [smem:$0x3FD0];
	(tm) =	ssettm $0x1  }
0x91: {  	s18 =	sld [smem:$0x3FFB];
	_ =	sdelay $0x3  }
0x92: {  	_ =	strace s18  }
0x93: {  	s3 =	sld [smem:$0x3FFC];
	_ =	sdelay $0x3  }
0x94: {  	_ =	strace s3  }
0x95: {  	s3 =	sld [smem:$0x3FFD];
	_ =	sdelay $0x3  }
0x96: {  	_ =	strace s3  }
0x97: {  	_ =	strace $0x8FFFFFFF  }
0x98: {  	s19 =	sld [smem:$0x3FDB];
	_ =	sdelay $0x1  }
0x99: {  	s4 =	simm.s32 $_scs_section_size  }
0x9a: {  	s5 =	simm.s32 $_size__tile_overlayer_lowered;
	s6 =	simm.s32 $_tile_overlayer_lowered  }
0x9b: {  	s22 =	simm.s32 $0x1BFF;
	s21 =	sshll.u32 s6, $0x1;
	s3 =	sadd.s32 s4, s19  }
0x9c: {  	s7 =	simm.s32 $0x0;
	s20 =	sshll.u32 s5, $0x1;
	s5 =	sadd.s32 s21, s3  }
0x9d: {  	[timem:s7], [sflag:s22] =	dma.local [hbm:s5], s20  }
0x9e: {  	_ =	swait.ge [sflag:s22], s20  }
0x9f: {  	s4 =	ssub.s32 $0x0, s20;
	[sflag:s22] =	ssyncset.done $0x0  }
0xa0: {  	[sflag:s22] =	ssyncadd.s32 s4;
	_ =	sdelay $0x1  }
0xa1: {  	s23 =	simm.s32 $0x1B8B  }
0xa2: {  	_ =	swait.ge [sflag:s23], $0x1  }
0xa3: {  	[sflag:s23] =	ssyncset.done $0x0  }
0xa4: {  	s25 =	simm.s32 $0x1B8E;
	s24 =	sld [smem:$0x3FFE];
	[sflag:s23] =	ssyncadd.s32 $0xFFFFFFFF  }
0xa5: {  	s26 =	simm.s32 $execute0_lowered;
	[smem:$0x3FD2] =	sst s25  }
0xa6: {  	s5 =	sshll.u32 s26, $0x1;
	_ =	strace $0x8000005B;
	[dreg:$0x1] =	wrdreg $0xFFFFFFFF  }
0xa7: {  	s28 =	simm.s32 $_size_execute0_lowered;
	s3 =	sadd.s32 s3, s5;
	[dreg:$0x0] =	wrdreg $0x0  }
0xa8: {  	s5 =	sshll.u32 s28, $0x1;
	[dreg:$0x2] =	wrdreg s3  }
0xa9: {  	[dreg:$0x3] =	wrdreg s5  }
0xaa: {  	[dreg:$0x4] =	wrdreg $0xC0  }
0xab: {  	_ =	task [dreg:s7], $0x5FFFF  }
0xac: {  	[dreg:$0x1] =	wrdreg $0xFFFFFFFF  }
0xad: {  	[dreg:$0x0] =	wrdreg $0x60  }
0xae: {  	[dreg:$0x2] =	wrdreg s24  }
0xaf: {  	[dreg:$0x3] =	wrdreg s2  }
0xb0: {  	[dreg:$0x4] =	wrdreg $0x90000  }
0xb1: {  	[dreg:$0x5] =	wrdreg $0x9  }
0xb2: {  	_ =	task.clear_ibuf [dreg:s7], $0x6FFFF;
	_ =	strace $0x9000005B  }
0xb3: {  	s29 =	simm.s32 $0x9;
	_ =	strace $0x8000005D  }
0xb4: {  	_ =	swait.ge [sflag:s29], $0x1  }
0xb5: {  	[sflag:s29] =	ssyncadd.s32 $0xFFFFFFFF  }
0xb6: {  	_ =	strace $0x9000005D  }
0xb7: {  	_ =	sfence  }
0xb8: {  	s30 =	sld [smem:$0x0];
	_ =	sdelay $0x2  }
0xb9: {  	s31 =	sshll.u32 s1, $0xD;
	s1 =	sshrl.u32 s1, $0x2  }
0xba: {  	s3 =	sand.u32 $0x4000, s31;
	s1 =	sadd.s32 s1, s30  }
0xbb: {  	s0 =	sor.u32 s3, s0;
	s1 =	sshll.u32 s1, $0x11  }
0xbc: {  	s0 =	sor.u32 s1, s0  }
0xbd: {  	s0 =	sadd.s32 $0x8F2B, s0  }
0xbe: {  	[sflag:s0] =	ssyncadd.remote.s32 $0x1  }
0xbf: {  	_ =	sfence.sel $0xFFFF  }
0xc0: {  	[dreg:$0x0] =	wrdreg $0xFFFFFFFF;
	(pc) =	sbr.abs _section_cstart, $3  }
0xc1: {  	[dreg:$0x1] =	wrdreg $0xFFFFFFFF  }
0xc2: {  	_ =	task.clear_ibuf [dreg:s7], $0x2FFFF;
	_ =	strace $0x9FFFFFFF  }
0xc3: {  	(tm) =	ssettm $0x7FFFFFFF  }
tec
execute0_lowered:
.L_overlay_start_1:
0x0: {  	(tag) =	ssettag $0x1  }
0x1: {  	s5 =	rddreg [dreg:$0x0]  }
0x2: {  	s6 =	rddreg [dreg:$0x1]  }
0x3: {  	s2 =	rddreg [dreg:$0x2]  }
0x4: {  	s0 =	rddreg [dreg:$0x3]  }
0x5: {  	s3 =	simm.s32 $0x0;
	s1 =	stileid.u32;
	s7 =	srdreg.scid  }
0x6: {  	[smem:$0x7FF] =	sst s3;
	s8 =	smul.u32 $0x2800, s1  }
0x7: {  	s4 =	sadd.s32 $0xF1000, s5;
	s9 =	sadd.s32 $0xB5000, s5;
	s11 =	smul.u32 $0x280, s1  }
0x8: {  	s7 =	sand.u32 $0x1, s7;
	s13 =	smul.u32 $0x50000, s1;
	s14 =	sadd.s32 $0x15000, s5  }
0x9: {  	s31 =	sshll.u32 s1, $0x6;
	_ =	strace $0x8000005C;
	s15 =	smul.u32 $0x50000, s7  }
0xa: {  	s12 =	ssub.s32 $0x2, s7;
	s16 =	smul.u32 $0x5000, s7;
	s7 =	sshllo.u32 s7, $0x1  }
0xb: {  	s10 =	sshrl.u32 s8, $0x3;
	s25 =	sshrl.u32 s12, $0x1;
	s28 =	smul.u32 $0x28000, s7  }
0xc: {  	s13 =	sshrl.u32 s13, $0x2;
	s17 =	smul.u32 $0x2800, s7;
	s6 =	sadd.s32 s6, s8  }
0xd: {  	s10 =	sadd.s32 s10, s5;
	s12 =	ssub.s32 s12, s25;
	s26 =	sadd.s32 s8, s15  }
0xe: {  	s18 =	sadd.s32 s13, s2;
	s29 =	sadd.s32 s11, s16;
	s13 =	simm.s32 $0x1  }
0xf: {  	s16 =	simm.s32 $0x80;
	s5 =	sadd.s32 $0x10000, s10;
	s10 =	sshrl.u32 s26, $0x3  }
0x10: {  	s8 =	sadd.s32 s8, s28;
	s11 =	sadd.s32 s11, s17;
	s15 =	sshrl.u32 s18, $0x3  }
0x11: {  	s17 =	simm.s32 $0x5000;
	s18 =	simm.s32 $0x0;
	s7 =	sadd.s32 s9, s10  }
0x12: {  	s10 =	sshll.u32 s29, $0x4;
	s30 =	sshrl.u32 s8, $0x3;
	s11 =	sshll.u32 s11, $0x4  }
0x13: {  	s8 =	sadd.s32 s14, s10;
	s9 =	sadd.s32 s9, s30;
	s10 =	sadd.s32 s14, s11  }
0x14: {  	s11 =	smax.u32 s12, $0x1;
	s12 =	simm.s32 $0x2800;
	s14 =	sor.u32 $0x1C01, s31  }
.LBB2_1:
0x15: {  	[tilespmem:s12], [sflag:$0x1] =	stream.linear.gather [hbm4b:s5+s3], $0x2780, $0x38;
	[tilespmem:$0x1D000] =	vst v63  }
0x16: {  	_ =	swait.ge [sflag:s13], $0x2780  }
0x17: {  	[sflag:s13] =	ssyncset.done $0x0  }
0x18: {  	[sflag:s13] =	ssyncadd.s32 $0xFFFFD880  }
0x19: {  	[spmem:s15], [sflag:s14] =	dma.local [hbm:s6], $0x2800  }
0x1a: {  	_ =	swait.ge [sflag:s13], $0x2800  }
0x1b: {  	[sflag:s13] =	ssyncset.done $0x0  }
0x1c: {  	[sflag:s13] =	ssyncadd.s32 $0xFFFFD800  }
0x1d: {  	[tilespmem:s3], [sflag:$0x1] =	stream.linear.gather [hbm4b:s7+s3], $0x2780, $0x38;
	[tilespmem:$0x1D000] =	vst v63  }
0x1e: {  	_ =	swait.ge [sflag:s13], $0x2780  }
0x1f: {  	[sflag:s13] =	ssyncset.done $0x0  }
0x20: {  	[sflag:s13] =	ssyncadd.s32 $0xFFFFD880  }
0x21: {  	s19 =	simm.s32 $0x0;
	[bflag:$0x0] =	sbarrier.arrive $0xFFFF  }
0x22: {  	[tilespmem:s17], [sflag:$0x1] =	stream.indirect.gather [hbm4b:s4+s16], $0x80, s19, s16, $0xb8;
	[tilespmem:$0x1D000] =	vst v63  }
0x23: {  	_ =	swait.ge [sflag:s13], $0x4000  }
0x24: {  	[sflag:s13] =	ssyncset.done $0x0  }
0x25: {  	s31 =	simm.s32 $0x2800;
	[sflag:s13] =	ssyncadd.s32 $0xFFFFC000  }
0x26: {  	[spmem:s2] =	stream.indirect.scatter.add.f32 [tilespmem:s17], [sflag:$0x1], $0x80, s31, s16, $0xb8;
	[tilespmem:$0x1D000] =	vst v63  }
0x27: {  	_ =	swait.ge [sflag:s13], $0x4000  }
0x28: {  	s20 =	simm.s32 $0x400;
	s19 =	simm.s32 $0x200;
	[sflag:s13] =	ssyncset.done $0x0  }
.LBB2_2:
0x29: {  	s21 =	sshra.s32 s19, $0x2  }
0x2a: {  	[sflag:s13] =	ssyncadd.s32 $0xFFFFC000;
	s19 =	smov.u32 s20;
	s22 =	sadd.s32 $0x200, s20  }
0x2b: {  	[tilespmem:s17], [sflag:$0x1] =	stream.indirect.gather [hbm4b:s4+s16], $0x80, s21, s16, $0xb8;
	[tilespmem:$0x1D000] =	vst v63  }
0x2c: {  	p0 =	sne.s32 s20, $0x9C00;
	_ =	swait.ge [sflag:s13], $0x4000  }
.Ltmp0:
0x2d: {  	[sflag:s13] =	ssyncset.done $0x0;
	(pc) =	sbr.rel @p0 .LBB2_2-.Ltmp0, $4  }
0x2e: {  	s20 =	sadd.s32 $0x2800, s21;
	[sflag:s13] =	ssyncadd.s32 $0xFFFFC000  }
0x2f: {  	[spmem:s2] =	stream.indirect.scatter.add.f32 [tilespmem:s17], [sflag:$0x1], $0x80, s20, s16, $0xb8;
	[tilespmem:$0x1D000] =	vst v63  }
0x30: {  	_ =	swait.ge [sflag:s13], $0x4000  }
0x31: {  	s20 =	smov.u32 s22;
	[sflag:s13] =	ssyncset.done $0x0  }
0x32: {  	s19 =	sshra.s32 s19, $0x2;
	[sflag:s13] =	ssyncadd.s32 $0xFFFFC000  }
0x33: {  	[tilespmem:s17], [sflag:$0x1] =	stream.indirect.gather [hbm4b:s4+s16], $0x80, s19, s16, $0xb8;
	[tilespmem:$0x1D000] =	vst v63  }
0x34: {  	_ =	swait.ge [sflag:s13], $0x4000  }
0x35: {  	[sflag:s13] =	ssyncset.done $0x0  }
0x36: {  	s19 =	sadd.s32 $0x2800, s19;
	[sflag:s13] =	ssyncadd.s32 $0xFFFFC000  }
0x37: {  	[spmem:s2] =	stream.indirect.scatter.add.f32 [tilespmem:s17], [sflag:$0x1], $0x80, s19, s16, $0xb8;
	[tilespmem:$0x1D000] =	vst v63  }
0x38: {  	_ =	swait.ge [sflag:s13], $0x4000  }
0x39: {  	[sflag:s13] =	ssyncset.done $0x0  }
0x3a: {  	[sflag:s13] =	ssyncadd.s32 $0xFFFFC000  }
0x3b: {  	[bflag:$0x0] =	sbarrier.arrive $0xFFFF  }
0x3c: {  	[hbm:s8], [sflag:s14] =	dma.local [spmem:s15], $0x2800  }
0x3d: {  	_ =	swait.ge [sflag:s13], $0x2800  }
0x3e: {  	[sflag:s13] =	ssyncset.done $0x0  }
0x3f: {  	[sflag:s13] =	ssyncadd.s32 $0xFFFFD800  }
0x40: {  	[bflag:$0x0] =	sbarrier.arrive $0xFFFF  }
0x41: {  	[spmem:s15], [sflag:s14] =	dma.local [hbm:s6], $0x2800  }
0x42: {  	_ =	swait.ge [sflag:s13], $0x2800  }
0x43: {  	[sflag:s13] =	ssyncset.done $0x0  }
0x44: {  	s29 =	simm.s32 $0x0;
	[sflag:s13] =	ssyncadd.s32 $0xFFFFD800  }
0x45: {  	[tilespmem:s29], [sflag:$0x1] =	stream.linear.gather [hbm4b:s9+s29], $0x2780, $0x38;
	[tilespmem:$0x1D000] =	vst v63  }
0x46: {  	_ =	swait.ge [sflag:s13], $0x2780  }
0x47: {  	[sflag:s13] =	ssyncset.done $0x0  }
0x48: {  	[sflag:s13] =	ssyncadd.s32 $0xFFFFD880  }
0x49: {  	s30 =	simm.s32 $0x0;
	[bflag:$0x0] =	sbarrier.arrive $0xFFFF  }
0x4a: {  	[tilespmem:s17], [sflag:$0x1] =	stream.indirect.gather [hbm4b:s4+s16], $0x80, s30, s16, $0xb8;
	[tilespmem:$0x1D000] =	vst v63  }
0x4b: {  	_ =	swait.ge [sflag:s13], $0x4000  }
0x4c: {  	[sflag:s13] =	ssyncset.done $0x0  }
0x4d: {  	s31 =	simm.s32 $0x2800;
	[sflag:s13] =	ssyncadd.s32 $0xFFFFC000  }
0x4e: {  	[spmem:s2] =	stream.indirect.scatter.add.f32 [tilespmem:s17], [sflag:$0x1], $0x80, s31, s16, $0xb8;
	[tilespmem:$0x1D000] =	vst v63  }
0x4f: {  	_ =	swait.ge [sflag:s13], $0x4000  }
0x50: {  	s20 =	simm.s32 $0x400;
	s19 =	simm.s32 $0x200;
	[sflag:s13] =	ssyncset.done $0x0  }
.LBB2_4:
0x51: {  	s21 =	sshra.s32 s19, $0x2  }
0x52: {  	[sflag:s13] =	ssyncadd.s32 $0xFFFFC000;
	s19 =	smov.u32 s20;
	s22 =	sadd.s32 $0x200, s20  }
0x53: {  	[tilespmem:s17], [sflag:$0x1] =	stream.indirect.gather [hbm4b:s4+s16], $0x80, s21, s16, $0xb8;
	[tilespmem:$0x1D000] =	vst v63  }
0x54: {  	p0 =	sne.s32 s20, $0x9C00;
	_ =	swait.ge [sflag:s13], $0x4000  }
.Ltmp1:
0x55: {  	[sflag:s13] =	ssyncset.done $0x0;
	(pc) =	sbr.rel @p0 .LBB2_4-.Ltmp1, $4  }
0x56: {  	s20 =	sadd.s32 $0x2800, s21;
	[sflag:s13] =	ssyncadd.s32 $0xFFFFC000  }
0x57: {  	[spmem:s2] =	stream.indirect.scatter.add.f32 [tilespmem:s17], [sflag:$0x1], $0x80, s20, s16, $0xb8;
	[tilespmem:$0x1D000] =	vst v63  }
0x58: {  	_ =	swait.ge [sflag:s13], $0x4000  }
0x59: {  	s20 =	smov.u32 s22;
	[sflag:s13] =	ssyncset.done $0x0  }
0x5a: {  	s19 =	sshra.s32 s19, $0x2;
	[sflag:s13] =	ssyncadd.s32 $0xFFFFC000  }
0x5b: {  	[tilespmem:s17], [sflag:$0x1] =	stream.indirect.gather [hbm4b:s4+s16], $0x80, s19, s16, $0xb8;
	[tilespmem:$0x1D000] =	vst v63  }
0x5c: {  	_ =	swait.ge [sflag:s13], $0x4000  }
0x5d: {  	[sflag:s13] =	ssyncset.done $0x0  }
0x5e: {  	s19 =	sadd.s32 $0x2800, s19;
	[sflag:s13] =	ssyncadd.s32 $0xFFFFC000  }
0x5f: {  	[spmem:s2] =	stream.indirect.scatter.add.f32 [tilespmem:s17], [sflag:$0x1], $0x80, s19, s16, $0xb8;
	[tilespmem:$0x1D000] =	vst v63  }
0x60: {  	_ =	swait.ge [sflag:s13], $0x4000  }
0x61: {  	[sflag:s13] =	ssyncset.done $0x0  }
0x62: {  	s18 =	sadd.s32 $0x1, s18;
	[sflag:s13] =	ssyncadd.s32 $0xFFFFC000  }
0x63: {  	p0 =	sne.s32 s18, s11;
	[bflag:$0x0] =	sbarrier.arrive $0xFFFF  }
0x64: {  	[hbm:s10], [sflag:s14] =	dma.local [spmem:s15], $0x2800  }
.Ltmp2:
0x65: {  	_ =	swait.ge [sflag:s13], $0x2800;
	(pc) =	sbr.rel @p0 .LBB2_1-.Ltmp2, $3  }
0x66: {  	[sflag:s13] =	ssyncset.done $0x0  }
0x67: {  	[sflag:s13] =	ssyncadd.s32 $0xFFFFD800  }
0x68: {  	[bflag:$0x0] =	sbarrier.arrive $0xFFFF;
	_ =	sdelay $0x1  }
0x69: {  	_ =	sfence.sel $0x180000  }
0x6a: {  	[bflag:$0x0] =	sbarrier.arrive $0xFFFF  }
0x6b: {  	p0 =	sne.s32 s1, $0x0;
	_ =	strace $0x9000005C  }
0x6c: {  	s0 =	sadd.s32 @!p0 $0x100000, s0;
	[bflag:$0x2] =	sbarrier.arrive $0xFFFF  }
0x6d: {  	[sflag:s0] =	ssyncadd.tile.s32 @!p0 $0x1;
	_ =	shalt  }
.Lfunc_end2:
_tile_overlayer_lowered:
.L_overlay_start_2:
0x6e: {  	(tag) =	ssettag $0x2  }
0x6f: {  	s0 =	rddreg [dreg:$0x0];
	s2 =	stileid.u32  }
0x70: {  	s1 =	rddreg [dreg:$0x1];
	p0 =	sne.s32 s2, $0x0  }
0x71: {  	s3 =	rddreg [dreg:$0x2];
	[bflag:$0x3] =	sbarrier.arrive $0xFFFF;
	s2 =	simm.s32 @!p0 $0x1C01  }
0x72: {  	[timem:s3], [sflag:s2] =	dma.local @!p0 [hbm:s0], s1  }
0x73: {  	s0 =	simm.s32 @!p0 $0x1  }
0x74: {  	_ =	swait.ge @!p0 [sflag:s0], s1  }
0x75: {  	s1 =	ssub.s32 @!p0 $0x0, s1;
	[sflag:s0] =	ssyncset.done @!p0 $0x0  }
0x76: {  	[sflag:s0] =	ssyncadd.s32 @!p0 s1  }
0x77: {  	[bflag:$0x3] =	sbarrier.arrive $0xFFFF  }
0x78: {  	_ =	shalt  }

// kernel: kernel.45.cloned.1.call-start
scs
__scs_entry_jumppad:
0x0: {  	(pc) =	sbr.rel $0x88, $3  }
0x1: {  	(tag) =	ssettag $0x0;
	lr =	simm.s32 $0x1  }
0x2: {  	[smem:$0x3F9B] =	sst lr;
	_ =	strace $0xD0000000  }
0x3: {  	_ = 	snop  }
0x4: {  	_ = 	snop  }
0x5: {  	_ = 	snop  }
0x6: {  	_ = 	snop  }
0x7: {  	_ = 	snop  }
__scs_overlays_trampoline_lowered:
0x8: {  	[smem:$0x3FAA] =	sst s0  }
0x9: {  	[smem:$0x3FAB] =	sst s1  }
0xa: {  	[smem:$0x3FAC] =	sst s2  }
0xb: {  	[smem:$0x3FAD] =	sst s3  }
0xc: {  	[smem:$0x3FAE] =	sst s4  }
0xd: {  	[smem:$0x3FAF] =	sst s5  }
0xe: {  	[smem:$0x3FB0] =	sst s6  }
0xf: {  	[smem:$0x3FB1] =	sst s7  }
0x10: {  	[smem:$0x3FB2] =	sst s8  }
0x11: {  	[smem:$0x3FB3] =	sst s9;
	s0 =	simm.s32 @!p0 $0x0  }
0x12: {  	s1 =	sld [smem:$0x3F99];
	s0 =	simm.s32 @p0 $0x1  }
0x13: {  	[smem:$0x3FB4] =	sst s0;
	s0 =	simm.s32 @!p1 $0x0  }
0x14: {  	s2 =	sld [smem:$0x3F98];
	s0 =	simm.s32 @p1 $0x1  }
0x15: {  	[smem:$0x3FB5] =	sst s0;
	s0 =	simm.s32 @!p2 $0x0  }
0x16: {  	s3 =	sld [smem:$0x3FDB];
	s0 =	simm.s32 @p2 $0x1  }
0x17: {  	s4 =	simm.s32 $0x1BF5;
	[smem:$0x3FB7] =	sst s0  }
0x18: {  	s0 =	sld [smem:$0x3F9A];
	_ =	swait.ge [sflag:s4], $0x0  }
0x19: {  	s7 =	sld [smem:$0x3F9B]  }
0x1a: {  	s8 =	sadd.s32 $0xFFFFE003, lr  }
0x1b: {  	s9 =	sadd.s32 $0xFFFFFEF7, lr;
	s5 =	simm.s32 $0xFFFFFFFF;
	p2 =	slt.u32 s8, $0xFFFFF086  }
0x1c: {  	p1 =	slt.u32 s9, $0xF7A;
	s5 =	simm.s32 @!p2 $0x0  }
0x1d: {  	s5 =	simm.s32 @p1 $0x1;
	p0 =	seq.s32 s7, s2  }
0x1e: {  	s7 =	smul.u32 @!p0 $0xF7A, s2;
	p2 =	seq.s32 @!p0 s5, $0x0  }
0x1f: {  	s9 =	smul.u32 $0xF7A, s1;
	s8 =	simm.s32 @!p0 $0x1BF5;
	p2 =	por !p2, p0  }
0x20: {  	[sflag:s8] =	ssyncset.s32 @!p0 $0xFFFFF086;
	s6 =	sadd.s32 @!p0 s3, s7;
	s7 =	simm.s32 @!p0 $0x108  }
0x21: {  	s3 =	sadd.s32 s3, s9;
	s6 =	sadd.s32 @!p0 $0x88, s6;
	s7 =	simm.s32 @p2 $0x1082  }
0x22: {  	[simem:s7], [sflag:s8] =	dma.local @!p0 [hbm:s6], $0xF7A  }
0x23: {  	s9 =	sor.u32 $0xD0000000, s2;
	s6 =	simm.s32 $0x108;
	_ =	swait.ge @!p0 [sflag:s8], $0x0  }
0x24: {  	s3 =	sadd.s32 $0x88, s3;
	s6 =	simm.s32 @!p1 $0x1082;
	[sflag:s4] =	ssyncset.s32 $0xFFFFF086  }
0x25: {  	[simem:s6], [sflag:s4] =	dma.local [hbm:s3], $0xF7A  }
0x26: {  	[smem:$0x3F9B] =	sst s1;
	(tag) =	ssettag s2;
	_ =	strace s9  }
0x27: {  	s1 =	sld [smem:$0x3FAB]  }
0x28: {  	s2 =	sld [smem:$0x3FAC]  }
0x29: {  	s4 =	sld [smem:$0x3FAE]  }
0x2a: {  	p0 =	seq.s32 s5, $0x0;
	s5 =	sld [smem:$0x3FAF]  }
0x2b: {  	s6 =	sld [smem:$0x3FB0]  }
0x2c: {  	s7 =	sld [smem:$0x3FB1]  }
0x2d: {  	s3 =	simm.s32 $0x108;
	s8 =	sld [smem:$0x3FB2]  }
0x2e: {  	s3 =	simm.s32 @!p0 $0x1082;
	s9 =	sld [smem:$0x3FB3]  }
0x2f: {  	lr =	sadd.s32 s0, s3;
	s0 =	sld [smem:$0x3FAA]  }
0x30: {  	s3 =	sld [smem:$0x3FAD]  }
0x31: {  	[smem:$0x3FB6] =	sst s10  }
0x32: {  	s10 =	sld [smem:$0x3FB4];
	_ =	sdelay $0x3  }
0x33: {  	p0 =	seq.s32 s10, $0x1;
	s10 =	sld [smem:$0x3FB6];
	_ =	sdelay $0x3  }
0x34: {  	[smem:$0x3FB6] =	sst s10  }
0x35: {  	s10 =	sld [smem:$0x3FB5];
	_ =	sdelay $0x3  }
0x36: {  	p1 =	seq.s32 s10, $0x1;
	s10 =	sld [smem:$0x3FB6];
	_ =	sdelay $0x3  }
0x37: {  	[smem:$0x3FB6] =	sst s10  }
0x38: {  	s10 =	sld [smem:$0x3FB7]  }
0x39: {  	_ = 	snop;
	(pc) =	sbr.ind lr, $3  }
0x3a: {  	_ = 	snop  }
0x3b: {  	_ = 	snop  }
0x3c: {  	p2 =	seq.s32 s10, $0x1;
	s10 =	sld [smem:$0x3FB6]  }
0x3d: {  	_ =	shalt  }
0x3e: {  	_ =	shalt  }
0x3f: {  	_ =	shalt  }
0x40: {  	_ =	shalt  }
0x41: {  	_ =	shalt  }
0x42: {  	_ =	shalt  }
0x43: {  	_ =	shalt  }
0x44: {  	_ =	shalt  }
0x45: {  	_ =	shalt  }
0x46: {  	_ =	shalt  }
0x47: {  	_ =	shalt  }
0x48: {  	_ =	shalt  }
0x49: {  	_ =	shalt  }
0x4a: {  	_ =	shalt  }
0x4b: {  	_ =	shalt  }
0x4c: {  	_ =	shalt  }
0x4d: {  	_ =	shalt  }
0x4e: {  	_ =	shalt  }
0x4f: {  	_ =	shalt  }
0x50: {  	_ =	shalt  }
0x51: {  	_ =	shalt  }
0x52: {  	_ =	shalt  }
0x53: {  	_ =	shalt  }
0x54: {  	_ =	shalt  }
0x55: {  	_ =	shalt  }
0x56: {  	_ =	shalt  }
0x57: {  	_ =	shalt  }
0x58: {  	_ =	shalt  }
0x59: {  	_ =	shalt  }
0x5a: {  	_ =	shalt  }
0x5b: {  	_ =	shalt  }
0x5c: {  	_ =	shalt  }
0x5d: {  	_ =	shalt  }
0x5e: {  	_ =	shalt  }
0x5f: {  	_ =	shalt  }
0x60: {  	_ =	shalt  }
0x61: {  	_ =	shalt  }
0x62: {  	_ =	shalt  }
0x63: {  	_ =	shalt  }
0x64: {  	_ =	shalt  }
0x65: {  	_ =	shalt  }
0x66: {  	_ =	shalt  }
0x67: {  	_ =	shalt  }
0x68: {  	_ =	shalt  }
0x69: {  	_ =	shalt  }
0x6a: {  	_ =	shalt  }
0x6b: {  	_ =	shalt  }
0x6c: {  	_ =	shalt  }
0x6d: {  	_ =	shalt  }
0x6e: {  	_ =	shalt  }
0x6f: {  	_ =	shalt  }
0x70: {  	_ =	shalt  }
0x71: {  	_ =	shalt  }
0x72: {  	_ =	shalt  }
0x73: {  	_ =	shalt  }
0x74: {  	_ =	shalt  }
0x75: {  	_ =	shalt  }
0x76: {  	_ =	shalt  }
0x77: {  	_ =	shalt  }
0x78: {  	_ =	shalt  }
0x79: {  	_ =	shalt  }
0x7a: {  	_ =	shalt  }
0x7b: {  	_ =	shalt  }
0x7c: {  	_ =	shalt  }
0x7d: {  	_ =	shalt  }
0x7e: {  	_ =	shalt  }
0x7f: {  	_ =	shalt  }
0x80: {  	_ =	shalt  }
0x81: {  	_ =	shalt  }
0x82: {  	_ =	shalt  }
0x83: {  	_ =	shalt  }
0x84: {  	_ =	shalt  }
0x85: {  	_ =	shalt  }
0x86: {  	_ =	shalt  }
0x87: {  	_ =	shalt  }
.Lfunc_end0:
.L_simem_size_0:
called_computation.8_lowered:
.L_overlay_start_0:
0x88: {  	s2 =	sld [smem:$0x3FD9]  }
0x89: {  	s3 =	sld [smem:$0x3FFE];
	_ =	sdelay $0x1  }
0x8a: {  	s1 =	srdreg.scid  }
0x8b: {  	s0 =	sand.u32 $0x1, s1  }
0x8c: {  	s17 =	sshll.u32 s0, $0xA;
	s2 =	sadd.s32 s3, s2  }
0x8d: {  	s2 =	sadd.s32 s2, s17  }
0x8e: {  	[smem:$0x3FC2] =	sst s2  }
0x8f: {  	_ = 	snop  }
0x90: {  	s2 =	sld [smem:$0x3FD0];
	(tm) =	ssettm $0x1  }
0x91: {  	s18 =	sld [smem:$0x3FFB];
	_ =	sdelay $0x3  }
0x92: {  	_ =	strace s18  }
0x93: {  	s3 =	sld [smem:$0x3FFC];
	_ =	sdelay $0x3  }
0x94: {  	_ =	strace s3  }
0x95: {  	s3 =	sld [smem:$0x3FFD];
	_ =	sdelay $0x3  }
0x96: {  	_ =	strace s3  }
0x97: {  	_ =	strace $0x8FFFFFFF  }
0x98: {  	s19 =	sld [smem:$0x3FDB];
	_ =	sdelay $0x1  }
0x99: {  	s4 =	simm.s32 $_scs_section_size  }
0x9a: {  	s5 =	simm.s32 $_size__tile_overlayer_lowered;
	s6 =	simm.s32 $_tile_overlayer_lowered  }
0x9b: {  	s22 =	simm.s32 $0x1BFF;
	s21 =	sshll.u32 s6, $0x1;
	s3 =	sadd.s32 s4, s19  }
0x9c: {  	s7 =	simm.s32 $0x0;
	s20 =	sshll.u32 s5, $0x1;
	s5 =	sadd.s32 s21, s3  }
0x9d: {  	[timem:s7], [sflag:s22] =	dma.local [hbm:s5], s20  }
0x9e: {  	_ =	swait.ge [sflag:s22], s20  }
0x9f: {  	s4 =	ssub.s32 $0x0, s20;
	[sflag:s22] =	ssyncset.done $0x0  }
0xa0: {  	[sflag:s22] =	ssyncadd.s32 s4;
	_ =	sdelay $0x1  }
0xa1: {  	s23 =	simm.s32 $0x1B8B  }
0xa2: {  	_ =	swait.ge [sflag:s23], $0x1  }
0xa3: {  	[sflag:s23] =	ssyncset.done $0x0  }
0xa4: {  	s25 =	simm.s32 $0x1B8E;
	s24 =	sld [smem:$0x3FFE];
	[sflag:s23] =	ssyncadd.s32 $0xFFFFFFFF  }
0xa5: {  	s26 =	simm.s32 $execute0_lowered;
	[smem:$0x3FD2] =	sst s25  }
0xa6: {  	s5 =	sshll.u32 s26, $0x1;
	_ =	strace $0x8000005E;
	[dreg:$0x1] =	wrdreg $0xFFFFFFFF  }
0xa7: {  	s28 =	simm.s32 $_size_execute0_lowered;
	s3 =	sadd.s32 s3, s5;
	[dreg:$0x0] =	wrdreg $0x0  }
0xa8: {  	s5 =	sshll.u32 s28, $0x1;
	[dreg:$0x2] =	wrdreg s3  }
0xa9: {  	[dreg:$0x3] =	wrdreg s5  }
0xaa: {  	[dreg:$0x4] =	wrdreg $0xC0  }
0xab: {  	_ =	task [dreg:s7], $0x5FFFF  }
0xac: {  	[dreg:$0x1] =	wrdreg $0xFFFFFFFF  }
0xad: {  	[dreg:$0x0] =	wrdreg $0x60  }
0xae: {  	[dreg:$0x2] =	wrdreg s24  }
0xaf: {  	[dreg:$0x3] =	wrdreg s2  }
0xb0: {  	[dreg:$0x4] =	wrdreg $0x90000  }
0xb1: {  	[dreg:$0x5] =	wrdreg $0x9  }
0xb2: {  	_ =	task.clear_ibuf [dreg:s7], $0x6FFFF;
	_ =	strace $0x9000005E  }
0xb3: {  	s29 =	simm.s32 $0x9;
	_ =	strace $0x80000060  }
0xb4: {  	_ =	swait.ge [sflag:s29], $0x1  }
0xb5: {  	[sflag:s29] =	ssyncadd.s32 $0xFFFFFFFF  }
0xb6: {  	_ =	strace $0x90000060  }
0xb7: {  	_ =	sfence  }
0xb8: {  	s30 =	sld [smem:$0x0];
	_ =	sdelay $0x2  }
0xb9: {  	s31 =	sshll.u32 s1, $0xD;
	s1 =	sshrl.u32 s1, $0x2  }
0xba: {  	s3 =	sand.u32 $0x4000, s31;
	s1 =	sadd.s32 s1, s30  }
0xbb: {  	s0 =	sor.u32 s3, s0;
	s1 =	sshll.u32 s1, $0x11  }
0xbc: {  	s0 =	sor.u32 s1, s0  }
0xbd: {  	s0 =	sadd.s32 $0x8F2B, s0  }
0xbe: {  	[sflag:s0] =	ssyncadd.remote.s32 $0x1  }
0xbf: {  	_ =	sfence.sel $0xFFFF  }
0xc0: {  	[dreg:$0x0] =	wrdreg $0xFFFFFFFF;
	(pc) =	sbr.abs _section_cstart, $3  }
0xc1: {  	[dreg:$0x1] =	wrdreg $0xFFFFFFFF  }
0xc2: {  	_ =	task.clear_ibuf [dreg:s7], $0x2FFFF;
	_ =	strace $0x9FFFFFFF  }
0xc3: {  	(tm) =	ssettm $0x7FFFFFFF  }
tec
execute0_lowered:
.L_overlay_start_1:
0x0: {  	(tag) =	ssettag $0x1  }
0x1: {  	s5 =	rddreg [dreg:$0x0]  }
0x2: {  	s6 =	rddreg [dreg:$0x1]  }
0x3: {  	s2 =	rddreg [dreg:$0x2]  }
0x4: {  	s0 =	rddreg [dreg:$0x3]  }
0x5: {  	s3 =	simm.s32 $0x0;
	s1 =	stileid.u32;
	s7 =	srdreg.scid  }
0x6: {  	[smem:$0x7FF] =	sst s3;
	s8 =	smul.u32 $0x2800, s1  }
0x7: {  	s4 =	sadd.s32 $0xC9000, s5;
	s9 =	sadd.s32 $0xB5000, s5;
	s11 =	smul.u32 $0x280, s1  }
0x8: {  	s7 =	sand.u32 $0x1, s7;
	s13 =	smul.u32 $0x50000, s1;
	s14 =	sadd.s32 $0x15000, s5  }
0x9: {  	s31 =	sshll.u32 s1, $0x6;
	_ =	strace $0x8000005F;
	s15 =	smul.u32 $0x50000, s7  }
0xa: {  	s12 =	ssub.s32 $0x2, s7;
	s16 =	smul.u32 $0x5000, s7;
	s7 =	sshllo.u32 s7, $0x1  }
0xb: {  	s10 =	sshrl.u32 s8, $0x3;
	s25 =	sshrl.u32 s12, $0x1;
	s28 =	smul.u32 $0x28000, s7  }
0xc: {  	s13 =	sshrl.u32 s13, $0x2;
	s17 =	smul.u32 $0x2800, s7;
	s6 =	sadd.s32 s6, s8  }
0xd: {  	s10 =	sadd.s32 s10, s5;
	s12 =	ssub.s32 s12, s25;
	s26 =	sadd.s32 s8, s15  }
0xe: {  	s18 =	sadd.s32 s13, s2;
	s29 =	sadd.s32 s11, s16;
	s13 =	simm.s32 $0x1  }
0xf: {  	s16 =	simm.s32 $0x80;
	s5 =	sadd.s32 $0x10000, s10;
	s10 =	sshrl.u32 s26, $0x3  }
0x10: {  	s8 =	sadd.s32 s8, s28;
	s11 =	sadd.s32 s11, s17;
	s15 =	sshrl.u32 s18, $0x3  }
0x11: {  	s17 =	simm.s32 $0x5000;
	s18 =	simm.s32 $0x0;
	s7 =	sadd.s32 s9, s10  }
0x12: {  	s10 =	sshll.u32 s29, $0x4;
	s30 =	sshrl.u32 s8, $0x3;
	s11 =	sshll.u32 s11, $0x4  }
0x13: {  	s8 =	sadd.s32 s14, s10;
	s9 =	sadd.s32 s9, s30;
	s10 =	sadd.s32 s14, s11  }
0x14: {  	s11 =	smax.u32 s12, $0x1;
	s12 =	simm.s32 $0x2800;
	s14 =	sor.u32 $0x1C01, s31  }
.LBB2_1:
0x15: {  	[tilespmem:s12], [sflag:$0x1] =	stream.linear.gather [hbm4b:s5+s3], $0x2780, $0x38;
	[tilespmem:$0x1D000] =	vst v63  }
0x16: {  	_ =	swait.ge [sflag:s13], $0x2780  }
0x17: {  	[sflag:s13] =	ssyncset.done $0x0  }
0x18: {  	[sflag:s13] =	ssyncadd.s32 $0xFFFFD880  }
0x19: {  	[spmem:s15], [sflag:s14] =	dma.local [hbm:s6], $0x2800  }
0x1a: {  	_ =	swait.ge [sflag:s13], $0x2800  }
0x1b: {  	[sflag:s13] =	ssyncset.done $0x0  }
0x1c: {  	[sflag:s13] =	ssyncadd.s32 $0xFFFFD800  }
0x1d: {  	[tilespmem:s3], [sflag:$0x1] =	stream.linear.gather [hbm4b:s7+s3], $0x2780, $0x38;
	[tilespmem:$0x1D000] =	vst v63  }
0x1e: {  	_ =	swait.ge [sflag:s13], $0x2780  }
0x1f: {  	[sflag:s13] =	ssyncset.done $0x0  }
0x20: {  	[sflag:s13] =	ssyncadd.s32 $0xFFFFD880  }
0x21: {  	s19 =	simm.s32 $0x0;
	[bflag:$0x0] =	sbarrier.arrive $0xFFFF  }
0x22: {  	[tilespmem:s17], [sflag:$0x1] =	stream.indirect.gather [hbm4b:s4+s16], $0x80, s19, s16, $0xb8;
	[tilespmem:$0x1D000] =	vst v63  }
0x23: {  	_ =	swait.ge [sflag:s13], $0x4000  }
0x24: {  	[sflag:s13] =	ssyncset.done $0x0  }
0x25: {  	s31 =	simm.s32 $0x2800;
	[sflag:s13] =	ssyncadd.s32 $0xFFFFC000  }
0x26: {  	[spmem:s2] =	stream.indirect.scatter.add.f32 [tilespmem:s17], [sflag:$0x1], $0x80, s31, s16, $0xb8;
	[tilespmem:$0x1D000] =	vst v63  }
0x27: {  	_ =	swait.ge [sflag:s13], $0x4000  }
0x28: {  	s20 =	simm.s32 $0x400;
	s19 =	simm.s32 $0x200;
	[sflag:s13] =	ssyncset.done $0x0  }
.LBB2_2:
0x29: {  	s21 =	sshra.s32 s19, $0x2  }
0x2a: {  	[sflag:s13] =	ssyncadd.s32 $0xFFFFC000;
	s19 =	smov.u32 s20;
	s22 =	sadd.s32 $0x200, s20  }
0x2b: {  	[tilespmem:s17], [sflag:$0x1] =	stream.indirect.gather [hbm4b:s4+s16], $0x80, s21, s16, $0xb8;
	[tilespmem:$0x1D000] =	vst v63  }
0x2c: {  	p0 =	sne.s32 s20, $0x9C00;
	_ =	swait.ge [sflag:s13], $0x4000  }
.Ltmp0:
0x2d: {  	[sflag:s13] =	ssyncset.done $0x0;
	(pc) =	sbr.rel @p0 .LBB2_2-.Ltmp0, $4  }
0x2e: {  	s20 =	sadd.s32 $0x2800, s21;
	[sflag:s13] =	ssyncadd.s32 $0xFFFFC000  }
0x2f: {  	[spmem:s2] =	stream.indirect.scatter.add.f32 [tilespmem:s17], [sflag:$0x1], $0x80, s20, s16, $0xb8;
	[tilespmem:$0x1D000] =	vst v63  }
0x30: {  	_ =	swait.ge [sflag:s13], $0x4000  }
0x31: {  	s20 =	smov.u32 s22;
	[sflag:s13] =	ssyncset.done $0x0  }
0x32: {  	s19 =	sshra.s32 s19, $0x2;
	[sflag:s13] =	ssyncadd.s32 $0xFFFFC000  }
0x33: {  	[tilespmem:s17], [sflag:$0x1] =	stream.indirect.gather [hbm4b:s4+s16], $0x80, s19, s16, $0xb8;
	[tilespmem:$0x1D000] =	vst v63  }
0x34: {  	_ =	swait.ge [sflag:s13], $0x4000  }
0x35: {  	[sflag:s13] =	ssyncset.done $0x0  }
0x36: {  	s19 =	sadd.s32 $0x2800, s19;
	[sflag:s13] =	ssyncadd.s32 $0xFFFFC000  }
0x37: {  	[spmem:s2] =	stream.indirect.scatter.add.f32 [tilespmem:s17], [sflag:$0x1], $0x80, s19, s16, $0xb8;
	[tilespmem:$0x1D000] =	vst v63  }
0x38: {  	_ =	swait.ge [sflag:s13], $0x4000  }
0x39: {  	[sflag:s13] =	ssyncset.done $0x0  }
0x3a: {  	[sflag:s13] =	ssyncadd.s32 $0xFFFFC000  }
0x3b: {  	[bflag:$0x0] =	sbarrier.arrive $0xFFFF  }
0x3c: {  	[hbm:s8], [sflag:s14] =	dma.local [spmem:s15], $0x2800  }
0x3d: {  	_ =	swait.ge [sflag:s13], $0x2800  }
0x3e: {  	[sflag:s13] =	ssyncset.done $0x0  }
0x3f: {  	[sflag:s13] =	ssyncadd.s32 $0xFFFFD800  }
0x40: {  	[bflag:$0x0] =	sbarrier.arrive $0xFFFF  }
0x41: {  	[spmem:s15], [sflag:s14] =	dma.local [hbm:s6], $0x2800  }
0x42: {  	_ =	swait.ge [sflag:s13], $0x2800  }
0x43: {  	[sflag:s13] =	ssyncset.done $0x0  }
0x44: {  	s29 =	simm.s32 $0x0;
	[sflag:s13] =	ssyncadd.s32 $0xFFFFD800  }
0x45: {  	[tilespmem:s29], [sflag:$0x1] =	stream.linear.gather [hbm4b:s9+s29], $0x2780, $0x38;
	[tilespmem:$0x1D000] =	vst v63  }
0x46: {  	_ =	swait.ge [sflag:s13], $0x2780  }
0x47: {  	[sflag:s13] =	ssyncset.done $0x0  }
0x48: {  	[sflag:s13] =	ssyncadd.s32 $0xFFFFD880  }
0x49: {  	s30 =	simm.s32 $0x0;
	[bflag:$0x0] =	sbarrier.arrive $0xFFFF  }
0x4a: {  	[tilespmem:s17], [sflag:$0x1] =	stream.indirect.gather [hbm4b:s4+s16], $0x80, s30, s16, $0xb8;
	[tilespmem:$0x1D000] =	vst v63  }
0x4b: {  	_ =	swait.ge [sflag:s13], $0x4000  }
0x4c: {  	[sflag:s13] =	ssyncset.done $0x0  }
0x4d: {  	s31 =	simm.s32 $0x2800;
	[sflag:s13] =	ssyncadd.s32 $0xFFFFC000  }
0x4e: {  	[spmem:s2] =	stream.indirect.scatter.add.f32 [tilespmem:s17], [sflag:$0x1], $0x80, s31, s16, $0xb8;
	[tilespmem:$0x1D000] =	vst v63  }
0x4f: {  	_ =	swait.ge [sflag:s13], $0x4000  }
0x50: {  	s20 =	simm.s32 $0x400;
	s19 =	simm.s32 $0x200;
	[sflag:s13] =	ssyncset.done $0x0  }
.LBB2_4:
0x51: {  	s21 =	sshra.s32 s19, $0x2  }
0x52: {  	[sflag:s13] =	ssyncadd.s32 $0xFFFFC000;
	s19 =	smov.u32 s20;
	s22 =	sadd.s32 $0x200, s20  }
0x53: {  	[tilespmem:s17], [sflag:$0x1] =	stream.indirect.gather [hbm4b:s4+s16], $0x80, s21, s16, $0xb8;
	[tilespmem:$0x1D000] =	vst v63  }
0x54: {  	p0 =	sne.s32 s20, $0x9C00;
	_ =	swait.ge [sflag:s13], $0x4000  }
.Ltmp1:
0x55: {  	[sflag:s13] =	ssyncset.done $0x0;
	(pc) =	sbr.rel @p0 .LBB2_4-.Ltmp1, $4  }
0x56: {  	s20 =	sadd.s32 $0x2800, s21;
	[sflag:s13] =	ssyncadd.s32 $0xFFFFC000  }
0x57: {  	[spmem:s2] =	stream.indirect.scatter.add.f32 [tilespmem:s17], [sflag:$0x1], $0x80, s20, s16, $0xb8;
	[tilespmem:$0x1D000] =	vst v63  }
0x58: {  	_ =	swait.ge [sflag:s13], $0x4000  }
0x59: {  	s20 =	smov.u32 s22;
	[sflag:s13] =	ssyncset.done $0x0  }
0x5a: {  	s19 =	sshra.s32 s19, $0x2;
	[sflag:s13] =	ssyncadd.s32 $0xFFFFC000  }
0x5b: {  	[tilespmem:s17], [sflag:$0x1] =	stream.indirect.gather [hbm4b:s4+s16], $0x80, s19, s16, $0xb8;
	[tilespmem:$0x1D000] =	vst v63  }
0x5c: {  	_ =	swait.ge [sflag:s13], $0x4000  }
0x5d: {  	[sflag:s13] =	ssyncset.done $0x0  }
0x5e: {  	s19 =	sadd.s32 $0x2800, s19;
	[sflag:s13] =	ssyncadd.s32 $0xFFFFC000  }
0x5f: {  	[spmem:s2] =	stream.indirect.scatter.add.f32 [tilespmem:s17], [sflag:$0x1], $0x80, s19, s16, $0xb8;
	[tilespmem:$0x1D000] =	vst v63  }
0x60: {  	_ =	swait.ge [sflag:s13], $0x4000  }
0x61: {  	[sflag:s13] =	ssyncset.done $0x0  }
0x62: {  	s18 =	sadd.s32 $0x1, s18;
	[sflag:s13] =	ssyncadd.s32 $0xFFFFC000  }
0x63: {  	p0 =	sne.s32 s18, s11;
	[bflag:$0x0] =	sbarrier.arrive $0xFFFF  }
0x64: {  	[hbm:s10], [sflag:s14] =	dma.local [spmem:s15], $0x2800  }
.Ltmp2:
0x65: {  	_ =	swait.ge [sflag:s13], $0x2800;
	(pc) =	sbr.rel @p0 .LBB2_1-.Ltmp2, $3  }
0x66: {  	[sflag:s13] =	ssyncset.done $0x0  }
0x67: {  	[sflag:s13] =	ssyncadd.s32 $0xFFFFD800  }
0x68: {  	[bflag:$0x0] =	sbarrier.arrive $0xFFFF;
	_ =	sdelay $0x1  }
0x69: {  	_ =	sfence.sel $0x180000  }
0x6a: {  	[bflag:$0x0] =	sbarrier.arrive $0xFFFF  }
0x6b: {  	p0 =	sne.s32 s1, $0x0;
	_ =	strace $0x9000005F  }
0x6c: {  	s0 =	sadd.s32 @!p0 $0x100000, s0;
	[bflag:$0x2] =	sbarrier.arrive $0xFFFF  }
0x6d: {  	[sflag:s0] =	ssyncadd.tile.s32 @!p0 $0x1;
	_ =	shalt  }
.Lfunc_end2:
_tile_overlayer_lowered:
.L_overlay_start_2:
0x6e: {  	(tag) =	ssettag $0x2  }
0x6f: {  	s0 =	rddreg [dreg:$0x0];
	s2 =	stileid.u32  }
0x70: {  	s1 =	rddreg [dreg:$0x1];
	p0 =	sne.s32 s2, $0x0  }
0x71: {  	s3 =	rddreg [dreg:$0x2];
	[bflag:$0x3] =	sbarrier.arrive $0xFFFF;
	s2 =	simm.s32 @!p0 $0x1C01  }
0x72: {  	[timem:s3], [sflag:s2] =	dma.local @!p0 [hbm:s0], s1  }
0x73: {  	s0 =	simm.s32 @!p0 $0x1  }
0x74: {  	_ =	swait.ge @!p0 [sflag:s0], s1  }
0x75: {  	s1 =	ssub.s32 @!p0 $0x0, s1;
	[sflag:s0] =	ssyncset.done @!p0 $0x0  }
0x76: {  	[sflag:s0] =	ssyncadd.s32 @!p0 s1  }
0x77: {  	[bflag:$0x3] =	sbarrier.arrive $0xFFFF  }
0x78: {  	_ =	shalt  }

</sc_bundles>
